<compile_context>
chip_gen: v7x
topology: tpu7x:2x2x1
jax: 0.10.2.dev20260603
libtpu: 0.0.44.dev20260713+nightly
codegen_flags: <defaults>
</compile_context>

<pallas_src>
import functools

import jax
import jax.numpy as jnp
from jax import lax
from jax.experimental import pallas as pl
from jax.experimental.pallas import tpu as pltpu
from jax.experimental.pallas import tpu_sc as plsc

N = 10000
NB = 16
AF = 256
BF = 16
H = 256
M = 250

_EDGES = N * NB
_NW = 32
_CH = 128
_NH = N // 2
_ECH = _NH * NB // _CH


def _sc_gather(table, idx2, d, dtype, tiled):
    nch = idx2.shape[0]
    full = nch // _NW
    extra = nch - full * _NW
    loop3 = full // 3
    row = tuple(d) if isinstance(d, (tuple, list)) else (d,)
    mesh = plsc.VectorSubcoreMesh(core_axis_name="c", subcore_axis_name="s")

    @functools.partial(
        pl.kernel,
        mesh=mesh,
        out_type=jax.ShapeDtypeStruct((nch * _CH,) + row, dtype),
        scratch_types=[
            pltpu.VMEM((_CH,), jnp.int32),
            pltpu.VMEM((_CH,), jnp.int32),
            pltpu.VMEM((_CH,), jnp.int32),
            pltpu.VMEM((_CH,) + row, dtype),
            pltpu.VMEM((_CH,) + row, dtype),
            pltpu.VMEM((_CH,) + row, dtype),
            pltpu.SemaphoreType.DMA,
            pltpu.SemaphoreType.DMA,
            pltpu.SemaphoreType.DMA,
            pltpu.SemaphoreType.DMA,
            pltpu.SemaphoreType.DMA,
            pltpu.SemaphoreType.DMA,
        ],
        compiler_params=pltpu.CompilerParams(use_tc_tiling_on_sc=tiled),
    )
    def gather_kernel(table_hbm, idx_hbm, out_hbm,
                      i0, i1, i2, r0, r1, r2, g0, g1, g2, w0, w1, w2):
        idx_v = (i0, i1, i2)
        rows = (r0, r1, r2)
        gsem = (g0, g1, g2)
        wsem = (w0, w1, w2)
        wid = lax.axis_index("s") * 2 + lax.axis_index("c")

        def chunk_of(t):
            return wid + _NW * t

        def load_idx(b, t):
            pltpu.sync_copy(idx_hbm.at[chunk_of(t)], idx_v[b])

        def fire_gather(b):
            pltpu.async_copy(table_hbm.at[idx_v[b]], rows[b], gsem[b])

        def wait_gather(b):
            pltpu.make_async_copy(table_hbm.at[idx_v[b]], rows[b], gsem[b]).wait()

        def fire_wb(b, t):
            pltpu.async_copy(rows[b], out_hbm.at[pl.ds(chunk_of(t) * _CH, _CH)],
                             wsem[b])

        def wait_wb(b, t):
            pltpu.make_async_copy(rows[b],
                                  out_hbm.at[pl.ds(chunk_of(t) * _CH, _CH)],
                                  wsem[b]).wait()

        for b in range(3):
            load_idx(b, b)
        fire_gather(0)

        def step(t, b, t_static):
            wait_gather(b)
            fire_wb(b, t)

            @pl.when(jnp.logical_or(
                t + 3 < full,
                jnp.logical_and(t + 3 == full, wid < extra)))
            def _():
                load_idx(b, t + 3)

            b1 = (b + 1) % 3
            if t_static is None or t_static >= 2:
                @pl.when(t >= 2)
                def _():
                    wait_wb(b1, t - 2)
            if t_static is None or t_static + 1 < full:
                @pl.when(t + 1 < full)
                def _():
                    fire_gather(b1)

        def body(j, carry):
            for b in range(3):
                step(3 * j + b, b, None)
            return carry

        lax.fori_loop(0, loop3, body, 0)
        for t in range(3 * loop3, full):
            step(t, t % 3, t)

        wait_wb((full - 2) % 3, full - 2)
        wait_wb((full - 1) % 3, full - 1)

        if extra:
            bx = full % 3

            @pl.when(wid < extra)
            def _():
                fire_gather(bx)
                wait_gather(bx)
                fire_wb(bx, full)
                wait_wb(bx, full)

    return gather_kernel(table, idx2)


def _pack(y):
    yb = y.astype(jnp.bfloat16)
    lo = lax.bitcast_convert_type(yb[:, :128], jnp.uint16).astype(jnp.uint32)
    hi = lax.bitcast_convert_type(yb[:, 128:], jnp.uint16).astype(jnp.uint32)
    return lax.bitcast_convert_type(lo | (hi << 16), jnp.float32)


def _unpack(w):
    u = lax.bitcast_convert_type(w, jnp.uint32)
    lo = lax.bitcast_convert_type((u & 0xFFFF).astype(jnp.uint16), jnp.bfloat16)
    hi = lax.bitcast_convert_type((u >> 16).astype(jnp.uint16), jnp.bfloat16)
    return lo, hi


def _lin(x, wT, b):
    A = 2000
    K = x.shape[1]

    def body(x_ref, w_ref, b_ref, o_ref, t_ref):
        y = (jnp.dot(x_ref[...], w_ref[...], preferred_element_type=jnp.float32, precision=jax.lax.Precision.HIGHEST)
             + b_ref[...])
        o_ref[...] = y
        t_ref[...] = _pack(y)

    return pl.pallas_call(
        body,
        grid=(N // A,),
        in_specs=[
            pl.BlockSpec((A, K), lambda i: (i, 0)),
            pl.BlockSpec((K, H), lambda i: (0, 0)),
            pl.BlockSpec((1, H), lambda i: (0, 0)),
        ],
        out_specs=[
            pl.BlockSpec((A, H), lambda i: (i, 0)),
            pl.BlockSpec((A, 128), lambda i: (i, 0)),
        ],
        out_shape=[
            jax.ShapeDtypeStruct((N, H), jnp.float32),
            jax.ShapeDtypeStruct((N, 128), jnp.float32),
        ],
    )(x, wT, b.reshape(1, H))


_A = 200
_R = _A * NB
_GH = _NH // _A


def _depth0(nfa, nfb, fa, half, wla, wlb, wn1, wn2, bias2):
    off = half * _GH

    def body(nfa_ref, nfb_ref, fa_ref, wla_ref, wlb_ref, wn1_ref, wn2_ref, b_ref,
             o_ref):
        blei = b_ref[0:1, :]
        xlo, xhi = _unpack(nfa_ref[...])
        ya = (jnp.dot(xlo, wla_ref[:128], preferred_element_type=jnp.float32)
              + jnp.dot(xhi, wla_ref[128:], preferred_element_type=jnp.float32))
        yb = jnp.dot(nfb_ref[...].astype(jnp.bfloat16), wlb_ref[...],
                     preferred_element_type=jnp.float32)
        t = jnp.maximum(ya + yb + blei, 0.0)
        nl = jnp.sum(t.reshape(_A, NB, H), axis=1)
        o_ref[...] = jnp.maximum(
            jnp.dot(fa_ref[...], wn1_ref[...], preferred_element_type=jnp.float32, precision=jax.lax.Precision.HIGHEST)
            + jnp.dot(nl, wn2_ref[...], preferred_element_type=jnp.float32, precision=jax.lax.Precision.HIGHEST)
            + b_ref[1:2, :],
            0.0,
        )

    return pl.pallas_call(
        body,
        grid=(_GH,),
        in_specs=[
            pl.BlockSpec((_R, 128), lambda i: (i, 0)),
            pl.BlockSpec((_R, BF), lambda i: (i, 0)),
            pl.BlockSpec((_A, H), lambda i: (i + off, 0)),
            pl.BlockSpec((AF, H), lambda i: (0, 0)),
            pl.BlockSpec((BF, H), lambda i: (0, 0)),
            pl.BlockSpec((H, H), lambda i: (0, 0)),
            pl.BlockSpec((H, H), lambda i: (0, 0)),
            pl.BlockSpec((2, H), lambda i: (0, 0)),
        ],
        out_specs=pl.BlockSpec((_A, H), lambda i: (i, 0)),
        out_shape=jax.ShapeDtypeStruct((_NH, H), jnp.float32),
    )(nfa, nfb, fa, wla, wlb, wn1, wn2, bias2)


def _depth1(nfa, nfb, fa, half, wa2, wb2, w01, w02, bias4):
    off = half * _GH

    def body(nfa_ref, nfb_ref, fa_ref, wa_ref, wb_ref, w01_ref, w02_ref, b_ref, o_ref):
        ba0 = b_ref[0:1, :]
        bb0 = b_ref[1:2, :]
        bg = b_ref[2:3, :]
        b02 = b_ref[3:4, :]
        fa = fa_ref[...]
        gs = jnp.dot(fa, w01_ref[...], preferred_element_type=jnp.float32, precision=jax.lax.Precision.HIGHEST) + bg
        x = nfa_ref[...]
        xh = x.astype(jnp.bfloat16)
        xl = (x - xh.astype(jnp.float32)).astype(jnp.bfloat16)
        ya = jnp.dot(jnp.concatenate([xh, xl, xh], axis=1), wa_ref[...],
                     preferred_element_type=jnp.float32)
        nb = nfb_ref[...]
        nbh = nb.astype(jnp.bfloat16)
        nbl = (nb - nbh.astype(jnp.float32)).astype(jnp.bfloat16)
        yb = jnp.dot(jnp.concatenate([nbh, nbl, nbh], axis=1), wb_ref[...],
                     preferred_element_type=jnp.float32)
        ya3 = ya.reshape(_A, NB, 2 * H)
        yb3 = yb.reshape(_A, NB, 2 * H)
        g = jax.nn.sigmoid(ya3[:, :, H:] + yb3[:, :, H:] + gs[:, None, :])
        f_nei = jnp.sum(g * (ya3[:, :, :H] + ba0) * (yb3[:, :, :H] + bb0), axis=1)
        fs = jnp.dot(fa, w02_ref[...], preferred_element_type=jnp.float32, precision=jax.lax.Precision.HIGHEST) + b02
        o_ref[...] = f_nei * fs

    return pl.pallas_call(
        body,
        grid=(_GH,),
        in_specs=[
            pl.BlockSpec((_R, AF), lambda i: (i, 0)),
            pl.BlockSpec((_R, BF), lambda i: (i, 0)),
            pl.BlockSpec((_A, H), lambda i: (i + off, 0)),
            pl.BlockSpec((3 * AF, 2 * H), lambda i: (0, 0)),
            pl.BlockSpec((3 * BF, 2 * H), lambda i: (0, 0)),
            pl.BlockSpec((H, H), lambda i: (0, 0)),
            pl.BlockSpec((H, H), lambda i: (0, 0)),
            pl.BlockSpec((4, H), lambda i: (0, 0)),
        ],
        out_specs=pl.BlockSpec((_A, H), lambda i: (i, 0)),
        out_shape=jax.ShapeDtypeStruct((_NH, H), jnp.float32),
    )(nfa, nfb, fa, wa2, wb2, w01, w02, bias4)


def _readout(ah1, ah2, wo0T, bo0, wo1T, bo1, wo2T, bo2):
    S = N // M
    MH = M // 2

    def body(x1_ref, x2_ref, w0, b0, w1, b1, w2, b2, o_ref):
        mol = jnp.concatenate(
            [jnp.sum(x1_ref[...], axis=1), jnp.sum(x2_ref[...], axis=1)], axis=0
        ) * (1.0 / S)
        h = jnp.maximum(
            jnp.dot(mol, w0[...], preferred_element_type=jnp.float32, precision=jax.lax.Precision.HIGHEST) + b0[...], 0.0
        )
        h = jnp.maximum(
            jnp.dot(h, w1[...], preferred_element_type=jnp.float32, precision=jax.lax.Precision.HIGHEST) + b1[...], 0.0
        )
        o_ref[...] = jnp.dot(h, w2[...], preferred_element_type=jnp.float32, precision=jax.lax.Precision.HIGHEST) + b2[...]

    out = pl.pallas_call(
        body,
        in_specs=[
            pl.BlockSpec((MH, S, H), lambda: (0, 0, 0)),
            pl.BlockSpec((MH, S, H), lambda: (0, 0, 0)),
            pl.BlockSpec((H, H), lambda: (0, 0)),
            pl.BlockSpec((1, H), lambda: (0, 0)),
            pl.BlockSpec((H, H), lambda: (0, 0)),
            pl.BlockSpec((1, H), lambda: (0, 0)),
            pl.BlockSpec((H, 1), lambda: (0, 0)),
            pl.BlockSpec((1, 1), lambda: (0, 0)),
        ],
        out_specs=pl.BlockSpec((M, 1), lambda: (0, 0)),
        out_shape=jax.ShapeDtypeStruct((M, 1), jnp.float32),
    )(ah1.reshape(MH, S, H), ah2.reshape(MH, S, H), wo0T, bo0.reshape(1, H),
      wo1T, bo1.reshape(1, H), wo2T, bo2.reshape(1, 1))
    return out.reshape(-1)


def kernel(atom_features, f_bonds, a2b, a2a, a_scope, W00, b00, W01, b01, W02, b02,
           Wa0, ba0, Wb0, bb0, Wa1, ba1, Wb1, bb1, Wlei, blei, Wnew, bnew,
           Wo0, bo0, Wo1, bo1, Wo2, bo2):
    a2a_i = a2a.astype(jnp.int32)
    a2a_h = [a2a_i[:_NH].reshape(_ECH, _CH), a2a_i[_NH:].reshape(_ECH, _CH)]
    a2b_i = a2b.astype(jnp.int32)
    a2b_h = [a2b_i[:_NH].reshape(_ECH, _CH), a2b_i[_NH:].reshape(_ECH, _CH)]

    def wsplit3(w):
        hi = w.astype(jnp.bfloat16)
        lo = (w - hi.astype(jnp.float32)).astype(jnp.bfloat16)
        return jnp.concatenate([hi, hi, lo], axis=0)

    wla = Wlei[:, :AF].T.astype(jnp.bfloat16)
    wlb = Wlei[:, AF:].T.astype(jnp.bfloat16)
    wa3 = wsplit3(jnp.concatenate([Wa0.T, Wa1.T], axis=1))
    wb3 = wsplit3(jnp.concatenate([Wb0.T, Wb1.T], axis=1))
    wn1 = Wnew.T[:H]
    wn2 = Wnew.T[H:]
    bias_d0 = jnp.stack([blei, bnew])
    bias_d1 = jnp.stack([ba0, bb0, ba1 + bb1 + b01, b02 * 10.0])
    w01T = W01.T
    w02T = W02.T * 10.0

    f_atoms, tbl = _lin(atom_features, W00.T, b00)

    nfa_1 = _sc_gather(tbl, a2a_h[0], 128, jnp.float32, tiled=True)
    nfb1 = _sc_gather(f_bonds, a2b_h[0], BF, jnp.float32, tiled=False)
    nfa_2 = _sc_gather(tbl, a2a_h[1], 128, jnp.float32, tiled=True)
    nfb2 = _sc_gather(f_bonds, a2b_h[1], BF, jnp.float32, tiled=False)
    fa1 = _depth0(nfa_1, nfb1, f_atoms, 0, wla, wlb, wn1, wn2, bias_d0)
    fa2 = _depth0(nfa_2, nfb2, f_atoms, 1, wla, wlb, wn1, wn2, bias_d0)
    f_atoms = jnp.concatenate([fa1, fa2], axis=0)

    nfa_1 = _sc_gather(f_atoms, a2a_h[0], AF, jnp.float32, tiled=True)
    nfa_2 = _sc_gather(f_atoms, a2a_h[1], AF, jnp.float32, tiled=True)
    ah1 = _depth1(nfa_1, nfb1, f_atoms, 0, wa3, wb3, w01T, w02T, bias_d1)
    ah2 = _depth1(nfa_2, nfb2, f_atoms, 1, wa3, wb3, w01T, w02T, bias_d1)

    return _readout(ah1, ah2, Wo0.T, bo0, Wo1.T, bo1, Wo2.T, bo2)

# --- scband reference (transcript-rebuilt; emitter-appended) ---
"""Pipeline reference for scband-wlkernel-21002390078200 (READ-ONLY COPY).

The authoritative reference and input builder live on the scoring server;
editing this copy changes nothing except your own understanding.
"""

import jax, jax.numpy as jnp
import numpy as np

N = 10000
NB = 16
E = 160000
AF = 256
BF = 16
H = 256
RO = 256
M = 250
DEPTH = 2

PNAMES = ["W00", "b00", "W01", "b01", "W02", "b02", "Wa0", "ba0", "Wb0", "bb0", "Wa1", "ba1", "Wb1", "bb1", "Wlei", "blei", "Wnew", "bnew", "Wo0", "bo0", "Wo1", "bo1", "Wo2", "bo2"]


def setup_inputs(seed: int = 0) -> dict:
    key = jax.random.key(seed)
    ks = jax.random.split(key, 20)
    inp = {}
    inp["atom_features"] = jax.random.normal(ks[0], (N, AF), dtype=jnp.float32)
    inp["f_bonds"] = jax.random.normal(ks[1], (E, BF), dtype=jnp.float32)
    inp["a2b"] = jax.random.randint(ks[2], (N, NB), 0, E)
    inp["a2a"] = jax.random.randint(ks[3], (N, NB), 0, N)
    starts = jnp.arange(M, dtype=jnp.int32) * (N // M)
    sizes = jnp.full((M,), N // M, dtype=jnp.int32)
    inp["a_scope"] = jnp.stack([starts, sizes], axis=1)
    def lin_init(k, fin, fout):
        return (jax.random.normal(k, (fout, fin), dtype=jnp.float32) / np.sqrt(fin), jnp.zeros((fout,), jnp.float32))
    dims = [(AF, H), (H, H), (H, H), (H, H), (BF, H), (H, H), (BF, H), (H + BF, H), (2 * H, H), (H, RO), (RO, RO), (RO, 1)]
    for i, (fin, fout) in enumerate(dims):
        W, b = lin_init(ks[4 + i], fin, fout)
        inp[PNAMES[2 * i]] = W
        inp[PNAMES[2 * i + 1]] = b
    return inp


def _forward(atom_features, f_bonds, a2b, a2a, a_scope, W00, b00, W01, b01, W02, b02, Wa0, ba0, Wb0, bb0, Wa1, ba1, Wb1, bb1, Wlei, blei, Wnew, bnew, Wo0, bo0, Wo1, bo1, Wo2, bo2):
    lin = lambda x, W, b: x @ W.T + b
    f_atoms = lin(atom_features, W00, b00)
    atom_hiddens = f_atoms
    for _ in range(DEPTH):
        nei_f_atom = f_atoms[a2a]
        nei_f_bond = f_bonds[a2b]
        h_nei_atom = lin(nei_f_atom, Wa0, ba0)
        h_nei_bond = lin(nei_f_bond, Wb0, bb0)
        g_nei_atom = lin(nei_f_atom, Wa1, ba1)
        g_nei_bond = lin(nei_f_bond, Wb1, bb1)
        g_self = lin(f_atoms, W01, b01)[:, None, :]
        g_nei = jax.nn.sigmoid(g_nei_atom + g_nei_bond + g_self) * 10.0
        h_nei = g_nei * h_nei_atom * h_nei_bond
        f_nei = jnp.sum(h_nei, -2)
        f_self = lin(f_atoms, W02, b02)
        atom_hiddens = f_nei * f_self
        l_nei = jnp.concatenate([nei_f_atom, nei_f_bond], -1)
        nei_label = jnp.sum(jax.nn.relu(lin(l_nei, Wlei, blei)), -2)
        new_label = jnp.concatenate([f_atoms, nei_label], -1)
        f_atoms = jax.nn.relu(lin(new_label, Wnew, bnew))
    sizes = a_scope[:, 1]
    seg = jnp.repeat(jnp.arange(a_scope.shape[0]), sizes, total_repeat_length=atom_hiddens.shape[0])
    mol_vecs = jax.ops.segment_sum(atom_hiddens, seg, num_segments=a_scope.shape[0]) / sizes[:, None].astype(jnp.float32)
    h = jax.nn.relu(lin(mol_vecs, Wo0, bo0))
    h = jax.nn.relu(lin(h, Wo1, bo1))
    out = lin(h, Wo2, bo2)
    return out.reshape(-1)


def reference(atom_features, f_bonds, a2b, a2a, a_scope, W00, b00, W01, b01, W02, b02, Wa0, ba0, Wb0, bb0, Wa1, ba1, Wb1, bb1, Wlei, blei, Wnew, bnew, Wo0, bo0, Wo1, bo1, Wo2, bo2):
    return _forward(atom_features, f_bonds, a2b, a2a, a_scope, W00, b00, W01, b01, W02, b02, Wa0, ba0, Wb0, bb0, Wa1, ba1, Wb1, bb1, Wlei, blei, Wnew, bnew, Wo0, bo0, Wo1, bo1, Wo2, bo2)

if __name__ == "__main__":
    import jax
    _d = setup_inputs()
    print(jax.jit(kernel)(*tuple(_d.values())))

</pallas_src>

<mosaic_0001>
#map = affine_map<(d0, d1) -> (0, 0)>
module attributes {stable_mosaic.version = 14 : i64} {
  func.func @gather_kernel(%arg0: i32, %arg1: i32, %arg2: memref<160000x16xf32, #tpu.memory_space<hbm>>, %arg3: memref<625x128xi32, #tpu.memory_space<hbm>>, %arg4: memref<80000x16xf32, #tpu.memory_space<hbm>>, %arg5: memref<128xi32, #tpu.memory_space<vmem>>, %arg6: memref<128xi32, #tpu.memory_space<vmem>>, %arg7: memref<128xi32, #tpu.memory_space<vmem>>, %arg8: memref<128x16xf32, #tpu.memory_space<vmem>>, %arg9: memref<128x16xf32, #tpu.memory_space<vmem>>, %arg10: memref<128x16xf32, #tpu.memory_space<vmem>>, %arg11: memref<!tpu.dma_semaphore, #tpu.memory_space<semaphore_mem>>, %arg12: memref<!tpu.dma_semaphore, #tpu.memory_space<semaphore_mem>>, %arg13: memref<!tpu.dma_semaphore, #tpu.memory_space<semaphore_mem>>, %arg14: memref<!tpu.dma_semaphore, #tpu.memory_space<semaphore_mem>>, %arg15: memref<!tpu.dma_semaphore, #tpu.memory_space<semaphore_mem>>, %arg16: memref<!tpu.dma_semaphore, #tpu.memory_space<semaphore_mem>>) attributes {dimension_semantics = [#tpu.dimension_semantics<core_parallel>, #tpu.dimension_semantics<subcore_parallel>], iteration_bounds = array<i64: 2, 16>, scalar_prefetch = 0 : i64, scratch_operands = 12 : i64, tpu.core_type = #tpu.core_type<sc_vector_subcore>, window_params = [{transform_indices = #map}, {transform_indices = #map}, {transform_indices = #map}]} {
    %mul3A = arith.constant 2 : i32
    %mul3A_0 = arith.muli %arg1, %mul3A : i32
    %add3A = arith.addi %mul3A_0, %arg0 : i32
    %add3A_1 = arith.constant 0 : i32
    %add3A_2 = arith.addi %add3A, %add3A_1 : i32
    "tpu.region"() ({
      %run_scoped3A = tpu.sem_alloc : memref<!tpu.dma_semaphore, #tpu.memory_space<semaphore_mem>>
      %dma_start3A_57 = arith.constant 0 : i32
      %dma_start3A_58 = tpu.memref_slice %arg3[%add3A_2, %dma_start3A_57] : memref<625x128xi32, #tpu.memory_space<hbm>> -> memref<1x128xi32, #tpu.memory_space<hbm>>
      %dma_start3A_59 = tpu.memref_squeeze %dma_start3A_58 : memref<1x128xi32, #tpu.memory_space<hbm>> -> memref<128xi32, #tpu.memory_space<hbm>>
      %dma_start3A_60 = arith.constant 0 : i32
      %dma_start3A_61 = tpu.memref_slice %arg3[%add3A_2, %dma_start3A_60] : memref<625x128xi32, #tpu.memory_space<hbm>> -> memref<1x128xi32, #tpu.memory_space<hbm>>
      %dma_start3A_62 = tpu.memref_squeeze %dma_start3A_61 : memref<1x128xi32, #tpu.memory_space<hbm>> -> memref<128xi32, #tpu.memory_space<hbm>>
      tpu.enqueue_dma source(%dma_start3A_62 : memref<128xi32, #tpu.memory_space<hbm>>) target(%arg5 : memref<128xi32, #tpu.memory_space<vmem>>) target_semaphore(%run_scoped3A : memref<!tpu.dma_semaphore, #tpu.memory_space<semaphore_mem>>)
      %dma_wait3A_63 = arith.constant 0 : i32
      %dma_wait3A_64 = tpu.memref_slice %arg3[%add3A_2, %dma_wait3A_63] : memref<625x128xi32, #tpu.memory_space<hbm>> -> memref<1x128xi32, #tpu.memory_space<hbm>>
      %dma_wait3A_65 = tpu.memref_squeeze %dma_wait3A_64 : memref<1x128xi32, #tpu.memory_space<hbm>> -> memref<128xi32, #tpu.memory_space<hbm>>
      %dma_wait3A_66 = arith.constant 0 : i32
      %dma_wait3A_67 = tpu.memref_slice %arg3[%add3A_2, %dma_wait3A_66] : memref<625x128xi32, #tpu.memory_space<hbm>> -> memref<1x128xi32, #tpu.memory_space<hbm>>
      %dma_wait3A_68 = tpu.memref_squeeze %dma_wait3A_67 : memref<1x128xi32, #tpu.memory_space<hbm>> -> memref<128xi32, #tpu.memory_space<hbm>>
      tpu.wait_dma2 semaphore(%run_scoped3A : memref<!tpu.dma_semaphore, #tpu.memory_space<semaphore_mem>>) src(%dma_wait3A_68 : memref<128xi32, #tpu.memory_space<hbm>>) dst(%arg5 : memref<128xi32, #tpu.memory_space<vmem>>)
      tpu.yield
    }) : () -> ()
    %add3A_3 = arith.constant 32 : i32
    %add3A_4 = arith.addi %add3A, %add3A_3 : i32
    "tpu.region"() ({
      %run_scoped3A = tpu.sem_alloc : memref<!tpu.dma_semaphore, #tpu.memory_space<semaphore_mem>>
      %dma_start3A_57 = arith.constant 0 : i32
      %dma_start3A_58 = tpu.memref_slice %arg3[%add3A_4, %dma_start3A_57] : memref<625x128xi32, #tpu.memory_space<hbm>> -> memref<1x128xi32, #tpu.memory_space<hbm>>
      %dma_start3A_59 = tpu.memref_squeeze %dma_start3A_58 : memref<1x128xi32, #tpu.memory_space<hbm>> -> memref<128xi32, #tpu.memory_space<hbm>>
      %dma_start3A_60 = arith.constant 0 : i32
      %dma_start3A_61 = tpu.memref_slice %arg3[%add3A_4, %dma_start3A_60] : memref<625x128xi32, #tpu.memory_space<hbm>> -> memref<1x128xi32, #tpu.memory_space<hbm>>
      %dma_start3A_62 = tpu.memref_squeeze %dma_start3A_61 : memref<1x128xi32, #tpu.memory_space<hbm>> -> memref<128xi32, #tpu.memory_space<hbm>>
      tpu.enqueue_dma source(%dma_start3A_62 : memref<128xi32, #tpu.memory_space<hbm>>) target(%arg6 : memref<128xi32, #tpu.memory_space<vmem>>) target_semaphore(%run_scoped3A : memref<!tpu.dma_semaphore, #tpu.memory_space<semaphore_mem>>)
      %dma_wait3A_63 = arith.constant 0 : i32
      %dma_wait3A_64 = tpu.memref_slice %arg3[%add3A_4, %dma_wait3A_63] : memref<625x128xi32, #tpu.memory_space<hbm>> -> memref<1x128xi32, #tpu.memory_space<hbm>>
      %dma_wait3A_65 = tpu.memref_squeeze %dma_wait3A_64 : memref<1x128xi32, #tpu.memory_space<hbm>> -> memref<128xi32, #tpu.memory_space<hbm>>
      %dma_wait3A_66 = arith.constant 0 : i32
      %dma_wait3A_67 = tpu.memref_slice %arg3[%add3A_4, %dma_wait3A_66] : memref<625x128xi32, #tpu.memory_space<hbm>> -> memref<1x128xi32, #tpu.memory_space<hbm>>
      %dma_wait3A_68 = tpu.memref_squeeze %dma_wait3A_67 : memref<1x128xi32, #tpu.memory_space<hbm>> -> memref<128xi32, #tpu.memory_space<hbm>>
      tpu.wait_dma2 semaphore(%run_scoped3A : memref<!tpu.dma_semaphore, #tpu.memory_space<semaphore_mem>>) src(%dma_wait3A_68 : memref<128xi32, #tpu.memory_space<hbm>>) dst(%arg6 : memref<128xi32, #tpu.memory_space<vmem>>)
      tpu.yield
    }) : () -> ()
    %add3A_5 = arith.constant 64 : i32
    %add3A_6 = arith.addi %add3A, %add3A_5 : i32
    "tpu.region"() ({
      %run_scoped3A = tpu.sem_alloc : memref<!tpu.dma_semaphore, #tpu.memory_space<semaphore_mem>>
      %dma_start3A_57 = arith.constant 0 : i32
      %dma_start3A_58 = tpu.memref_slice %arg3[%add3A_6, %dma_start3A_57] : memref<625x128xi32, #tpu.memory_space<hbm>> -> memref<1x128xi32, #tpu.memory_space<hbm>>
      %dma_start3A_59 = tpu.memref_squeeze %dma_start3A_58 : memref<1x128xi32, #tpu.memory_space<hbm>> -> memref<128xi32, #tpu.memory_space<hbm>>
      %dma_start3A_60 = arith.constant 0 : i32
      %dma_start3A_61 = tpu.memref_slice %arg3[%add3A_6, %dma_start3A_60] : memref<625x128xi32, #tpu.memory_space<hbm>> -> memref<1x128xi32, #tpu.memory_space<hbm>>
      %dma_start3A_62 = tpu.memref_squeeze %dma_start3A_61 : memref<1x128xi32, #tpu.memory_space<hbm>> -> memref<128xi32, #tpu.memory_space<hbm>>
      tpu.enqueue_dma source(%dma_start3A_62 : memref<128xi32, #tpu.memory_space<hbm>>) target(%arg7 : memref<128xi32, #tpu.memory_space<vmem>>) target_semaphore(%run_scoped3A : memref<!tpu.dma_semaphore, #tpu.memory_space<semaphore_mem>>)
      %dma_wait3A_63 = arith.constant 0 : i32
      %dma_wait3A_64 = tpu.memref_slice %arg3[%add3A_6, %dma_wait3A_63] : memref<625x128xi32, #tpu.memory_space<hbm>> -> memref<1x128xi32, #tpu.memory_space<hbm>>
      %dma_wait3A_65 = tpu.memref_squeeze %dma_wait3A_64 : memref<1x128xi32, #tpu.memory_space<hbm>> -> memref<128xi32, #tpu.memory_space<hbm>>
      %dma_wait3A_66 = arith.constant 0 : i32
      %dma_wait3A_67 = tpu.memref_slice %arg3[%add3A_6, %dma_wait3A_66] : memref<625x128xi32, #tpu.memory_space<hbm>> -> memref<1x128xi32, #tpu.memory_space<hbm>>
      %dma_wait3A_68 = tpu.memref_squeeze %dma_wait3A_67 : memref<1x128xi32, #tpu.memory_space<hbm>> -> memref<128xi32, #tpu.memory_space<hbm>>
      tpu.wait_dma2 semaphore(%run_scoped3A : memref<!tpu.dma_semaphore, #tpu.memory_space<semaphore_mem>>) src(%dma_wait3A_68 : memref<128xi32, #tpu.memory_space<hbm>>) dst(%arg7 : memref<128xi32, #tpu.memory_space<vmem>>)
      tpu.yield
    }) : () -> ()
    %dma_start3A = arith.constant 0 : i32
    %dma_start3A_7 = arith.constant 0 : i32
    %dma_start3A_8 = tpu.memref_slice %arg2[%dma_start3A, %dma_start3A_7] : memref<160000x16xf32, #tpu.memory_space<hbm>> -> memref<160000x16xf32, #tpu.memory_space<hbm>>
    tpu.enqueue_indirect_dma source(%dma_start3A_8 : memref<160000x16xf32, #tpu.memory_space<hbm>>) target(%arg8 : memref<128x16xf32, #tpu.memory_space<vmem>>) offsets(%arg5 : memref<128xi32, #tpu.memory_space<vmem>>) semaphore(%arg11 : memref<!tpu.dma_semaphore, #tpu.memory_space<semaphore_mem>>)
    %scan3A = arith.constant 0 : i32
    %scan3A_9 = arith.constant 0 : i32
    %scan3A_10 = arith.constant 6 : i32
    %scan3A_11 = arith.addi %scan3A_9, %scan3A_10 : i32
    %scan3A_12 = arith.constant 1 : i32
    scf.for %scan3A_57 = %scan3A_9 to %scan3A_11 step %scan3A_12  : i32 {
      %mul3A_58 = arith.constant 3 : i32
      %mul3A_59 = arith.muli %mul3A_58, %scan3A_57 : i32
      %add3A_60 = arith.constant 0 : i32
      %add3A_61 = arith.addi %mul3A_59, %add3A_60 : i32
      %dma_wait3A_62 = arith.constant 0 : i32
      %dma_wait3A_63 = arith.constant 0 : i32
      %dma_wait3A_64 = tpu.memref_slice %arg2[%dma_wait3A_62, %dma_wait3A_63] : memref<160000x16xf32, #tpu.memory_space<hbm>> -> memref<160000x16xf32, #tpu.memory_space<hbm>>
      tpu.wait_indirect_dma semaphore(%arg11 : memref<!tpu.dma_semaphore, #tpu.memory_space<semaphore_mem>>) src(%dma_wait3A_64 : memref<160000x16xf32, #tpu.memory_space<hbm>>) dst(%arg8 : memref<128x16xf32, #tpu.memory_space<vmem>>)
      %mul3A_65 = arith.constant 32 : i32
      %mul3A_66 = arith.muli %mul3A_65, %add3A_61 : i32
      %add3A_67 = arith.addi %add3A, %mul3A_66 : i32
      %mul3A_68 = arith.constant 128 : i32
      %mul3A_69 = arith.muli %add3A_67, %mul3A_68 : i32
      %dma_start3A_70 = arith.constant 0 : i32
      %dma_start3A_71 = tpu.memref_slice %arg4[%mul3A_69, %dma_start3A_70] : memref<80000x16xf32, #tpu.memory_space<hbm>> -> memref<128x16xf32, #tpu.memory_space<hbm>>
      %dma_start3A_72 = arith.constant 0 : i32
      %dma_start3A_73 = tpu.memref_slice %arg4[%mul3A_69, %dma_start3A_72] : memref<80000x16xf32, #tpu.memory_space<hbm>> -> memref<128x16xf32, #tpu.memory_space<hbm>>
      tpu.enqueue_dma source(%arg8 : memref<128x16xf32, #tpu.memory_space<vmem>>) target(%dma_start3A_73 : memref<128x16xf32, #tpu.memory_space<hbm>>) target_semaphore(%arg14 : memref<!tpu.dma_semaphore, #tpu.memory_space<semaphore_mem>>)
      %add3A_74 = arith.constant 3 : i32
      %add3A_75 = arith.addi %add3A_61, %add3A_74 : i32
      %lt3A_76 = arith.constant 19 : i32
      %lt3A_77 = arith.cmpi slt, %add3A_75, %lt3A_76 : i32
      %add3A_78 = arith.constant 3 : i32
      %add3A_79 = arith.addi %add3A_61, %add3A_78 : i32
      %eq3A = arith.constant 19 : i32
      %eq3A_80 = arith.cmpi eq, %add3A_79, %eq3A : i32
      %lt3A_81 = arith.constant 17 : i32
      %lt3A_82 = arith.cmpi slt, %add3A, %lt3A_81 : i32
      %and3A_83 = arith.andi %eq3A_80, %lt3A_82 : i1
      %or3A_84 = arith.ori %lt3A_77, %and3A_83 : i1
      %convert_element_type3A_85 = arith.extui %or3A_84 : i1 to i32
      %cond3A_86 = arith.constant 0 : i32
      %cond3A_87 = arith.cmpi ne, %convert_element_type3A_85, %cond3A_86 : i32
      scf.if %cond3A_87 {
        %add3A_185 = arith.constant 3 : i32
        %add3A_186 = arith.addi %add3A_61, %add3A_185 : i32
        %mul3A_187 = arith.constant 32 : i32
        %mul3A_188 = arith.muli %mul3A_187, %add3A_186 : i32
        %add3A_189 = arith.addi %add3A, %mul3A_188 : i32
        "tpu.region"() ({
          %run_scoped3A = tpu.sem_alloc : memref<!tpu.dma_semaphore, #tpu.memory_space<semaphore_mem>>
          %dma_start3A_190 = arith.constant 0 : i32
          %dma_start3A_191 = tpu.memref_slice %arg3[%add3A_189, %dma_start3A_190] : memref<625x128xi32, #tpu.memory_space<hbm>> -> memref<1x128xi32, #tpu.memory_space<hbm>>
          %dma_start3A_192 = tpu.memref_squeeze %dma_start3A_191 : memref<1x128xi32, #tpu.memory_space<hbm>> -> memref<128xi32, #tpu.memory_space<hbm>>
          %dma_start3A_193 = arith.constant 0 : i32
          %dma_start3A_194 = tpu.memref_slice %arg3[%add3A_189, %dma_start3A_193] : memref<625x128xi32, #tpu.memory_space<hbm>> -> memref<1x128xi32, #tpu.memory_space<hbm>>
          %dma_start3A_195 = tpu.memref_squeeze %dma_start3A_194 : memref<1x128xi32, #tpu.memory_space<hbm>> -> memref<128xi32, #tpu.memory_space<hbm>>
          tpu.enqueue_dma source(%dma_start3A_195 : memref<128xi32, #tpu.memory_space<hbm>>) target(%arg5 : memref<128xi32, #tpu.memory_space<vmem>>) target_semaphore(%run_scoped3A : memref<!tpu.dma_semaphore, #tpu.memory_space<semaphore_mem>>)
          %dma_wait3A_196 = arith.constant 0 : i32
          %dma_wait3A_197 = tpu.memref_slice %arg3[%add3A_189, %dma_wait3A_196] : memref<625x128xi32, #tpu.memory_space<hbm>> -> memref<1x128xi32, #tpu.memory_space<hbm>>
          %dma_wait3A_198 = tpu.memref_squeeze %dma_wait3A_197 : memref<1x128xi32, #tpu.memory_space<hbm>> -> memref<128xi32, #tpu.memory_space<hbm>>
          %dma_wait3A_199 = arith.constant 0 : i32
          %dma_wait3A_200 = tpu.memref_slice %arg3[%add3A_189, %dma_wait3A_199] : memref<625x128xi32, #tpu.memory_space<hbm>> -> memref<1x128xi32, #tpu.memory_space<hbm>>
          %dma_wait3A_201 = tpu.memref_squeeze %dma_wait3A_200 : memref<1x128xi32, #tpu.memory_space<hbm>> -> memref<128xi32, #tpu.memory_space<hbm>>
          tpu.wait_dma2 semaphore(%run_scoped3A : memref<!tpu.dma_semaphore, #tpu.memory_space<semaphore_mem>>) src(%dma_wait3A_201 : memref<128xi32, #tpu.memory_space<hbm>>) dst(%arg5 : memref<128xi32, #tpu.memory_space<vmem>>)
          tpu.yield
        }) : () -> ()
      } else {
      }
      %ge3A = arith.constant 2 : i32
      %ge3A_88 = arith.cmpi sge, %add3A_61, %ge3A : i32
      %convert_element_type3A_89 = arith.extui %ge3A_88 : i1 to i32
      %cond3A_90 = arith.constant 0 : i32
      %cond3A_91 = arith.cmpi ne, %convert_element_type3A_89, %cond3A_90 : i32
      scf.if %cond3A_91 {
        %sub3A = arith.constant 2 : i32
        %sub3A_185 = arith.subi %add3A_61, %sub3A : i32
        %mul3A_186 = arith.constant 32 : i32
        %mul3A_187 = arith.muli %mul3A_186, %sub3A_185 : i32
        %add3A_188 = arith.addi %add3A, %mul3A_187 : i32
        %mul3A_189 = arith.constant 128 : i32
        %mul3A_190 = arith.muli %add3A_188, %mul3A_189 : i32
        %dma_wait3A_191 = arith.constant 0 : i32
        %dma_wait3A_192 = tpu.memref_slice %arg4[%mul3A_190, %dma_wait3A_191] : memref<80000x16xf32, #tpu.memory_space<hbm>> -> memref<128x16xf32, #tpu.memory_space<hbm>>
        %dma_wait3A_193 = arith.constant 0 : i32
        %dma_wait3A_194 = tpu.memref_slice %arg4[%mul3A_190, %dma_wait3A_193] : memref<80000x16xf32, #tpu.memory_space<hbm>> -> memref<128x16xf32, #tpu.memory_space<hbm>>
        tpu.wait_dma2 semaphore(%arg15 : memref<!tpu.dma_semaphore, #tpu.memory_space<semaphore_mem>>) src(%arg9 : memref<128x16xf32, #tpu.memory_space<vmem>>) dst(%dma_wait3A_194 : memref<128x16xf32, #tpu.memory_space<hbm>>)
      } else {
      }
      %add3A_92 = arith.constant 1 : i32
      %add3A_93 = arith.addi %add3A_61, %add3A_92 : i32
      %lt3A_94 = arith.constant 19 : i32
      %lt3A_95 = arith.cmpi slt, %add3A_93, %lt3A_94 : i32
      %convert_element_type3A_96 = arith.extui %lt3A_95 : i1 to i32
      %cond3A_97 = arith.constant 0 : i32
      %cond3A_98 = arith.cmpi ne, %convert_element_type3A_96, %cond3A_97 : i32
      scf.if %cond3A_98 {
        %dma_start3A_185 = arith.constant 0 : i32
        %dma_start3A_186 = arith.constant 0 : i32
        %dma_start3A_187 = tpu.memref_slice %arg2[%dma_start3A_185, %dma_start3A_186] : memref<160000x16xf32, #tpu.memory_space<hbm>> -> memref<160000x16xf32, #tpu.memory_space<hbm>>
        tpu.enqueue_indirect_dma source(%dma_start3A_187 : memref<160000x16xf32, #tpu.memory_space<hbm>>) target(%arg9 : memref<128x16xf32, #tpu.memory_space<vmem>>) offsets(%arg6 : memref<128xi32, #tpu.memory_space<vmem>>) semaphore(%arg12 : memref<!tpu.dma_semaphore, #tpu.memory_space<semaphore_mem>>)
      } else {
      }
      %mul3A_99 = arith.constant 3 : i32
      %mul3A_100 = arith.muli %mul3A_99, %scan3A_57 : i32
      %add3A_101 = arith.constant 1 : i32
      %add3A_102 = arith.addi %mul3A_100, %add3A_101 : i32
      %dma_wait3A_103 = arith.constant 0 : i32
      %dma_wait3A_104 = arith.constant 0 : i32
      %dma_wait3A_105 = tpu.memref_slice %arg2[%dma_wait3A_103, %dma_wait3A_104] : memref<160000x16xf32, #tpu.memory_space<hbm>> -> memref<160000x16xf32, #tpu.memory_space<hbm>>
      tpu.wait_indirect_dma semaphore(%arg12 : memref<!tpu.dma_semaphore, #tpu.memory_space<semaphore_mem>>) src(%dma_wait3A_105 : memref<160000x16xf32, #tpu.memory_space<hbm>>) dst(%arg9 : memref<128x16xf32, #tpu.memory_space<vmem>>)
      %mul3A_106 = arith.constant 32 : i32
      %mul3A_107 = arith.muli %mul3A_106, %add3A_102 : i32
      %add3A_108 = arith.addi %add3A, %mul3A_107 : i32
      %mul3A_109 = arith.constant 128 : i32
      %mul3A_110 = arith.muli %add3A_108, %mul3A_109 : i32
      %dma_start3A_111 = arith.constant 0 : i32
      %dma_start3A_112 = tpu.memref_slice %arg4[%mul3A_110, %dma_start3A_111] : memref<80000x16xf32, #tpu.memory_space<hbm>> -> memref<128x16xf32, #tpu.memory_space<hbm>>
      %dma_start3A_113 = arith.constant 0 : i32
      %dma_start3A_114 = tpu.memref_slice %arg4[%mul3A_110, %dma_start3A_113] : memref<80000x16xf32, #tpu.memory_space<hbm>> -> memref<128x16xf32, #tpu.memory_space<hbm>>
      tpu.enqueue_dma source(%arg9 : memref<128x16xf32, #tpu.memory_space<vmem>>) target(%dma_start3A_114 : memref<128x16xf32, #tpu.memory_space<hbm>>) target_semaphore(%arg15 : memref<!tpu.dma_semaphore, #tpu.memory_space<semaphore_mem>>)
      %add3A_115 = arith.constant 3 : i32
      %add3A_116 = arith.addi %add3A_102, %add3A_115 : i32
      %lt3A_117 = arith.constant 19 : i32
      %lt3A_118 = arith.cmpi slt, %add3A_116, %lt3A_117 : i32
      %add3A_119 = arith.constant 3 : i32
      %add3A_120 = arith.addi %add3A_102, %add3A_119 : i32
      %eq3A_121 = arith.constant 19 : i32
      %eq3A_122 = arith.cmpi eq, %add3A_120, %eq3A_121 : i32
      %lt3A_123 = arith.constant 17 : i32
      %lt3A_124 = arith.cmpi slt, %add3A, %lt3A_123 : i32
      %and3A_125 = arith.andi %eq3A_122, %lt3A_124 : i1
      %or3A_126 = arith.ori %lt3A_118, %and3A_125 : i1
      %convert_element_type3A_127 = arith.extui %or3A_126 : i1 to i32
      %cond3A_128 = arith.constant 0 : i32
      %cond3A_129 = arith.cmpi ne, %convert_element_type3A_127, %cond3A_128 : i32
      scf.if %cond3A_129 {
        %add3A_185 = arith.constant 3 : i32
        %add3A_186 = arith.addi %add3A_102, %add3A_185 : i32
        %mul3A_187 = arith.constant 32 : i32
        %mul3A_188 = arith.muli %mul3A_187, %add3A_186 : i32
        %add3A_189 = arith.addi %add3A, %mul3A_188 : i32
        "tpu.region"() ({
          %run_scoped3A = tpu.sem_alloc : memref<!tpu.dma_semaphore, #tpu.memory_space<semaphore_mem>>
          %dma_start3A_190 = arith.constant 0 : i32
          %dma_start3A_191 = tpu.memref_slice %arg3[%add3A_189, %dma_start3A_190] : memref<625x128xi32, #tpu.memory_space<hbm>> -> memref<1x128xi32, #tpu.memory_space<hbm>>
          %dma_start3A_192 = tpu.memref_squeeze %dma_start3A_191 : memref<1x128xi32, #tpu.memory_space<hbm>> -> memref<128xi32, #tpu.memory_space<hbm>>
          %dma_start3A_193 = arith.constant 0 : i32
          %dma_start3A_194 = tpu.memref_slice %arg3[%add3A_189, %dma_start3A_193] : memref<625x128xi32, #tpu.memory_space<hbm>> -> memref<1x128xi32, #tpu.memory_space<hbm>>
          %dma_start3A_195 = tpu.memref_squeeze %dma_start3A_194 : memref<1x128xi32, #tpu.memory_space<hbm>> -> memref<128xi32, #tpu.memory_space<hbm>>
          tpu.enqueue_dma source(%dma_start3A_195 : memref<128xi32, #tpu.memory_space<hbm>>) target(%arg6 : memref<128xi32, #tpu.memory_space<vmem>>) target_semaphore(%run_scoped3A : memref<!tpu.dma_semaphore, #tpu.memory_space<semaphore_mem>>)
          %dma_wait3A_196 = arith.constant 0 : i32
          %dma_wait3A_197 = tpu.memref_slice %arg3[%add3A_189, %dma_wait3A_196] : memref<625x128xi32, #tpu.memory_space<hbm>> -> memref<1x128xi32, #tpu.memory_space<hbm>>
          %dma_wait3A_198 = tpu.memref_squeeze %dma_wait3A_197 : memref<1x128xi32, #tpu.memory_space<hbm>> -> memref<128xi32, #tpu.memory_space<hbm>>
          %dma_wait3A_199 = arith.constant 0 : i32
          %dma_wait3A_200 = tpu.memref_slice %arg3[%add3A_189, %dma_wait3A_199] : memref<625x128xi32, #tpu.memory_space<hbm>> -> memref<1x128xi32, #tpu.memory_space<hbm>>
          %dma_wait3A_201 = tpu.memref_squeeze %dma_wait3A_200 : memref<1x128xi32, #tpu.memory_space<hbm>> -> memref<128xi32, #tpu.memory_space<hbm>>
          tpu.wait_dma2 semaphore(%run_scoped3A : memref<!tpu.dma_semaphore, #tpu.memory_space<semaphore_mem>>) src(%dma_wait3A_201 : memref<128xi32, #tpu.memory_space<hbm>>) dst(%arg6 : memref<128xi32, #tpu.memory_space<vmem>>)
          tpu.yield
        }) : () -> ()
      } else {
      }
      %ge3A_130 = arith.constant 2 : i32
      %ge3A_131 = arith.cmpi sge, %add3A_102, %ge3A_130 : i32
      %convert_element_type3A_132 = arith.extui %ge3A_131 : i1 to i32
      %cond3A_133 = arith.constant 0 : i32
      %cond3A_134 = arith.cmpi ne, %convert_element_type3A_132, %cond3A_133 : i32
      scf.if %cond3A_134 {
        %sub3A = arith.constant 2 : i32
        %sub3A_185 = arith.subi %add3A_102, %sub3A : i32
        %mul3A_186 = arith.constant 32 : i32
        %mul3A_187 = arith.muli %mul3A_186, %sub3A_185 : i32
        %add3A_188 = arith.addi %add3A, %mul3A_187 : i32
        %mul3A_189 = arith.constant 128 : i32
        %mul3A_190 = arith.muli %add3A_188, %mul3A_189 : i32
        %dma_wait3A_191 = arith.constant 0 : i32
        %dma_wait3A_192 = tpu.memref_slice %arg4[%mul3A_190, %dma_wait3A_191] : memref<80000x16xf32, #tpu.memory_space<hbm>> -> memref<128x16xf32, #tpu.memory_space<hbm>>
        %dma_wait3A_193 = arith.constant 0 : i32
        %dma_wait3A_194 = tpu.memref_slice %arg4[%mul3A_190, %dma_wait3A_193] : memref<80000x16xf32, #tpu.memory_space<hbm>> -> memref<128x16xf32, #tpu.memory_space<hbm>>
        tpu.wait_dma2 semaphore(%arg16 : memref<!tpu.dma_semaphore, #tpu.memory_space<semaphore_mem>>) src(%arg10 : memref<128x16xf32, #tpu.memory_space<vmem>>) dst(%dma_wait3A_194 : memref<128x16xf32, #tpu.memory_space<hbm>>)
      } else {
      }
      %add3A_135 = arith.constant 1 : i32
      %add3A_136 = arith.addi %add3A_102, %add3A_135 : i32
      %lt3A_137 = arith.constant 19 : i32
      %lt3A_138 = arith.cmpi slt, %add3A_136, %lt3A_137 : i32
      %convert_element_type3A_139 = arith.extui %lt3A_138 : i1 to i32
      %cond3A_140 = arith.constant 0 : i32
      %cond3A_141 = arith.cmpi ne, %convert_element_type3A_139, %cond3A_140 : i32
      scf.if %cond3A_141 {
        %dma_start3A_185 = arith.constant 0 : i32
        %dma_start3A_186 = arith.constant 0 : i32
        %dma_start3A_187 = tpu.memref_slice %arg2[%dma_start3A_185, %dma_start3A_186] : memref<160000x16xf32, #tpu.memory_space<hbm>> -> memref<160000x16xf32, #tpu.memory_space<hbm>>
        tpu.enqueue_indirect_dma source(%dma_start3A_187 : memref<160000x16xf32, #tpu.memory_space<hbm>>) target(%arg10 : memref<128x16xf32, #tpu.memory_space<vmem>>) offsets(%arg7 : memref<128xi32, #tpu.memory_space<vmem>>) semaphore(%arg13 : memref<!tpu.dma_semaphore, #tpu.memory_space<semaphore_mem>>)
      } else {
      }
      %mul3A_142 = arith.constant 3 : i32
      %mul3A_143 = arith.muli %mul3A_142, %scan3A_57 : i32
      %add3A_144 = arith.constant 2 : i32
      %add3A_145 = arith.addi %mul3A_143, %add3A_144 : i32
      %dma_wait3A_146 = arith.constant 0 : i32
      %dma_wait3A_147 = arith.constant 0 : i32
      %dma_wait3A_148 = tpu.memref_slice %arg2[%dma_wait3A_146, %dma_wait3A_147] : memref<160000x16xf32, #tpu.memory_space<hbm>> -> memref<160000x16xf32, #tpu.memory_space<hbm>>
      tpu.wait_indirect_dma semaphore(%arg13 : memref<!tpu.dma_semaphore, #tpu.memory_space<semaphore_mem>>) src(%dma_wait3A_148 : memref<160000x16xf32, #tpu.memory_space<hbm>>) dst(%arg10 : memref<128x16xf32, #tpu.memory_space<vmem>>)
      %mul3A_149 = arith.constant 32 : i32
      %mul3A_150 = arith.muli %mul3A_149, %add3A_145 : i32
      %add3A_151 = arith.addi %add3A, %mul3A_150 : i32
      %mul3A_152 = arith.constant 128 : i32
      %mul3A_153 = arith.muli %add3A_151, %mul3A_152 : i32
      %dma_start3A_154 = arith.constant 0 : i32
      %dma_start3A_155 = tpu.memref_slice %arg4[%mul3A_153, %dma_start3A_154] : memref<80000x16xf32, #tpu.memory_space<hbm>> -> memref<128x16xf32, #tpu.memory_space<hbm>>
      %dma_start3A_156 = arith.constant 0 : i32
      %dma_start3A_157 = tpu.memref_slice %arg4[%mul3A_153, %dma_start3A_156] : memref<80000x16xf32, #tpu.memory_space<hbm>> -> memref<128x16xf32, #tpu.memory_space<hbm>>
      tpu.enqueue_dma source(%arg10 : memref<128x16xf32, #tpu.memory_space<vmem>>) target(%dma_start3A_157 : memref<128x16xf32, #tpu.memory_space<hbm>>) target_semaphore(%arg16 : memref<!tpu.dma_semaphore, #tpu.memory_space<semaphore_mem>>)
      %add3A_158 = arith.constant 3 : i32
      %add3A_159 = arith.addi %add3A_145, %add3A_158 : i32
      %lt3A_160 = arith.constant 19 : i32
      %lt3A_161 = arith.cmpi slt, %add3A_159, %lt3A_160 : i32
      %add3A_162 = arith.constant 3 : i32
      %add3A_163 = arith.addi %add3A_145, %add3A_162 : i32
      %eq3A_164 = arith.constant 19 : i32
      %eq3A_165 = arith.cmpi eq, %add3A_163, %eq3A_164 : i32
      %lt3A_166 = arith.constant 17 : i32
      %lt3A_167 = arith.cmpi slt, %add3A, %lt3A_166 : i32
      %and3A_168 = arith.andi %eq3A_165, %lt3A_167 : i1
      %or3A_169 = arith.ori %lt3A_161, %and3A_168 : i1
      %convert_element_type3A_170 = arith.extui %or3A_169 : i1 to i32
      %cond3A_171 = arith.constant 0 : i32
      %cond3A_172 = arith.cmpi ne, %convert_element_type3A_170, %cond3A_171 : i32
      scf.if %cond3A_172 {
        %add3A_185 = arith.constant 3 : i32
        %add3A_186 = arith.addi %add3A_145, %add3A_185 : i32
        %mul3A_187 = arith.constant 32 : i32
        %mul3A_188 = arith.muli %mul3A_187, %add3A_186 : i32
        %add3A_189 = arith.addi %add3A, %mul3A_188 : i32
        "tpu.region"() ({
          %run_scoped3A = tpu.sem_alloc : memref<!tpu.dma_semaphore, #tpu.memory_space<semaphore_mem>>
          %dma_start3A_190 = arith.constant 0 : i32
          %dma_start3A_191 = tpu.memref_slice %arg3[%add3A_189, %dma_start3A_190] : memref<625x128xi32, #tpu.memory_space<hbm>> -> memref<1x128xi32, #tpu.memory_space<hbm>>
          %dma_start3A_192 = tpu.memref_squeeze %dma_start3A_191 : memref<1x128xi32, #tpu.memory_space<hbm>> -> memref<128xi32, #tpu.memory_space<hbm>>
          %dma_start3A_193 = arith.constant 0 : i32
          %dma_start3A_194 = tpu.memref_slice %arg3[%add3A_189, %dma_start3A_193] : memref<625x128xi32, #tpu.memory_space<hbm>> -> memref<1x128xi32, #tpu.memory_space<hbm>>
          %dma_start3A_195 = tpu.memref_squeeze %dma_start3A_194 : memref<1x128xi32, #tpu.memory_space<hbm>> -> memref<128xi32, #tpu.memory_space<hbm>>
          tpu.enqueue_dma source(%dma_start3A_195 : memref<128xi32, #tpu.memory_space<hbm>>) target(%arg7 : memref<128xi32, #tpu.memory_space<vmem>>) target_semaphore(%run_scoped3A : memref<!tpu.dma_semaphore, #tpu.memory_space<semaphore_mem>>)
          %dma_wait3A_196 = arith.constant 0 : i32
          %dma_wait3A_197 = tpu.memref_slice %arg3[%add3A_189, %dma_wait3A_196] : memref<625x128xi32, #tpu.memory_space<hbm>> -> memref<1x128xi32, #tpu.memory_space<hbm>>
          %dma_wait3A_198 = tpu.memref_squeeze %dma_wait3A_197 : memref<1x128xi32, #tpu.memory_space<hbm>> -> memref<128xi32, #tpu.memory_space<hbm>>
          %dma_wait3A_199 = arith.constant 0 : i32
          %dma_wait3A_200 = tpu.memref_slice %arg3[%add3A_189, %dma_wait3A_199] : memref<625x128xi32, #tpu.memory_space<hbm>> -> memref<1x128xi32, #tpu.memory_space<hbm>>
          %dma_wait3A_201 = tpu.memref_squeeze %dma_wait3A_200 : memref<1x128xi32, #tpu.memory_space<hbm>> -> memref<128xi32, #tpu.memory_space<hbm>>
          tpu.wait_dma2 semaphore(%run_scoped3A : memref<!tpu.dma_semaphore, #tpu.memory_space<semaphore_mem>>) src(%dma_wait3A_201 : memref<128xi32, #tpu.memory_space<hbm>>) dst(%arg7 : memref<128xi32, #tpu.memory_space<vmem>>)
          tpu.yield
        }) : () -> ()
      } else {
      }
      %ge3A_173 = arith.constant 2 : i32
      %ge3A_174 = arith.cmpi sge, %add3A_145, %ge3A_173 : i32
      %convert_element_type3A_175 = arith.extui %ge3A_174 : i1 to i32
      %cond3A_176 = arith.constant 0 : i32
      %cond3A_177 = arith.cmpi ne, %convert_element_type3A_175, %cond3A_176 : i32
      scf.if %cond3A_177 {
        %sub3A = arith.constant 2 : i32
        %sub3A_185 = arith.subi %add3A_145, %sub3A : i32
        %mul3A_186 = arith.constant 32 : i32
        %mul3A_187 = arith.muli %mul3A_186, %sub3A_185 : i32
        %add3A_188 = arith.addi %add3A, %mul3A_187 : i32
        %mul3A_189 = arith.constant 128 : i32
        %mul3A_190 = arith.muli %add3A_188, %mul3A_189 : i32
        %dma_wait3A_191 = arith.constant 0 : i32
        %dma_wait3A_192 = tpu.memref_slice %arg4[%mul3A_190, %dma_wait3A_191] : memref<80000x16xf32, #tpu.memory_space<hbm>> -> memref<128x16xf32, #tpu.memory_space<hbm>>
        %dma_wait3A_193 = arith.constant 0 : i32
        %dma_wait3A_194 = tpu.memref_slice %arg4[%mul3A_190, %dma_wait3A_193] : memref<80000x16xf32, #tpu.memory_space<hbm>> -> memref<128x16xf32, #tpu.memory_space<hbm>>
        tpu.wait_dma2 semaphore(%arg14 : memref<!tpu.dma_semaphore, #tpu.memory_space<semaphore_mem>>) src(%arg8 : memref<128x16xf32, #tpu.memory_space<vmem>>) dst(%dma_wait3A_194 : memref<128x16xf32, #tpu.memory_space<hbm>>)
      } else {
      }
      %add3A_178 = arith.constant 1 : i32
      %add3A_179 = arith.addi %add3A_145, %add3A_178 : i32
      %lt3A_180 = arith.constant 19 : i32
      %lt3A_181 = arith.cmpi slt, %add3A_179, %lt3A_180 : i32
      %convert_element_type3A_182 = arith.extui %lt3A_181 : i1 to i32
      %cond3A_183 = arith.constant 0 : i32
      %cond3A_184 = arith.cmpi ne, %convert_element_type3A_182, %cond3A_183 : i32
      scf.if %cond3A_184 {
        %dma_start3A_185 = arith.constant 0 : i32
        %dma_start3A_186 = arith.constant 0 : i32
        %dma_start3A_187 = tpu.memref_slice %arg2[%dma_start3A_185, %dma_start3A_186] : memref<160000x16xf32, #tpu.memory_space<hbm>> -> memref<160000x16xf32, #tpu.memory_space<hbm>>
        tpu.enqueue_indirect_dma source(%dma_start3A_187 : memref<160000x16xf32, #tpu.memory_space<hbm>>) target(%arg8 : memref<128x16xf32, #tpu.memory_space<vmem>>) offsets(%arg5 : memref<128xi32, #tpu.memory_space<vmem>>) semaphore(%arg11 : memref<!tpu.dma_semaphore, #tpu.memory_space<semaphore_mem>>)
      } else {
      }
    }
    %scan3A_13 = arith.constant 6 : i32
    %dma_wait3A = arith.constant 0 : i32
    %dma_wait3A_14 = arith.constant 0 : i32
    %dma_wait3A_15 = tpu.memref_slice %arg2[%dma_wait3A, %dma_wait3A_14] : memref<160000x16xf32, #tpu.memory_space<hbm>> -> memref<160000x16xf32, #tpu.memory_space<hbm>>
    tpu.wait_indirect_dma semaphore(%arg11 : memref<!tpu.dma_semaphore, #tpu.memory_space<semaphore_mem>>) src(%dma_wait3A_15 : memref<160000x16xf32, #tpu.memory_space<hbm>>) dst(%arg8 : memref<128x16xf32, #tpu.memory_space<vmem>>)
    %add3A_16 = arith.constant 576 : i32
    %add3A_17 = arith.addi %add3A, %add3A_16 : i32
    %mul3A_18 = arith.constant 128 : i32
    %mul3A_19 = arith.muli %add3A_17, %mul3A_18 : i32
    %dma_start3A_20 = arith.constant 0 : i32
    %dma_start3A_21 = tpu.memref_slice %arg4[%mul3A_19, %dma_start3A_20] : memref<80000x16xf32, #tpu.memory_space<hbm>> -> memref<128x16xf32, #tpu.memory_space<hbm>>
    %dma_start3A_22 = arith.constant 0 : i32
    %dma_start3A_23 = tpu.memref_slice %arg4[%mul3A_19, %dma_start3A_22] : memref<80000x16xf32, #tpu.memory_space<hbm>> -> memref<128x16xf32, #tpu.memory_space<hbm>>
    tpu.enqueue_dma source(%arg8 : memref<128x16xf32, #tpu.memory_space<vmem>>) target(%dma_start3A_23 : memref<128x16xf32, #tpu.memory_space<hbm>>) target_semaphore(%arg14 : memref<!tpu.dma_semaphore, #tpu.memory_space<semaphore_mem>>)
    %lt3A = arith.constant 17 : i32
    %lt3A_24 = arith.cmpi slt, %add3A, %lt3A : i32
    %and3A = arith.constant false
    %and3A_25 = arith.andi %and3A, %lt3A_24 : i1
    %or3A = arith.constant false
    %or3A_26 = arith.ori %or3A, %and3A_25 : i1
    %convert_element_type3A = arith.extui %or3A_26 : i1 to i32
    %cond3A = arith.constant 0 : i32
    %cond3A_27 = arith.cmpi ne, %convert_element_type3A, %cond3A : i32
    scf.if %cond3A_27 {
      %add3A_57 = arith.constant 672 : i32
      %add3A_58 = arith.addi %add3A, %add3A_57 : i32
      "tpu.region"() ({
        %run_scoped3A = tpu.sem_alloc : memref<!tpu.dma_semaphore, #tpu.memory_space<semaphore_mem>>
        %dma_start3A_59 = arith.constant 0 : i32
        %dma_start3A_60 = tpu.memref_slice %arg3[%add3A_58, %dma_start3A_59] : memref<625x128xi32, #tpu.memory_space<hbm>> -> memref<1x128xi32, #tpu.memory_space<hbm>>
        %dma_start3A_61 = tpu.memref_squeeze %dma_start3A_60 : memref<1x128xi32, #tpu.memory_space<hbm>> -> memref<128xi32, #tpu.memory_space<hbm>>
        %dma_start3A_62 = arith.constant 0 : i32
        %dma_start3A_63 = tpu.memref_slice %arg3[%add3A_58, %dma_start3A_62] : memref<625x128xi32, #tpu.memory_space<hbm>> -> memref<1x128xi32, #tpu.memory_space<hbm>>
        %dma_start3A_64 = tpu.memref_squeeze %dma_start3A_63 : memref<1x128xi32, #tpu.memory_space<hbm>> -> memref<128xi32, #tpu.memory_space<hbm>>
        tpu.enqueue_dma source(%dma_start3A_64 : memref<128xi32, #tpu.memory_space<hbm>>) target(%arg5 : memref<128xi32, #tpu.memory_space<vmem>>) target_semaphore(%run_scoped3A : memref<!tpu.dma_semaphore, #tpu.memory_space<semaphore_mem>>)
        %dma_wait3A_65 = arith.constant 0 : i32
        %dma_wait3A_66 = tpu.memref_slice %arg3[%add3A_58, %dma_wait3A_65] : memref<625x128xi32, #tpu.memory_space<hbm>> -> memref<1x128xi32, #tpu.memory_space<hbm>>
        %dma_wait3A_67 = tpu.memref_squeeze %dma_wait3A_66 : memref<1x128xi32, #tpu.memory_space<hbm>> -> memref<128xi32, #tpu.memory_space<hbm>>
        %dma_wait3A_68 = arith.constant 0 : i32
        %dma_wait3A_69 = tpu.memref_slice %arg3[%add3A_58, %dma_wait3A_68] : memref<625x128xi32, #tpu.memory_space<hbm>> -> memref<1x128xi32, #tpu.memory_space<hbm>>
        %dma_wait3A_70 = tpu.memref_squeeze %dma_wait3A_69 : memref<1x128xi32, #tpu.memory_space<hbm>> -> memref<128xi32, #tpu.memory_space<hbm>>
        tpu.wait_dma2 semaphore(%run_scoped3A : memref<!tpu.dma_semaphore, #tpu.memory_space<semaphore_mem>>) src(%dma_wait3A_70 : memref<128xi32, #tpu.memory_space<hbm>>) dst(%arg5 : memref<128xi32, #tpu.memory_space<vmem>>)
        tpu.yield
      }) : () -> ()
    } else {
    }
    %add3A_28 = arith.constant 512 : i32
    %add3A_29 = arith.addi %add3A, %add3A_28 : i32
    %mul3A_30 = arith.constant 128 : i32
    %mul3A_31 = arith.muli %add3A_29, %mul3A_30 : i32
    %dma_wait3A_32 = arith.constant 0 : i32
    %dma_wait3A_33 = tpu.memref_slice %arg4[%mul3A_31, %dma_wait3A_32] : memref<80000x16xf32, #tpu.memory_space<hbm>> -> memref<128x16xf32, #tpu.memory_space<hbm>>
    %dma_wait3A_34 = arith.constant 0 : i32
    %dma_wait3A_35 = tpu.memref_slice %arg4[%mul3A_31, %dma_wait3A_34] : memref<80000x16xf32, #tpu.memory_space<hbm>> -> memref<128x16xf32, #tpu.memory_space<hbm>>
    tpu.wait_dma2 semaphore(%arg15 : memref<!tpu.dma_semaphore, #tpu.memory_space<semaphore_mem>>) src(%arg9 : memref<128x16xf32, #tpu.memory_space<vmem>>) dst(%dma_wait3A_35 : memref<128x16xf32, #tpu.memory_space<hbm>>)
    %add3A_36 = arith.constant 544 : i32
    %add3A_37 = arith.addi %add3A, %add3A_36 : i32
    %mul3A_38 = arith.constant 128 : i32
    %mul3A_39 = arith.muli %add3A_37, %mul3A_38 : i32
    %dma_wait3A_40 = arith.constant 0 : i32
    %dma_wait3A_41 = tpu.memref_slice %arg4[%mul3A_39, %dma_wait3A_40] : memref<80000x16xf32, #tpu.memory_space<hbm>> -> memref<128x16xf32, #tpu.memory_space<hbm>>
    %dma_wait3A_42 = arith.constant 0 : i32
    %dma_wait3A_43 = tpu.memref_slice %arg4[%mul3A_39, %dma_wait3A_42] : memref<80000x16xf32, #tpu.memory_space<hbm>> -> memref<128x16xf32, #tpu.memory_space<hbm>>
    tpu.wait_dma2 semaphore(%arg16 : memref<!tpu.dma_semaphore, #tpu.memory_space<semaphore_mem>>) src(%arg10 : memref<128x16xf32, #tpu.memory_space<vmem>>) dst(%dma_wait3A_43 : memref<128x16xf32, #tpu.memory_space<hbm>>)
    %add3A_44 = arith.constant 576 : i32
    %add3A_45 = arith.addi %add3A, %add3A_44 : i32
    %mul3A_46 = arith.constant 128 : i32
    %mul3A_47 = arith.muli %add3A_45, %mul3A_46 : i32
    %dma_wait3A_48 = arith.constant 0 : i32
    %dma_wait3A_49 = tpu.memref_slice %arg4[%mul3A_47, %dma_wait3A_48] : memref<80000x16xf32, #tpu.memory_space<hbm>> -> memref<128x16xf32, #tpu.memory_space<hbm>>
    %dma_wait3A_50 = arith.constant 0 : i32
    %dma_wait3A_51 = tpu.memref_slice %arg4[%mul3A_47, %dma_wait3A_50] : memref<80000x16xf32, #tpu.memory_space<hbm>> -> memref<128x16xf32, #tpu.memory_space<hbm>>
    tpu.wait_dma2 semaphore(%arg14 : memref<!tpu.dma_semaphore, #tpu.memory_space<semaphore_mem>>) src(%arg8 : memref<128x16xf32, #tpu.memory_space<vmem>>) dst(%dma_wait3A_51 : memref<128x16xf32, #tpu.memory_space<hbm>>)
    %lt3A_52 = arith.constant 17 : i32
    %lt3A_53 = arith.cmpi slt, %add3A, %lt3A_52 : i32
    %convert_element_type3A_54 = arith.extui %lt3A_53 : i1 to i32
    %cond3A_55 = arith.constant 0 : i32
    %cond3A_56 = arith.cmpi ne, %convert_element_type3A_54, %cond3A_55 : i32
    scf.if %cond3A_56 {
      %dma_start3A_57 = arith.constant 0 : i32
      %dma_start3A_58 = arith.constant 0 : i32
      %dma_start3A_59 = tpu.memref_slice %arg2[%dma_start3A_57, %dma_start3A_58] : memref<160000x16xf32, #tpu.memory_space<hbm>> -> memref<160000x16xf32, #tpu.memory_space<hbm>>
      tpu.enqueue_indirect_dma source(%dma_start3A_59 : memref<160000x16xf32, #tpu.memory_space<hbm>>) target(%arg9 : memref<128x16xf32, #tpu.memory_space<vmem>>) offsets(%arg6 : memref<128xi32, #tpu.memory_space<vmem>>) semaphore(%arg12 : memref<!tpu.dma_semaphore, #tpu.memory_space<semaphore_mem>>)
      %dma_wait3A_60 = arith.constant 0 : i32
      %dma_wait3A_61 = arith.constant 0 : i32
      %dma_wait3A_62 = tpu.memref_slice %arg2[%dma_wait3A_60, %dma_wait3A_61] : memref<160000x16xf32, #tpu.memory_space<hbm>> -> memref<160000x16xf32, #tpu.memory_space<hbm>>
      tpu.wait_indirect_dma semaphore(%arg12 : memref<!tpu.dma_semaphore, #tpu.memory_space<semaphore_mem>>) src(%dma_wait3A_62 : memref<160000x16xf32, #tpu.memory_space<hbm>>) dst(%arg9 : memref<128x16xf32, #tpu.memory_space<vmem>>)
      %add3A_63 = arith.constant 608 : i32
      %add3A_64 = arith.addi %add3A, %add3A_63 : i32
      %mul3A_65 = arith.constant 128 : i32
      %mul3A_66 = arith.muli %add3A_64, %mul3A_65 : i32
      %dma_start3A_67 = arith.constant 0 : i32
      %dma_start3A_68 = tpu.memref_slice %arg4[%mul3A_66, %dma_start3A_67] : memref<80000x16xf32, #tpu.memory_space<hbm>> -> memref<128x16xf32, #tpu.memory_space<hbm>>
      %dma_start3A_69 = arith.constant 0 : i32
      %dma_start3A_70 = tpu.memref_slice %arg4[%mul3A_66, %dma_start3A_69] : memref<80000x16xf32, #tpu.memory_space<hbm>> -> memref<128x16xf32, #tpu.memory_space<hbm>>
      tpu.enqueue_dma source(%arg9 : memref<128x16xf32, #tpu.memory_space<vmem>>) target(%dma_start3A_70 : memref<128x16xf32, #tpu.memory_space<hbm>>) target_semaphore(%arg15 : memref<!tpu.dma_semaphore, #tpu.memory_space<semaphore_mem>>)
      %add3A_71 = arith.constant 608 : i32
      %add3A_72 = arith.addi %add3A, %add3A_71 : i32
      %mul3A_73 = arith.constant 128 : i32
      %mul3A_74 = arith.muli %add3A_72, %mul3A_73 : i32
      %dma_wait3A_75 = arith.constant 0 : i32
      %dma_wait3A_76 = tpu.memref_slice %arg4[%mul3A_74, %dma_wait3A_75] : memref<80000x16xf32, #tpu.memory_space<hbm>> -> memref<128x16xf32, #tpu.memory_space<hbm>>
      %dma_wait3A_77 = arith.constant 0 : i32
      %dma_wait3A_78 = tpu.memref_slice %arg4[%mul3A_74, %dma_wait3A_77] : memref<80000x16xf32, #tpu.memory_space<hbm>> -> memref<128x16xf32, #tpu.memory_space<hbm>>
      tpu.wait_dma2 semaphore(%arg15 : memref<!tpu.dma_semaphore, #tpu.memory_space<semaphore_mem>>) src(%arg9 : memref<128x16xf32, #tpu.memory_space<vmem>>) dst(%dma_wait3A_78 : memref<128x16xf32, #tpu.memory_space<hbm>>)
    } else {
    }
    return
  }
}

#map = affine_map<(d0, d1) -> (0, 0)>
module attributes {stable_mosaic.version = 14 : i64} {
  func.func @gather_kernel(%arg0: i32, %arg1: i32, %arg2: memref<10000x128xf32, #tpu.memory_space<hbm>>, %arg3: memref<625x128xi32, #tpu.memory_space<hbm>>, %arg4: memref<80000x128xf32, #tpu.memory_space<hbm>>, %arg5: memref<128xi32, #tpu.memory_space<vmem>>, %arg6: memref<128xi32, #tpu.memory_space<vmem>>, %arg7: memref<128xi32, #tpu.memory_space<vmem>>, %arg8: memref<128x128xf32, #tpu.memory_space<vmem>>, %arg9: memref<128x128xf32, #tpu.memory_space<vmem>>, %arg10: memref<128x128xf32, #tpu.memory_space<vmem>>, %arg11: memref<!tpu.dma_semaphore, #tpu.memory_space<semaphore_mem>>, %arg12: memref<!tpu.dma_semaphore, #tpu.memory_space<semaphore_mem>>, %arg13: memref<!tpu.dma_semaphore, #tpu.memory_space<semaphore_mem>>, %arg14: memref<!tpu.dma_semaphore, #tpu.memory_space<semaphore_mem>>, %arg15: memref<!tpu.dma_semaphore, #tpu.memory_space<semaphore_mem>>, %arg16: memref<!tpu.dma_semaphore, #tpu.memory_space<semaphore_mem>>) attributes {dimension_semantics = [#tpu.dimension_semantics<core_parallel>, #tpu.dimension_semantics<subcore_parallel>], iteration_bounds = array<i64: 2, 16>, scalar_prefetch = 0 : i64, scratch_operands = 12 : i64, tpu.core_type = #tpu.core_type<sc_vector_subcore>, window_params = [{transform_indices = #map}, {transform_indices = #map}, {transform_indices = #map}]} {
    %mul3A = arith.constant 2 : i32
    %mul3A_0 = arith.muli %arg1, %mul3A : i32
    %add3A = arith.addi %mul3A_0, %arg0 : i32
    %add3A_1 = arith.constant 0 : i32
    %add3A_2 = arith.addi %add3A, %add3A_1 : i32
    "tpu.region"() ({
      %run_scoped3A = tpu.sem_alloc : memref<!tpu.dma_semaphore, #tpu.memory_space<semaphore_mem>>
      %dma_start3A_57 = arith.constant 0 : i32
      %dma_start3A_58 = tpu.memref_slice %arg3[%add3A_2, %dma_start3A_57] : memref<625x128xi32, #tpu.memory_space<hbm>> -> memref<1x128xi32, #tpu.memory_space<hbm>>
      %dma_start3A_59 = tpu.memref_squeeze %dma_start3A_58 : memref<1x128xi32, #tpu.memory_space<hbm>> -> memref<128xi32, #tpu.memory_space<hbm>>
      %dma_start3A_60 = arith.constant 0 : i32
      %dma_start3A_61 = tpu.memref_slice %arg3[%add3A_2, %dma_start3A_60] : memref<625x128xi32, #tpu.memory_space<hbm>> -> memref<1x128xi32, #tpu.memory_space<hbm>>
      %dma_start3A_62 = tpu.memref_squeeze %dma_start3A_61 : memref<1x128xi32, #tpu.memory_space<hbm>> -> memref<128xi32, #tpu.memory_space<hbm>>
      tpu.enqueue_dma source(%dma_start3A_62 : memref<128xi32, #tpu.memory_space<hbm>>) target(%arg5 : memref<128xi32, #tpu.memory_space<vmem>>) target_semaphore(%run_scoped3A : memref<!tpu.dma_semaphore, #tpu.memory_space<semaphore_mem>>)
      %dma_wait3A_63 = arith.constant 0 : i32
      %dma_wait3A_64 = tpu.memref_slice %arg3[%add3A_2, %dma_wait3A_63] : memref<625x128xi32, #tpu.memory_space<hbm>> -> memref<1x128xi32, #tpu.memory_space<hbm>>
      %dma_wait3A_65 = tpu.memref_squeeze %dma_wait3A_64 : memref<1x128xi32, #tpu.memory_space<hbm>> -> memref<128xi32, #tpu.memory_space<hbm>>
      %dma_wait3A_66 = arith.constant 0 : i32
      %dma_wait3A_67 = tpu.memref_slice %arg3[%add3A_2, %dma_wait3A_66] : memref<625x128xi32, #tpu.memory_space<hbm>> -> memref<1x128xi32, #tpu.memory_space<hbm>>
      %dma_wait3A_68 = tpu.memref_squeeze %dma_wait3A_67 : memref<1x128xi32, #tpu.memory_space<hbm>> -> memref<128xi32, #tpu.memory_space<hbm>>
      tpu.wait_dma2 semaphore(%run_scoped3A : memref<!tpu.dma_semaphore, #tpu.memory_space<semaphore_mem>>) src(%dma_wait3A_68 : memref<128xi32, #tpu.memory_space<hbm>>) dst(%arg5 : memref<128xi32, #tpu.memory_space<vmem>>)
      tpu.yield
    }) : () -> ()
    %add3A_3 = arith.constant 32 : i32
    %add3A_4 = arith.addi %add3A, %add3A_3 : i32
    "tpu.region"() ({
      %run_scoped3A = tpu.sem_alloc : memref<!tpu.dma_semaphore, #tpu.memory_space<semaphore_mem>>
      %dma_start3A_57 = arith.constant 0 : i32
      %dma_start3A_58 = tpu.memref_slice %arg3[%add3A_4, %dma_start3A_57] : memref<625x128xi32, #tpu.memory_space<hbm>> -> memref<1x128xi32, #tpu.memory_space<hbm>>
      %dma_start3A_59 = tpu.memref_squeeze %dma_start3A_58 : memref<1x128xi32, #tpu.memory_space<hbm>> -> memref<128xi32, #tpu.memory_space<hbm>>
      %dma_start3A_60 = arith.constant 0 : i32
      %dma_start3A_61 = tpu.memref_slice %arg3[%add3A_4, %dma_start3A_60] : memref<625x128xi32, #tpu.memory_space<hbm>> -> memref<1x128xi32, #tpu.memory_space<hbm>>
      %dma_start3A_62 = tpu.memref_squeeze %dma_start3A_61 : memref<1x128xi32, #tpu.memory_space<hbm>> -> memref<128xi32, #tpu.memory_space<hbm>>
      tpu.enqueue_dma source(%dma_start3A_62 : memref<128xi32, #tpu.memory_space<hbm>>) target(%arg6 : memref<128xi32, #tpu.memory_space<vmem>>) target_semaphore(%run_scoped3A : memref<!tpu.dma_semaphore, #tpu.memory_space<semaphore_mem>>)
      %dma_wait3A_63 = arith.constant 0 : i32
      %dma_wait3A_64 = tpu.memref_slice %arg3[%add3A_4, %dma_wait3A_63] : memref<625x128xi32, #tpu.memory_space<hbm>> -> memref<1x128xi32, #tpu.memory_space<hbm>>
      %dma_wait3A_65 = tpu.memref_squeeze %dma_wait3A_64 : memref<1x128xi32, #tpu.memory_space<hbm>> -> memref<128xi32, #tpu.memory_space<hbm>>
      %dma_wait3A_66 = arith.constant 0 : i32
      %dma_wait3A_67 = tpu.memref_slice %arg3[%add3A_4, %dma_wait3A_66] : memref<625x128xi32, #tpu.memory_space<hbm>> -> memref<1x128xi32, #tpu.memory_space<hbm>>
      %dma_wait3A_68 = tpu.memref_squeeze %dma_wait3A_67 : memref<1x128xi32, #tpu.memory_space<hbm>> -> memref<128xi32, #tpu.memory_space<hbm>>
      tpu.wait_dma2 semaphore(%run_scoped3A : memref<!tpu.dma_semaphore, #tpu.memory_space<semaphore_mem>>) src(%dma_wait3A_68 : memref<128xi32, #tpu.memory_space<hbm>>) dst(%arg6 : memref<128xi32, #tpu.memory_space<vmem>>)
      tpu.yield
    }) : () -> ()
    %add3A_5 = arith.constant 64 : i32
    %add3A_6 = arith.addi %add3A, %add3A_5 : i32
    "tpu.region"() ({
      %run_scoped3A = tpu.sem_alloc : memref<!tpu.dma_semaphore, #tpu.memory_space<semaphore_mem>>
      %dma_start3A_57 = arith.constant 0 : i32
      %dma_start3A_58 = tpu.memref_slice %arg3[%add3A_6, %dma_start3A_57] : memref<625x128xi32, #tpu.memory_space<hbm>> -> memref<1x128xi32, #tpu.memory_space<hbm>>
      %dma_start3A_59 = tpu.memref_squeeze %dma_start3A_58 : memref<1x128xi32, #tpu.memory_space<hbm>> -> memref<128xi32, #tpu.memory_space<hbm>>
      %dma_start3A_60 = arith.constant 0 : i32
      %dma_start3A_61 = tpu.memref_slice %arg3[%add3A_6, %dma_start3A_60] : memref<625x128xi32, #tpu.memory_space<hbm>> -> memref<1x128xi32, #tpu.memory_space<hbm>>
      %dma_start3A_62 = tpu.memref_squeeze %dma_start3A_61 : memref<1x128xi32, #tpu.memory_space<hbm>> -> memref<128xi32, #tpu.memory_space<hbm>>
      tpu.enqueue_dma source(%dma_start3A_62 : memref<128xi32, #tpu.memory_space<hbm>>) target(%arg7 : memref<128xi32, #tpu.memory_space<vmem>>) target_semaphore(%run_scoped3A : memref<!tpu.dma_semaphore, #tpu.memory_space<semaphore_mem>>)
      %dma_wait3A_63 = arith.constant 0 : i32
      %dma_wait3A_64 = tpu.memref_slice %arg3[%add3A_6, %dma_wait3A_63] : memref<625x128xi32, #tpu.memory_space<hbm>> -> memref<1x128xi32, #tpu.memory_space<hbm>>
      %dma_wait3A_65 = tpu.memref_squeeze %dma_wait3A_64 : memref<1x128xi32, #tpu.memory_space<hbm>> -> memref<128xi32, #tpu.memory_space<hbm>>
      %dma_wait3A_66 = arith.constant 0 : i32
      %dma_wait3A_67 = tpu.memref_slice %arg3[%add3A_6, %dma_wait3A_66] : memref<625x128xi32, #tpu.memory_space<hbm>> -> memref<1x128xi32, #tpu.memory_space<hbm>>
      %dma_wait3A_68 = tpu.memref_squeeze %dma_wait3A_67 : memref<1x128xi32, #tpu.memory_space<hbm>> -> memref<128xi32, #tpu.memory_space<hbm>>
      tpu.wait_dma2 semaphore(%run_scoped3A : memref<!tpu.dma_semaphore, #tpu.memory_space<semaphore_mem>>) src(%dma_wait3A_68 : memref<128xi32, #tpu.memory_space<hbm>>) dst(%arg7 : memref<128xi32, #tpu.memory_space<vmem>>)
      tpu.yield
    }) : () -> ()
    %dma_start3A = arith.constant 0 : i32
    %dma_start3A_7 = arith.constant 0 : i32
    %dma_start3A_8 = tpu.memref_slice %arg2[%dma_start3A, %dma_start3A_7] : memref<10000x128xf32, #tpu.memory_space<hbm>> -> memref<10000x128xf32, #tpu.memory_space<hbm>>
    tpu.enqueue_indirect_dma source(%dma_start3A_8 : memref<10000x128xf32, #tpu.memory_space<hbm>>) target(%arg8 : memref<128x128xf32, #tpu.memory_space<vmem>>) offsets(%arg5 : memref<128xi32, #tpu.memory_space<vmem>>) semaphore(%arg11 : memref<!tpu.dma_semaphore, #tpu.memory_space<semaphore_mem>>)
    %scan3A = arith.constant 0 : i32
    %scan3A_9 = arith.constant 0 : i32
    %scan3A_10 = arith.constant 6 : i32
    %scan3A_11 = arith.addi %scan3A_9, %scan3A_10 : i32
    %scan3A_12 = arith.constant 1 : i32
    scf.for %scan3A_57 = %scan3A_9 to %scan3A_11 step %scan3A_12  : i32 {
      %mul3A_58 = arith.constant 3 : i32
      %mul3A_59 = arith.muli %mul3A_58, %scan3A_57 : i32
      %add3A_60 = arith.constant 0 : i32
      %add3A_61 = arith.addi %mul3A_59, %add3A_60 : i32
      %dma_wait3A_62 = arith.constant 0 : i32
      %dma_wait3A_63 = arith.constant 0 : i32
      %dma_wait3A_64 = tpu.memref_slice %arg2[%dma_wait3A_62, %dma_wait3A_63] : memref<10000x128xf32, #tpu.memory_space<hbm>> -> memref<10000x128xf32, #tpu.memory_space<hbm>>
      tpu.wait_indirect_dma semaphore(%arg11 : memref<!tpu.dma_semaphore, #tpu.memory_space<semaphore_mem>>) src(%dma_wait3A_64 : memref<10000x128xf32, #tpu.memory_space<hbm>>) dst(%arg8 : memref<128x128xf32, #tpu.memory_space<vmem>>)
      %mul3A_65 = arith.constant 32 : i32
      %mul3A_66 = arith.muli %mul3A_65, %add3A_61 : i32
      %add3A_67 = arith.addi %add3A, %mul3A_66 : i32
      %mul3A_68 = arith.constant 128 : i32
      %mul3A_69 = arith.muli %add3A_67, %mul3A_68 : i32
      %dma_start3A_70 = arith.constant 0 : i32
      %dma_start3A_71 = tpu.memref_slice %arg4[%mul3A_69, %dma_start3A_70] : memref<80000x128xf32, #tpu.memory_space<hbm>> -> memref<128x128xf32, #tpu.memory_space<hbm>>
      %dma_start3A_72 = arith.constant 0 : i32
      %dma_start3A_73 = tpu.memref_slice %arg4[%mul3A_69, %dma_start3A_72] : memref<80000x128xf32, #tpu.memory_space<hbm>> -> memref<128x128xf32, #tpu.memory_space<hbm>>
      tpu.enqueue_dma source(%arg8 : memref<128x128xf32, #tpu.memory_space<vmem>>) target(%dma_start3A_73 : memref<128x128xf32, #tpu.memory_space<hbm>>) target_semaphore(%arg14 : memref<!tpu.dma_semaphore, #tpu.memory_space<semaphore_mem>>)
      %add3A_74 = arith.constant 3 : i32
      %add3A_75 = arith.addi %add3A_61, %add3A_74 : i32
      %lt3A_76 = arith.constant 19 : i32
      %lt3A_77 = arith.cmpi slt, %add3A_75, %lt3A_76 : i32
      %add3A_78 = arith.constant 3 : i32
      %add3A_79 = arith.addi %add3A_61, %add3A_78 : i32
      %eq3A = arith.constant 19 : i32
      %eq3A_80 = arith.cmpi eq, %add3A_79, %eq3A : i32
      %lt3A_81 = arith.constant 17 : i32
      %lt3A_82 = arith.cmpi slt, %add3A, %lt3A_81 : i32
      %and3A_83 = arith.andi %eq3A_80, %lt3A_82 : i1
      %or3A_84 = arith.ori %lt3A_77, %and3A_83 : i1
      %convert_element_type3A_85 = arith.extui %or3A_84 : i1 to i32
      %cond3A_86 = arith.constant 0 : i32
      %cond3A_87 = arith.cmpi ne, %convert_element_type3A_85, %cond3A_86 : i32
      scf.if %cond3A_87 {
        %add3A_185 = arith.constant 3 : i32
        %add3A_186 = arith.addi %add3A_61, %add3A_185 : i32
        %mul3A_187 = arith.constant 32 : i32
        %mul3A_188 = arith.muli %mul3A_187, %add3A_186 : i32
        %add3A_189 = arith.addi %add3A, %mul3A_188 : i32
        "tpu.region"() ({
          %run_scoped3A = tpu.sem_alloc : memref<!tpu.dma_semaphore, #tpu.memory_space<semaphore_mem>>
          %dma_start3A_190 = arith.constant 0 : i32
          %dma_start3A_191 = tpu.memref_slice %arg3[%add3A_189, %dma_start3A_190] : memref<625x128xi32, #tpu.memory_space<hbm>> -> memref<1x128xi32, #tpu.memory_space<hbm>>
          %dma_start3A_192 = tpu.memref_squeeze %dma_start3A_191 : memref<1x128xi32, #tpu.memory_space<hbm>> -> memref<128xi32, #tpu.memory_space<hbm>>
          %dma_start3A_193 = arith.constant 0 : i32
          %dma_start3A_194 = tpu.memref_slice %arg3[%add3A_189, %dma_start3A_193] : memref<625x128xi32, #tpu.memory_space<hbm>> -> memref<1x128xi32, #tpu.memory_space<hbm>>
          %dma_start3A_195 = tpu.memref_squeeze %dma_start3A_194 : memref<1x128xi32, #tpu.memory_space<hbm>> -> memref<128xi32, #tpu.memory_space<hbm>>
          tpu.enqueue_dma source(%dma_start3A_195 : memref<128xi32, #tpu.memory_space<hbm>>) target(%arg5 : memref<128xi32, #tpu.memory_space<vmem>>) target_semaphore(%run_scoped3A : memref<!tpu.dma_semaphore, #tpu.memory_space<semaphore_mem>>)
          %dma_wait3A_196 = arith.constant 0 : i32
          %dma_wait3A_197 = tpu.memref_slice %arg3[%add3A_189, %dma_wait3A_196] : memref<625x128xi32, #tpu.memory_space<hbm>> -> memref<1x128xi32, #tpu.memory_space<hbm>>
          %dma_wait3A_198 = tpu.memref_squeeze %dma_wait3A_197 : memref<1x128xi32, #tpu.memory_space<hbm>> -> memref<128xi32, #tpu.memory_space<hbm>>
          %dma_wait3A_199 = arith.constant 0 : i32
          %dma_wait3A_200 = tpu.memref_slice %arg3[%add3A_189, %dma_wait3A_199] : memref<625x128xi32, #tpu.memory_space<hbm>> -> memref<1x128xi32, #tpu.memory_space<hbm>>
          %dma_wait3A_201 = tpu.memref_squeeze %dma_wait3A_200 : memref<1x128xi32, #tpu.memory_space<hbm>> -> memref<128xi32, #tpu.memory_space<hbm>>
          tpu.wait_dma2 semaphore(%run_scoped3A : memref<!tpu.dma_semaphore, #tpu.memory_space<semaphore_mem>>) src(%dma_wait3A_201 : memref<128xi32, #tpu.memory_space<hbm>>) dst(%arg5 : memref<128xi32, #tpu.memory_space<vmem>>)
          tpu.yield
        }) : () -> ()
      } else {
      }
      %ge3A = arith.constant 2 : i32
      %ge3A_88 = arith.cmpi sge, %add3A_61, %ge3A : i32
      %convert_element_type3A_89 = arith.extui %ge3A_88 : i1 to i32
      %cond3A_90 = arith.constant 0 : i32
      %cond3A_91 = arith.cmpi ne, %convert_element_type3A_89, %cond3A_90 : i32
      scf.if %cond3A_91 {
        %sub3A = arith.constant 2 : i32
        %sub3A_185 = arith.subi %add3A_61, %sub3A : i32
        %mul3A_186 = arith.constant 32 : i32
        %mul3A_187 = arith.muli %mul3A_186, %sub3A_185 : i32
        %add3A_188 = arith.addi %add3A, %mul3A_187 : i32
        %mul3A_189 = arith.constant 128 : i32
        %mul3A_190 = arith.muli %add3A_188, %mul3A_189 : i32
        %dma_wait3A_191 = arith.constant 0 : i32
        %dma_wait3A_192 = tpu.memref_slice %arg4[%mul3A_190, %dma_wait3A_191] : memref<80000x128xf32, #tpu.memory_space<hbm>> -> memref<128x128xf32, #tpu.memory_space<hbm>>
        %dma_wait3A_193 = arith.constant 0 : i32
        %dma_wait3A_194 = tpu.memref_slice %arg4[%mul3A_190, %dma_wait3A_193] : memref<80000x128xf32, #tpu.memory_space<hbm>> -> memref<128x128xf32, #tpu.memory_space<hbm>>
        tpu.wait_dma2 semaphore(%arg15 : memref<!tpu.dma_semaphore, #tpu.memory_space<semaphore_mem>>) src(%arg9 : memref<128x128xf32, #tpu.memory_space<vmem>>) dst(%dma_wait3A_194 : memref<128x128xf32, #tpu.memory_space<hbm>>)
      } else {
      }
      %add3A_92 = arith.constant 1 : i32
      %add3A_93 = arith.addi %add3A_61, %add3A_92 : i32
      %lt3A_94 = arith.constant 19 : i32
      %lt3A_95 = arith.cmpi slt, %add3A_93, %lt3A_94 : i32
      %convert_element_type3A_96 = arith.extui %lt3A_95 : i1 to i32
      %cond3A_97 = arith.constant 0 : i32
      %cond3A_98 = arith.cmpi ne, %convert_element_type3A_96, %cond3A_97 : i32
      scf.if %cond3A_98 {
        %dma_start3A_185 = arith.constant 0 : i32
        %dma_start3A_186 = arith.constant 0 : i32
        %dma_start3A_187 = tpu.memref_slice %arg2[%dma_start3A_185, %dma_start3A_186] : memref<10000x128xf32, #tpu.memory_space<hbm>> -> memref<10000x128xf32, #tpu.memory_space<hbm>>
        tpu.enqueue_indirect_dma source(%dma_start3A_187 : memref<10000x128xf32, #tpu.memory_space<hbm>>) target(%arg9 : memref<128x128xf32, #tpu.memory_space<vmem>>) offsets(%arg6 : memref<128xi32, #tpu.memory_space<vmem>>) semaphore(%arg12 : memref<!tpu.dma_semaphore, #tpu.memory_space<semaphore_mem>>)
      } else {
      }
      %mul3A_99 = arith.constant 3 : i32
      %mul3A_100 = arith.muli %mul3A_99, %scan3A_57 : i32
      %add3A_101 = arith.constant 1 : i32
      %add3A_102 = arith.addi %mul3A_100, %add3A_101 : i32
      %dma_wait3A_103 = arith.constant 0 : i32
      %dma_wait3A_104 = arith.constant 0 : i32
      %dma_wait3A_105 = tpu.memref_slice %arg2[%dma_wait3A_103, %dma_wait3A_104] : memref<10000x128xf32, #tpu.memory_space<hbm>> -> memref<10000x128xf32, #tpu.memory_space<hbm>>
      tpu.wait_indirect_dma semaphore(%arg12 : memref<!tpu.dma_semaphore, #tpu.memory_space<semaphore_mem>>) src(%dma_wait3A_105 : memref<10000x128xf32, #tpu.memory_space<hbm>>) dst(%arg9 : memref<128x128xf32, #tpu.memory_space<vmem>>)
      %mul3A_106 = arith.constant 32 : i32
      %mul3A_107 = arith.muli %mul3A_106, %add3A_102 : i32
      %add3A_108 = arith.addi %add3A, %mul3A_107 : i32
      %mul3A_109 = arith.constant 128 : i32
      %mul3A_110 = arith.muli %add3A_108, %mul3A_109 : i32
      %dma_start3A_111 = arith.constant 0 : i32
      %dma_start3A_112 = tpu.memref_slice %arg4[%mul3A_110, %dma_start3A_111] : memref<80000x128xf32, #tpu.memory_space<hbm>> -> memref<128x128xf32, #tpu.memory_space<hbm>>
      %dma_start3A_113 = arith.constant 0 : i32
      %dma_start3A_114 = tpu.memref_slice %arg4[%mul3A_110, %dma_start3A_113] : memref<80000x128xf32, #tpu.memory_space<hbm>> -> memref<128x128xf32, #tpu.memory_space<hbm>>
      tpu.enqueue_dma source(%arg9 : memref<128x128xf32, #tpu.memory_space<vmem>>) target(%dma_start3A_114 : memref<128x128xf32, #tpu.memory_space<hbm>>) target_semaphore(%arg15 : memref<!tpu.dma_semaphore, #tpu.memory_space<semaphore_mem>>)
      %add3A_115 = arith.constant 3 : i32
      %add3A_116 = arith.addi %add3A_102, %add3A_115 : i32
      %lt3A_117 = arith.constant 19 : i32
      %lt3A_118 = arith.cmpi slt, %add3A_116, %lt3A_117 : i32
      %add3A_119 = arith.constant 3 : i32
      %add3A_120 = arith.addi %add3A_102, %add3A_119 : i32
      %eq3A_121 = arith.constant 19 : i32
      %eq3A_122 = arith.cmpi eq, %add3A_120, %eq3A_121 : i32
      %lt3A_123 = arith.constant 17 : i32
      %lt3A_124 = arith.cmpi slt, %add3A, %lt3A_123 : i32
      %and3A_125 = arith.andi %eq3A_122, %lt3A_124 : i1
      %or3A_126 = arith.ori %lt3A_118, %and3A_125 : i1
      %convert_element_type3A_127 = arith.extui %or3A_126 : i1 to i32
      %cond3A_128 = arith.constant 0 : i32
      %cond3A_129 = arith.cmpi ne, %convert_element_type3A_127, %cond3A_128 : i32
      scf.if %cond3A_129 {
        %add3A_185 = arith.constant 3 : i32
        %add3A_186 = arith.addi %add3A_102, %add3A_185 : i32
        %mul3A_187 = arith.constant 32 : i32
        %mul3A_188 = arith.muli %mul3A_187, %add3A_186 : i32
        %add3A_189 = arith.addi %add3A, %mul3A_188 : i32
        "tpu.region"() ({
          %run_scoped3A = tpu.sem_alloc : memref<!tpu.dma_semaphore, #tpu.memory_space<semaphore_mem>>
          %dma_start3A_190 = arith.constant 0 : i32
          %dma_start3A_191 = tpu.memref_slice %arg3[%add3A_189, %dma_start3A_190] : memref<625x128xi32, #tpu.memory_space<hbm>> -> memref<1x128xi32, #tpu.memory_space<hbm>>
          %dma_start3A_192 = tpu.memref_squeeze %dma_start3A_191 : memref<1x128xi32, #tpu.memory_space<hbm>> -> memref<128xi32, #tpu.memory_space<hbm>>
          %dma_start3A_193 = arith.constant 0 : i32
          %dma_start3A_194 = tpu.memref_slice %arg3[%add3A_189, %dma_start3A_193] : memref<625x128xi32, #tpu.memory_space<hbm>> -> memref<1x128xi32, #tpu.memory_space<hbm>>
          %dma_start3A_195 = tpu.memref_squeeze %dma_start3A_194 : memref<1x128xi32, #tpu.memory_space<hbm>> -> memref<128xi32, #tpu.memory_space<hbm>>
          tpu.enqueue_dma source(%dma_start3A_195 : memref<128xi32, #tpu.memory_space<hbm>>) target(%arg6 : memref<128xi32, #tpu.memory_space<vmem>>) target_semaphore(%run_scoped3A : memref<!tpu.dma_semaphore, #tpu.memory_space<semaphore_mem>>)
          %dma_wait3A_196 = arith.constant 0 : i32
          %dma_wait3A_197 = tpu.memref_slice %arg3[%add3A_189, %dma_wait3A_196] : memref<625x128xi32, #tpu.memory_space<hbm>> -> memref<1x128xi32, #tpu.memory_space<hbm>>
          %dma_wait3A_198 = tpu.memref_squeeze %dma_wait3A_197 : memref<1x128xi32, #tpu.memory_space<hbm>> -> memref<128xi32, #tpu.memory_space<hbm>>
          %dma_wait3A_199 = arith.constant 0 : i32
          %dma_wait3A_200 = tpu.memref_slice %arg3[%add3A_189, %dma_wait3A_199] : memref<625x128xi32, #tpu.memory_space<hbm>> -> memref<1x128xi32, #tpu.memory_space<hbm>>
          %dma_wait3A_201 = tpu.memref_squeeze %dma_wait3A_200 : memref<1x128xi32, #tpu.memory_space<hbm>> -> memref<128xi32, #tpu.memory_space<hbm>>
          tpu.wait_dma2 semaphore(%run_scoped3A : memref<!tpu.dma_semaphore, #tpu.memory_space<semaphore_mem>>) src(%dma_wait3A_201 : memref<128xi32, #tpu.memory_space<hbm>>) dst(%arg6 : memref<128xi32, #tpu.memory_space<vmem>>)
          tpu.yield
        }) : () -> ()
      } else {
      }
      %ge3A_130 = arith.constant 2 : i32
      %ge3A_131 = arith.cmpi sge, %add3A_102, %ge3A_130 : i32
      %convert_element_type3A_132 = arith.extui %ge3A_131 : i1 to i32
      %cond3A_133 = arith.constant 0 : i32
      %cond3A_134 = arith.cmpi ne, %convert_element_type3A_132, %cond3A_133 : i32
      scf.if %cond3A_134 {
        %sub3A = arith.constant 2 : i32
        %sub3A_185 = arith.subi %add3A_102, %sub3A : i32
        %mul3A_186 = arith.constant 32 : i32
        %mul3A_187 = arith.muli %mul3A_186, %sub3A_185 : i32
        %add3A_188 = arith.addi %add3A, %mul3A_187 : i32
        %mul3A_189 = arith.constant 128 : i32
        %mul3A_190 = arith.muli %add3A_188, %mul3A_189 : i32
        %dma_wait3A_191 = arith.constant 0 : i32
        %dma_wait3A_192 = tpu.memref_slice %arg4[%mul3A_190, %dma_wait3A_191] : memref<80000x128xf32, #tpu.memory_space<hbm>> -> memref<128x128xf32, #tpu.memory_space<hbm>>
        %dma_wait3A_193 = arith.constant 0 : i32
        %dma_wait3A_194 = tpu.memref_slice %arg4[%mul3A_190, %dma_wait3A_193] : memref<80000x128xf32, #tpu.memory_space<hbm>> -> memref<128x128xf32, #tpu.memory_space<hbm>>
        tpu.wait_dma2 semaphore(%arg16 : memref<!tpu.dma_semaphore, #tpu.memory_space<semaphore_mem>>) src(%arg10 : memref<128x128xf32, #tpu.memory_space<vmem>>) dst(%dma_wait3A_194 : memref<128x128xf32, #tpu.memory_space<hbm>>)
      } else {
      }
      %add3A_135 = arith.constant 1 : i32
      %add3A_136 = arith.addi %add3A_102, %add3A_135 : i32
      %lt3A_137 = arith.constant 19 : i32
      %lt3A_138 = arith.cmpi slt, %add3A_136, %lt3A_137 : i32
      %convert_element_type3A_139 = arith.extui %lt3A_138 : i1 to i32
      %cond3A_140 = arith.constant 0 : i32
      %cond3A_141 = arith.cmpi ne, %convert_element_type3A_139, %cond3A_140 : i32
      scf.if %cond3A_141 {
        %dma_start3A_185 = arith.constant 0 : i32
        %dma_start3A_186 = arith.constant 0 : i32
        %dma_start3A_187 = tpu.memref_slice %arg2[%dma_start3A_185, %dma_start3A_186] : memref<10000x128xf32, #tpu.memory_space<hbm>> -> memref<10000x128xf32, #tpu.memory_space<hbm>>
        tpu.enqueue_indirect_dma source(%dma_start3A_187 : memref<10000x128xf32, #tpu.memory_space<hbm>>) target(%arg10 : memref<128x128xf32, #tpu.memory_space<vmem>>) offsets(%arg7 : memref<128xi32, #tpu.memory_space<vmem>>) semaphore(%arg13 : memref<!tpu.dma_semaphore, #tpu.memory_space<semaphore_mem>>)
      } else {
      }
      %mul3A_142 = arith.constant 3 : i32
      %mul3A_143 = arith.muli %mul3A_142, %scan3A_57 : i32
      %add3A_144 = arith.constant 2 : i32
      %add3A_145 = arith.addi %mul3A_143, %add3A_144 : i32
      %dma_wait3A_146 = arith.constant 0 : i32
      %dma_wait3A_147 = arith.constant 0 : i32
      %dma_wait3A_148 = tpu.memref_slice %arg2[%dma_wait3A_146, %dma_wait3A_147] : memref<10000x128xf32, #tpu.memory_space<hbm>> -> memref<10000x128xf32, #tpu.memory_space<hbm>>
      tpu.wait_indirect_dma semaphore(%arg13 : memref<!tpu.dma_semaphore, #tpu.memory_space<semaphore_mem>>) src(%dma_wait3A_148 : memref<10000x128xf32, #tpu.memory_space<hbm>>) dst(%arg10 : memref<128x128xf32, #tpu.memory_space<vmem>>)
      %mul3A_149 = arith.constant 32 : i32
      %mul3A_150 = arith.muli %mul3A_149, %add3A_145 : i32
      %add3A_151 = arith.addi %add3A, %mul3A_150 : i32
      %mul3A_152 = arith.constant 128 : i32
      %mul3A_153 = arith.muli %add3A_151, %mul3A_152 : i32
      %dma_start3A_154 = arith.constant 0 : i32
      %dma_start3A_155 = tpu.memref_slice %arg4[%mul3A_153, %dma_start3A_154] : memref<80000x128xf32, #tpu.memory_space<hbm>> -> memref<128x128xf32, #tpu.memory_space<hbm>>
      %dma_start3A_156 = arith.constant 0 : i32
      %dma_start3A_157 = tpu.memref_slice %arg4[%mul3A_153, %dma_start3A_156] : memref<80000x128xf32, #tpu.memory_space<hbm>> -> memref<128x128xf32, #tpu.memory_space<hbm>>
      tpu.enqueue_dma source(%arg10 : memref<128x128xf32, #tpu.memory_space<vmem>>) target(%dma_start3A_157 : memref<128x128xf32, #tpu.memory_space<hbm>>) target_semaphore(%arg16 : memref<!tpu.dma_semaphore, #tpu.memory_space<semaphore_mem>>)
      %add3A_158 = arith.constant 3 : i32
      %add3A_159 = arith.addi %add3A_145, %add3A_158 : i32
      %lt3A_160 = arith.constant 19 : i32
      %lt3A_161 = arith.cmpi slt, %add3A_159, %lt3A_160 : i32
      %add3A_162 = arith.constant 3 : i32
      %add3A_163 = arith.addi %add3A_145, %add3A_162 : i32
      %eq3A_164 = arith.constant 19 : i32
      %eq3A_165 = arith.cmpi eq, %add3A_163, %eq3A_164 : i32
      %lt3A_166 = arith.constant 17 : i32
      %lt3A_167 = arith.cmpi slt, %add3A, %lt3A_166 : i32
      %and3A_168 = arith.andi %eq3A_165, %lt3A_167 : i1
      %or3A_169 = arith.ori %lt3A_161, %and3A_168 : i1
      %convert_element_type3A_170 = arith.extui %or3A_169 : i1 to i32
      %cond3A_171 = arith.constant 0 : i32
      %cond3A_172 = arith.cmpi ne, %convert_element_type3A_170, %cond3A_171 : i32
      scf.if %cond3A_172 {
        %add3A_185 = arith.constant 3 : i32
        %add3A_186 = arith.addi %add3A_145, %add3A_185 : i32
        %mul3A_187 = arith.constant 32 : i32
        %mul3A_188 = arith.muli %mul3A_187, %add3A_186 : i32
        %add3A_189 = arith.addi %add3A, %mul3A_188 : i32
        "tpu.region"() ({
          %run_scoped3A = tpu.sem_alloc : memref<!tpu.dma_semaphore, #tpu.memory_space<semaphore_mem>>
          %dma_start3A_190 = arith.constant 0 : i32
          %dma_start3A_191 = tpu.memref_slice %arg3[%add3A_189, %dma_start3A_190] : memref<625x128xi32, #tpu.memory_space<hbm>> -> memref<1x128xi32, #tpu.memory_space<hbm>>
          %dma_start3A_192 = tpu.memref_squeeze %dma_start3A_191 : memref<1x128xi32, #tpu.memory_space<hbm>> -> memref<128xi32, #tpu.memory_space<hbm>>
          %dma_start3A_193 = arith.constant 0 : i32
          %dma_start3A_194 = tpu.memref_slice %arg3[%add3A_189, %dma_start3A_193] : memref<625x128xi32, #tpu.memory_space<hbm>> -> memref<1x128xi32, #tpu.memory_space<hbm>>
          %dma_start3A_195 = tpu.memref_squeeze %dma_start3A_194 : memref<1x128xi32, #tpu.memory_space<hbm>> -> memref<128xi32, #tpu.memory_space<hbm>>
          tpu.enqueue_dma source(%dma_start3A_195 : memref<128xi32, #tpu.memory_space<hbm>>) target(%arg7 : memref<128xi32, #tpu.memory_space<vmem>>) target_semaphore(%run_scoped3A : memref<!tpu.dma_semaphore, #tpu.memory_space<semaphore_mem>>)
          %dma_wait3A_196 = arith.constant 0 : i32
          %dma_wait3A_197 = tpu.memref_slice %arg3[%add3A_189, %dma_wait3A_196] : memref<625x128xi32, #tpu.memory_space<hbm>> -> memref<1x128xi32, #tpu.memory_space<hbm>>
          %dma_wait3A_198 = tpu.memref_squeeze %dma_wait3A_197 : memref<1x128xi32, #tpu.memory_space<hbm>> -> memref<128xi32, #tpu.memory_space<hbm>>
          %dma_wait3A_199 = arith.constant 0 : i32
          %dma_wait3A_200 = tpu.memref_slice %arg3[%add3A_189, %dma_wait3A_199] : memref<625x128xi32, #tpu.memory_space<hbm>> -> memref<1x128xi32, #tpu.memory_space<hbm>>
          %dma_wait3A_201 = tpu.memref_squeeze %dma_wait3A_200 : memref<1x128xi32, #tpu.memory_space<hbm>> -> memref<128xi32, #tpu.memory_space<hbm>>
          tpu.wait_dma2 semaphore(%run_scoped3A : memref<!tpu.dma_semaphore, #tpu.memory_space<semaphore_mem>>) src(%dma_wait3A_201 : memref<128xi32, #tpu.memory_space<hbm>>) dst(%arg7 : memref<128xi32, #tpu.memory_space<vmem>>)
          tpu.yield
        }) : () -> ()
      } else {
      }
      %ge3A_173 = arith.constant 2 : i32
      %ge3A_174 = arith.cmpi sge, %add3A_145, %ge3A_173 : i32
      %convert_element_type3A_175 = arith.extui %ge3A_174 : i1 to i32
      %cond3A_176 = arith.constant 0 : i32
      %cond3A_177 = arith.cmpi ne, %convert_element_type3A_175, %cond3A_176 : i32
      scf.if %cond3A_177 {
        %sub3A = arith.constant 2 : i32
        %sub3A_185 = arith.subi %add3A_145, %sub3A : i32
        %mul3A_186 = arith.constant 32 : i32
        %mul3A_187 = arith.muli %mul3A_186, %sub3A_185 : i32
        %add3A_188 = arith.addi %add3A, %mul3A_187 : i32
        %mul3A_189 = arith.constant 128 : i32
        %mul3A_190 = arith.muli %add3A_188, %mul3A_189 : i32
        %dma_wait3A_191 = arith.constant 0 : i32
        %dma_wait3A_192 = tpu.memref_slice %arg4[%mul3A_190, %dma_wait3A_191] : memref<80000x128xf32, #tpu.memory_space<hbm>> -> memref<128x128xf32, #tpu.memory_space<hbm>>
        %dma_wait3A_193 = arith.constant 0 : i32
        %dma_wait3A_194 = tpu.memref_slice %arg4[%mul3A_190, %dma_wait3A_193] : memref<80000x128xf32, #tpu.memory_space<hbm>> -> memref<128x128xf32, #tpu.memory_space<hbm>>
        tpu.wait_dma2 semaphore(%arg14 : memref<!tpu.dma_semaphore, #tpu.memory_space<semaphore_mem>>) src(%arg8 : memref<128x128xf32, #tpu.memory_space<vmem>>) dst(%dma_wait3A_194 : memref<128x128xf32, #tpu.memory_space<hbm>>)
      } else {
      }
      %add3A_178 = arith.constant 1 : i32
      %add3A_179 = arith.addi %add3A_145, %add3A_178 : i32
      %lt3A_180 = arith.constant 19 : i32
      %lt3A_181 = arith.cmpi slt, %add3A_179, %lt3A_180 : i32
      %convert_element_type3A_182 = arith.extui %lt3A_181 : i1 to i32
      %cond3A_183 = arith.constant 0 : i32
      %cond3A_184 = arith.cmpi ne, %convert_element_type3A_182, %cond3A_183 : i32
      scf.if %cond3A_184 {
        %dma_start3A_185 = arith.constant 0 : i32
        %dma_start3A_186 = arith.constant 0 : i32
        %dma_start3A_187 = tpu.memref_slice %arg2[%dma_start3A_185, %dma_start3A_186] : memref<10000x128xf32, #tpu.memory_space<hbm>> -> memref<10000x128xf32, #tpu.memory_space<hbm>>
        tpu.enqueue_indirect_dma source(%dma_start3A_187 : memref<10000x128xf32, #tpu.memory_space<hbm>>) target(%arg8 : memref<128x128xf32, #tpu.memory_space<vmem>>) offsets(%arg5 : memref<128xi32, #tpu.memory_space<vmem>>) semaphore(%arg11 : memref<!tpu.dma_semaphore, #tpu.memory_space<semaphore_mem>>)
      } else {
      }
    }
    %scan3A_13 = arith.constant 6 : i32
    %dma_wait3A = arith.constant 0 : i32
    %dma_wait3A_14 = arith.constant 0 : i32
    %dma_wait3A_15 = tpu.memref_slice %arg2[%dma_wait3A, %dma_wait3A_14] : memref<10000x128xf32, #tpu.memory_space<hbm>> -> memref<10000x128xf32, #tpu.memory_space<hbm>>
    tpu.wait_indirect_dma semaphore(%arg11 : memref<!tpu.dma_semaphore, #tpu.memory_space<semaphore_mem>>) src(%dma_wait3A_15 : memref<10000x128xf32, #tpu.memory_space<hbm>>) dst(%arg8 : memref<128x128xf32, #tpu.memory_space<vmem>>)
    %add3A_16 = arith.constant 576 : i32
    %add3A_17 = arith.addi %add3A, %add3A_16 : i32
    %mul3A_18 = arith.constant 128 : i32
    %mul3A_19 = arith.muli %add3A_17, %mul3A_18 : i32
    %dma_start3A_20 = arith.constant 0 : i32
    %dma_start3A_21 = tpu.memref_slice %arg4[%mul3A_19, %dma_start3A_20] : memref<80000x128xf32, #tpu.memory_space<hbm>> -> memref<128x128xf32, #tpu.memory_space<hbm>>
    %dma_start3A_22 = arith.constant 0 : i32
    %dma_start3A_23 = tpu.memref_slice %arg4[%mul3A_19, %dma_start3A_22] : memref<80000x128xf32, #tpu.memory_space<hbm>> -> memref<128x128xf32, #tpu.memory_space<hbm>>
    tpu.enqueue_dma source(%arg8 : memref<128x128xf32, #tpu.memory_space<vmem>>) target(%dma_start3A_23 : memref<128x128xf32, #tpu.memory_space<hbm>>) target_semaphore(%arg14 : memref<!tpu.dma_semaphore, #tpu.memory_space<semaphore_mem>>)
    %lt3A = arith.constant 17 : i32
    %lt3A_24 = arith.cmpi slt, %add3A, %lt3A : i32
    %and3A = arith.constant false
    %and3A_25 = arith.andi %and3A, %lt3A_24 : i1
    %or3A = arith.constant false
    %or3A_26 = arith.ori %or3A, %and3A_25 : i1
    %convert_element_type3A = arith.extui %or3A_26 : i1 to i32
    %cond3A = arith.constant 0 : i32
    %cond3A_27 = arith.cmpi ne, %convert_element_type3A, %cond3A : i32
    scf.if %cond3A_27 {
      %add3A_57 = arith.constant 672 : i32
      %add3A_58 = arith.addi %add3A, %add3A_57 : i32
      "tpu.region"() ({
        %run_scoped3A = tpu.sem_alloc : memref<!tpu.dma_semaphore, #tpu.memory_space<semaphore_mem>>
        %dma_start3A_59 = arith.constant 0 : i32
        %dma_start3A_60 = tpu.memref_slice %arg3[%add3A_58, %dma_start3A_59] : memref<625x128xi32, #tpu.memory_space<hbm>> -> memref<1x128xi32, #tpu.memory_space<hbm>>
        %dma_start3A_61 = tpu.memref_squeeze %dma_start3A_60 : memref<1x128xi32, #tpu.memory_space<hbm>> -> memref<128xi32, #tpu.memory_space<hbm>>
        %dma_start3A_62 = arith.constant 0 : i32
        %dma_start3A_63 = tpu.memref_slice %arg3[%add3A_58, %dma_start3A_62] : memref<625x128xi32, #tpu.memory_space<hbm>> -> memref<1x128xi32, #tpu.memory_space<hbm>>
        %dma_start3A_64 = tpu.memref_squeeze %dma_start3A_63 : memref<1x128xi32, #tpu.memory_space<hbm>> -> memref<128xi32, #tpu.memory_space<hbm>>
        tpu.enqueue_dma source(%dma_start3A_64 : memref<128xi32, #tpu.memory_space<hbm>>) target(%arg5 : memref<128xi32, #tpu.memory_space<vmem>>) target_semaphore(%run_scoped3A : memref<!tpu.dma_semaphore, #tpu.memory_space<semaphore_mem>>)
        %dma_wait3A_65 = arith.constant 0 : i32
        %dma_wait3A_66 = tpu.memref_slice %arg3[%add3A_58, %dma_wait3A_65] : memref<625x128xi32, #tpu.memory_space<hbm>> -> memref<1x128xi32, #tpu.memory_space<hbm>>
        %dma_wait3A_67 = tpu.memref_squeeze %dma_wait3A_66 : memref<1x128xi32, #tpu.memory_space<hbm>> -> memref<128xi32, #tpu.memory_space<hbm>>
        %dma_wait3A_68 = arith.constant 0 : i32
        %dma_wait3A_69 = tpu.memref_slice %arg3[%add3A_58, %dma_wait3A_68] : memref<625x128xi32, #tpu.memory_space<hbm>> -> memref<1x128xi32, #tpu.memory_space<hbm>>
        %dma_wait3A_70 = tpu.memref_squeeze %dma_wait3A_69 : memref<1x128xi32, #tpu.memory_space<hbm>> -> memref<128xi32, #tpu.memory_space<hbm>>
        tpu.wait_dma2 semaphore(%run_scoped3A : memref<!tpu.dma_semaphore, #tpu.memory_space<semaphore_mem>>) src(%dma_wait3A_70 : memref<128xi32, #tpu.memory_space<hbm>>) dst(%arg5 : memref<128xi32, #tpu.memory_space<vmem>>)
        tpu.yield
      }) : () -> ()
    } else {
    }
    %add3A_28 = arith.constant 512 : i32
    %add3A_29 = arith.addi %add3A, %add3A_28 : i32
    %mul3A_30 = arith.constant 128 : i32
    %mul3A_31 = arith.muli %add3A_29, %mul3A_30 : i32
    %dma_wait3A_32 = arith.constant 0 : i32
    %dma_wait3A_33 = tpu.memref_slice %arg4[%mul3A_31, %dma_wait3A_32] : memref<80000x128xf32, #tpu.memory_space<hbm>> -> memref<128x128xf32, #tpu.memory_space<hbm>>
    %dma_wait3A_34 = arith.constant 0 : i32
    %dma_wait3A_35 = tpu.memref_slice %arg4[%mul3A_31, %dma_wait3A_34] : memref<80000x128xf32, #tpu.memory_space<hbm>> -> memref<128x128xf32, #tpu.memory_space<hbm>>
    tpu.wait_dma2 semaphore(%arg15 : memref<!tpu.dma_semaphore, #tpu.memory_space<semaphore_mem>>) src(%arg9 : memref<128x128xf32, #tpu.memory_space<vmem>>) dst(%dma_wait3A_35 : memref<128x128xf32, #tpu.memory_space<hbm>>)
    %add3A_36 = arith.constant 544 : i32
    %add3A_37 = arith.addi %add3A, %add3A_36 : i32
    %mul3A_38 = arith.constant 128 : i32
    %mul3A_39 = arith.muli %add3A_37, %mul3A_38 : i32
    %dma_wait3A_40 = arith.constant 0 : i32
    %dma_wait3A_41 = tpu.memref_slice %arg4[%mul3A_39, %dma_wait3A_40] : memref<80000x128xf32, #tpu.memory_space<hbm>> -> memref<128x128xf32, #tpu.memory_space<hbm>>
    %dma_wait3A_42 = arith.constant 0 : i32
    %dma_wait3A_43 = tpu.memref_slice %arg4[%mul3A_39, %dma_wait3A_42] : memref<80000x128xf32, #tpu.memory_space<hbm>> -> memref<128x128xf32, #tpu.memory_space<hbm>>
    tpu.wait_dma2 semaphore(%arg16 : memref<!tpu.dma_semaphore, #tpu.memory_space<semaphore_mem>>) src(%arg10 : memref<128x128xf32, #tpu.memory_space<vmem>>) dst(%dma_wait3A_43 : memref<128x128xf32, #tpu.memory_space<hbm>>)
    %add3A_44 = arith.constant 576 : i32
    %add3A_45 = arith.addi %add3A, %add3A_44 : i32
    %mul3A_46 = arith.constant 128 : i32
    %mul3A_47 = arith.muli %add3A_45, %mul3A_46 : i32
    %dma_wait3A_48 = arith.constant 0 : i32
    %dma_wait3A_49 = tpu.memref_slice %arg4[%mul3A_47, %dma_wait3A_48] : memref<80000x128xf32, #tpu.memory_space<hbm>> -> memref<128x128xf32, #tpu.memory_space<hbm>>
    %dma_wait3A_50 = arith.constant 0 : i32
    %dma_wait3A_51 = tpu.memref_slice %arg4[%mul3A_47, %dma_wait3A_50] : memref<80000x128xf32, #tpu.memory_space<hbm>> -> memref<128x128xf32, #tpu.memory_space<hbm>>
    tpu.wait_dma2 semaphore(%arg14 : memref<!tpu.dma_semaphore, #tpu.memory_space<semaphore_mem>>) src(%arg8 : memref<128x128xf32, #tpu.memory_space<vmem>>) dst(%dma_wait3A_51 : memref<128x128xf32, #tpu.memory_space<hbm>>)
    %lt3A_52 = arith.constant 17 : i32
    %lt3A_53 = arith.cmpi slt, %add3A, %lt3A_52 : i32
    %convert_element_type3A_54 = arith.extui %lt3A_53 : i1 to i32
    %cond3A_55 = arith.constant 0 : i32
    %cond3A_56 = arith.cmpi ne, %convert_element_type3A_54, %cond3A_55 : i32
    scf.if %cond3A_56 {
      %dma_start3A_57 = arith.constant 0 : i32
      %dma_start3A_58 = arith.constant 0 : i32
      %dma_start3A_59 = tpu.memref_slice %arg2[%dma_start3A_57, %dma_start3A_58] : memref<10000x128xf32, #tpu.memory_space<hbm>> -> memref<10000x128xf32, #tpu.memory_space<hbm>>
      tpu.enqueue_indirect_dma source(%dma_start3A_59 : memref<10000x128xf32, #tpu.memory_space<hbm>>) target(%arg9 : memref<128x128xf32, #tpu.memory_space<vmem>>) offsets(%arg6 : memref<128xi32, #tpu.memory_space<vmem>>) semaphore(%arg12 : memref<!tpu.dma_semaphore, #tpu.memory_space<semaphore_mem>>)
      %dma_wait3A_60 = arith.constant 0 : i32
      %dma_wait3A_61 = arith.constant 0 : i32
      %dma_wait3A_62 = tpu.memref_slice %arg2[%dma_wait3A_60, %dma_wait3A_61] : memref<10000x128xf32, #tpu.memory_space<hbm>> -> memref<10000x128xf32, #tpu.memory_space<hbm>>
      tpu.wait_indirect_dma semaphore(%arg12 : memref<!tpu.dma_semaphore, #tpu.memory_space<semaphore_mem>>) src(%dma_wait3A_62 : memref<10000x128xf32, #tpu.memory_space<hbm>>) dst(%arg9 : memref<128x128xf32, #tpu.memory_space<vmem>>)
      %add3A_63 = arith.constant 608 : i32
      %add3A_64 = arith.addi %add3A, %add3A_63 : i32
      %mul3A_65 = arith.constant 128 : i32
      %mul3A_66 = arith.muli %add3A_64, %mul3A_65 : i32
      %dma_start3A_67 = arith.constant 0 : i32
      %dma_start3A_68 = tpu.memref_slice %arg4[%mul3A_66, %dma_start3A_67] : memref<80000x128xf32, #tpu.memory_space<hbm>> -> memref<128x128xf32, #tpu.memory_space<hbm>>
      %dma_start3A_69 = arith.constant 0 : i32
      %dma_start3A_70 = tpu.memref_slice %arg4[%mul3A_66, %dma_start3A_69] : memref<80000x128xf32, #tpu.memory_space<hbm>> -> memref<128x128xf32, #tpu.memory_space<hbm>>
      tpu.enqueue_dma source(%arg9 : memref<128x128xf32, #tpu.memory_space<vmem>>) target(%dma_start3A_70 : memref<128x128xf32, #tpu.memory_space<hbm>>) target_semaphore(%arg15 : memref<!tpu.dma_semaphore, #tpu.memory_space<semaphore_mem>>)
      %add3A_71 = arith.constant 608 : i32
      %add3A_72 = arith.addi %add3A, %add3A_71 : i32
      %mul3A_73 = arith.constant 128 : i32
      %mul3A_74 = arith.muli %add3A_72, %mul3A_73 : i32
      %dma_wait3A_75 = arith.constant 0 : i32
      %dma_wait3A_76 = tpu.memref_slice %arg4[%mul3A_74, %dma_wait3A_75] : memref<80000x128xf32, #tpu.memory_space<hbm>> -> memref<128x128xf32, #tpu.memory_space<hbm>>
      %dma_wait3A_77 = arith.constant 0 : i32
      %dma_wait3A_78 = tpu.memref_slice %arg4[%mul3A_74, %dma_wait3A_77] : memref<80000x128xf32, #tpu.memory_space<hbm>> -> memref<128x128xf32, #tpu.memory_space<hbm>>
      tpu.wait_dma2 semaphore(%arg15 : memref<!tpu.dma_semaphore, #tpu.memory_space<semaphore_mem>>) src(%arg9 : memref<128x128xf32, #tpu.memory_space<vmem>>) dst(%dma_wait3A_78 : memref<128x128xf32, #tpu.memory_space<hbm>>)
    } else {
    }
    return
  }
}

#map = affine_map<(d0, d1) -> (0, 0)>
module attributes {stable_mosaic.version = 14 : i64} {
  func.func @gather_kernel(%arg0: i32, %arg1: i32, %arg2: memref<160000x16xf32, #tpu.memory_space<hbm>>, %arg3: memref<625x128xi32, #tpu.memory_space<hbm>>, %arg4: memref<80000x16xf32, #tpu.memory_space<hbm>>, %arg5: memref<128xi32, #tpu.memory_space<vmem>>, %arg6: memref<128xi32, #tpu.memory_space<vmem>>, %arg7: memref<128xi32, #tpu.memory_space<vmem>>, %arg8: memref<128x16xf32, #tpu.memory_space<vmem>>, %arg9: memref<128x16xf32, #tpu.memory_space<vmem>>, %arg10: memref<128x16xf32, #tpu.memory_space<vmem>>, %arg11: memref<!tpu.dma_semaphore, #tpu.memory_space<semaphore_mem>>, %arg12: memref<!tpu.dma_semaphore, #tpu.memory_space<semaphore_mem>>, %arg13: memref<!tpu.dma_semaphore, #tpu.memory_space<semaphore_mem>>, %arg14: memref<!tpu.dma_semaphore, #tpu.memory_space<semaphore_mem>>, %arg15: memref<!tpu.dma_semaphore, #tpu.memory_space<semaphore_mem>>, %arg16: memref<!tpu.dma_semaphore, #tpu.memory_space<semaphore_mem>>) attributes {dimension_semantics = [#tpu.dimension_semantics<core_parallel>, #tpu.dimension_semantics<subcore_parallel>], iteration_bounds = array<i64: 2, 16>, scalar_prefetch = 0 : i64, scratch_operands = 12 : i64, tpu.core_type = #tpu.core_type<sc_vector_subcore>, window_params = [{transform_indices = #map}, {transform_indices = #map}, {transform_indices = #map}]} {
    %mul3A = arith.constant 2 : i32
    %mul3A_0 = arith.muli %arg1, %mul3A : i32
    %add3A = arith.addi %mul3A_0, %arg0 : i32
    %add3A_1 = arith.constant 0 : i32
    %add3A_2 = arith.addi %add3A, %add3A_1 : i32
    "tpu.region"() ({
      %run_scoped3A = tpu.sem_alloc : memref<!tpu.dma_semaphore, #tpu.memory_space<semaphore_mem>>
      %dma_start3A_57 = arith.constant 0 : i32
      %dma_start3A_58 = tpu.memref_slice %arg3[%add3A_2, %dma_start3A_57] : memref<625x128xi32, #tpu.memory_space<hbm>> -> memref<1x128xi32, #tpu.memory_space<hbm>>
      %dma_start3A_59 = tpu.memref_squeeze %dma_start3A_58 : memref<1x128xi32, #tpu.memory_space<hbm>> -> memref<128xi32, #tpu.memory_space<hbm>>
      %dma_start3A_60 = arith.constant 0 : i32
      %dma_start3A_61 = tpu.memref_slice %arg3[%add3A_2, %dma_start3A_60] : memref<625x128xi32, #tpu.memory_space<hbm>> -> memref<1x128xi32, #tpu.memory_space<hbm>>
      %dma_start3A_62 = tpu.memref_squeeze %dma_start3A_61 : memref<1x128xi32, #tpu.memory_space<hbm>> -> memref<128xi32, #tpu.memory_space<hbm>>
      tpu.enqueue_dma source(%dma_start3A_62 : memref<128xi32, #tpu.memory_space<hbm>>) target(%arg5 : memref<128xi32, #tpu.memory_space<vmem>>) target_semaphore(%run_scoped3A : memref<!tpu.dma_semaphore, #tpu.memory_space<semaphore_mem>>)
      %dma_wait3A_63 = arith.constant 0 : i32
      %dma_wait3A_64 = tpu.memref_slice %arg3[%add3A_2, %dma_wait3A_63] : memref<625x128xi32, #tpu.memory_space<hbm>> -> memref<1x128xi32, #tpu.memory_space<hbm>>
      %dma_wait3A_65 = tpu.memref_squeeze %dma_wait3A_64 : memref<1x128xi32, #tpu.memory_space<hbm>> -> memref<128xi32, #tpu.memory_space<hbm>>
      %dma_wait3A_66 = arith.constant 0 : i32
      %dma_wait3A_67 = tpu.memref_slice %arg3[%add3A_2, %dma_wait3A_66] : memref<625x128xi32, #tpu.memory_space<hbm>> -> memref<1x128xi32, #tpu.memory_space<hbm>>
      %dma_wait3A_68 = tpu.memref_squeeze %dma_wait3A_67 : memref<1x128xi32, #tpu.memory_space<hbm>> -> memref<128xi32, #tpu.memory_space<hbm>>
      tpu.wait_dma2 semaphore(%run_scoped3A : memref<!tpu.dma_semaphore, #tpu.memory_space<semaphore_mem>>) src(%dma_wait3A_68 : memref<128xi32, #tpu.memory_space<hbm>>) dst(%arg5 : memref<128xi32, #tpu.memory_space<vmem>>)
      tpu.yield
    }) : () -> ()
    %add3A_3 = arith.constant 32 : i32
    %add3A_4 = arith.addi %add3A, %add3A_3 : i32
    "tpu.region"() ({
      %run_scoped3A = tpu.sem_alloc : memref<!tpu.dma_semaphore, #tpu.memory_space<semaphore_mem>>
      %dma_start3A_57 = arith.constant 0 : i32
      %dma_start3A_58 = tpu.memref_slice %arg3[%add3A_4, %dma_start3A_57] : memref<625x128xi32, #tpu.memory_space<hbm>> -> memref<1x128xi32, #tpu.memory_space<hbm>>
      %dma_start3A_59 = tpu.memref_squeeze %dma_start3A_58 : memref<1x128xi32, #tpu.memory_space<hbm>> -> memref<128xi32, #tpu.memory_space<hbm>>
      %dma_start3A_60 = arith.constant 0 : i32
      %dma_start3A_61 = tpu.memref_slice %arg3[%add3A_4, %dma_start3A_60] : memref<625x128xi32, #tpu.memory_space<hbm>> -> memref<1x128xi32, #tpu.memory_space<hbm>>
      %dma_start3A_62 = tpu.memref_squeeze %dma_start3A_61 : memref<1x128xi32, #tpu.memory_space<hbm>> -> memref<128xi32, #tpu.memory_space<hbm>>
      tpu.enqueue_dma source(%dma_start3A_62 : memref<128xi32, #tpu.memory_space<hbm>>) target(%arg6 : memref<128xi32, #tpu.memory_space<vmem>>) target_semaphore(%run_scoped3A : memref<!tpu.dma_semaphore, #tpu.memory_space<semaphore_mem>>)
      %dma_wait3A_63 = arith.constant 0 : i32
      %dma_wait3A_64 = tpu.memref_slice %arg3[%add3A_4, %dma_wait3A_63] : memref<625x128xi32, #tpu.memory_space<hbm>> -> memref<1x128xi32, #tpu.memory_space<hbm>>
      %dma_wait3A_65 = tpu.memref_squeeze %dma_wait3A_64 : memref<1x128xi32, #tpu.memory_space<hbm>> -> memref<128xi32, #tpu.memory_space<hbm>>
      %dma_wait3A_66 = arith.constant 0 : i32
      %dma_wait3A_67 = tpu.memref_slice %arg3[%add3A_4, %dma_wait3A_66] : memref<625x128xi32, #tpu.memory_space<hbm>> -> memref<1x128xi32, #tpu.memory_space<hbm>>
      %dma_wait3A_68 = tpu.memref_squeeze %dma_wait3A_67 : memref<1x128xi32, #tpu.memory_space<hbm>> -> memref<128xi32, #tpu.memory_space<hbm>>
      tpu.wait_dma2 semaphore(%run_scoped3A : memref<!tpu.dma_semaphore, #tpu.memory_space<semaphore_mem>>) src(%dma_wait3A_68 : memref<128xi32, #tpu.memory_space<hbm>>) dst(%arg6 : memref<128xi32, #tpu.memory_space<vmem>>)
      tpu.yield
    }) : () -> ()
    %add3A_5 = arith.constant 64 : i32
    %add3A_6 = arith.addi %add3A, %add3A_5 : i32
    "tpu.region"() ({
      %run_scoped3A = tpu.sem_alloc : memref<!tpu.dma_semaphore, #tpu.memory_space<semaphore_mem>>
      %dma_start3A_57 = arith.constant 0 : i32
      %dma_start3A_58 = tpu.memref_slice %arg3[%add3A_6, %dma_start3A_57] : memref<625x128xi32, #tpu.memory_space<hbm>> -> memref<1x128xi32, #tpu.memory_space<hbm>>
      %dma_start3A_59 = tpu.memref_squeeze %dma_start3A_58 : memref<1x128xi32, #tpu.memory_space<hbm>> -> memref<128xi32, #tpu.memory_space<hbm>>
      %dma_start3A_60 = arith.constant 0 : i32
      %dma_start3A_61 = tpu.memref_slice %arg3[%add3A_6, %dma_start3A_60] : memref<625x128xi32, #tpu.memory_space<hbm>> -> memref<1x128xi32, #tpu.memory_space<hbm>>
      %dma_start3A_62 = tpu.memref_squeeze %dma_start3A_61 : memref<1x128xi32, #tpu.memory_space<hbm>> -> memref<128xi32, #tpu.memory_space<hbm>>
      tpu.enqueue_dma source(%dma_start3A_62 : memref<128xi32, #tpu.memory_space<hbm>>) target(%arg7 : memref<128xi32, #tpu.memory_space<vmem>>) target_semaphore(%run_scoped3A : memref<!tpu.dma_semaphore, #tpu.memory_space<semaphore_mem>>)
      %dma_wait3A_63 = arith.constant 0 : i32
      %dma_wait3A_64 = tpu.memref_slice %arg3[%add3A_6, %dma_wait3A_63] : memref<625x128xi32, #tpu.memory_space<hbm>> -> memref<1x128xi32, #tpu.memory_space<hbm>>
      %dma_wait3A_65 = tpu.memref_squeeze %dma_wait3A_64 : memref<1x128xi32, #tpu.memory_space<hbm>> -> memref<128xi32, #tpu.memory_space<hbm>>
      %dma_wait3A_66 = arith.constant 0 : i32
      %dma_wait3A_67 = tpu.memref_slice %arg3[%add3A_6, %dma_wait3A_66] : memref<625x128xi32, #tpu.memory_space<hbm>> -> memref<1x128xi32, #tpu.memory_space<hbm>>
      %dma_wait3A_68 = tpu.memref_squeeze %dma_wait3A_67 : memref<1x128xi32, #tpu.memory_space<hbm>> -> memref<128xi32, #tpu.memory_space<hbm>>
      tpu.wait_dma2 semaphore(%run_scoped3A : memref<!tpu.dma_semaphore, #tpu.memory_space<semaphore_mem>>) src(%dma_wait3A_68 : memref<128xi32, #tpu.memory_space<hbm>>) dst(%arg7 : memref<128xi32, #tpu.memory_space<vmem>>)
      tpu.yield
    }) : () -> ()
    %dma_start3A = arith.constant 0 : i32
    %dma_start3A_7 = arith.constant 0 : i32
    %dma_start3A_8 = tpu.memref_slice %arg2[%dma_start3A, %dma_start3A_7] : memref<160000x16xf32, #tpu.memory_space<hbm>> -> memref<160000x16xf32, #tpu.memory_space<hbm>>
    tpu.enqueue_indirect_dma source(%dma_start3A_8 : memref<160000x16xf32, #tpu.memory_space<hbm>>) target(%arg8 : memref<128x16xf32, #tpu.memory_space<vmem>>) offsets(%arg5 : memref<128xi32, #tpu.memory_space<vmem>>) semaphore(%arg11 : memref<!tpu.dma_semaphore, #tpu.memory_space<semaphore_mem>>)
    %scan3A = arith.constant 0 : i32
    %scan3A_9 = arith.constant 0 : i32
    %scan3A_10 = arith.constant 6 : i32
    %scan3A_11 = arith.addi %scan3A_9, %scan3A_10 : i32
    %scan3A_12 = arith.constant 1 : i32
    scf.for %scan3A_57 = %scan3A_9 to %scan3A_11 step %scan3A_12  : i32 {
      %mul3A_58 = arith.constant 3 : i32
      %mul3A_59 = arith.muli %mul3A_58, %scan3A_57 : i32
      %add3A_60 = arith.constant 0 : i32
      %add3A_61 = arith.addi %mul3A_59, %add3A_60 : i32
      %dma_wait3A_62 = arith.constant 0 : i32
      %dma_wait3A_63 = arith.constant 0 : i32
      %dma_wait3A_64 = tpu.memref_slice %arg2[%dma_wait3A_62, %dma_wait3A_63] : memref<160000x16xf32, #tpu.memory_space<hbm>> -> memref<160000x16xf32, #tpu.memory_space<hbm>>
      tpu.wait_indirect_dma semaphore(%arg11 : memref<!tpu.dma_semaphore, #tpu.memory_space<semaphore_mem>>) src(%dma_wait3A_64 : memref<160000x16xf32, #tpu.memory_space<hbm>>) dst(%arg8 : memref<128x16xf32, #tpu.memory_space<vmem>>)
      %mul3A_65 = arith.constant 32 : i32
      %mul3A_66 = arith.muli %mul3A_65, %add3A_61 : i32
      %add3A_67 = arith.addi %add3A, %mul3A_66 : i32
      %mul3A_68 = arith.constant 128 : i32
      %mul3A_69 = arith.muli %add3A_67, %mul3A_68 : i32
      %dma_start3A_70 = arith.constant 0 : i32
      %dma_start3A_71 = tpu.memref_slice %arg4[%mul3A_69, %dma_start3A_70] : memref<80000x16xf32, #tpu.memory_space<hbm>> -> memref<128x16xf32, #tpu.memory_space<hbm>>
      %dma_start3A_72 = arith.constant 0 : i32
      %dma_start3A_73 = tpu.memref_slice %arg4[%mul3A_69, %dma_start3A_72] : memref<80000x16xf32, #tpu.memory_space<hbm>> -> memref<128x16xf32, #tpu.memory_space<hbm>>
      tpu.enqueue_dma source(%arg8 : memref<128x16xf32, #tpu.memory_space<vmem>>) target(%dma_start3A_73 : memref<128x16xf32, #tpu.memory_space<hbm>>) target_semaphore(%arg14 : memref<!tpu.dma_semaphore, #tpu.memory_space<semaphore_mem>>)
      %add3A_74 = arith.constant 3 : i32
      %add3A_75 = arith.addi %add3A_61, %add3A_74 : i32
      %lt3A_76 = arith.constant 19 : i32
      %lt3A_77 = arith.cmpi slt, %add3A_75, %lt3A_76 : i32
      %add3A_78 = arith.constant 3 : i32
      %add3A_79 = arith.addi %add3A_61, %add3A_78 : i32
      %eq3A = arith.constant 19 : i32
      %eq3A_80 = arith.cmpi eq, %add3A_79, %eq3A : i32
      %lt3A_81 = arith.constant 17 : i32
      %lt3A_82 = arith.cmpi slt, %add3A, %lt3A_81 : i32
      %and3A_83 = arith.andi %eq3A_80, %lt3A_82 : i1
      %or3A_84 = arith.ori %lt3A_77, %and3A_83 : i1
      %convert_element_type3A_85 = arith.extui %or3A_84 : i1 to i32
      %cond3A_86 = arith.constant 0 : i32
      %cond3A_87 = arith.cmpi ne, %convert_element_type3A_85, %cond3A_86 : i32
      scf.if %cond3A_87 {
        %add3A_185 = arith.constant 3 : i32
        %add3A_186 = arith.addi %add3A_61, %add3A_185 : i32
        %mul3A_187 = arith.constant 32 : i32
        %mul3A_188 = arith.muli %mul3A_187, %add3A_186 : i32
        %add3A_189 = arith.addi %add3A, %mul3A_188 : i32
        "tpu.region"() ({
          %run_scoped3A = tpu.sem_alloc : memref<!tpu.dma_semaphore, #tpu.memory_space<semaphore_mem>>
          %dma_start3A_190 = arith.constant 0 : i32
          %dma_start3A_191 = tpu.memref_slice %arg3[%add3A_189, %dma_start3A_190] : memref<625x128xi32, #tpu.memory_space<hbm>> -> memref<1x128xi32, #tpu.memory_space<hbm>>
          %dma_start3A_192 = tpu.memref_squeeze %dma_start3A_191 : memref<1x128xi32, #tpu.memory_space<hbm>> -> memref<128xi32, #tpu.memory_space<hbm>>
          %dma_start3A_193 = arith.constant 0 : i32
          %dma_start3A_194 = tpu.memref_slice %arg3[%add3A_189, %dma_start3A_193] : memref<625x128xi32, #tpu.memory_space<hbm>> -> memref<1x128xi32, #tpu.memory_space<hbm>>
          %dma_start3A_195 = tpu.memref_squeeze %dma_start3A_194 : memref<1x128xi32, #tpu.memory_space<hbm>> -> memref<128xi32, #tpu.memory_space<hbm>>
          tpu.enqueue_dma source(%dma_start3A_195 : memref<128xi32, #tpu.memory_space<hbm>>) target(%arg5 : memref<128xi32, #tpu.memory_space<vmem>>) target_semaphore(%run_scoped3A : memref<!tpu.dma_semaphore, #tpu.memory_space<semaphore_mem>>)
          %dma_wait3A_196 = arith.constant 0 : i32
          %dma_wait3A_197 = tpu.memref_slice %arg3[%add3A_189, %dma_wait3A_196] : memref<625x128xi32, #tpu.memory_space<hbm>> -> memref<1x128xi32, #tpu.memory_space<hbm>>
          %dma_wait3A_198 = tpu.memref_squeeze %dma_wait3A_197 : memref<1x128xi32, #tpu.memory_space<hbm>> -> memref<128xi32, #tpu.memory_space<hbm>>
          %dma_wait3A_199 = arith.constant 0 : i32
          %dma_wait3A_200 = tpu.memref_slice %arg3[%add3A_189, %dma_wait3A_199] : memref<625x128xi32, #tpu.memory_space<hbm>> -> memref<1x128xi32, #tpu.memory_space<hbm>>
          %dma_wait3A_201 = tpu.memref_squeeze %dma_wait3A_200 : memref<1x128xi32, #tpu.memory_space<hbm>> -> memref<128xi32, #tpu.memory_space<hbm>>
          tpu.wait_dma2 semaphore(%run_scoped3A : memref<!tpu.dma_semaphore, #tpu.memory_space<semaphore_mem>>) src(%dma_wait3A_201 : memref<128xi32, #tpu.memory_space<hbm>>) dst(%arg5 : memref<128xi32, #tpu.memory_space<vmem>>)
          tpu.yield
        }) : () -> ()
      } else {
      }
      %ge3A = arith.constant 2 : i32
      %ge3A_88 = arith.cmpi sge, %add3A_61, %ge3A : i32
      %convert_element_type3A_89 = arith.extui %ge3A_88 : i1 to i32
      %cond3A_90 = arith.constant 0 : i32
      %cond3A_91 = arith.cmpi ne, %convert_element_type3A_89, %cond3A_90 : i32
      scf.if %cond3A_91 {
        %sub3A = arith.constant 2 : i32
        %sub3A_185 = arith.subi %add3A_61, %sub3A : i32
        %mul3A_186 = arith.constant 32 : i32
        %mul3A_187 = arith.muli %mul3A_186, %sub3A_185 : i32
        %add3A_188 = arith.addi %add3A, %mul3A_187 : i32
        %mul3A_189 = arith.constant 128 : i32
        %mul3A_190 = arith.muli %add3A_188, %mul3A_189 : i32
        %dma_wait3A_191 = arith.constant 0 : i32
        %dma_wait3A_192 = tpu.memref_slice %arg4[%mul3A_190, %dma_wait3A_191] : memref<80000x16xf32, #tpu.memory_space<hbm>> -> memref<128x16xf32, #tpu.memory_space<hbm>>
        %dma_wait3A_193 = arith.constant 0 : i32
        %dma_wait3A_194 = tpu.memref_slice %arg4[%mul3A_190, %dma_wait3A_193] : memref<80000x16xf32, #tpu.memory_space<hbm>> -> memref<128x16xf32, #tpu.memory_space<hbm>>
        tpu.wait_dma2 semaphore(%arg15 : memref<!tpu.dma_semaphore, #tpu.memory_space<semaphore_mem>>) src(%arg9 : memref<128x16xf32, #tpu.memory_space<vmem>>) dst(%dma_wait3A_194 : memref<128x16xf32, #tpu.memory_space<hbm>>)
      } else {
      }
      %add3A_92 = arith.constant 1 : i32
      %add3A_93 = arith.addi %add3A_61, %add3A_92 : i32
      %lt3A_94 = arith.constant 19 : i32
      %lt3A_95 = arith.cmpi slt, %add3A_93, %lt3A_94 : i32
      %convert_element_type3A_96 = arith.extui %lt3A_95 : i1 to i32
      %cond3A_97 = arith.constant 0 : i32
      %cond3A_98 = arith.cmpi ne, %convert_element_type3A_96, %cond3A_97 : i32
      scf.if %cond3A_98 {
        %dma_start3A_185 = arith.constant 0 : i32
        %dma_start3A_186 = arith.constant 0 : i32
        %dma_start3A_187 = tpu.memref_slice %arg2[%dma_start3A_185, %dma_start3A_186] : memref<160000x16xf32, #tpu.memory_space<hbm>> -> memref<160000x16xf32, #tpu.memory_space<hbm>>
        tpu.enqueue_indirect_dma source(%dma_start3A_187 : memref<160000x16xf32, #tpu.memory_space<hbm>>) target(%arg9 : memref<128x16xf32, #tpu.memory_space<vmem>>) offsets(%arg6 : memref<128xi32, #tpu.memory_space<vmem>>) semaphore(%arg12 : memref<!tpu.dma_semaphore, #tpu.memory_space<semaphore_mem>>)
      } else {
      }
      %mul3A_99 = arith.constant 3 : i32
      %mul3A_100 = arith.muli %mul3A_99, %scan3A_57 : i32
      %add3A_101 = arith.constant 1 : i32
      %add3A_102 = arith.addi %mul3A_100, %add3A_101 : i32
      %dma_wait3A_103 = arith.constant 0 : i32
      %dma_wait3A_104 = arith.constant 0 : i32
      %dma_wait3A_105 = tpu.memref_slice %arg2[%dma_wait3A_103, %dma_wait3A_104] : memref<160000x16xf32, #tpu.memory_space<hbm>> -> memref<160000x16xf32, #tpu.memory_space<hbm>>
      tpu.wait_indirect_dma semaphore(%arg12 : memref<!tpu.dma_semaphore, #tpu.memory_space<semaphore_mem>>) src(%dma_wait3A_105 : memref<160000x16xf32, #tpu.memory_space<hbm>>) dst(%arg9 : memref<128x16xf32, #tpu.memory_space<vmem>>)
      %mul3A_106 = arith.constant 32 : i32
      %mul3A_107 = arith.muli %mul3A_106, %add3A_102 : i32
      %add3A_108 = arith.addi %add3A, %mul3A_107 : i32
      %mul3A_109 = arith.constant 128 : i32
      %mul3A_110 = arith.muli %add3A_108, %mul3A_109 : i32
      %dma_start3A_111 = arith.constant 0 : i32
      %dma_start3A_112 = tpu.memref_slice %arg4[%mul3A_110, %dma_start3A_111] : memref<80000x16xf32, #tpu.memory_space<hbm>> -> memref<128x16xf32, #tpu.memory_space<hbm>>
      %dma_start3A_113 = arith.constant 0 : i32
      %dma_start3A_114 = tpu.memref_slice %arg4[%mul3A_110, %dma_start3A_113] : memref<80000x16xf32, #tpu.memory_space<hbm>> -> memref<128x16xf32, #tpu.memory_space<hbm>>
      tpu.enqueue_dma source(%arg9 : memref<128x16xf32, #tpu.memory_space<vmem>>) target(%dma_start3A_114 : memref<128x16xf32, #tpu.memory_space<hbm>>) target_semaphore(%arg15 : memref<!tpu.dma_semaphore, #tpu.memory_space<semaphore_mem>>)
      %add3A_115 = arith.constant 3 : i32
      %add3A_116 = arith.addi %add3A_102, %add3A_115 : i32
      %lt3A_117 = arith.constant 19 : i32
      %lt3A_118 = arith.cmpi slt, %add3A_116, %lt3A_117 : i32
      %add3A_119 = arith.constant 3 : i32
      %add3A_120 = arith.addi %add3A_102, %add3A_119 : i32
      %eq3A_121 = arith.constant 19 : i32
      %eq3A_122 = arith.cmpi eq, %add3A_120, %eq3A_121 : i32
      %lt3A_123 = arith.constant 17 : i32
      %lt3A_124 = arith.cmpi slt, %add3A, %lt3A_123 : i32
      %and3A_125 = arith.andi %eq3A_122, %lt3A_124 : i1
      %or3A_126 = arith.ori %lt3A_118, %and3A_125 : i1
      %convert_element_type3A_127 = arith.extui %or3A_126 : i1 to i32
      %cond3A_128 = arith.constant 0 : i32
      %cond3A_129 = arith.cmpi ne, %convert_element_type3A_127, %cond3A_128 : i32
      scf.if %cond3A_129 {
        %add3A_185 = arith.constant 3 : i32
        %add3A_186 = arith.addi %add3A_102, %add3A_185 : i32
        %mul3A_187 = arith.constant 32 : i32
        %mul3A_188 = arith.muli %mul3A_187, %add3A_186 : i32
        %add3A_189 = arith.addi %add3A, %mul3A_188 : i32
        "tpu.region"() ({
          %run_scoped3A = tpu.sem_alloc : memref<!tpu.dma_semaphore, #tpu.memory_space<semaphore_mem>>
          %dma_start3A_190 = arith.constant 0 : i32
          %dma_start3A_191 = tpu.memref_slice %arg3[%add3A_189, %dma_start3A_190] : memref<625x128xi32, #tpu.memory_space<hbm>> -> memref<1x128xi32, #tpu.memory_space<hbm>>
          %dma_start3A_192 = tpu.memref_squeeze %dma_start3A_191 : memref<1x128xi32, #tpu.memory_space<hbm>> -> memref<128xi32, #tpu.memory_space<hbm>>
          %dma_start3A_193 = arith.constant 0 : i32
          %dma_start3A_194 = tpu.memref_slice %arg3[%add3A_189, %dma_start3A_193] : memref<625x128xi32, #tpu.memory_space<hbm>> -> memref<1x128xi32, #tpu.memory_space<hbm>>
          %dma_start3A_195 = tpu.memref_squeeze %dma_start3A_194 : memref<1x128xi32, #tpu.memory_space<hbm>> -> memref<128xi32, #tpu.memory_space<hbm>>
          tpu.enqueue_dma source(%dma_start3A_195 : memref<128xi32, #tpu.memory_space<hbm>>) target(%arg6 : memref<128xi32, #tpu.memory_space<vmem>>) target_semaphore(%run_scoped3A : memref<!tpu.dma_semaphore, #tpu.memory_space<semaphore_mem>>)
          %dma_wait3A_196 = arith.constant 0 : i32
          %dma_wait3A_197 = tpu.memref_slice %arg3[%add3A_189, %dma_wait3A_196] : memref<625x128xi32, #tpu.memory_space<hbm>> -> memref<1x128xi32, #tpu.memory_space<hbm>>
          %dma_wait3A_198 = tpu.memref_squeeze %dma_wait3A_197 : memref<1x128xi32, #tpu.memory_space<hbm>> -> memref<128xi32, #tpu.memory_space<hbm>>
          %dma_wait3A_199 = arith.constant 0 : i32
          %dma_wait3A_200 = tpu.memref_slice %arg3[%add3A_189, %dma_wait3A_199] : memref<625x128xi32, #tpu.memory_space<hbm>> -> memref<1x128xi32, #tpu.memory_space<hbm>>
          %dma_wait3A_201 = tpu.memref_squeeze %dma_wait3A_200 : memref<1x128xi32, #tpu.memory_space<hbm>> -> memref<128xi32, #tpu.memory_space<hbm>>
          tpu.wait_dma2 semaphore(%run_scoped3A : memref<!tpu.dma_semaphore, #tpu.memory_space<semaphore_mem>>) src(%dma_wait3A_201 : memref<128xi32, #tpu.memory_space<hbm>>) dst(%arg6 : memref<128xi32, #tpu.memory_space<vmem>>)
          tpu.yield
        }) : () -> ()
      } else {
      }
      %ge3A_130 = arith.constant 2 : i32
      %ge3A_131 = arith.cmpi sge, %add3A_102, %ge3A_130 : i32
      %convert_element_type3A_132 = arith.extui %ge3A_131 : i1 to i32
      %cond3A_133 = arith.constant 0 : i32
      %cond3A_134 = arith.cmpi ne, %convert_element_type3A_132, %cond3A_133 : i32
      scf.if %cond3A_134 {
        %sub3A = arith.constant 2 : i32
        %sub3A_185 = arith.subi %add3A_102, %sub3A : i32
        %mul3A_186 = arith.constant 32 : i32
        %mul3A_187 = arith.muli %mul3A_186, %sub3A_185 : i32
        %add3A_188 = arith.addi %add3A, %mul3A_187 : i32
        %mul3A_189 = arith.constant 128 : i32
        %mul3A_190 = arith.muli %add3A_188, %mul3A_189 : i32
        %dma_wait3A_191 = arith.constant 0 : i32
        %dma_wait3A_192 = tpu.memref_slice %arg4[%mul3A_190, %dma_wait3A_191] : memref<80000x16xf32, #tpu.memory_space<hbm>> -> memref<128x16xf32, #tpu.memory_space<hbm>>
        %dma_wait3A_193 = arith.constant 0 : i32
        %dma_wait3A_194 = tpu.memref_slice %arg4[%mul3A_190, %dma_wait3A_193] : memref<80000x16xf32, #tpu.memory_space<hbm>> -> memref<128x16xf32, #tpu.memory_space<hbm>>
        tpu.wait_dma2 semaphore(%arg16 : memref<!tpu.dma_semaphore, #tpu.memory_space<semaphore_mem>>) src(%arg10 : memref<128x16xf32, #tpu.memory_space<vmem>>) dst(%dma_wait3A_194 : memref<128x16xf32, #tpu.memory_space<hbm>>)
      } else {
      }
      %add3A_135 = arith.constant 1 : i32
      %add3A_136 = arith.addi %add3A_102, %add3A_135 : i32
      %lt3A_137 = arith.constant 19 : i32
      %lt3A_138 = arith.cmpi slt, %add3A_136, %lt3A_137 : i32
      %convert_element_type3A_139 = arith.extui %lt3A_138 : i1 to i32
      %cond3A_140 = arith.constant 0 : i32
      %cond3A_141 = arith.cmpi ne, %convert_element_type3A_139, %cond3A_140 : i32
      scf.if %cond3A_141 {
        %dma_start3A_185 = arith.constant 0 : i32
        %dma_start3A_186 = arith.constant 0 : i32
        %dma_start3A_187 = tpu.memref_slice %arg2[%dma_start3A_185, %dma_start3A_186] : memref<160000x16xf32, #tpu.memory_space<hbm>> -> memref<160000x16xf32, #tpu.memory_space<hbm>>
        tpu.enqueue_indirect_dma source(%dma_start3A_187 : memref<160000x16xf32, #tpu.memory_space<hbm>>) target(%arg10 : memref<128x16xf32, #tpu.memory_space<vmem>>) offsets(%arg7 : memref<128xi32, #tpu.memory_space<vmem>>) semaphore(%arg13 : memref<!tpu.dma_semaphore, #tpu.memory_space<semaphore_mem>>)
      } else {
      }
      %mul3A_142 = arith.constant 3 : i32
      %mul3A_143 = arith.muli %mul3A_142, %scan3A_57 : i32
      %add3A_144 = arith.constant 2 : i32
      %add3A_145 = arith.addi %mul3A_143, %add3A_144 : i32
      %dma_wait3A_146 = arith.constant 0 : i32
      %dma_wait3A_147 = arith.constant 0 : i32
      %dma_wait3A_148 = tpu.memref_slice %arg2[%dma_wait3A_146, %dma_wait3A_147] : memref<160000x16xf32, #tpu.memory_space<hbm>> -> memref<160000x16xf32, #tpu.memory_space<hbm>>
      tpu.wait_indirect_dma semaphore(%arg13 : memref<!tpu.dma_semaphore, #tpu.memory_space<semaphore_mem>>) src(%dma_wait3A_148 : memref<160000x16xf32, #tpu.memory_space<hbm>>) dst(%arg10 : memref<128x16xf32, #tpu.memory_space<vmem>>)
      %mul3A_149 = arith.constant 32 : i32
      %mul3A_150 = arith.muli %mul3A_149, %add3A_145 : i32
      %add3A_151 = arith.addi %add3A, %mul3A_150 : i32
      %mul3A_152 = arith.constant 128 : i32
      %mul3A_153 = arith.muli %add3A_151, %mul3A_152 : i32
      %dma_start3A_154 = arith.constant 0 : i32
      %dma_start3A_155 = tpu.memref_slice %arg4[%mul3A_153, %dma_start3A_154] : memref<80000x16xf32, #tpu.memory_space<hbm>> -> memref<128x16xf32, #tpu.memory_space<hbm>>
      %dma_start3A_156 = arith.constant 0 : i32
      %dma_start3A_157 = tpu.memref_slice %arg4[%mul3A_153, %dma_start3A_156] : memref<80000x16xf32, #tpu.memory_space<hbm>> -> memref<128x16xf32, #tpu.memory_space<hbm>>
      tpu.enqueue_dma source(%arg10 : memref<128x16xf32, #tpu.memory_space<vmem>>) target(%dma_start3A_157 : memref<128x16xf32, #tpu.memory_space<hbm>>) target_semaphore(%arg16 : memref<!tpu.dma_semaphore, #tpu.memory_space<semaphore_mem>>)
      %add3A_158 = arith.constant 3 : i32
      %add3A_159 = arith.addi %add3A_145, %add3A_158 : i32
      %lt3A_160 = arith.constant 19 : i32
      %lt3A_161 = arith.cmpi slt, %add3A_159, %lt3A_160 : i32
      %add3A_162 = arith.constant 3 : i32
      %add3A_163 = arith.addi %add3A_145, %add3A_162 : i32
      %eq3A_164 = arith.constant 19 : i32
      %eq3A_165 = arith.cmpi eq, %add3A_163, %eq3A_164 : i32
      %lt3A_166 = arith.constant 17 : i32
      %lt3A_167 = arith.cmpi slt, %add3A, %lt3A_166 : i32
      %and3A_168 = arith.andi %eq3A_165, %lt3A_167 : i1
      %or3A_169 = arith.ori %lt3A_161, %and3A_168 : i1
      %convert_element_type3A_170 = arith.extui %or3A_169 : i1 to i32
      %cond3A_171 = arith.constant 0 : i32
      %cond3A_172 = arith.cmpi ne, %convert_element_type3A_170, %cond3A_171 : i32
      scf.if %cond3A_172 {
        %add3A_185 = arith.constant 3 : i32
        %add3A_186 = arith.addi %add3A_145, %add3A_185 : i32
        %mul3A_187 = arith.constant 32 : i32
        %mul3A_188 = arith.muli %mul3A_187, %add3A_186 : i32
        %add3A_189 = arith.addi %add3A, %mul3A_188 : i32
        "tpu.region"() ({
          %run_scoped3A = tpu.sem_alloc : memref<!tpu.dma_semaphore, #tpu.memory_space<semaphore_mem>>
          %dma_start3A_190 = arith.constant 0 : i32
          %dma_start3A_191 = tpu.memref_slice %arg3[%add3A_189, %dma_start3A_190] : memref<625x128xi32, #tpu.memory_space<hbm>> -> memref<1x128xi32, #tpu.memory_space<hbm>>
          %dma_start3A_192 = tpu.memref_squeeze %dma_start3A_191 : memref<1x128xi32, #tpu.memory_space<hbm>> -> memref<128xi32, #tpu.memory_space<hbm>>
          %dma_start3A_193 = arith.constant 0 : i32
          %dma_start3A_194 = tpu.memref_slice %arg3[%add3A_189, %dma_start3A_193] : memref<625x128xi32, #tpu.memory_space<hbm>> -> memref<1x128xi32, #tpu.memory_space<hbm>>
          %dma_start3A_195 = tpu.memref_squeeze %dma_start3A_194 : memref<1x128xi32, #tpu.memory_space<hbm>> -> memref<128xi32, #tpu.memory_space<hbm>>
          tpu.enqueue_dma source(%dma_start3A_195 : memref<128xi32, #tpu.memory_space<hbm>>) target(%arg7 : memref<128xi32, #tpu.memory_space<vmem>>) target_semaphore(%run_scoped3A : memref<!tpu.dma_semaphore, #tpu.memory_space<semaphore_mem>>)
          %dma_wait3A_196 = arith.constant 0 : i32
          %dma_wait3A_197 = tpu.memref_slice %arg3[%add3A_189, %dma_wait3A_196] : memref<625x128xi32, #tpu.memory_space<hbm>> -> memref<1x128xi32, #tpu.memory_space<hbm>>
          %dma_wait3A_198 = tpu.memref_squeeze %dma_wait3A_197 : memref<1x128xi32, #tpu.memory_space<hbm>> -> memref<128xi32, #tpu.memory_space<hbm>>
          %dma_wait3A_199 = arith.constant 0 : i32
          %dma_wait3A_200 = tpu.memref_slice %arg3[%add3A_189, %dma_wait3A_199] : memref<625x128xi32, #tpu.memory_space<hbm>> -> memref<1x128xi32, #tpu.memory_space<hbm>>
          %dma_wait3A_201 = tpu.memref_squeeze %dma_wait3A_200 : memref<1x128xi32, #tpu.memory_space<hbm>> -> memref<128xi32, #tpu.memory_space<hbm>>
          tpu.wait_dma2 semaphore(%run_scoped3A : memref<!tpu.dma_semaphore, #tpu.memory_space<semaphore_mem>>) src(%dma_wait3A_201 : memref<128xi32, #tpu.memory_space<hbm>>) dst(%arg7 : memref<128xi32, #tpu.memory_space<vmem>>)
          tpu.yield
        }) : () -> ()
      } else {
      }
      %ge3A_173 = arith.constant 2 : i32
      %ge3A_174 = arith.cmpi sge, %add3A_145, %ge3A_173 : i32
      %convert_element_type3A_175 = arith.extui %ge3A_174 : i1 to i32
      %cond3A_176 = arith.constant 0 : i32
      %cond3A_177 = arith.cmpi ne, %convert_element_type3A_175, %cond3A_176 : i32
      scf.if %cond3A_177 {
        %sub3A = arith.constant 2 : i32
        %sub3A_185 = arith.subi %add3A_145, %sub3A : i32
        %mul3A_186 = arith.constant 32 : i32
        %mul3A_187 = arith.muli %mul3A_186, %sub3A_185 : i32
        %add3A_188 = arith.addi %add3A, %mul3A_187 : i32
        %mul3A_189 = arith.constant 128 : i32
        %mul3A_190 = arith.muli %add3A_188, %mul3A_189 : i32
        %dma_wait3A_191 = arith.constant 0 : i32
        %dma_wait3A_192 = tpu.memref_slice %arg4[%mul3A_190, %dma_wait3A_191] : memref<80000x16xf32, #tpu.memory_space<hbm>> -> memref<128x16xf32, #tpu.memory_space<hbm>>
        %dma_wait3A_193 = arith.constant 0 : i32
        %dma_wait3A_194 = tpu.memref_slice %arg4[%mul3A_190, %dma_wait3A_193] : memref<80000x16xf32, #tpu.memory_space<hbm>> -> memref<128x16xf32, #tpu.memory_space<hbm>>
        tpu.wait_dma2 semaphore(%arg14 : memref<!tpu.dma_semaphore, #tpu.memory_space<semaphore_mem>>) src(%arg8 : memref<128x16xf32, #tpu.memory_space<vmem>>) dst(%dma_wait3A_194 : memref<128x16xf32, #tpu.memory_space<hbm>>)
      } else {
      }
      %add3A_178 = arith.constant 1 : i32
      %add3A_179 = arith.addi %add3A_145, %add3A_178 : i32
      %lt3A_180 = arith.constant 19 : i32
      %lt3A_181 = arith.cmpi slt, %add3A_179, %lt3A_180 : i32
      %convert_element_type3A_182 = arith.extui %lt3A_181 : i1 to i32
      %cond3A_183 = arith.constant 0 : i32
      %cond3A_184 = arith.cmpi ne, %convert_element_type3A_182, %cond3A_183 : i32
      scf.if %cond3A_184 {
        %dma_start3A_185 = arith.constant 0 : i32
        %dma_start3A_186 = arith.constant 0 : i32
        %dma_start3A_187 = tpu.memref_slice %arg2[%dma_start3A_185, %dma_start3A_186] : memref<160000x16xf32, #tpu.memory_space<hbm>> -> memref<160000x16xf32, #tpu.memory_space<hbm>>
        tpu.enqueue_indirect_dma source(%dma_start3A_187 : memref<160000x16xf32, #tpu.memory_space<hbm>>) target(%arg8 : memref<128x16xf32, #tpu.memory_space<vmem>>) offsets(%arg5 : memref<128xi32, #tpu.memory_space<vmem>>) semaphore(%arg11 : memref<!tpu.dma_semaphore, #tpu.memory_space<semaphore_mem>>)
      } else {
      }
    }
    %scan3A_13 = arith.constant 6 : i32
    %dma_wait3A = arith.constant 0 : i32
    %dma_wait3A_14 = arith.constant 0 : i32
    %dma_wait3A_15 = tpu.memref_slice %arg2[%dma_wait3A, %dma_wait3A_14] : memref<160000x16xf32, #tpu.memory_space<hbm>> -> memref<160000x16xf32, #tpu.memory_space<hbm>>
    tpu.wait_indirect_dma semaphore(%arg11 : memref<!tpu.dma_semaphore, #tpu.memory_space<semaphore_mem>>) src(%dma_wait3A_15 : memref<160000x16xf32, #tpu.memory_space<hbm>>) dst(%arg8 : memref<128x16xf32, #tpu.memory_space<vmem>>)
    %add3A_16 = arith.constant 576 : i32
    %add3A_17 = arith.addi %add3A, %add3A_16 : i32
    %mul3A_18 = arith.constant 128 : i32
    %mul3A_19 = arith.muli %add3A_17, %mul3A_18 : i32
    %dma_start3A_20 = arith.constant 0 : i32
    %dma_start3A_21 = tpu.memref_slice %arg4[%mul3A_19, %dma_start3A_20] : memref<80000x16xf32, #tpu.memory_space<hbm>> -> memref<128x16xf32, #tpu.memory_space<hbm>>
    %dma_start3A_22 = arith.constant 0 : i32
    %dma_start3A_23 = tpu.memref_slice %arg4[%mul3A_19, %dma_start3A_22] : memref<80000x16xf32, #tpu.memory_space<hbm>> -> memref<128x16xf32, #tpu.memory_space<hbm>>
    tpu.enqueue_dma source(%arg8 : memref<128x16xf32, #tpu.memory_space<vmem>>) target(%dma_start3A_23 : memref<128x16xf32, #tpu.memory_space<hbm>>) target_semaphore(%arg14 : memref<!tpu.dma_semaphore, #tpu.memory_space<semaphore_mem>>)
    %lt3A = arith.constant 17 : i32
    %lt3A_24 = arith.cmpi slt, %add3A, %lt3A : i32
    %and3A = arith.constant false
    %and3A_25 = arith.andi %and3A, %lt3A_24 : i1
    %or3A = arith.constant false
    %or3A_26 = arith.ori %or3A, %and3A_25 : i1
    %convert_element_type3A = arith.extui %or3A_26 : i1 to i32
    %cond3A = arith.constant 0 : i32
    %cond3A_27 = arith.cmpi ne, %convert_element_type3A, %cond3A : i32
    scf.if %cond3A_27 {
      %add3A_57 = arith.constant 672 : i32
      %add3A_58 = arith.addi %add3A, %add3A_57 : i32
      "tpu.region"() ({
        %run_scoped3A = tpu.sem_alloc : memref<!tpu.dma_semaphore, #tpu.memory_space<semaphore_mem>>
        %dma_start3A_59 = arith.constant 0 : i32
        %dma_start3A_60 = tpu.memref_slice %arg3[%add3A_58, %dma_start3A_59] : memref<625x128xi32, #tpu.memory_space<hbm>> -> memref<1x128xi32, #tpu.memory_space<hbm>>
        %dma_start3A_61 = tpu.memref_squeeze %dma_start3A_60 : memref<1x128xi32, #tpu.memory_space<hbm>> -> memref<128xi32, #tpu.memory_space<hbm>>
        %dma_start3A_62 = arith.constant 0 : i32
        %dma_start3A_63 = tpu.memref_slice %arg3[%add3A_58, %dma_start3A_62] : memref<625x128xi32, #tpu.memory_space<hbm>> -> memref<1x128xi32, #tpu.memory_space<hbm>>
        %dma_start3A_64 = tpu.memref_squeeze %dma_start3A_63 : memref<1x128xi32, #tpu.memory_space<hbm>> -> memref<128xi32, #tpu.memory_space<hbm>>
        tpu.enqueue_dma source(%dma_start3A_64 : memref<128xi32, #tpu.memory_space<hbm>>) target(%arg5 : memref<128xi32, #tpu.memory_space<vmem>>) target_semaphore(%run_scoped3A : memref<!tpu.dma_semaphore, #tpu.memory_space<semaphore_mem>>)
        %dma_wait3A_65 = arith.constant 0 : i32
        %dma_wait3A_66 = tpu.memref_slice %arg3[%add3A_58, %dma_wait3A_65] : memref<625x128xi32, #tpu.memory_space<hbm>> -> memref<1x128xi32, #tpu.memory_space<hbm>>
        %dma_wait3A_67 = tpu.memref_squeeze %dma_wait3A_66 : memref<1x128xi32, #tpu.memory_space<hbm>> -> memref<128xi32, #tpu.memory_space<hbm>>
        %dma_wait3A_68 = arith.constant 0 : i32
        %dma_wait3A_69 = tpu.memref_slice %arg3[%add3A_58, %dma_wait3A_68] : memref<625x128xi32, #tpu.memory_space<hbm>> -> memref<1x128xi32, #tpu.memory_space<hbm>>
        %dma_wait3A_70 = tpu.memref_squeeze %dma_wait3A_69 : memref<1x128xi32, #tpu.memory_space<hbm>> -> memref<128xi32, #tpu.memory_space<hbm>>
        tpu.wait_dma2 semaphore(%run_scoped3A : memref<!tpu.dma_semaphore, #tpu.memory_space<semaphore_mem>>) src(%dma_wait3A_70 : memref<128xi32, #tpu.memory_space<hbm>>) dst(%arg5 : memref<128xi32, #tpu.memory_space<vmem>>)
        tpu.yield
      }) : () -> ()
    } else {
    }
    %add3A_28 = arith.constant 512 : i32
    %add3A_29 = arith.addi %add3A, %add3A_28 : i32
    %mul3A_30 = arith.constant 128 : i32
    %mul3A_31 = arith.muli %add3A_29, %mul3A_30 : i32
    %dma_wait3A_32 = arith.constant 0 : i32
    %dma_wait3A_33 = tpu.memref_slice %arg4[%mul3A_31, %dma_wait3A_32] : memref<80000x16xf32, #tpu.memory_space<hbm>> -> memref<128x16xf32, #tpu.memory_space<hbm>>
    %dma_wait3A_34 = arith.constant 0 : i32
    %dma_wait3A_35 = tpu.memref_slice %arg4[%mul3A_31, %dma_wait3A_34] : memref<80000x16xf32, #tpu.memory_space<hbm>> -> memref<128x16xf32, #tpu.memory_space<hbm>>
    tpu.wait_dma2 semaphore(%arg15 : memref<!tpu.dma_semaphore, #tpu.memory_space<semaphore_mem>>) src(%arg9 : memref<128x16xf32, #tpu.memory_space<vmem>>) dst(%dma_wait3A_35 : memref<128x16xf32, #tpu.memory_space<hbm>>)
    %add3A_36 = arith.constant 544 : i32
    %add3A_37 = arith.addi %add3A, %add3A_36 : i32
    %mul3A_38 = arith.constant 128 : i32
    %mul3A_39 = arith.muli %add3A_37, %mul3A_38 : i32
    %dma_wait3A_40 = arith.constant 0 : i32
    %dma_wait3A_41 = tpu.memref_slice %arg4[%mul3A_39, %dma_wait3A_40] : memref<80000x16xf32, #tpu.memory_space<hbm>> -> memref<128x16xf32, #tpu.memory_space<hbm>>
    %dma_wait3A_42 = arith.constant 0 : i32
    %dma_wait3A_43 = tpu.memref_slice %arg4[%mul3A_39, %dma_wait3A_42] : memref<80000x16xf32, #tpu.memory_space<hbm>> -> memref<128x16xf32, #tpu.memory_space<hbm>>
    tpu.wait_dma2 semaphore(%arg16 : memref<!tpu.dma_semaphore, #tpu.memory_space<semaphore_mem>>) src(%arg10 : memref<128x16xf32, #tpu.memory_space<vmem>>) dst(%dma_wait3A_43 : memref<128x16xf32, #tpu.memory_space<hbm>>)
    %add3A_44 = arith.constant 576 : i32
    %add3A_45 = arith.addi %add3A, %add3A_44 : i32
    %mul3A_46 = arith.constant 128 : i32
    %mul3A_47 = arith.muli %add3A_45, %mul3A_46 : i32
    %dma_wait3A_48 = arith.constant 0 : i32
    %dma_wait3A_49 = tpu.memref_slice %arg4[%mul3A_47, %dma_wait3A_48] : memref<80000x16xf32, #tpu.memory_space<hbm>> -> memref<128x16xf32, #tpu.memory_space<hbm>>
    %dma_wait3A_50 = arith.constant 0 : i32
    %dma_wait3A_51 = tpu.memref_slice %arg4[%mul3A_47, %dma_wait3A_50] : memref<80000x16xf32, #tpu.memory_space<hbm>> -> memref<128x16xf32, #tpu.memory_space<hbm>>
    tpu.wait_dma2 semaphore(%arg14 : memref<!tpu.dma_semaphore, #tpu.memory_space<semaphore_mem>>) src(%arg8 : memref<128x16xf32, #tpu.memory_space<vmem>>) dst(%dma_wait3A_51 : memref<128x16xf32, #tpu.memory_space<hbm>>)
    %lt3A_52 = arith.constant 17 : i32
    %lt3A_53 = arith.cmpi slt, %add3A, %lt3A_52 : i32
    %convert_element_type3A_54 = arith.extui %lt3A_53 : i1 to i32
    %cond3A_55 = arith.constant 0 : i32
    %cond3A_56 = arith.cmpi ne, %convert_element_type3A_54, %cond3A_55 : i32
    scf.if %cond3A_56 {
      %dma_start3A_57 = arith.constant 0 : i32
      %dma_start3A_58 = arith.constant 0 : i32
      %dma_start3A_59 = tpu.memref_slice %arg2[%dma_start3A_57, %dma_start3A_58] : memref<160000x16xf32, #tpu.memory_space<hbm>> -> memref<160000x16xf32, #tpu.memory_space<hbm>>
      tpu.enqueue_indirect_dma source(%dma_start3A_59 : memref<160000x16xf32, #tpu.memory_space<hbm>>) target(%arg9 : memref<128x16xf32, #tpu.memory_space<vmem>>) offsets(%arg6 : memref<128xi32, #tpu.memory_space<vmem>>) semaphore(%arg12 : memref<!tpu.dma_semaphore, #tpu.memory_space<semaphore_mem>>)
      %dma_wait3A_60 = arith.constant 0 : i32
      %dma_wait3A_61 = arith.constant 0 : i32
      %dma_wait3A_62 = tpu.memref_slice %arg2[%dma_wait3A_60, %dma_wait3A_61] : memref<160000x16xf32, #tpu.memory_space<hbm>> -> memref<160000x16xf32, #tpu.memory_space<hbm>>
      tpu.wait_indirect_dma semaphore(%arg12 : memref<!tpu.dma_semaphore, #tpu.memory_space<semaphore_mem>>) src(%dma_wait3A_62 : memref<160000x16xf32, #tpu.memory_space<hbm>>) dst(%arg9 : memref<128x16xf32, #tpu.memory_space<vmem>>)
      %add3A_63 = arith.constant 608 : i32
      %add3A_64 = arith.addi %add3A, %add3A_63 : i32
      %mul3A_65 = arith.constant 128 : i32
      %mul3A_66 = arith.muli %add3A_64, %mul3A_65 : i32
      %dma_start3A_67 = arith.constant 0 : i32
      %dma_start3A_68 = tpu.memref_slice %arg4[%mul3A_66, %dma_start3A_67] : memref<80000x16xf32, #tpu.memory_space<hbm>> -> memref<128x16xf32, #tpu.memory_space<hbm>>
      %dma_start3A_69 = arith.constant 0 : i32
      %dma_start3A_70 = tpu.memref_slice %arg4[%mul3A_66, %dma_start3A_69] : memref<80000x16xf32, #tpu.memory_space<hbm>> -> memref<128x16xf32, #tpu.memory_space<hbm>>
      tpu.enqueue_dma source(%arg9 : memref<128x16xf32, #tpu.memory_space<vmem>>) target(%dma_start3A_70 : memref<128x16xf32, #tpu.memory_space<hbm>>) target_semaphore(%arg15 : memref<!tpu.dma_semaphore, #tpu.memory_space<semaphore_mem>>)
      %add3A_71 = arith.constant 608 : i32
      %add3A_72 = arith.addi %add3A, %add3A_71 : i32
      %mul3A_73 = arith.constant 128 : i32
      %mul3A_74 = arith.muli %add3A_72, %mul3A_73 : i32
      %dma_wait3A_75 = arith.constant 0 : i32
      %dma_wait3A_76 = tpu.memref_slice %arg4[%mul3A_74, %dma_wait3A_75] : memref<80000x16xf32, #tpu.memory_space<hbm>> -> memref<128x16xf32, #tpu.memory_space<hbm>>
      %dma_wait3A_77 = arith.constant 0 : i32
      %dma_wait3A_78 = tpu.memref_slice %arg4[%mul3A_74, %dma_wait3A_77] : memref<80000x16xf32, #tpu.memory_space<hbm>> -> memref<128x16xf32, #tpu.memory_space<hbm>>
      tpu.wait_dma2 semaphore(%arg15 : memref<!tpu.dma_semaphore, #tpu.memory_space<semaphore_mem>>) src(%arg9 : memref<128x16xf32, #tpu.memory_space<vmem>>) dst(%dma_wait3A_78 : memref<128x16xf32, #tpu.memory_space<hbm>>)
    } else {
    }
    return
  }
}

#map = affine_map<(d0, d1) -> (0, 0)>
module attributes {stable_mosaic.version = 14 : i64} {
  func.func @gather_kernel(%arg0: i32, %arg1: i32, %arg2: memref<10000x128xf32, #tpu.memory_space<hbm>>, %arg3: memref<625x128xi32, #tpu.memory_space<hbm>>, %arg4: memref<80000x128xf32, #tpu.memory_space<hbm>>, %arg5: memref<128xi32, #tpu.memory_space<vmem>>, %arg6: memref<128xi32, #tpu.memory_space<vmem>>, %arg7: memref<128xi32, #tpu.memory_space<vmem>>, %arg8: memref<128x128xf32, #tpu.memory_space<vmem>>, %arg9: memref<128x128xf32, #tpu.memory_space<vmem>>, %arg10: memref<128x128xf32, #tpu.memory_space<vmem>>, %arg11: memref<!tpu.dma_semaphore, #tpu.memory_space<semaphore_mem>>, %arg12: memref<!tpu.dma_semaphore, #tpu.memory_space<semaphore_mem>>, %arg13: memref<!tpu.dma_semaphore, #tpu.memory_space<semaphore_mem>>, %arg14: memref<!tpu.dma_semaphore, #tpu.memory_space<semaphore_mem>>, %arg15: memref<!tpu.dma_semaphore, #tpu.memory_space<semaphore_mem>>, %arg16: memref<!tpu.dma_semaphore, #tpu.memory_space<semaphore_mem>>) attributes {dimension_semantics = [#tpu.dimension_semantics<core_parallel>, #tpu.dimension_semantics<subcore_parallel>], iteration_bounds = array<i64: 2, 16>, scalar_prefetch = 0 : i64, scratch_operands = 12 : i64, tpu.core_type = #tpu.core_type<sc_vector_subcore>, window_params = [{transform_indices = #map}, {transform_indices = #map}, {transform_indices = #map}]} {
    %mul3A = arith.constant 2 : i32
    %mul3A_0 = arith.muli %arg1, %mul3A : i32
    %add3A = arith.addi %mul3A_0, %arg0 : i32
    %add3A_1 = arith.constant 0 : i32
    %add3A_2 = arith.addi %add3A, %add3A_1 : i32
    "tpu.region"() ({
      %run_scoped3A = tpu.sem_alloc : memref<!tpu.dma_semaphore, #tpu.memory_space<semaphore_mem>>
      %dma_start3A_57 = arith.constant 0 : i32
      %dma_start3A_58 = tpu.memref_slice %arg3[%add3A_2, %dma_start3A_57] : memref<625x128xi32, #tpu.memory_space<hbm>> -> memref<1x128xi32, #tpu.memory_space<hbm>>
      %dma_start3A_59 = tpu.memref_squeeze %dma_start3A_58 : memref<1x128xi32, #tpu.memory_space<hbm>> -> memref<128xi32, #tpu.memory_space<hbm>>
      %dma_start3A_60 = arith.constant 0 : i32
      %dma_start3A_61 = tpu.memref_slice %arg3[%add3A_2, %dma_start3A_60] : memref<625x128xi32, #tpu.memory_space<hbm>> -> memref<1x128xi32, #tpu.memory_space<hbm>>
      %dma_start3A_62 = tpu.memref_squeeze %dma_start3A_61 : memref<1x128xi32, #tpu.memory_space<hbm>> -> memref<128xi32, #tpu.memory_space<hbm>>
      tpu.enqueue_dma source(%dma_start3A_62 : memref<128xi32, #tpu.memory_space<hbm>>) target(%arg5 : memref<128xi32, #tpu.memory_space<vmem>>) target_semaphore(%run_scoped3A : memref<!tpu.dma_semaphore, #tpu.memory_space<semaphore_mem>>)
      %dma_wait3A_63 = arith.constant 0 : i32
      %dma_wait3A_64 = tpu.memref_slice %arg3[%add3A_2, %dma_wait3A_63] : memref<625x128xi32, #tpu.memory_space<hbm>> -> memref<1x128xi32, #tpu.memory_space<hbm>>
      %dma_wait3A_65 = tpu.memref_squeeze %dma_wait3A_64 : memref<1x128xi32, #tpu.memory_space<hbm>> -> memref<128xi32, #tpu.memory_space<hbm>>
      %dma_wait3A_66 = arith.constant 0 : i32
      %dma_wait3A_67 = tpu.memref_slice %arg3[%add3A_2, %dma_wait3A_66] : memref<625x128xi32, #tpu.memory_space<hbm>> -> memref<1x128xi32, #tpu.memory_space<hbm>>
      %dma_wait3A_68 = tpu.memref_squeeze %dma_wait3A_67 : memref<1x128xi32, #tpu.memory_space<hbm>> -> memref<128xi32, #tpu.memory_space<hbm>>
      tpu.wait_dma2 semaphore(%run_scoped3A : memref<!tpu.dma_semaphore, #tpu.memory_space<semaphore_mem>>) src(%dma_wait3A_68 : memref<128xi32, #tpu.memory_space<hbm>>) dst(%arg5 : memref<128xi32, #tpu.memory_space<vmem>>)
      tpu.yield
    }) : () -> ()
    %add3A_3 = arith.constant 32 : i32
    %add3A_4 = arith.addi %add3A, %add3A_3 : i32
    "tpu.region"() ({
      %run_scoped3A = tpu.sem_alloc : memref<!tpu.dma_semaphore, #tpu.memory_space<semaphore_mem>>
      %dma_start3A_57 = arith.constant 0 : i32
      %dma_start3A_58 = tpu.memref_slice %arg3[%add3A_4, %dma_start3A_57] : memref<625x128xi32, #tpu.memory_space<hbm>> -> memref<1x128xi32, #tpu.memory_space<hbm>>
      %dma_start3A_59 = tpu.memref_squeeze %dma_start3A_58 : memref<1x128xi32, #tpu.memory_space<hbm>> -> memref<128xi32, #tpu.memory_space<hbm>>
      %dma_start3A_60 = arith.constant 0 : i32
      %dma_start3A_61 = tpu.memref_slice %arg3[%add3A_4, %dma_start3A_60] : memref<625x128xi32, #tpu.memory_space<hbm>> -> memref<1x128xi32, #tpu.memory_space<hbm>>
      %dma_start3A_62 = tpu.memref_squeeze %dma_start3A_61 : memref<1x128xi32, #tpu.memory_space<hbm>> -> memref<128xi32, #tpu.memory_space<hbm>>
      tpu.enqueue_dma source(%dma_start3A_62 : memref<128xi32, #tpu.memory_space<hbm>>) target(%arg6 : memref<128xi32, #tpu.memory_space<vmem>>) target_semaphore(%run_scoped3A : memref<!tpu.dma_semaphore, #tpu.memory_space<semaphore_mem>>)
      %dma_wait3A_63 = arith.constant 0 : i32
      %dma_wait3A_64 = tpu.memref_slice %arg3[%add3A_4, %dma_wait3A_63] : memref<625x128xi32, #tpu.memory_space<hbm>> -> memref<1x128xi32, #tpu.memory_space<hbm>>
      %dma_wait3A_65 = tpu.memref_squeeze %dma_wait3A_64 : memref<1x128xi32, #tpu.memory_space<hbm>> -> memref<128xi32, #tpu.memory_space<hbm>>
      %dma_wait3A_66 = arith.constant 0 : i32
      %dma_wait3A_67 = tpu.memref_slice %arg3[%add3A_4, %dma_wait3A_66] : memref<625x128xi32, #tpu.memory_space<hbm>> -> memref<1x128xi32, #tpu.memory_space<hbm>>
      %dma_wait3A_68 = tpu.memref_squeeze %dma_wait3A_67 : memref<1x128xi32, #tpu.memory_space<hbm>> -> memref<128xi32, #tpu.memory_space<hbm>>
      tpu.wait_dma2 semaphore(%run_scoped3A : memref<!tpu.dma_semaphore, #tpu.memory_space<semaphore_mem>>) src(%dma_wait3A_68 : memref<128xi32, #tpu.memory_space<hbm>>) dst(%arg6 : memref<128xi32, #tpu.memory_space<vmem>>)
      tpu.yield
    }) : () -> ()
    %add3A_5 = arith.constant 64 : i32
    %add3A_6 = arith.addi %add3A, %add3A_5 : i32
    "tpu.region"() ({
      %run_scoped3A = tpu.sem_alloc : memref<!tpu.dma_semaphore, #tpu.memory_space<semaphore_mem>>
      %dma_start3A_57 = arith.constant 0 : i32
      %dma_start3A_58 = tpu.memref_slice %arg3[%add3A_6, %dma_start3A_57] : memref<625x128xi32, #tpu.memory_space<hbm>> -> memref<1x128xi32, #tpu.memory_space<hbm>>
      %dma_start3A_59 = tpu.memref_squeeze %dma_start3A_58 : memref<1x128xi32, #tpu.memory_space<hbm>> -> memref<128xi32, #tpu.memory_space<hbm>>
      %dma_start3A_60 = arith.constant 0 : i32
      %dma_start3A_61 = tpu.memref_slice %arg3[%add3A_6, %dma_start3A_60] : memref<625x128xi32, #tpu.memory_space<hbm>> -> memref<1x128xi32, #tpu.memory_space<hbm>>
      %dma_start3A_62 = tpu.memref_squeeze %dma_start3A_61 : memref<1x128xi32, #tpu.memory_space<hbm>> -> memref<128xi32, #tpu.memory_space<hbm>>
      tpu.enqueue_dma source(%dma_start3A_62 : memref<128xi32, #tpu.memory_space<hbm>>) target(%arg7 : memref<128xi32, #tpu.memory_space<vmem>>) target_semaphore(%run_scoped3A : memref<!tpu.dma_semaphore, #tpu.memory_space<semaphore_mem>>)
      %dma_wait3A_63 = arith.constant 0 : i32
      %dma_wait3A_64 = tpu.memref_slice %arg3[%add3A_6, %dma_wait3A_63] : memref<625x128xi32, #tpu.memory_space<hbm>> -> memref<1x128xi32, #tpu.memory_space<hbm>>
      %dma_wait3A_65 = tpu.memref_squeeze %dma_wait3A_64 : memref<1x128xi32, #tpu.memory_space<hbm>> -> memref<128xi32, #tpu.memory_space<hbm>>
      %dma_wait3A_66 = arith.constant 0 : i32
      %dma_wait3A_67 = tpu.memref_slice %arg3[%add3A_6, %dma_wait3A_66] : memref<625x128xi32, #tpu.memory_space<hbm>> -> memref<1x128xi32, #tpu.memory_space<hbm>>
      %dma_wait3A_68 = tpu.memref_squeeze %dma_wait3A_67 : memref<1x128xi32, #tpu.memory_space<hbm>> -> memref<128xi32, #tpu.memory_space<hbm>>
      tpu.wait_dma2 semaphore(%run_scoped3A : memref<!tpu.dma_semaphore, #tpu.memory_space<semaphore_mem>>) src(%dma_wait3A_68 : memref<128xi32, #tpu.memory_space<hbm>>) dst(%arg7 : memref<128xi32, #tpu.memory_space<vmem>>)
      tpu.yield
    }) : () -> ()
    %dma_start3A = arith.constant 0 : i32
    %dma_start3A_7 = arith.constant 0 : i32
    %dma_start3A_8 = tpu.memref_slice %arg2[%dma_start3A, %dma_start3A_7] : memref<10000x128xf32, #tpu.memory_space<hbm>> -> memref<10000x128xf32, #tpu.memory_space<hbm>>
    tpu.enqueue_indirect_dma source(%dma_start3A_8 : memref<10000x128xf32, #tpu.memory_space<hbm>>) target(%arg8 : memref<128x128xf32, #tpu.memory_space<vmem>>) offsets(%arg5 : memref<128xi32, #tpu.memory_space<vmem>>) semaphore(%arg11 : memref<!tpu.dma_semaphore, #tpu.memory_space<semaphore_mem>>)
    %scan3A = arith.constant 0 : i32
    %scan3A_9 = arith.constant 0 : i32
    %scan3A_10 = arith.constant 6 : i32
    %scan3A_11 = arith.addi %scan3A_9, %scan3A_10 : i32
    %scan3A_12 = arith.constant 1 : i32
    scf.for %scan3A_57 = %scan3A_9 to %scan3A_11 step %scan3A_12  : i32 {
      %mul3A_58 = arith.constant 3 : i32
      %mul3A_59 = arith.muli %mul3A_58, %scan3A_57 : i32
      %add3A_60 = arith.constant 0 : i32
      %add3A_61 = arith.addi %mul3A_59, %add3A_60 : i32
      %dma_wait3A_62 = arith.constant 0 : i32
      %dma_wait3A_63 = arith.constant 0 : i32
      %dma_wait3A_64 = tpu.memref_slice %arg2[%dma_wait3A_62, %dma_wait3A_63] : memref<10000x128xf32, #tpu.memory_space<hbm>> -> memref<10000x128xf32, #tpu.memory_space<hbm>>
      tpu.wait_indirect_dma semaphore(%arg11 : memref<!tpu.dma_semaphore, #tpu.memory_space<semaphore_mem>>) src(%dma_wait3A_64 : memref<10000x128xf32, #tpu.memory_space<hbm>>) dst(%arg8 : memref<128x128xf32, #tpu.memory_space<vmem>>)
      %mul3A_65 = arith.constant 32 : i32
      %mul3A_66 = arith.muli %mul3A_65, %add3A_61 : i32
      %add3A_67 = arith.addi %add3A, %mul3A_66 : i32
      %mul3A_68 = arith.constant 128 : i32
      %mul3A_69 = arith.muli %add3A_67, %mul3A_68 : i32
      %dma_start3A_70 = arith.constant 0 : i32
      %dma_start3A_71 = tpu.memref_slice %arg4[%mul3A_69, %dma_start3A_70] : memref<80000x128xf32, #tpu.memory_space<hbm>> -> memref<128x128xf32, #tpu.memory_space<hbm>>
      %dma_start3A_72 = arith.constant 0 : i32
      %dma_start3A_73 = tpu.memref_slice %arg4[%mul3A_69, %dma_start3A_72] : memref<80000x128xf32, #tpu.memory_space<hbm>> -> memref<128x128xf32, #tpu.memory_space<hbm>>
      tpu.enqueue_dma source(%arg8 : memref<128x128xf32, #tpu.memory_space<vmem>>) target(%dma_start3A_73 : memref<128x128xf32, #tpu.memory_space<hbm>>) target_semaphore(%arg14 : memref<!tpu.dma_semaphore, #tpu.memory_space<semaphore_mem>>)
      %add3A_74 = arith.constant 3 : i32
      %add3A_75 = arith.addi %add3A_61, %add3A_74 : i32
      %lt3A_76 = arith.constant 19 : i32
      %lt3A_77 = arith.cmpi slt, %add3A_75, %lt3A_76 : i32
      %add3A_78 = arith.constant 3 : i32
      %add3A_79 = arith.addi %add3A_61, %add3A_78 : i32
      %eq3A = arith.constant 19 : i32
      %eq3A_80 = arith.cmpi eq, %add3A_79, %eq3A : i32
      %lt3A_81 = arith.constant 17 : i32
      %lt3A_82 = arith.cmpi slt, %add3A, %lt3A_81 : i32
      %and3A_83 = arith.andi %eq3A_80, %lt3A_82 : i1
      %or3A_84 = arith.ori %lt3A_77, %and3A_83 : i1
      %convert_element_type3A_85 = arith.extui %or3A_84 : i1 to i32
      %cond3A_86 = arith.constant 0 : i32
      %cond3A_87 = arith.cmpi ne, %convert_element_type3A_85, %cond3A_86 : i32
      scf.if %cond3A_87 {
        %add3A_185 = arith.constant 3 : i32
        %add3A_186 = arith.addi %add3A_61, %add3A_185 : i32
        %mul3A_187 = arith.constant 32 : i32
        %mul3A_188 = arith.muli %mul3A_187, %add3A_186 : i32
        %add3A_189 = arith.addi %add3A, %mul3A_188 : i32
        "tpu.region"() ({
          %run_scoped3A = tpu.sem_alloc : memref<!tpu.dma_semaphore, #tpu.memory_space<semaphore_mem>>
          %dma_start3A_190 = arith.constant 0 : i32
          %dma_start3A_191 = tpu.memref_slice %arg3[%add3A_189, %dma_start3A_190] : memref<625x128xi32, #tpu.memory_space<hbm>> -> memref<1x128xi32, #tpu.memory_space<hbm>>
          %dma_start3A_192 = tpu.memref_squeeze %dma_start3A_191 : memref<1x128xi32, #tpu.memory_space<hbm>> -> memref<128xi32, #tpu.memory_space<hbm>>
          %dma_start3A_193 = arith.constant 0 : i32
          %dma_start3A_194 = tpu.memref_slice %arg3[%add3A_189, %dma_start3A_193] : memref<625x128xi32, #tpu.memory_space<hbm>> -> memref<1x128xi32, #tpu.memory_space<hbm>>
          %dma_start3A_195 = tpu.memref_squeeze %dma_start3A_194 : memref<1x128xi32, #tpu.memory_space<hbm>> -> memref<128xi32, #tpu.memory_space<hbm>>
          tpu.enqueue_dma source(%dma_start3A_195 : memref<128xi32, #tpu.memory_space<hbm>>) target(%arg5 : memref<128xi32, #tpu.memory_space<vmem>>) target_semaphore(%run_scoped3A : memref<!tpu.dma_semaphore, #tpu.memory_space<semaphore_mem>>)
          %dma_wait3A_196 = arith.constant 0 : i32
          %dma_wait3A_197 = tpu.memref_slice %arg3[%add3A_189, %dma_wait3A_196] : memref<625x128xi32, #tpu.memory_space<hbm>> -> memref<1x128xi32, #tpu.memory_space<hbm>>
          %dma_wait3A_198 = tpu.memref_squeeze %dma_wait3A_197 : memref<1x128xi32, #tpu.memory_space<hbm>> -> memref<128xi32, #tpu.memory_space<hbm>>
          %dma_wait3A_199 = arith.constant 0 : i32
          %dma_wait3A_200 = tpu.memref_slice %arg3[%add3A_189, %dma_wait3A_199] : memref<625x128xi32, #tpu.memory_space<hbm>> -> memref<1x128xi32, #tpu.memory_space<hbm>>
          %dma_wait3A_201 = tpu.memref_squeeze %dma_wait3A_200 : memref<1x128xi32, #tpu.memory_space<hbm>> -> memref<128xi32, #tpu.memory_space<hbm>>
          tpu.wait_dma2 semaphore(%run_scoped3A : memref<!tpu.dma_semaphore, #tpu.memory_space<semaphore_mem>>) src(%dma_wait3A_201 : memref<128xi32, #tpu.memory_space<hbm>>) dst(%arg5 : memref<128xi32, #tpu.memory_space<vmem>>)
          tpu.yield
        }) : () -> ()
      } else {
      }
      %ge3A = arith.constant 2 : i32
      %ge3A_88 = arith.cmpi sge, %add3A_61, %ge3A : i32
      %convert_element_type3A_89 = arith.extui %ge3A_88 : i1 to i32
      %cond3A_90 = arith.constant 0 : i32
      %cond3A_91 = arith.cmpi ne, %convert_element_type3A_89, %cond3A_90 : i32
      scf.if %cond3A_91 {
        %sub3A = arith.constant 2 : i32
        %sub3A_185 = arith.subi %add3A_61, %sub3A : i32
        %mul3A_186 = arith.constant 32 : i32
        %mul3A_187 = arith.muli %mul3A_186, %sub3A_185 : i32
        %add3A_188 = arith.addi %add3A, %mul3A_187 : i32
        %mul3A_189 = arith.constant 128 : i32
        %mul3A_190 = arith.muli %add3A_188, %mul3A_189 : i32
        %dma_wait3A_191 = arith.constant 0 : i32
        %dma_wait3A_192 = tpu.memref_slice %arg4[%mul3A_190, %dma_wait3A_191] : memref<80000x128xf32, #tpu.memory_space<hbm>> -> memref<128x128xf32, #tpu.memory_space<hbm>>
        %dma_wait3A_193 = arith.constant 0 : i32
        %dma_wait3A_194 = tpu.memref_slice %arg4[%mul3A_190, %dma_wait3A_193] : memref<80000x128xf32, #tpu.memory_space<hbm>> -> memref<128x128xf32, #tpu.memory_space<hbm>>
        tpu.wait_dma2 semaphore(%arg15 : memref<!tpu.dma_semaphore, #tpu.memory_space<semaphore_mem>>) src(%arg9 : memref<128x128xf32, #tpu.memory_space<vmem>>) dst(%dma_wait3A_194 : memref<128x128xf32, #tpu.memory_space<hbm>>)
      } else {
      }
      %add3A_92 = arith.constant 1 : i32
      %add3A_93 = arith.addi %add3A_61, %add3A_92 : i32
      %lt3A_94 = arith.constant 19 : i32
      %lt3A_95 = arith.cmpi slt, %add3A_93, %lt3A_94 : i32
      %convert_element_type3A_96 = arith.extui %lt3A_95 : i1 to i32
      %cond3A_97 = arith.constant 0 : i32
      %cond3A_98 = arith.cmpi ne, %convert_element_type3A_96, %cond3A_97 : i32
      scf.if %cond3A_98 {
        %dma_start3A_185 = arith.constant 0 : i32
        %dma_start3A_186 = arith.constant 0 : i32
        %dma_start3A_187 = tpu.memref_slice %arg2[%dma_start3A_185, %dma_start3A_186] : memref<10000x128xf32, #tpu.memory_space<hbm>> -> memref<10000x128xf32, #tpu.memory_space<hbm>>
        tpu.enqueue_indirect_dma source(%dma_start3A_187 : memref<10000x128xf32, #tpu.memory_space<hbm>>) target(%arg9 : memref<128x128xf32, #tpu.memory_space<vmem>>) offsets(%arg6 : memref<128xi32, #tpu.memory_space<vmem>>) semaphore(%arg12 : memref<!tpu.dma_semaphore, #tpu.memory_space<semaphore_mem>>)
      } else {
      }
      %mul3A_99 = arith.constant 3 : i32
      %mul3A_100 = arith.muli %mul3A_99, %scan3A_57 : i32
      %add3A_101 = arith.constant 1 : i32
      %add3A_102 = arith.addi %mul3A_100, %add3A_101 : i32
      %dma_wait3A_103 = arith.constant 0 : i32
      %dma_wait3A_104 = arith.constant 0 : i32
      %dma_wait3A_105 = tpu.memref_slice %arg2[%dma_wait3A_103, %dma_wait3A_104] : memref<10000x128xf32, #tpu.memory_space<hbm>> -> memref<10000x128xf32, #tpu.memory_space<hbm>>
      tpu.wait_indirect_dma semaphore(%arg12 : memref<!tpu.dma_semaphore, #tpu.memory_space<semaphore_mem>>) src(%dma_wait3A_105 : memref<10000x128xf32, #tpu.memory_space<hbm>>) dst(%arg9 : memref<128x128xf32, #tpu.memory_space<vmem>>)
      %mul3A_106 = arith.constant 32 : i32
      %mul3A_107 = arith.muli %mul3A_106, %add3A_102 : i32
      %add3A_108 = arith.addi %add3A, %mul3A_107 : i32
      %mul3A_109 = arith.constant 128 : i32
      %mul3A_110 = arith.muli %add3A_108, %mul3A_109 : i32
      %dma_start3A_111 = arith.constant 0 : i32
      %dma_start3A_112 = tpu.memref_slice %arg4[%mul3A_110, %dma_start3A_111] : memref<80000x128xf32, #tpu.memory_space<hbm>> -> memref<128x128xf32, #tpu.memory_space<hbm>>
      %dma_start3A_113 = arith.constant 0 : i32
      %dma_start3A_114 = tpu.memref_slice %arg4[%mul3A_110, %dma_start3A_113] : memref<80000x128xf32, #tpu.memory_space<hbm>> -> memref<128x128xf32, #tpu.memory_space<hbm>>
      tpu.enqueue_dma source(%arg9 : memref<128x128xf32, #tpu.memory_space<vmem>>) target(%dma_start3A_114 : memref<128x128xf32, #tpu.memory_space<hbm>>) target_semaphore(%arg15 : memref<!tpu.dma_semaphore, #tpu.memory_space<semaphore_mem>>)
      %add3A_115 = arith.constant 3 : i32
      %add3A_116 = arith.addi %add3A_102, %add3A_115 : i32
      %lt3A_117 = arith.constant 19 : i32
      %lt3A_118 = arith.cmpi slt, %add3A_116, %lt3A_117 : i32
      %add3A_119 = arith.constant 3 : i32
      %add3A_120 = arith.addi %add3A_102, %add3A_119 : i32
      %eq3A_121 = arith.constant 19 : i32
      %eq3A_122 = arith.cmpi eq, %add3A_120, %eq3A_121 : i32
      %lt3A_123 = arith.constant 17 : i32
      %lt3A_124 = arith.cmpi slt, %add3A, %lt3A_123 : i32
      %and3A_125 = arith.andi %eq3A_122, %lt3A_124 : i1
      %or3A_126 = arith.ori %lt3A_118, %and3A_125 : i1
      %convert_element_type3A_127 = arith.extui %or3A_126 : i1 to i32
      %cond3A_128 = arith.constant 0 : i32
      %cond3A_129 = arith.cmpi ne, %convert_element_type3A_127, %cond3A_128 : i32
      scf.if %cond3A_129 {
        %add3A_185 = arith.constant 3 : i32
        %add3A_186 = arith.addi %add3A_102, %add3A_185 : i32
        %mul3A_187 = arith.constant 32 : i32
        %mul3A_188 = arith.muli %mul3A_187, %add3A_186 : i32
        %add3A_189 = arith.addi %add3A, %mul3A_188 : i32
        "tpu.region"() ({
          %run_scoped3A = tpu.sem_alloc : memref<!tpu.dma_semaphore, #tpu.memory_space<semaphore_mem>>
          %dma_start3A_190 = arith.constant 0 : i32
          %dma_start3A_191 = tpu.memref_slice %arg3[%add3A_189, %dma_start3A_190] : memref<625x128xi32, #tpu.memory_space<hbm>> -> memref<1x128xi32, #tpu.memory_space<hbm>>
          %dma_start3A_192 = tpu.memref_squeeze %dma_start3A_191 : memref<1x128xi32, #tpu.memory_space<hbm>> -> memref<128xi32, #tpu.memory_space<hbm>>
          %dma_start3A_193 = arith.constant 0 : i32
          %dma_start3A_194 = tpu.memref_slice %arg3[%add3A_189, %dma_start3A_193] : memref<625x128xi32, #tpu.memory_space<hbm>> -> memref<1x128xi32, #tpu.memory_space<hbm>>
          %dma_start3A_195 = tpu.memref_squeeze %dma_start3A_194 : memref<1x128xi32, #tpu.memory_space<hbm>> -> memref<128xi32, #tpu.memory_space<hbm>>
          tpu.enqueue_dma source(%dma_start3A_195 : memref<128xi32, #tpu.memory_space<hbm>>) target(%arg6 : memref<128xi32, #tpu.memory_space<vmem>>) target_semaphore(%run_scoped3A : memref<!tpu.dma_semaphore, #tpu.memory_space<semaphore_mem>>)
          %dma_wait3A_196 = arith.constant 0 : i32
          %dma_wait3A_197 = tpu.memref_slice %arg3[%add3A_189, %dma_wait3A_196] : memref<625x128xi32, #tpu.memory_space<hbm>> -> memref<1x128xi32, #tpu.memory_space<hbm>>
          %dma_wait3A_198 = tpu.memref_squeeze %dma_wait3A_197 : memref<1x128xi32, #tpu.memory_space<hbm>> -> memref<128xi32, #tpu.memory_space<hbm>>
          %dma_wait3A_199 = arith.constant 0 : i32
          %dma_wait3A_200 = tpu.memref_slice %arg3[%add3A_189, %dma_wait3A_199] : memref<625x128xi32, #tpu.memory_space<hbm>> -> memref<1x128xi32, #tpu.memory_space<hbm>>
          %dma_wait3A_201 = tpu.memref_squeeze %dma_wait3A_200 : memref<1x128xi32, #tpu.memory_space<hbm>> -> memref<128xi32, #tpu.memory_space<hbm>>
          tpu.wait_dma2 semaphore(%run_scoped3A : memref<!tpu.dma_semaphore, #tpu.memory_space<semaphore_mem>>) src(%dma_wait3A_201 : memref<128xi32, #tpu.memory_space<hbm>>) dst(%arg6 : memref<128xi32, #tpu.memory_space<vmem>>)
          tpu.yield
        }) : () -> ()
      } else {
      }
      %ge3A_130 = arith.constant 2 : i32
      %ge3A_131 = arith.cmpi sge, %add3A_102, %ge3A_130 : i32
      %convert_element_type3A_132 = arith.extui %ge3A_131 : i1 to i32
      %cond3A_133 = arith.constant 0 : i32
      %cond3A_134 = arith.cmpi ne, %convert_element_type3A_132, %cond3A_133 : i32
      scf.if %cond3A_134 {
        %sub3A = arith.constant 2 : i32
        %sub3A_185 = arith.subi %add3A_102, %sub3A : i32
        %mul3A_186 = arith.constant 32 : i32
        %mul3A_187 = arith.muli %mul3A_186, %sub3A_185 : i32
        %add3A_188 = arith.addi %add3A, %mul3A_187 : i32
        %mul3A_189 = arith.constant 128 : i32
        %mul3A_190 = arith.muli %add3A_188, %mul3A_189 : i32
        %dma_wait3A_191 = arith.constant 0 : i32
        %dma_wait3A_192 = tpu.memref_slice %arg4[%mul3A_190, %dma_wait3A_191] : memref<80000x128xf32, #tpu.memory_space<hbm>> -> memref<128x128xf32, #tpu.memory_space<hbm>>
        %dma_wait3A_193 = arith.constant 0 : i32
        %dma_wait3A_194 = tpu.memref_slice %arg4[%mul3A_190, %dma_wait3A_193] : memref<80000x128xf32, #tpu.memory_space<hbm>> -> memref<128x128xf32, #tpu.memory_space<hbm>>
        tpu.wait_dma2 semaphore(%arg16 : memref<!tpu.dma_semaphore, #tpu.memory_space<semaphore_mem>>) src(%arg10 : memref<128x128xf32, #tpu.memory_space<vmem>>) dst(%dma_wait3A_194 : memref<128x128xf32, #tpu.memory_space<hbm>>)
      } else {
      }
      %add3A_135 = arith.constant 1 : i32
      %add3A_136 = arith.addi %add3A_102, %add3A_135 : i32
      %lt3A_137 = arith.constant 19 : i32
      %lt3A_138 = arith.cmpi slt, %add3A_136, %lt3A_137 : i32
      %convert_element_type3A_139 = arith.extui %lt3A_138 : i1 to i32
      %cond3A_140 = arith.constant 0 : i32
      %cond3A_141 = arith.cmpi ne, %convert_element_type3A_139, %cond3A_140 : i32
      scf.if %cond3A_141 {
        %dma_start3A_185 = arith.constant 0 : i32
        %dma_start3A_186 = arith.constant 0 : i32
        %dma_start3A_187 = tpu.memref_slice %arg2[%dma_start3A_185, %dma_start3A_186] : memref<10000x128xf32, #tpu.memory_space<hbm>> -> memref<10000x128xf32, #tpu.memory_space<hbm>>
        tpu.enqueue_indirect_dma source(%dma_start3A_187 : memref<10000x128xf32, #tpu.memory_space<hbm>>) target(%arg10 : memref<128x128xf32, #tpu.memory_space<vmem>>) offsets(%arg7 : memref<128xi32, #tpu.memory_space<vmem>>) semaphore(%arg13 : memref<!tpu.dma_semaphore, #tpu.memory_space<semaphore_mem>>)
      } else {
      }
      %mul3A_142 = arith.constant 3 : i32
      %mul3A_143 = arith.muli %mul3A_142, %scan3A_57 : i32
      %add3A_144 = arith.constant 2 : i32
      %add3A_145 = arith.addi %mul3A_143, %add3A_144 : i32
      %dma_wait3A_146 = arith.constant 0 : i32
      %dma_wait3A_147 = arith.constant 0 : i32
      %dma_wait3A_148 = tpu.memref_slice %arg2[%dma_wait3A_146, %dma_wait3A_147] : memref<10000x128xf32, #tpu.memory_space<hbm>> -> memref<10000x128xf32, #tpu.memory_space<hbm>>
      tpu.wait_indirect_dma semaphore(%arg13 : memref<!tpu.dma_semaphore, #tpu.memory_space<semaphore_mem>>) src(%dma_wait3A_148 : memref<10000x128xf32, #tpu.memory_space<hbm>>) dst(%arg10 : memref<128x128xf32, #tpu.memory_space<vmem>>)
      %mul3A_149 = arith.constant 32 : i32
      %mul3A_150 = arith.muli %mul3A_149, %add3A_145 : i32
      %add3A_151 = arith.addi %add3A, %mul3A_150 : i32
      %mul3A_152 = arith.constant 128 : i32
      %mul3A_153 = arith.muli %add3A_151, %mul3A_152 : i32
      %dma_start3A_154 = arith.constant 0 : i32
      %dma_start3A_155 = tpu.memref_slice %arg4[%mul3A_153, %dma_start3A_154] : memref<80000x128xf32, #tpu.memory_space<hbm>> -> memref<128x128xf32, #tpu.memory_space<hbm>>
      %dma_start3A_156 = arith.constant 0 : i32
      %dma_start3A_157 = tpu.memref_slice %arg4[%mul3A_153, %dma_start3A_156] : memref<80000x128xf32, #tpu.memory_space<hbm>> -> memref<128x128xf32, #tpu.memory_space<hbm>>
      tpu.enqueue_dma source(%arg10 : memref<128x128xf32, #tpu.memory_space<vmem>>) target(%dma_start3A_157 : memref<128x128xf32, #tpu.memory_space<hbm>>) target_semaphore(%arg16 : memref<!tpu.dma_semaphore, #tpu.memory_space<semaphore_mem>>)
      %add3A_158 = arith.constant 3 : i32
      %add3A_159 = arith.addi %add3A_145, %add3A_158 : i32
      %lt3A_160 = arith.constant 19 : i32
      %lt3A_161 = arith.cmpi slt, %add3A_159, %lt3A_160 : i32
      %add3A_162 = arith.constant 3 : i32
      %add3A_163 = arith.addi %add3A_145, %add3A_162 : i32
      %eq3A_164 = arith.constant 19 : i32
      %eq3A_165 = arith.cmpi eq, %add3A_163, %eq3A_164 : i32
      %lt3A_166 = arith.constant 17 : i32
      %lt3A_167 = arith.cmpi slt, %add3A, %lt3A_166 : i32
      %and3A_168 = arith.andi %eq3A_165, %lt3A_167 : i1
      %or3A_169 = arith.ori %lt3A_161, %and3A_168 : i1
      %convert_element_type3A_170 = arith.extui %or3A_169 : i1 to i32
      %cond3A_171 = arith.constant 0 : i32
      %cond3A_172 = arith.cmpi ne, %convert_element_type3A_170, %cond3A_171 : i32
      scf.if %cond3A_172 {
        %add3A_185 = arith.constant 3 : i32
        %add3A_186 = arith.addi %add3A_145, %add3A_185 : i32
        %mul3A_187 = arith.constant 32 : i32
        %mul3A_188 = arith.muli %mul3A_187, %add3A_186 : i32
        %add3A_189 = arith.addi %add3A, %mul3A_188 : i32
        "tpu.region"() ({
          %run_scoped3A = tpu.sem_alloc : memref<!tpu.dma_semaphore, #tpu.memory_space<semaphore_mem>>
          %dma_start3A_190 = arith.constant 0 : i32
          %dma_start3A_191 = tpu.memref_slice %arg3[%add3A_189, %dma_start3A_190] : memref<625x128xi32, #tpu.memory_space<hbm>> -> memref<1x128xi32, #tpu.memory_space<hbm>>
          %dma_start3A_192 = tpu.memref_squeeze %dma_start3A_191 : memref<1x128xi32, #tpu.memory_space<hbm>> -> memref<128xi32, #tpu.memory_space<hbm>>
          %dma_start3A_193 = arith.constant 0 : i32
          %dma_start3A_194 = tpu.memref_slice %arg3[%add3A_189, %dma_start3A_193] : memref<625x128xi32, #tpu.memory_space<hbm>> -> memref<1x128xi32, #tpu.memory_space<hbm>>
          %dma_start3A_195 = tpu.memref_squeeze %dma_start3A_194 : memref<1x128xi32, #tpu.memory_space<hbm>> -> memref<128xi32, #tpu.memory_space<hbm>>
          tpu.enqueue_dma source(%dma_start3A_195 : memref<128xi32, #tpu.memory_space<hbm>>) target(%arg7 : memref<128xi32, #tpu.memory_space<vmem>>) target_semaphore(%run_scoped3A : memref<!tpu.dma_semaphore, #tpu.memory_space<semaphore_mem>>)
          %dma_wait3A_196 = arith.constant 0 : i32
          %dma_wait3A_197 = tpu.memref_slice %arg3[%add3A_189, %dma_wait3A_196] : memref<625x128xi32, #tpu.memory_space<hbm>> -> memref<1x128xi32, #tpu.memory_space<hbm>>
          %dma_wait3A_198 = tpu.memref_squeeze %dma_wait3A_197 : memref<1x128xi32, #tpu.memory_space<hbm>> -> memref<128xi32, #tpu.memory_space<hbm>>
          %dma_wait3A_199 = arith.constant 0 : i32
          %dma_wait3A_200 = tpu.memref_slice %arg3[%add3A_189, %dma_wait3A_199] : memref<625x128xi32, #tpu.memory_space<hbm>> -> memref<1x128xi32, #tpu.memory_space<hbm>>
          %dma_wait3A_201 = tpu.memref_squeeze %dma_wait3A_200 : memref<1x128xi32, #tpu.memory_space<hbm>> -> memref<128xi32, #tpu.memory_space<hbm>>
          tpu.wait_dma2 semaphore(%run_scoped3A : memref<!tpu.dma_semaphore, #tpu.memory_space<semaphore_mem>>) src(%dma_wait3A_201 : memref<128xi32, #tpu.memory_space<hbm>>) dst(%arg7 : memref<128xi32, #tpu.memory_space<vmem>>)
          tpu.yield
        }) : () -> ()
      } else {
      }
      %ge3A_173 = arith.constant 2 : i32
      %ge3A_174 = arith.cmpi sge, %add3A_145, %ge3A_173 : i32
      %convert_element_type3A_175 = arith.extui %ge3A_174 : i1 to i32
      %cond3A_176 = arith.constant 0 : i32
      %cond3A_177 = arith.cmpi ne, %convert_element_type3A_175, %cond3A_176 : i32
      scf.if %cond3A_177 {
        %sub3A = arith.constant 2 : i32
        %sub3A_185 = arith.subi %add3A_145, %sub3A : i32
        %mul3A_186 = arith.constant 32 : i32
        %mul3A_187 = arith.muli %mul3A_186, %sub3A_185 : i32
        %add3A_188 = arith.addi %add3A, %mul3A_187 : i32
        %mul3A_189 = arith.constant 128 : i32
        %mul3A_190 = arith.muli %add3A_188, %mul3A_189 : i32
        %dma_wait3A_191 = arith.constant 0 : i32
        %dma_wait3A_192 = tpu.memref_slice %arg4[%mul3A_190, %dma_wait3A_191] : memref<80000x128xf32, #tpu.memory_space<hbm>> -> memref<128x128xf32, #tpu.memory_space<hbm>>
        %dma_wait3A_193 = arith.constant 0 : i32
        %dma_wait3A_194 = tpu.memref_slice %arg4[%mul3A_190, %dma_wait3A_193] : memref<80000x128xf32, #tpu.memory_space<hbm>> -> memref<128x128xf32, #tpu.memory_space<hbm>>
        tpu.wait_dma2 semaphore(%arg14 : memref<!tpu.dma_semaphore, #tpu.memory_space<semaphore_mem>>) src(%arg8 : memref<128x128xf32, #tpu.memory_space<vmem>>) dst(%dma_wait3A_194 : memref<128x128xf32, #tpu.memory_space<hbm>>)
      } else {
      }
      %add3A_178 = arith.constant 1 : i32
      %add3A_179 = arith.addi %add3A_145, %add3A_178 : i32
      %lt3A_180 = arith.constant 19 : i32
      %lt3A_181 = arith.cmpi slt, %add3A_179, %lt3A_180 : i32
      %convert_element_type3A_182 = arith.extui %lt3A_181 : i1 to i32
      %cond3A_183 = arith.constant 0 : i32
      %cond3A_184 = arith.cmpi ne, %convert_element_type3A_182, %cond3A_183 : i32
      scf.if %cond3A_184 {
        %dma_start3A_185 = arith.constant 0 : i32
        %dma_start3A_186 = arith.constant 0 : i32
        %dma_start3A_187 = tpu.memref_slice %arg2[%dma_start3A_185, %dma_start3A_186] : memref<10000x128xf32, #tpu.memory_space<hbm>> -> memref<10000x128xf32, #tpu.memory_space<hbm>>
        tpu.enqueue_indirect_dma source(%dma_start3A_187 : memref<10000x128xf32, #tpu.memory_space<hbm>>) target(%arg8 : memref<128x128xf32, #tpu.memory_space<vmem>>) offsets(%arg5 : memref<128xi32, #tpu.memory_space<vmem>>) semaphore(%arg11 : memref<!tpu.dma_semaphore, #tpu.memory_space<semaphore_mem>>)
      } else {
      }
    }
    %scan3A_13 = arith.constant 6 : i32
    %dma_wait3A = arith.constant 0 : i32
    %dma_wait3A_14 = arith.constant 0 : i32
    %dma_wait3A_15 = tpu.memref_slice %arg2[%dma_wait3A, %dma_wait3A_14] : memref<10000x128xf32, #tpu.memory_space<hbm>> -> memref<10000x128xf32, #tpu.memory_space<hbm>>
    tpu.wait_indirect_dma semaphore(%arg11 : memref<!tpu.dma_semaphore, #tpu.memory_space<semaphore_mem>>) src(%dma_wait3A_15 : memref<10000x128xf32, #tpu.memory_space<hbm>>) dst(%arg8 : memref<128x128xf32, #tpu.memory_space<vmem>>)
    %add3A_16 = arith.constant 576 : i32
    %add3A_17 = arith.addi %add3A, %add3A_16 : i32
    %mul3A_18 = arith.constant 128 : i32
    %mul3A_19 = arith.muli %add3A_17, %mul3A_18 : i32
    %dma_start3A_20 = arith.constant 0 : i32
    %dma_start3A_21 = tpu.memref_slice %arg4[%mul3A_19, %dma_start3A_20] : memref<80000x128xf32, #tpu.memory_space<hbm>> -> memref<128x128xf32, #tpu.memory_space<hbm>>
    %dma_start3A_22 = arith.constant 0 : i32
    %dma_start3A_23 = tpu.memref_slice %arg4[%mul3A_19, %dma_start3A_22] : memref<80000x128xf32, #tpu.memory_space<hbm>> -> memref<128x128xf32, #tpu.memory_space<hbm>>
    tpu.enqueue_dma source(%arg8 : memref<128x128xf32, #tpu.memory_space<vmem>>) target(%dma_start3A_23 : memref<128x128xf32, #tpu.memory_space<hbm>>) target_semaphore(%arg14 : memref<!tpu.dma_semaphore, #tpu.memory_space<semaphore_mem>>)
    %lt3A = arith.constant 17 : i32
    %lt3A_24 = arith.cmpi slt, %add3A, %lt3A : i32
    %and3A = arith.constant false
    %and3A_25 = arith.andi %and3A, %lt3A_24 : i1
    %or3A = arith.constant false
    %or3A_26 = arith.ori %or3A, %and3A_25 : i1
    %convert_element_type3A = arith.extui %or3A_26 : i1 to i32
    %cond3A = arith.constant 0 : i32
    %cond3A_27 = arith.cmpi ne, %convert_element_type3A, %cond3A : i32
    scf.if %cond3A_27 {
      %add3A_57 = arith.constant 672 : i32
      %add3A_58 = arith.addi %add3A, %add3A_57 : i32
      "tpu.region"() ({
        %run_scoped3A = tpu.sem_alloc : memref<!tpu.dma_semaphore, #tpu.memory_space<semaphore_mem>>
        %dma_start3A_59 = arith.constant 0 : i32
        %dma_start3A_60 = tpu.memref_slice %arg3[%add3A_58, %dma_start3A_59] : memref<625x128xi32, #tpu.memory_space<hbm>> -> memref<1x128xi32, #tpu.memory_space<hbm>>
        %dma_start3A_61 = tpu.memref_squeeze %dma_start3A_60 : memref<1x128xi32, #tpu.memory_space<hbm>> -> memref<128xi32, #tpu.memory_space<hbm>>
        %dma_start3A_62 = arith.constant 0 : i32
        %dma_start3A_63 = tpu.memref_slice %arg3[%add3A_58, %dma_start3A_62] : memref<625x128xi32, #tpu.memory_space<hbm>> -> memref<1x128xi32, #tpu.memory_space<hbm>>
        %dma_start3A_64 = tpu.memref_squeeze %dma_start3A_63 : memref<1x128xi32, #tpu.memory_space<hbm>> -> memref<128xi32, #tpu.memory_space<hbm>>
        tpu.enqueue_dma source(%dma_start3A_64 : memref<128xi32, #tpu.memory_space<hbm>>) target(%arg5 : memref<128xi32, #tpu.memory_space<vmem>>) target_semaphore(%run_scoped3A : memref<!tpu.dma_semaphore, #tpu.memory_space<semaphore_mem>>)
        %dma_wait3A_65 = arith.constant 0 : i32
        %dma_wait3A_66 = tpu.memref_slice %arg3[%add3A_58, %dma_wait3A_65] : memref<625x128xi32, #tpu.memory_space<hbm>> -> memref<1x128xi32, #tpu.memory_space<hbm>>
        %dma_wait3A_67 = tpu.memref_squeeze %dma_wait3A_66 : memref<1x128xi32, #tpu.memory_space<hbm>> -> memref<128xi32, #tpu.memory_space<hbm>>
        %dma_wait3A_68 = arith.constant 0 : i32
        %dma_wait3A_69 = tpu.memref_slice %arg3[%add3A_58, %dma_wait3A_68] : memref<625x128xi32, #tpu.memory_space<hbm>> -> memref<1x128xi32, #tpu.memory_space<hbm>>
        %dma_wait3A_70 = tpu.memref_squeeze %dma_wait3A_69 : memref<1x128xi32, #tpu.memory_space<hbm>> -> memref<128xi32, #tpu.memory_space<hbm>>
        tpu.wait_dma2 semaphore(%run_scoped3A : memref<!tpu.dma_semaphore, #tpu.memory_space<semaphore_mem>>) src(%dma_wait3A_70 : memref<128xi32, #tpu.memory_space<hbm>>) dst(%arg5 : memref<128xi32, #tpu.memory_space<vmem>>)
        tpu.yield
      }) : () -> ()
    } else {
    }
    %add3A_28 = arith.constant 512 : i32
    %add3A_29 = arith.addi %add3A, %add3A_28 : i32
    %mul3A_30 = arith.constant 128 : i32
    %mul3A_31 = arith.muli %add3A_29, %mul3A_30 : i32
    %dma_wait3A_32 = arith.constant 0 : i32
    %dma_wait3A_33 = tpu.memref_slice %arg4[%mul3A_31, %dma_wait3A_32] : memref<80000x128xf32, #tpu.memory_space<hbm>> -> memref<128x128xf32, #tpu.memory_space<hbm>>
    %dma_wait3A_34 = arith.constant 0 : i32
    %dma_wait3A_35 = tpu.memref_slice %arg4[%mul3A_31, %dma_wait3A_34] : memref<80000x128xf32, #tpu.memory_space<hbm>> -> memref<128x128xf32, #tpu.memory_space<hbm>>
    tpu.wait_dma2 semaphore(%arg15 : memref<!tpu.dma_semaphore, #tpu.memory_space<semaphore_mem>>) src(%arg9 : memref<128x128xf32, #tpu.memory_space<vmem>>) dst(%dma_wait3A_35 : memref<128x128xf32, #tpu.memory_space<hbm>>)
    %add3A_36 = arith.constant 544 : i32
    %add3A_37 = arith.addi %add3A, %add3A_36 : i32
    %mul3A_38 = arith.constant 128 : i32
    %mul3A_39 = arith.muli %add3A_37, %mul3A_38 : i32
    %dma_wait3A_40 = arith.constant 0 : i32
    %dma_wait3A_41 = tpu.memref_slice %arg4[%mul3A_39, %dma_wait3A_40] : memref<80000x128xf32, #tpu.memory_space<hbm>> -> memref<128x128xf32, #tpu.memory_space<hbm>>
    %dma_wait3A_42 = arith.constant 0 : i32
    %dma_wait3A_43 = tpu.memref_slice %arg4[%mul3A_39, %dma_wait3A_42] : memref<80000x128xf32, #tpu.memory_space<hbm>> -> memref<128x128xf32, #tpu.memory_space<hbm>>
    tpu.wait_dma2 semaphore(%arg16 : memref<!tpu.dma_semaphore, #tpu.memory_space<semaphore_mem>>) src(%arg10 : memref<128x128xf32, #tpu.memory_space<vmem>>) dst(%dma_wait3A_43 : memref<128x128xf32, #tpu.memory_space<hbm>>)
    %add3A_44 = arith.constant 576 : i32
    %add3A_45 = arith.addi %add3A, %add3A_44 : i32
    %mul3A_46 = arith.constant 128 : i32
    %mul3A_47 = arith.muli %add3A_45, %mul3A_46 : i32
    %dma_wait3A_48 = arith.constant 0 : i32
    %dma_wait3A_49 = tpu.memref_slice %arg4[%mul3A_47, %dma_wait3A_48] : memref<80000x128xf32, #tpu.memory_space<hbm>> -> memref<128x128xf32, #tpu.memory_space<hbm>>
    %dma_wait3A_50 = arith.constant 0 : i32
    %dma_wait3A_51 = tpu.memref_slice %arg4[%mul3A_47, %dma_wait3A_50] : memref<80000x128xf32, #tpu.memory_space<hbm>> -> memref<128x128xf32, #tpu.memory_space<hbm>>
    tpu.wait_dma2 semaphore(%arg14 : memref<!tpu.dma_semaphore, #tpu.memory_space<semaphore_mem>>) src(%arg8 : memref<128x128xf32, #tpu.memory_space<vmem>>) dst(%dma_wait3A_51 : memref<128x128xf32, #tpu.memory_space<hbm>>)
    %lt3A_52 = arith.constant 17 : i32
    %lt3A_53 = arith.cmpi slt, %add3A, %lt3A_52 : i32
    %convert_element_type3A_54 = arith.extui %lt3A_53 : i1 to i32
    %cond3A_55 = arith.constant 0 : i32
    %cond3A_56 = arith.cmpi ne, %convert_element_type3A_54, %cond3A_55 : i32
    scf.if %cond3A_56 {
      %dma_start3A_57 = arith.constant 0 : i32
      %dma_start3A_58 = arith.constant 0 : i32
      %dma_start3A_59 = tpu.memref_slice %arg2[%dma_start3A_57, %dma_start3A_58] : memref<10000x128xf32, #tpu.memory_space<hbm>> -> memref<10000x128xf32, #tpu.memory_space<hbm>>
      tpu.enqueue_indirect_dma source(%dma_start3A_59 : memref<10000x128xf32, #tpu.memory_space<hbm>>) target(%arg9 : memref<128x128xf32, #tpu.memory_space<vmem>>) offsets(%arg6 : memref<128xi32, #tpu.memory_space<vmem>>) semaphore(%arg12 : memref<!tpu.dma_semaphore, #tpu.memory_space<semaphore_mem>>)
      %dma_wait3A_60 = arith.constant 0 : i32
      %dma_wait3A_61 = arith.constant 0 : i32
      %dma_wait3A_62 = tpu.memref_slice %arg2[%dma_wait3A_60, %dma_wait3A_61] : memref<10000x128xf32, #tpu.memory_space<hbm>> -> memref<10000x128xf32, #tpu.memory_space<hbm>>
      tpu.wait_indirect_dma semaphore(%arg12 : memref<!tpu.dma_semaphore, #tpu.memory_space<semaphore_mem>>) src(%dma_wait3A_62 : memref<10000x128xf32, #tpu.memory_space<hbm>>) dst(%arg9 : memref<128x128xf32, #tpu.memory_space<vmem>>)
      %add3A_63 = arith.constant 608 : i32
      %add3A_64 = arith.addi %add3A, %add3A_63 : i32
      %mul3A_65 = arith.constant 128 : i32
      %mul3A_66 = arith.muli %add3A_64, %mul3A_65 : i32
      %dma_start3A_67 = arith.constant 0 : i32
      %dma_start3A_68 = tpu.memref_slice %arg4[%mul3A_66, %dma_start3A_67] : memref<80000x128xf32, #tpu.memory_space<hbm>> -> memref<128x128xf32, #tpu.memory_space<hbm>>
      %dma_start3A_69 = arith.constant 0 : i32
      %dma_start3A_70 = tpu.memref_slice %arg4[%mul3A_66, %dma_start3A_69] : memref<80000x128xf32, #tpu.memory_space<hbm>> -> memref<128x128xf32, #tpu.memory_space<hbm>>
      tpu.enqueue_dma source(%arg9 : memref<128x128xf32, #tpu.memory_space<vmem>>) target(%dma_start3A_70 : memref<128x128xf32, #tpu.memory_space<hbm>>) target_semaphore(%arg15 : memref<!tpu.dma_semaphore, #tpu.memory_space<semaphore_mem>>)
      %add3A_71 = arith.constant 608 : i32
      %add3A_72 = arith.addi %add3A, %add3A_71 : i32
      %mul3A_73 = arith.constant 128 : i32
      %mul3A_74 = arith.muli %add3A_72, %mul3A_73 : i32
      %dma_wait3A_75 = arith.constant 0 : i32
      %dma_wait3A_76 = tpu.memref_slice %arg4[%mul3A_74, %dma_wait3A_75] : memref<80000x128xf32, #tpu.memory_space<hbm>> -> memref<128x128xf32, #tpu.memory_space<hbm>>
      %dma_wait3A_77 = arith.constant 0 : i32
      %dma_wait3A_78 = tpu.memref_slice %arg4[%mul3A_74, %dma_wait3A_77] : memref<80000x128xf32, #tpu.memory_space<hbm>> -> memref<128x128xf32, #tpu.memory_space<hbm>>
      tpu.wait_dma2 semaphore(%arg15 : memref<!tpu.dma_semaphore, #tpu.memory_space<semaphore_mem>>) src(%arg9 : memref<128x128xf32, #tpu.memory_space<vmem>>) dst(%dma_wait3A_78 : memref<128x128xf32, #tpu.memory_space<hbm>>)
    } else {
    }
    return
  }
}

#map = affine_map<(d0, d1) -> (0, 0)>
module attributes {stable_mosaic.version = 14 : i64} {
  func.func @gather_kernel(%arg0: i32, %arg1: i32, %arg2: memref<10000x256xf32, #tpu.memory_space<hbm>>, %arg3: memref<625x128xi32, #tpu.memory_space<hbm>>, %arg4: memref<80000x256xf32, #tpu.memory_space<hbm>>, %arg5: memref<128xi32, #tpu.memory_space<vmem>>, %arg6: memref<128xi32, #tpu.memory_space<vmem>>, %arg7: memref<128xi32, #tpu.memory_space<vmem>>, %arg8: memref<128x256xf32, #tpu.memory_space<vmem>>, %arg9: memref<128x256xf32, #tpu.memory_space<vmem>>, %arg10: memref<128x256xf32, #tpu.memory_space<vmem>>, %arg11: memref<!tpu.dma_semaphore, #tpu.memory_space<semaphore_mem>>, %arg12: memref<!tpu.dma_semaphore, #tpu.memory_space<semaphore_mem>>, %arg13: memref<!tpu.dma_semaphore, #tpu.memory_space<semaphore_mem>>, %arg14: memref<!tpu.dma_semaphore, #tpu.memory_space<semaphore_mem>>, %arg15: memref<!tpu.dma_semaphore, #tpu.memory_space<semaphore_mem>>, %arg16: memref<!tpu.dma_semaphore, #tpu.memory_space<semaphore_mem>>) attributes {dimension_semantics = [#tpu.dimension_semantics<core_parallel>, #tpu.dimension_semantics<subcore_parallel>], iteration_bounds = array<i64: 2, 16>, scalar_prefetch = 0 : i64, scratch_operands = 12 : i64, tpu.core_type = #tpu.core_type<sc_vector_subcore>, window_params = [{transform_indices = #map}, {transform_indices = #map}, {transform_indices = #map}]} {
    %mul3A = arith.constant 2 : i32
    %mul3A_0 = arith.muli %arg1, %mul3A : i32
    %add3A = arith.addi %mul3A_0, %arg0 : i32
    %add3A_1 = arith.constant 0 : i32
    %add3A_2 = arith.addi %add3A, %add3A_1 : i32
    "tpu.region"() ({
      %run_scoped3A = tpu.sem_alloc : memref<!tpu.dma_semaphore, #tpu.memory_space<semaphore_mem>>
      %dma_start3A_57 = arith.constant 0 : i32
      %dma_start3A_58 = tpu.memref_slice %arg3[%add3A_2, %dma_start3A_57] : memref<625x128xi32, #tpu.memory_space<hbm>> -> memref<1x128xi32, #tpu.memory_space<hbm>>
      %dma_start3A_59 = tpu.memref_squeeze %dma_start3A_58 : memref<1x128xi32, #tpu.memory_space<hbm>> -> memref<128xi32, #tpu.memory_space<hbm>>
      %dma_start3A_60 = arith.constant 0 : i32
      %dma_start3A_61 = tpu.memref_slice %arg3[%add3A_2, %dma_start3A_60] : memref<625x128xi32, #tpu.memory_space<hbm>> -> memref<1x128xi32, #tpu.memory_space<hbm>>
      %dma_start3A_62 = tpu.memref_squeeze %dma_start3A_61 : memref<1x128xi32, #tpu.memory_space<hbm>> -> memref<128xi32, #tpu.memory_space<hbm>>
      tpu.enqueue_dma source(%dma_start3A_62 : memref<128xi32, #tpu.memory_space<hbm>>) target(%arg5 : memref<128xi32, #tpu.memory_space<vmem>>) target_semaphore(%run_scoped3A : memref<!tpu.dma_semaphore, #tpu.memory_space<semaphore_mem>>)
      %dma_wait3A_63 = arith.constant 0 : i32
      %dma_wait3A_64 = tpu.memref_slice %arg3[%add3A_2, %dma_wait3A_63] : memref<625x128xi32, #tpu.memory_space<hbm>> -> memref<1x128xi32, #tpu.memory_space<hbm>>
      %dma_wait3A_65 = tpu.memref_squeeze %dma_wait3A_64 : memref<1x128xi32, #tpu.memory_space<hbm>> -> memref<128xi32, #tpu.memory_space<hbm>>
      %dma_wait3A_66 = arith.constant 0 : i32
      %dma_wait3A_67 = tpu.memref_slice %arg3[%add3A_2, %dma_wait3A_66] : memref<625x128xi32, #tpu.memory_space<hbm>> -> memref<1x128xi32, #tpu.memory_space<hbm>>
      %dma_wait3A_68 = tpu.memref_squeeze %dma_wait3A_67 : memref<1x128xi32, #tpu.memory_space<hbm>> -> memref<128xi32, #tpu.memory_space<hbm>>
      tpu.wait_dma2 semaphore(%run_scoped3A : memref<!tpu.dma_semaphore, #tpu.memory_space<semaphore_mem>>) src(%dma_wait3A_68 : memref<128xi32, #tpu.memory_space<hbm>>) dst(%arg5 : memref<128xi32, #tpu.memory_space<vmem>>)
      tpu.yield
    }) : () -> ()
    %add3A_3 = arith.constant 32 : i32
    %add3A_4 = arith.addi %add3A, %add3A_3 : i32
    "tpu.region"() ({
      %run_scoped3A = tpu.sem_alloc : memref<!tpu.dma_semaphore, #tpu.memory_space<semaphore_mem>>
      %dma_start3A_57 = arith.constant 0 : i32
      %dma_start3A_58 = tpu.memref_slice %arg3[%add3A_4, %dma_start3A_57] : memref<625x128xi32, #tpu.memory_space<hbm>> -> memref<1x128xi32, #tpu.memory_space<hbm>>
      %dma_start3A_59 = tpu.memref_squeeze %dma_start3A_58 : memref<1x128xi32, #tpu.memory_space<hbm>> -> memref<128xi32, #tpu.memory_space<hbm>>
      %dma_start3A_60 = arith.constant 0 : i32
      %dma_start3A_61 = tpu.memref_slice %arg3[%add3A_4, %dma_start3A_60] : memref<625x128xi32, #tpu.memory_space<hbm>> -> memref<1x128xi32, #tpu.memory_space<hbm>>
      %dma_start3A_62 = tpu.memref_squeeze %dma_start3A_61 : memref<1x128xi32, #tpu.memory_space<hbm>> -> memref<128xi32, #tpu.memory_space<hbm>>
      tpu.enqueue_dma source(%dma_start3A_62 : memref<128xi32, #tpu.memory_space<hbm>>) target(%arg6 : memref<128xi32, #tpu.memory_space<vmem>>) target_semaphore(%run_scoped3A : memref<!tpu.dma_semaphore, #tpu.memory_space<semaphore_mem>>)
      %dma_wait3A_63 = arith.constant 0 : i32
      %dma_wait3A_64 = tpu.memref_slice %arg3[%add3A_4, %dma_wait3A_63] : memref<625x128xi32, #tpu.memory_space<hbm>> -> memref<1x128xi32, #tpu.memory_space<hbm>>
      %dma_wait3A_65 = tpu.memref_squeeze %dma_wait3A_64 : memref<1x128xi32, #tpu.memory_space<hbm>> -> memref<128xi32, #tpu.memory_space<hbm>>
      %dma_wait3A_66 = arith.constant 0 : i32
      %dma_wait3A_67 = tpu.memref_slice %arg3[%add3A_4, %dma_wait3A_66] : memref<625x128xi32, #tpu.memory_space<hbm>> -> memref<1x128xi32, #tpu.memory_space<hbm>>
      %dma_wait3A_68 = tpu.memref_squeeze %dma_wait3A_67 : memref<1x128xi32, #tpu.memory_space<hbm>> -> memref<128xi32, #tpu.memory_space<hbm>>
      tpu.wait_dma2 semaphore(%run_scoped3A : memref<!tpu.dma_semaphore, #tpu.memory_space<semaphore_mem>>) src(%dma_wait3A_68 : memref<128xi32, #tpu.memory_space<hbm>>) dst(%arg6 : memref<128xi32, #tpu.memory_space<vmem>>)
      tpu.yield
    }) : () -> ()
    %add3A_5 = arith.constant 64 : i32
    %add3A_6 = arith.addi %add3A, %add3A_5 : i32
    "tpu.region"() ({
      %run_scoped3A = tpu.sem_alloc : memref<!tpu.dma_semaphore, #tpu.memory_space<semaphore_mem>>
      %dma_start3A_57 = arith.constant 0 : i32
      %dma_start3A_58 = tpu.memref_slice %arg3[%add3A_6, %dma_start3A_57] : memref<625x128xi32, #tpu.memory_space<hbm>> -> memref<1x128xi32, #tpu.memory_space<hbm>>
      %dma_start3A_59 = tpu.memref_squeeze %dma_start3A_58 : memref<1x128xi32, #tpu.memory_space<hbm>> -> memref<128xi32, #tpu.memory_space<hbm>>
      %dma_start3A_60 = arith.constant 0 : i32
      %dma_start3A_61 = tpu.memref_slice %arg3[%add3A_6, %dma_start3A_60] : memref<625x128xi32, #tpu.memory_space<hbm>> -> memref<1x128xi32, #tpu.memory_space<hbm>>
      %dma_start3A_62 = tpu.memref_squeeze %dma_start3A_61 : memref<1x128xi32, #tpu.memory_space<hbm>> -> memref<128xi32, #tpu.memory_space<hbm>>
      tpu.enqueue_dma source(%dma_start3A_62 : memref<128xi32, #tpu.memory_space<hbm>>) target(%arg7 : memref<128xi32, #tpu.memory_space<vmem>>) target_semaphore(%run_scoped3A : memref<!tpu.dma_semaphore, #tpu.memory_space<semaphore_mem>>)
      %dma_wait3A_63 = arith.constant 0 : i32
      %dma_wait3A_64 = tpu.memref_slice %arg3[%add3A_6, %dma_wait3A_63] : memref<625x128xi32, #tpu.memory_space<hbm>> -> memref<1x128xi32, #tpu.memory_space<hbm>>
      %dma_wait3A_65 = tpu.memref_squeeze %dma_wait3A_64 : memref<1x128xi32, #tpu.memory_space<hbm>> -> memref<128xi32, #tpu.memory_space<hbm>>
      %dma_wait3A_66 = arith.constant 0 : i32
      %dma_wait3A_67 = tpu.memref_slice %arg3[%add3A_6, %dma_wait3A_66] : memref<625x128xi32, #tpu.memory_space<hbm>> -> memref<1x128xi32, #tpu.memory_space<hbm>>
      %dma_wait3A_68 = tpu.memref_squeeze %dma_wait3A_67 : memref<1x128xi32, #tpu.memory_space<hbm>> -> memref<128xi32, #tpu.memory_space<hbm>>
      tpu.wait_dma2 semaphore(%run_scoped3A : memref<!tpu.dma_semaphore, #tpu.memory_space<semaphore_mem>>) src(%dma_wait3A_68 : memref<128xi32, #tpu.memory_space<hbm>>) dst(%arg7 : memref<128xi32, #tpu.memory_space<vmem>>)
      tpu.yield
    }) : () -> ()
    %dma_start3A = arith.constant 0 : i32
    %dma_start3A_7 = arith.constant 0 : i32
    %dma_start3A_8 = tpu.memref_slice %arg2[%dma_start3A, %dma_start3A_7] : memref<10000x256xf32, #tpu.memory_space<hbm>> -> memref<10000x256xf32, #tpu.memory_space<hbm>>
    tpu.enqueue_indirect_dma source(%dma_start3A_8 : memref<10000x256xf32, #tpu.memory_space<hbm>>) target(%arg8 : memref<128x256xf32, #tpu.memory_space<vmem>>) offsets(%arg5 : memref<128xi32, #tpu.memory_space<vmem>>) semaphore(%arg11 : memref<!tpu.dma_semaphore, #tpu.memory_space<semaphore_mem>>)
    %scan3A = arith.constant 0 : i32
    %scan3A_9 = arith.constant 0 : i32
    %scan3A_10 = arith.constant 6 : i32
    %scan3A_11 = arith.addi %scan3A_9, %scan3A_10 : i32
    %scan3A_12 = arith.constant 1 : i32
    scf.for %scan3A_57 = %scan3A_9 to %scan3A_11 step %scan3A_12  : i32 {
      %mul3A_58 = arith.constant 3 : i32
      %mul3A_59 = arith.muli %mul3A_58, %scan3A_57 : i32
      %add3A_60 = arith.constant 0 : i32
      %add3A_61 = arith.addi %mul3A_59, %add3A_60 : i32
      %dma_wait3A_62 = arith.constant 0 : i32
      %dma_wait3A_63 = arith.constant 0 : i32
      %dma_wait3A_64 = tpu.memref_slice %arg2[%dma_wait3A_62, %dma_wait3A_63] : memref<10000x256xf32, #tpu.memory_space<hbm>> -> memref<10000x256xf32, #tpu.memory_space<hbm>>
      tpu.wait_indirect_dma semaphore(%arg11 : memref<!tpu.dma_semaphore, #tpu.memory_space<semaphore_mem>>) src(%dma_wait3A_64 : memref<10000x256xf32, #tpu.memory_space<hbm>>) dst(%arg8 : memref<128x256xf32, #tpu.memory_space<vmem>>)
      %mul3A_65 = arith.constant 32 : i32
      %mul3A_66 = arith.muli %mul3A_65, %add3A_61 : i32
      %add3A_67 = arith.addi %add3A, %mul3A_66 : i32
      %mul3A_68 = arith.constant 128 : i32
      %mul3A_69 = arith.muli %add3A_67, %mul3A_68 : i32
      %dma_start3A_70 = arith.constant 0 : i32
      %dma_start3A_71 = tpu.memref_slice %arg4[%mul3A_69, %dma_start3A_70] : memref<80000x256xf32, #tpu.memory_space<hbm>> -> memref<128x256xf32, #tpu.memory_space<hbm>>
      %dma_start3A_72 = arith.constant 0 : i32
      %dma_start3A_73 = tpu.memref_slice %arg4[%mul3A_69, %dma_start3A_72] : memref<80000x256xf32, #tpu.memory_space<hbm>> -> memref<128x256xf32, #tpu.memory_space<hbm>>
      tpu.enqueue_dma source(%arg8 : memref<128x256xf32, #tpu.memory_space<vmem>>) target(%dma_start3A_73 : memref<128x256xf32, #tpu.memory_space<hbm>>) target_semaphore(%arg14 : memref<!tpu.dma_semaphore, #tpu.memory_space<semaphore_mem>>)
      %add3A_74 = arith.constant 3 : i32
      %add3A_75 = arith.addi %add3A_61, %add3A_74 : i32
      %lt3A_76 = arith.constant 19 : i32
      %lt3A_77 = arith.cmpi slt, %add3A_75, %lt3A_76 : i32
      %add3A_78 = arith.constant 3 : i32
      %add3A_79 = arith.addi %add3A_61, %add3A_78 : i32
      %eq3A = arith.constant 19 : i32
      %eq3A_80 = arith.cmpi eq, %add3A_79, %eq3A : i32
      %lt3A_81 = arith.constant 17 : i32
      %lt3A_82 = arith.cmpi slt, %add3A, %lt3A_81 : i32
      %and3A_83 = arith.andi %eq3A_80, %lt3A_82 : i1
      %or3A_84 = arith.ori %lt3A_77, %and3A_83 : i1
      %convert_element_type3A_85 = arith.extui %or3A_84 : i1 to i32
      %cond3A_86 = arith.constant 0 : i32
      %cond3A_87 = arith.cmpi ne, %convert_element_type3A_85, %cond3A_86 : i32
      scf.if %cond3A_87 {
        %add3A_185 = arith.constant 3 : i32
        %add3A_186 = arith.addi %add3A_61, %add3A_185 : i32
        %mul3A_187 = arith.constant 32 : i32
        %mul3A_188 = arith.muli %mul3A_187, %add3A_186 : i32
        %add3A_189 = arith.addi %add3A, %mul3A_188 : i32
        "tpu.region"() ({
          %run_scoped3A = tpu.sem_alloc : memref<!tpu.dma_semaphore, #tpu.memory_space<semaphore_mem>>
          %dma_start3A_190 = arith.constant 0 : i32
          %dma_start3A_191 = tpu.memref_slice %arg3[%add3A_189, %dma_start3A_190] : memref<625x128xi32, #tpu.memory_space<hbm>> -> memref<1x128xi32, #tpu.memory_space<hbm>>
          %dma_start3A_192 = tpu.memref_squeeze %dma_start3A_191 : memref<1x128xi32, #tpu.memory_space<hbm>> -> memref<128xi32, #tpu.memory_space<hbm>>
          %dma_start3A_193 = arith.constant 0 : i32
          %dma_start3A_194 = tpu.memref_slice %arg3[%add3A_189, %dma_start3A_193] : memref<625x128xi32, #tpu.memory_space<hbm>> -> memref<1x128xi32, #tpu.memory_space<hbm>>
          %dma_start3A_195 = tpu.memref_squeeze %dma_start3A_194 : memref<1x128xi32, #tpu.memory_space<hbm>> -> memref<128xi32, #tpu.memory_space<hbm>>
          tpu.enqueue_dma source(%dma_start3A_195 : memref<128xi32, #tpu.memory_space<hbm>>) target(%arg5 : memref<128xi32, #tpu.memory_space<vmem>>) target_semaphore(%run_scoped3A : memref<!tpu.dma_semaphore, #tpu.memory_space<semaphore_mem>>)
          %dma_wait3A_196 = arith.constant 0 : i32
          %dma_wait3A_197 = tpu.memref_slice %arg3[%add3A_189, %dma_wait3A_196] : memref<625x128xi32, #tpu.memory_space<hbm>> -> memref<1x128xi32, #tpu.memory_space<hbm>>
          %dma_wait3A_198 = tpu.memref_squeeze %dma_wait3A_197 : memref<1x128xi32, #tpu.memory_space<hbm>> -> memref<128xi32, #tpu.memory_space<hbm>>
          %dma_wait3A_199 = arith.constant 0 : i32
          %dma_wait3A_200 = tpu.memref_slice %arg3[%add3A_189, %dma_wait3A_199] : memref<625x128xi32, #tpu.memory_space<hbm>> -> memref<1x128xi32, #tpu.memory_space<hbm>>
          %dma_wait3A_201 = tpu.memref_squeeze %dma_wait3A_200 : memref<1x128xi32, #tpu.memory_space<hbm>> -> memref<128xi32, #tpu.memory_space<hbm>>
          tpu.wait_dma2 semaphore(%run_scoped3A : memref<!tpu.dma_semaphore, #tpu.memory_space<semaphore_mem>>) src(%dma_wait3A_201 : memref<128xi32, #tpu.memory_space<hbm>>) dst(%arg5 : memref<128xi32, #tpu.memory_space<vmem>>)
          tpu.yield
        }) : () -> ()
      } else {
      }
      %ge3A = arith.constant 2 : i32
      %ge3A_88 = arith.cmpi sge, %add3A_61, %ge3A : i32
      %convert_element_type3A_89 = arith.extui %ge3A_88 : i1 to i32
      %cond3A_90 = arith.constant 0 : i32
      %cond3A_91 = arith.cmpi ne, %convert_element_type3A_89, %cond3A_90 : i32
      scf.if %cond3A_91 {
        %sub3A = arith.constant 2 : i32
        %sub3A_185 = arith.subi %add3A_61, %sub3A : i32
        %mul3A_186 = arith.constant 32 : i32
        %mul3A_187 = arith.muli %mul3A_186, %sub3A_185 : i32
        %add3A_188 = arith.addi %add3A, %mul3A_187 : i32
        %mul3A_189 = arith.constant 128 : i32
        %mul3A_190 = arith.muli %add3A_188, %mul3A_189 : i32
        %dma_wait3A_191 = arith.constant 0 : i32
        %dma_wait3A_192 = tpu.memref_slice %arg4[%mul3A_190, %dma_wait3A_191] : memref<80000x256xf32, #tpu.memory_space<hbm>> -> memref<128x256xf32, #tpu.memory_space<hbm>>
        %dma_wait3A_193 = arith.constant 0 : i32
        %dma_wait3A_194 = tpu.memref_slice %arg4[%mul3A_190, %dma_wait3A_193] : memref<80000x256xf32, #tpu.memory_space<hbm>> -> memref<128x256xf32, #tpu.memory_space<hbm>>
        tpu.wait_dma2 semaphore(%arg15 : memref<!tpu.dma_semaphore, #tpu.memory_space<semaphore_mem>>) src(%arg9 : memref<128x256xf32, #tpu.memory_space<vmem>>) dst(%dma_wait3A_194 : memref<128x256xf32, #tpu.memory_space<hbm>>)
      } else {
      }
      %add3A_92 = arith.constant 1 : i32
      %add3A_93 = arith.addi %add3A_61, %add3A_92 : i32
      %lt3A_94 = arith.constant 19 : i32
      %lt3A_95 = arith.cmpi slt, %add3A_93, %lt3A_94 : i32
      %convert_element_type3A_96 = arith.extui %lt3A_95 : i1 to i32
      %cond3A_97 = arith.constant 0 : i32
      %cond3A_98 = arith.cmpi ne, %convert_element_type3A_96, %cond3A_97 : i32
      scf.if %cond3A_98 {
        %dma_start3A_185 = arith.constant 0 : i32
        %dma_start3A_186 = arith.constant 0 : i32
        %dma_start3A_187 = tpu.memref_slice %arg2[%dma_start3A_185, %dma_start3A_186] : memref<10000x256xf32, #tpu.memory_space<hbm>> -> memref<10000x256xf32, #tpu.memory_space<hbm>>
        tpu.enqueue_indirect_dma source(%dma_start3A_187 : memref<10000x256xf32, #tpu.memory_space<hbm>>) target(%arg9 : memref<128x256xf32, #tpu.memory_space<vmem>>) offsets(%arg6 : memref<128xi32, #tpu.memory_space<vmem>>) semaphore(%arg12 : memref<!tpu.dma_semaphore, #tpu.memory_space<semaphore_mem>>)
      } else {
      }
      %mul3A_99 = arith.constant 3 : i32
      %mul3A_100 = arith.muli %mul3A_99, %scan3A_57 : i32
      %add3A_101 = arith.constant 1 : i32
      %add3A_102 = arith.addi %mul3A_100, %add3A_101 : i32
      %dma_wait3A_103 = arith.constant 0 : i32
      %dma_wait3A_104 = arith.constant 0 : i32
      %dma_wait3A_105 = tpu.memref_slice %arg2[%dma_wait3A_103, %dma_wait3A_104] : memref<10000x256xf32, #tpu.memory_space<hbm>> -> memref<10000x256xf32, #tpu.memory_space<hbm>>
      tpu.wait_indirect_dma semaphore(%arg12 : memref<!tpu.dma_semaphore, #tpu.memory_space<semaphore_mem>>) src(%dma_wait3A_105 : memref<10000x256xf32, #tpu.memory_space<hbm>>) dst(%arg9 : memref<128x256xf32, #tpu.memory_space<vmem>>)
      %mul3A_106 = arith.constant 32 : i32
      %mul3A_107 = arith.muli %mul3A_106, %add3A_102 : i32
      %add3A_108 = arith.addi %add3A, %mul3A_107 : i32
      %mul3A_109 = arith.constant 128 : i32
      %mul3A_110 = arith.muli %add3A_108, %mul3A_109 : i32
      %dma_start3A_111 = arith.constant 0 : i32
      %dma_start3A_112 = tpu.memref_slice %arg4[%mul3A_110, %dma_start3A_111] : memref<80000x256xf32, #tpu.memory_space<hbm>> -> memref<128x256xf32, #tpu.memory_space<hbm>>
      %dma_start3A_113 = arith.constant 0 : i32
      %dma_start3A_114 = tpu.memref_slice %arg4[%mul3A_110, %dma_start3A_113] : memref<80000x256xf32, #tpu.memory_space<hbm>> -> memref<128x256xf32, #tpu.memory_space<hbm>>
      tpu.enqueue_dma source(%arg9 : memref<128x256xf32, #tpu.memory_space<vmem>>) target(%dma_start3A_114 : memref<128x256xf32, #tpu.memory_space<hbm>>) target_semaphore(%arg15 : memref<!tpu.dma_semaphore, #tpu.memory_space<semaphore_mem>>)
      %add3A_115 = arith.constant 3 : i32
      %add3A_116 = arith.addi %add3A_102, %add3A_115 : i32
      %lt3A_117 = arith.constant 19 : i32
      %lt3A_118 = arith.cmpi slt, %add3A_116, %lt3A_117 : i32
      %add3A_119 = arith.constant 3 : i32
      %add3A_120 = arith.addi %add3A_102, %add3A_119 : i32
      %eq3A_121 = arith.constant 19 : i32
      %eq3A_122 = arith.cmpi eq, %add3A_120, %eq3A_121 : i32
      %lt3A_123 = arith.constant 17 : i32
      %lt3A_124 = arith.cmpi slt, %add3A, %lt3A_123 : i32
      %and3A_125 = arith.andi %eq3A_122, %lt3A_124 : i1
      %or3A_126 = arith.ori %lt3A_118, %and3A_125 : i1
      %convert_element_type3A_127 = arith.extui %or3A_126 : i1 to i32
      %cond3A_128 = arith.constant 0 : i32
      %cond3A_129 = arith.cmpi ne, %convert_element_type3A_127, %cond3A_128 : i32
      scf.if %cond3A_129 {
        %add3A_185 = arith.constant 3 : i32
        %add3A_186 = arith.addi %add3A_102, %add3A_185 : i32
        %mul3A_187 = arith.constant 32 : i32
        %mul3A_188 = arith.muli %mul3A_187, %add3A_186 : i32
        %add3A_189 = arith.addi %add3A, %mul3A_188 : i32
        "tpu.region"() ({
          %run_scoped3A = tpu.sem_alloc : memref<!tpu.dma_semaphore, #tpu.memory_space<semaphore_mem>>
          %dma_start3A_190 = arith.constant 0 : i32
          %dma_start3A_191 = tpu.memref_slice %arg3[%add3A_189, %dma_start3A_190] : memref<625x128xi32, #tpu.memory_space<hbm>> -> memref<1x128xi32, #tpu.memory_space<hbm>>
          %dma_start3A_192 = tpu.memref_squeeze %dma_start3A_191 : memref<1x128xi32, #tpu.memory_space<hbm>> -> memref<128xi32, #tpu.memory_space<hbm>>
          %dma_start3A_193 = arith.constant 0 : i32
          %dma_start3A_194 = tpu.memref_slice %arg3[%add3A_189, %dma_start3A_193] : memref<625x128xi32, #tpu.memory_space<hbm>> -> memref<1x128xi32, #tpu.memory_space<hbm>>
          %dma_start3A_195 = tpu.memref_squeeze %dma_start3A_194 : memref<1x128xi32, #tpu.memory_space<hbm>> -> memref<128xi32, #tpu.memory_space<hbm>>
          tpu.enqueue_dma source(%dma_start3A_195 : memref<128xi32, #tpu.memory_space<hbm>>) target(%arg6 : memref<128xi32, #tpu.memory_space<vmem>>) target_semaphore(%run_scoped3A : memref<!tpu.dma_semaphore, #tpu.memory_space<semaphore_mem>>)
          %dma_wait3A_196 = arith.constant 0 : i32
          %dma_wait3A_197 = tpu.memref_slice %arg3[%add3A_189, %dma_wait3A_196] : memref<625x128xi32, #tpu.memory_space<hbm>> -> memref<1x128xi32, #tpu.memory_space<hbm>>
          %dma_wait3A_198 = tpu.memref_squeeze %dma_wait3A_197 : memref<1x128xi32, #tpu.memory_space<hbm>> -> memref<128xi32, #tpu.memory_space<hbm>>
          %dma_wait3A_199 = arith.constant 0 : i32
          %dma_wait3A_200 = tpu.memref_slice %arg3[%add3A_189, %dma_wait3A_199] : memref<625x128xi32, #tpu.memory_space<hbm>> -> memref<1x128xi32, #tpu.memory_space<hbm>>
          %dma_wait3A_201 = tpu.memref_squeeze %dma_wait3A_200 : memref<1x128xi32, #tpu.memory_space<hbm>> -> memref<128xi32, #tpu.memory_space<hbm>>
          tpu.wait_dma2 semaphore(%run_scoped3A : memref<!tpu.dma_semaphore, #tpu.memory_space<semaphore_mem>>) src(%dma_wait3A_201 : memref<128xi32, #tpu.memory_space<hbm>>) dst(%arg6 : memref<128xi32, #tpu.memory_space<vmem>>)
          tpu.yield
        }) : () -> ()
      } else {
      }
      %ge3A_130 = arith.constant 2 : i32
      %ge3A_131 = arith.cmpi sge, %add3A_102, %ge3A_130 : i32
      %convert_element_type3A_132 = arith.extui %ge3A_131 : i1 to i32
      %cond3A_133 = arith.constant 0 : i32
      %cond3A_134 = arith.cmpi ne, %convert_element_type3A_132, %cond3A_133 : i32
      scf.if %cond3A_134 {
        %sub3A = arith.constant 2 : i32
        %sub3A_185 = arith.subi %add3A_102, %sub3A : i32
        %mul3A_186 = arith.constant 32 : i32
        %mul3A_187 = arith.muli %mul3A_186, %sub3A_185 : i32
        %add3A_188 = arith.addi %add3A, %mul3A_187 : i32
        %mul3A_189 = arith.constant 128 : i32
        %mul3A_190 = arith.muli %add3A_188, %mul3A_189 : i32
        %dma_wait3A_191 = arith.constant 0 : i32
        %dma_wait3A_192 = tpu.memref_slice %arg4[%mul3A_190, %dma_wait3A_191] : memref<80000x256xf32, #tpu.memory_space<hbm>> -> memref<128x256xf32, #tpu.memory_space<hbm>>
        %dma_wait3A_193 = arith.constant 0 : i32
        %dma_wait3A_194 = tpu.memref_slice %arg4[%mul3A_190, %dma_wait3A_193] : memref<80000x256xf32, #tpu.memory_space<hbm>> -> memref<128x256xf32, #tpu.memory_space<hbm>>
        tpu.wait_dma2 semaphore(%arg16 : memref<!tpu.dma_semaphore, #tpu.memory_space<semaphore_mem>>) src(%arg10 : memref<128x256xf32, #tpu.memory_space<vmem>>) dst(%dma_wait3A_194 : memref<128x256xf32, #tpu.memory_space<hbm>>)
      } else {
      }
      %add3A_135 = arith.constant 1 : i32
      %add3A_136 = arith.addi %add3A_102, %add3A_135 : i32
      %lt3A_137 = arith.constant 19 : i32
      %lt3A_138 = arith.cmpi slt, %add3A_136, %lt3A_137 : i32
      %convert_element_type3A_139 = arith.extui %lt3A_138 : i1 to i32
      %cond3A_140 = arith.constant 0 : i32
      %cond3A_141 = arith.cmpi ne, %convert_element_type3A_139, %cond3A_140 : i32
      scf.if %cond3A_141 {
        %dma_start3A_185 = arith.constant 0 : i32
        %dma_start3A_186 = arith.constant 0 : i32
        %dma_start3A_187 = tpu.memref_slice %arg2[%dma_start3A_185, %dma_start3A_186] : memref<10000x256xf32, #tpu.memory_space<hbm>> -> memref<10000x256xf32, #tpu.memory_space<hbm>>
        tpu.enqueue_indirect_dma source(%dma_start3A_187 : memref<10000x256xf32, #tpu.memory_space<hbm>>) target(%arg10 : memref<128x256xf32, #tpu.memory_space<vmem>>) offsets(%arg7 : memref<128xi32, #tpu.memory_space<vmem>>) semaphore(%arg13 : memref<!tpu.dma_semaphore, #tpu.memory_space<semaphore_mem>>)
      } else {
      }
      %mul3A_142 = arith.constant 3 : i32
      %mul3A_143 = arith.muli %mul3A_142, %scan3A_57 : i32
      %add3A_144 = arith.constant 2 : i32
      %add3A_145 = arith.addi %mul3A_143, %add3A_144 : i32
      %dma_wait3A_146 = arith.constant 0 : i32
      %dma_wait3A_147 = arith.constant 0 : i32
      %dma_wait3A_148 = tpu.memref_slice %arg2[%dma_wait3A_146, %dma_wait3A_147] : memref<10000x256xf32, #tpu.memory_space<hbm>> -> memref<10000x256xf32, #tpu.memory_space<hbm>>
      tpu.wait_indirect_dma semaphore(%arg13 : memref<!tpu.dma_semaphore, #tpu.memory_space<semaphore_mem>>) src(%dma_wait3A_148 : memref<10000x256xf32, #tpu.memory_space<hbm>>) dst(%arg10 : memref<128x256xf32, #tpu.memory_space<vmem>>)
      %mul3A_149 = arith.constant 32 : i32
      %mul3A_150 = arith.muli %mul3A_149, %add3A_145 : i32
      %add3A_151 = arith.addi %add3A, %mul3A_150 : i32
      %mul3A_152 = arith.constant 128 : i32
      %mul3A_153 = arith.muli %add3A_151, %mul3A_152 : i32
      %dma_start3A_154 = arith.constant 0 : i32
      %dma_start3A_155 = tpu.memref_slice %arg4[%mul3A_153, %dma_start3A_154] : memref<80000x256xf32, #tpu.memory_space<hbm>> -> memref<128x256xf32, #tpu.memory_space<hbm>>
      %dma_start3A_156 = arith.constant 0 : i32
      %dma_start3A_157 = tpu.memref_slice %arg4[%mul3A_153, %dma_start3A_156] : memref<80000x256xf32, #tpu.memory_space<hbm>> -> memref<128x256xf32, #tpu.memory_space<hbm>>
      tpu.enqueue_dma source(%arg10 : memref<128x256xf32, #tpu.memory_space<vmem>>) target(%dma_start3A_157 : memref<128x256xf32, #tpu.memory_space<hbm>>) target_semaphore(%arg16 : memref<!tpu.dma_semaphore, #tpu.memory_space<semaphore_mem>>)
      %add3A_158 = arith.constant 3 : i32
      %add3A_159 = arith.addi %add3A_145, %add3A_158 : i32
      %lt3A_160 = arith.constant 19 : i32
      %lt3A_161 = arith.cmpi slt, %add3A_159, %lt3A_160 : i32
      %add3A_162 = arith.constant 3 : i32
      %add3A_163 = arith.addi %add3A_145, %add3A_162 : i32
      %eq3A_164 = arith.constant 19 : i32
      %eq3A_165 = arith.cmpi eq, %add3A_163, %eq3A_164 : i32
      %lt3A_166 = arith.constant 17 : i32
      %lt3A_167 = arith.cmpi slt, %add3A, %lt3A_166 : i32
      %and3A_168 = arith.andi %eq3A_165, %lt3A_167 : i1
      %or3A_169 = arith.ori %lt3A_161, %and3A_168 : i1
      %convert_element_type3A_170 = arith.extui %or3A_169 : i1 to i32
      %cond3A_171 = arith.constant 0 : i32
      %cond3A_172 = arith.cmpi ne, %convert_element_type3A_170, %cond3A_171 : i32
      scf.if %cond3A_172 {
        %add3A_185 = arith.constant 3 : i32
        %add3A_186 = arith.addi %add3A_145, %add3A_185 : i32
        %mul3A_187 = arith.constant 32 : i32
        %mul3A_188 = arith.muli %mul3A_187, %add3A_186 : i32
        %add3A_189 = arith.addi %add3A, %mul3A_188 : i32
        "tpu.region"() ({
          %run_scoped3A = tpu.sem_alloc : memref<!tpu.dma_semaphore, #tpu.memory_space<semaphore_mem>>
          %dma_start3A_190 = arith.constant 0 : i32
          %dma_start3A_191 = tpu.memref_slice %arg3[%add3A_189, %dma_start3A_190] : memref<625x128xi32, #tpu.memory_space<hbm>> -> memref<1x128xi32, #tpu.memory_space<hbm>>
          %dma_start3A_192 = tpu.memref_squeeze %dma_start3A_191 : memref<1x128xi32, #tpu.memory_space<hbm>> -> memref<128xi32, #tpu.memory_space<hbm>>
          %dma_start3A_193 = arith.constant 0 : i32
          %dma_start3A_194 = tpu.memref_slice %arg3[%add3A_189, %dma_start3A_193] : memref<625x128xi32, #tpu.memory_space<hbm>> -> memref<1x128xi32, #tpu.memory_space<hbm>>
          %dma_start3A_195 = tpu.memref_squeeze %dma_start3A_194 : memref<1x128xi32, #tpu.memory_space<hbm>> -> memref<128xi32, #tpu.memory_space<hbm>>
          tpu.enqueue_dma source(%dma_start3A_195 : memref<128xi32, #tpu.memory_space<hbm>>) target(%arg7 : memref<128xi32, #tpu.memory_space<vmem>>) target_semaphore(%run_scoped3A : memref<!tpu.dma_semaphore, #tpu.memory_space<semaphore_mem>>)
          %dma_wait3A_196 = arith.constant 0 : i32
          %dma_wait3A_197 = tpu.memref_slice %arg3[%add3A_189, %dma_wait3A_196] : memref<625x128xi32, #tpu.memory_space<hbm>> -> memref<1x128xi32, #tpu.memory_space<hbm>>
          %dma_wait3A_198 = tpu.memref_squeeze %dma_wait3A_197 : memref<1x128xi32, #tpu.memory_space<hbm>> -> memref<128xi32, #tpu.memory_space<hbm>>
          %dma_wait3A_199 = arith.constant 0 : i32
          %dma_wait3A_200 = tpu.memref_slice %arg3[%add3A_189, %dma_wait3A_199] : memref<625x128xi32, #tpu.memory_space<hbm>> -> memref<1x128xi32, #tpu.memory_space<hbm>>
          %dma_wait3A_201 = tpu.memref_squeeze %dma_wait3A_200 : memref<1x128xi32, #tpu.memory_space<hbm>> -> memref<128xi32, #tpu.memory_space<hbm>>
          tpu.wait_dma2 semaphore(%run_scoped3A : memref<!tpu.dma_semaphore, #tpu.memory_space<semaphore_mem>>) src(%dma_wait3A_201 : memref<128xi32, #tpu.memory_space<hbm>>) dst(%arg7 : memref<128xi32, #tpu.memory_space<vmem>>)
          tpu.yield
        }) : () -> ()
      } else {
      }
      %ge3A_173 = arith.constant 2 : i32
      %ge3A_174 = arith.cmpi sge, %add3A_145, %ge3A_173 : i32
      %convert_element_type3A_175 = arith.extui %ge3A_174 : i1 to i32
      %cond3A_176 = arith.constant 0 : i32
      %cond3A_177 = arith.cmpi ne, %convert_element_type3A_175, %cond3A_176 : i32
      scf.if %cond3A_177 {
        %sub3A = arith.constant 2 : i32
        %sub3A_185 = arith.subi %add3A_145, %sub3A : i32
        %mul3A_186 = arith.constant 32 : i32
        %mul3A_187 = arith.muli %mul3A_186, %sub3A_185 : i32
        %add3A_188 = arith.addi %add3A, %mul3A_187 : i32
        %mul3A_189 = arith.constant 128 : i32
        %mul3A_190 = arith.muli %add3A_188, %mul3A_189 : i32
        %dma_wait3A_191 = arith.constant 0 : i32
        %dma_wait3A_192 = tpu.memref_slice %arg4[%mul3A_190, %dma_wait3A_191] : memref<80000x256xf32, #tpu.memory_space<hbm>> -> memref<128x256xf32, #tpu.memory_space<hbm>>
        %dma_wait3A_193 = arith.constant 0 : i32
        %dma_wait3A_194 = tpu.memref_slice %arg4[%mul3A_190, %dma_wait3A_193] : memref<80000x256xf32, #tpu.memory_space<hbm>> -> memref<128x256xf32, #tpu.memory_space<hbm>>
        tpu.wait_dma2 semaphore(%arg14 : memref<!tpu.dma_semaphore, #tpu.memory_space<semaphore_mem>>) src(%arg8 : memref<128x256xf32, #tpu.memory_space<vmem>>) dst(%dma_wait3A_194 : memref<128x256xf32, #tpu.memory_space<hbm>>)
      } else {
      }
      %add3A_178 = arith.constant 1 : i32
      %add3A_179 = arith.addi %add3A_145, %add3A_178 : i32
      %lt3A_180 = arith.constant 19 : i32
      %lt3A_181 = arith.cmpi slt, %add3A_179, %lt3A_180 : i32
      %convert_element_type3A_182 = arith.extui %lt3A_181 : i1 to i32
      %cond3A_183 = arith.constant 0 : i32
      %cond3A_184 = arith.cmpi ne, %convert_element_type3A_182, %cond3A_183 : i32
      scf.if %cond3A_184 {
        %dma_start3A_185 = arith.constant 0 : i32
        %dma_start3A_186 = arith.constant 0 : i32
        %dma_start3A_187 = tpu.memref_slice %arg2[%dma_start3A_185, %dma_start3A_186] : memref<10000x256xf32, #tpu.memory_space<hbm>> -> memref<10000x256xf32, #tpu.memory_space<hbm>>
        tpu.enqueue_indirect_dma source(%dma_start3A_187 : memref<10000x256xf32, #tpu.memory_space<hbm>>) target(%arg8 : memref<128x256xf32, #tpu.memory_space<vmem>>) offsets(%arg5 : memref<128xi32, #tpu.memory_space<vmem>>) semaphore(%arg11 : memref<!tpu.dma_semaphore, #tpu.memory_space<semaphore_mem>>)
      } else {
      }
    }
    %scan3A_13 = arith.constant 6 : i32
    %dma_wait3A = arith.constant 0 : i32
    %dma_wait3A_14 = arith.constant 0 : i32
    %dma_wait3A_15 = tpu.memref_slice %arg2[%dma_wait3A, %dma_wait3A_14] : memref<10000x256xf32, #tpu.memory_space<hbm>> -> memref<10000x256xf32, #tpu.memory_space<hbm>>
    tpu.wait_indirect_dma semaphore(%arg11 : memref<!tpu.dma_semaphore, #tpu.memory_space<semaphore_mem>>) src(%dma_wait3A_15 : memref<10000x256xf32, #tpu.memory_space<hbm>>) dst(%arg8 : memref<128x256xf32, #tpu.memory_space<vmem>>)
    %add3A_16 = arith.constant 576 : i32
    %add3A_17 = arith.addi %add3A, %add3A_16 : i32
    %mul3A_18 = arith.constant 128 : i32
    %mul3A_19 = arith.muli %add3A_17, %mul3A_18 : i32
    %dma_start3A_20 = arith.constant 0 : i32
    %dma_start3A_21 = tpu.memref_slice %arg4[%mul3A_19, %dma_start3A_20] : memref<80000x256xf32, #tpu.memory_space<hbm>> -> memref<128x256xf32, #tpu.memory_space<hbm>>
    %dma_start3A_22 = arith.constant 0 : i32
    %dma_start3A_23 = tpu.memref_slice %arg4[%mul3A_19, %dma_start3A_22] : memref<80000x256xf32, #tpu.memory_space<hbm>> -> memref<128x256xf32, #tpu.memory_space<hbm>>
    tpu.enqueue_dma source(%arg8 : memref<128x256xf32, #tpu.memory_space<vmem>>) target(%dma_start3A_23 : memref<128x256xf32, #tpu.memory_space<hbm>>) target_semaphore(%arg14 : memref<!tpu.dma_semaphore, #tpu.memory_space<semaphore_mem>>)
    %lt3A = arith.constant 17 : i32
    %lt3A_24 = arith.cmpi slt, %add3A, %lt3A : i32
    %and3A = arith.constant false
    %and3A_25 = arith.andi %and3A, %lt3A_24 : i1
    %or3A = arith.constant false
    %or3A_26 = arith.ori %or3A, %and3A_25 : i1
    %convert_element_type3A = arith.extui %or3A_26 : i1 to i32
    %cond3A = arith.constant 0 : i32
    %cond3A_27 = arith.cmpi ne, %convert_element_type3A, %cond3A : i32
    scf.if %cond3A_27 {
      %add3A_57 = arith.constant 672 : i32
      %add3A_58 = arith.addi %add3A, %add3A_57 : i32
      "tpu.region"() ({
        %run_scoped3A = tpu.sem_alloc : memref<!tpu.dma_semaphore, #tpu.memory_space<semaphore_mem>>
        %dma_start3A_59 = arith.constant 0 : i32
        %dma_start3A_60 = tpu.memref_slice %arg3[%add3A_58, %dma_start3A_59] : memref<625x128xi32, #tpu.memory_space<hbm>> -> memref<1x128xi32, #tpu.memory_space<hbm>>
        %dma_start3A_61 = tpu.memref_squeeze %dma_start3A_60 : memref<1x128xi32, #tpu.memory_space<hbm>> -> memref<128xi32, #tpu.memory_space<hbm>>
        %dma_start3A_62 = arith.constant 0 : i32
        %dma_start3A_63 = tpu.memref_slice %arg3[%add3A_58, %dma_start3A_62] : memref<625x128xi32, #tpu.memory_space<hbm>> -> memref<1x128xi32, #tpu.memory_space<hbm>>
        %dma_start3A_64 = tpu.memref_squeeze %dma_start3A_63 : memref<1x128xi32, #tpu.memory_space<hbm>> -> memref<128xi32, #tpu.memory_space<hbm>>
        tpu.enqueue_dma source(%dma_start3A_64 : memref<128xi32, #tpu.memory_space<hbm>>) target(%arg5 : memref<128xi32, #tpu.memory_space<vmem>>) target_semaphore(%run_scoped3A : memref<!tpu.dma_semaphore, #tpu.memory_space<semaphore_mem>>)
        %dma_wait3A_65 = arith.constant 0 : i32
        %dma_wait3A_66 = tpu.memref_slice %arg3[%add3A_58, %dma_wait3A_65] : memref<625x128xi32, #tpu.memory_space<hbm>> -> memref<1x128xi32, #tpu.memory_space<hbm>>
        %dma_wait3A_67 = tpu.memref_squeeze %dma_wait3A_66 : memref<1x128xi32, #tpu.memory_space<hbm>> -> memref<128xi32, #tpu.memory_space<hbm>>
        %dma_wait3A_68 = arith.constant 0 : i32
        %dma_wait3A_69 = tpu.memref_slice %arg3[%add3A_58, %dma_wait3A_68] : memref<625x128xi32, #tpu.memory_space<hbm>> -> memref<1x128xi32, #tpu.memory_space<hbm>>
        %dma_wait3A_70 = tpu.memref_squeeze %dma_wait3A_69 : memref<1x128xi32, #tpu.memory_space<hbm>> -> memref<128xi32, #tpu.memory_space<hbm>>
        tpu.wait_dma2 semaphore(%run_scoped3A : memref<!tpu.dma_semaphore, #tpu.memory_space<semaphore_mem>>) src(%dma_wait3A_70 : memref<128xi32, #tpu.memory_space<hbm>>) dst(%arg5 : memref<128xi32, #tpu.memory_space<vmem>>)
        tpu.yield
      }) : () -> ()
    } else {
    }
    %add3A_28 = arith.constant 512 : i32
    %add3A_29 = arith.addi %add3A, %add3A_28 : i32
    %mul3A_30 = arith.constant 128 : i32
    %mul3A_31 = arith.muli %add3A_29, %mul3A_30 : i32
    %dma_wait3A_32 = arith.constant 0 : i32
    %dma_wait3A_33 = tpu.memref_slice %arg4[%mul3A_31, %dma_wait3A_32] : memref<80000x256xf32, #tpu.memory_space<hbm>> -> memref<128x256xf32, #tpu.memory_space<hbm>>
    %dma_wait3A_34 = arith.constant 0 : i32
    %dma_wait3A_35 = tpu.memref_slice %arg4[%mul3A_31, %dma_wait3A_34] : memref<80000x256xf32, #tpu.memory_space<hbm>> -> memref<128x256xf32, #tpu.memory_space<hbm>>
    tpu.wait_dma2 semaphore(%arg15 : memref<!tpu.dma_semaphore, #tpu.memory_space<semaphore_mem>>) src(%arg9 : memref<128x256xf32, #tpu.memory_space<vmem>>) dst(%dma_wait3A_35 : memref<128x256xf32, #tpu.memory_space<hbm>>)
    %add3A_36 = arith.constant 544 : i32
    %add3A_37 = arith.addi %add3A, %add3A_36 : i32
    %mul3A_38 = arith.constant 128 : i32
    %mul3A_39 = arith.muli %add3A_37, %mul3A_38 : i32
    %dma_wait3A_40 = arith.constant 0 : i32
    %dma_wait3A_41 = tpu.memref_slice %arg4[%mul3A_39, %dma_wait3A_40] : memref<80000x256xf32, #tpu.memory_space<hbm>> -> memref<128x256xf32, #tpu.memory_space<hbm>>
    %dma_wait3A_42 = arith.constant 0 : i32
    %dma_wait3A_43 = tpu.memref_slice %arg4[%mul3A_39, %dma_wait3A_42] : memref<80000x256xf32, #tpu.memory_space<hbm>> -> memref<128x256xf32, #tpu.memory_space<hbm>>
    tpu.wait_dma2 semaphore(%arg16 : memref<!tpu.dma_semaphore, #tpu.memory_space<semaphore_mem>>) src(%arg10 : memref<128x256xf32, #tpu.memory_space<vmem>>) dst(%dma_wait3A_43 : memref<128x256xf32, #tpu.memory_space<hbm>>)
    %add3A_44 = arith.constant 576 : i32
    %add3A_45 = arith.addi %add3A, %add3A_44 : i32
    %mul3A_46 = arith.constant 128 : i32
    %mul3A_47 = arith.muli %add3A_45, %mul3A_46 : i32
    %dma_wait3A_48 = arith.constant 0 : i32
    %dma_wait3A_49 = tpu.memref_slice %arg4[%mul3A_47, %dma_wait3A_48] : memref<80000x256xf32, #tpu.memory_space<hbm>> -> memref<128x256xf32, #tpu.memory_space<hbm>>
    %dma_wait3A_50 = arith.constant 0 : i32
    %dma_wait3A_51 = tpu.memref_slice %arg4[%mul3A_47, %dma_wait3A_50] : memref<80000x256xf32, #tpu.memory_space<hbm>> -> memref<128x256xf32, #tpu.memory_space<hbm>>
    tpu.wait_dma2 semaphore(%arg14 : memref<!tpu.dma_semaphore, #tpu.memory_space<semaphore_mem>>) src(%arg8 : memref<128x256xf32, #tpu.memory_space<vmem>>) dst(%dma_wait3A_51 : memref<128x256xf32, #tpu.memory_space<hbm>>)
    %lt3A_52 = arith.constant 17 : i32
    %lt3A_53 = arith.cmpi slt, %add3A, %lt3A_52 : i32
    %convert_element_type3A_54 = arith.extui %lt3A_53 : i1 to i32
    %cond3A_55 = arith.constant 0 : i32
    %cond3A_56 = arith.cmpi ne, %convert_element_type3A_54, %cond3A_55 : i32
    scf.if %cond3A_56 {
      %dma_start3A_57 = arith.constant 0 : i32
      %dma_start3A_58 = arith.constant 0 : i32
      %dma_start3A_59 = tpu.memref_slice %arg2[%dma_start3A_57, %dma_start3A_58] : memref<10000x256xf32, #tpu.memory_space<hbm>> -> memref<10000x256xf32, #tpu.memory_space<hbm>>
      tpu.enqueue_indirect_dma source(%dma_start3A_59 : memref<10000x256xf32, #tpu.memory_space<hbm>>) target(%arg9 : memref<128x256xf32, #tpu.memory_space<vmem>>) offsets(%arg6 : memref<128xi32, #tpu.memory_space<vmem>>) semaphore(%arg12 : memref<!tpu.dma_semaphore, #tpu.memory_space<semaphore_mem>>)
      %dma_wait3A_60 = arith.constant 0 : i32
      %dma_wait3A_61 = arith.constant 0 : i32
      %dma_wait3A_62 = tpu.memref_slice %arg2[%dma_wait3A_60, %dma_wait3A_61] : memref<10000x256xf32, #tpu.memory_space<hbm>> -> memref<10000x256xf32, #tpu.memory_space<hbm>>
      tpu.wait_indirect_dma semaphore(%arg12 : memref<!tpu.dma_semaphore, #tpu.memory_space<semaphore_mem>>) src(%dma_wait3A_62 : memref<10000x256xf32, #tpu.memory_space<hbm>>) dst(%arg9 : memref<128x256xf32, #tpu.memory_space<vmem>>)
      %add3A_63 = arith.constant 608 : i32
      %add3A_64 = arith.addi %add3A, %add3A_63 : i32
      %mul3A_65 = arith.constant 128 : i32
      %mul3A_66 = arith.muli %add3A_64, %mul3A_65 : i32
      %dma_start3A_67 = arith.constant 0 : i32
      %dma_start3A_68 = tpu.memref_slice %arg4[%mul3A_66, %dma_start3A_67] : memref<80000x256xf32, #tpu.memory_space<hbm>> -> memref<128x256xf32, #tpu.memory_space<hbm>>
      %dma_start3A_69 = arith.constant 0 : i32
      %dma_start3A_70 = tpu.memref_slice %arg4[%mul3A_66, %dma_start3A_69] : memref<80000x256xf32, #tpu.memory_space<hbm>> -> memref<128x256xf32, #tpu.memory_space<hbm>>
      tpu.enqueue_dma source(%arg9 : memref<128x256xf32, #tpu.memory_space<vmem>>) target(%dma_start3A_70 : memref<128x256xf32, #tpu.memory_space<hbm>>) target_semaphore(%arg15 : memref<!tpu.dma_semaphore, #tpu.memory_space<semaphore_mem>>)
      %add3A_71 = arith.constant 608 : i32
      %add3A_72 = arith.addi %add3A, %add3A_71 : i32
      %mul3A_73 = arith.constant 128 : i32
      %mul3A_74 = arith.muli %add3A_72, %mul3A_73 : i32
      %dma_wait3A_75 = arith.constant 0 : i32
      %dma_wait3A_76 = tpu.memref_slice %arg4[%mul3A_74, %dma_wait3A_75] : memref<80000x256xf32, #tpu.memory_space<hbm>> -> memref<128x256xf32, #tpu.memory_space<hbm>>
      %dma_wait3A_77 = arith.constant 0 : i32
      %dma_wait3A_78 = tpu.memref_slice %arg4[%mul3A_74, %dma_wait3A_77] : memref<80000x256xf32, #tpu.memory_space<hbm>> -> memref<128x256xf32, #tpu.memory_space<hbm>>
      tpu.wait_dma2 semaphore(%arg15 : memref<!tpu.dma_semaphore, #tpu.memory_space<semaphore_mem>>) src(%arg9 : memref<128x256xf32, #tpu.memory_space<vmem>>) dst(%dma_wait3A_78 : memref<128x256xf32, #tpu.memory_space<hbm>>)
    } else {
    }
    return
  }
}

#map = affine_map<(d0, d1) -> (0, 0)>
module attributes {stable_mosaic.version = 14 : i64} {
  func.func @gather_kernel(%arg0: i32, %arg1: i32, %arg2: memref<10000x256xf32, #tpu.memory_space<hbm>>, %arg3: memref<625x128xi32, #tpu.memory_space<hbm>>, %arg4: memref<80000x256xf32, #tpu.memory_space<hbm>>, %arg5: memref<128xi32, #tpu.memory_space<vmem>>, %arg6: memref<128xi32, #tpu.memory_space<vmem>>, %arg7: memref<128xi32, #tpu.memory_space<vmem>>, %arg8: memref<128x256xf32, #tpu.memory_space<vmem>>, %arg9: memref<128x256xf32, #tpu.memory_space<vmem>>, %arg10: memref<128x256xf32, #tpu.memory_space<vmem>>, %arg11: memref<!tpu.dma_semaphore, #tpu.memory_space<semaphore_mem>>, %arg12: memref<!tpu.dma_semaphore, #tpu.memory_space<semaphore_mem>>, %arg13: memref<!tpu.dma_semaphore, #tpu.memory_space<semaphore_mem>>, %arg14: memref<!tpu.dma_semaphore, #tpu.memory_space<semaphore_mem>>, %arg15: memref<!tpu.dma_semaphore, #tpu.memory_space<semaphore_mem>>, %arg16: memref<!tpu.dma_semaphore, #tpu.memory_space<semaphore_mem>>) attributes {dimension_semantics = [#tpu.dimension_semantics<core_parallel>, #tpu.dimension_semantics<subcore_parallel>], iteration_bounds = array<i64: 2, 16>, scalar_prefetch = 0 : i64, scratch_operands = 12 : i64, tpu.core_type = #tpu.core_type<sc_vector_subcore>, window_params = [{transform_indices = #map}, {transform_indices = #map}, {transform_indices = #map}]} {
    %mul3A = arith.constant 2 : i32
    %mul3A_0 = arith.muli %arg1, %mul3A : i32
    %add3A = arith.addi %mul3A_0, %arg0 : i32
    %add3A_1 = arith.constant 0 : i32
    %add3A_2 = arith.addi %add3A, %add3A_1 : i32
    "tpu.region"() ({
      %run_scoped3A = tpu.sem_alloc : memref<!tpu.dma_semaphore, #tpu.memory_space<semaphore_mem>>
      %dma_start3A_57 = arith.constant 0 : i32
      %dma_start3A_58 = tpu.memref_slice %arg3[%add3A_2, %dma_start3A_57] : memref<625x128xi32, #tpu.memory_space<hbm>> -> memref<1x128xi32, #tpu.memory_space<hbm>>
      %dma_start3A_59 = tpu.memref_squeeze %dma_start3A_58 : memref<1x128xi32, #tpu.memory_space<hbm>> -> memref<128xi32, #tpu.memory_space<hbm>>
      %dma_start3A_60 = arith.constant 0 : i32
      %dma_start3A_61 = tpu.memref_slice %arg3[%add3A_2, %dma_start3A_60] : memref<625x128xi32, #tpu.memory_space<hbm>> -> memref<1x128xi32, #tpu.memory_space<hbm>>
      %dma_start3A_62 = tpu.memref_squeeze %dma_start3A_61 : memref<1x128xi32, #tpu.memory_space<hbm>> -> memref<128xi32, #tpu.memory_space<hbm>>
      tpu.enqueue_dma source(%dma_start3A_62 : memref<128xi32, #tpu.memory_space<hbm>>) target(%arg5 : memref<128xi32, #tpu.memory_space<vmem>>) target_semaphore(%run_scoped3A : memref<!tpu.dma_semaphore, #tpu.memory_space<semaphore_mem>>)
      %dma_wait3A_63 = arith.constant 0 : i32
      %dma_wait3A_64 = tpu.memref_slice %arg3[%add3A_2, %dma_wait3A_63] : memref<625x128xi32, #tpu.memory_space<hbm>> -> memref<1x128xi32, #tpu.memory_space<hbm>>
      %dma_wait3A_65 = tpu.memref_squeeze %dma_wait3A_64 : memref<1x128xi32, #tpu.memory_space<hbm>> -> memref<128xi32, #tpu.memory_space<hbm>>
      %dma_wait3A_66 = arith.constant 0 : i32
      %dma_wait3A_67 = tpu.memref_slice %arg3[%add3A_2, %dma_wait3A_66] : memref<625x128xi32, #tpu.memory_space<hbm>> -> memref<1x128xi32, #tpu.memory_space<hbm>>
      %dma_wait3A_68 = tpu.memref_squeeze %dma_wait3A_67 : memref<1x128xi32, #tpu.memory_space<hbm>> -> memref<128xi32, #tpu.memory_space<hbm>>
      tpu.wait_dma2 semaphore(%run_scoped3A : memref<!tpu.dma_semaphore, #tpu.memory_space<semaphore_mem>>) src(%dma_wait3A_68 : memref<128xi32, #tpu.memory_space<hbm>>) dst(%arg5 : memref<128xi32, #tpu.memory_space<vmem>>)
      tpu.yield
    }) : () -> ()
    %add3A_3 = arith.constant 32 : i32
    %add3A_4 = arith.addi %add3A, %add3A_3 : i32
    "tpu.region"() ({
      %run_scoped3A = tpu.sem_alloc : memref<!tpu.dma_semaphore, #tpu.memory_space<semaphore_mem>>
      %dma_start3A_57 = arith.constant 0 : i32
      %dma_start3A_58 = tpu.memref_slice %arg3[%add3A_4, %dma_start3A_57] : memref<625x128xi32, #tpu.memory_space<hbm>> -> memref<1x128xi32, #tpu.memory_space<hbm>>
      %dma_start3A_59 = tpu.memref_squeeze %dma_start3A_58 : memref<1x128xi32, #tpu.memory_space<hbm>> -> memref<128xi32, #tpu.memory_space<hbm>>
      %dma_start3A_60 = arith.constant 0 : i32
      %dma_start3A_61 = tpu.memref_slice %arg3[%add3A_4, %dma_start3A_60] : memref<625x128xi32, #tpu.memory_space<hbm>> -> memref<1x128xi32, #tpu.memory_space<hbm>>
      %dma_start3A_62 = tpu.memref_squeeze %dma_start3A_61 : memref<1x128xi32, #tpu.memory_space<hbm>> -> memref<128xi32, #tpu.memory_space<hbm>>
      tpu.enqueue_dma source(%dma_start3A_62 : memref<128xi32, #tpu.memory_space<hbm>>) target(%arg6 : memref<128xi32, #tpu.memory_space<vmem>>) target_semaphore(%run_scoped3A : memref<!tpu.dma_semaphore, #tpu.memory_space<semaphore_mem>>)
      %dma_wait3A_63 = arith.constant 0 : i32
      %dma_wait3A_64 = tpu.memref_slice %arg3[%add3A_4, %dma_wait3A_63] : memref<625x128xi32, #tpu.memory_space<hbm>> -> memref<1x128xi32, #tpu.memory_space<hbm>>
      %dma_wait3A_65 = tpu.memref_squeeze %dma_wait3A_64 : memref<1x128xi32, #tpu.memory_space<hbm>> -> memref<128xi32, #tpu.memory_space<hbm>>
      %dma_wait3A_66 = arith.constant 0 : i32
      %dma_wait3A_67 = tpu.memref_slice %arg3[%add3A_4, %dma_wait3A_66] : memref<625x128xi32, #tpu.memory_space<hbm>> -> memref<1x128xi32, #tpu.memory_space<hbm>>
      %dma_wait3A_68 = tpu.memref_squeeze %dma_wait3A_67 : memref<1x128xi32, #tpu.memory_space<hbm>> -> memref<128xi32, #tpu.memory_space<hbm>>
      tpu.wait_dma2 semaphore(%run_scoped3A : memref<!tpu.dma_semaphore, #tpu.memory_space<semaphore_mem>>) src(%dma_wait3A_68 : memref<128xi32, #tpu.memory_space<hbm>>) dst(%arg6 : memref<128xi32, #tpu.memory_space<vmem>>)
      tpu.yield
    }) : () -> ()
    %add3A_5 = arith.constant 64 : i32
    %add3A_6 = arith.addi %add3A, %add3A_5 : i32
    "tpu.region"() ({
      %run_scoped3A = tpu.sem_alloc : memref<!tpu.dma_semaphore, #tpu.memory_space<semaphore_mem>>
      %dma_start3A_57 = arith.constant 0 : i32
      %dma_start3A_58 = tpu.memref_slice %arg3[%add3A_6, %dma_start3A_57] : memref<625x128xi32, #tpu.memory_space<hbm>> -> memref<1x128xi32, #tpu.memory_space<hbm>>
      %dma_start3A_59 = tpu.memref_squeeze %dma_start3A_58 : memref<1x128xi32, #tpu.memory_space<hbm>> -> memref<128xi32, #tpu.memory_space<hbm>>
      %dma_start3A_60 = arith.constant 0 : i32
      %dma_start3A_61 = tpu.memref_slice %arg3[%add3A_6, %dma_start3A_60] : memref<625x128xi32, #tpu.memory_space<hbm>> -> memref<1x128xi32, #tpu.memory_space<hbm>>
      %dma_start3A_62 = tpu.memref_squeeze %dma_start3A_61 : memref<1x128xi32, #tpu.memory_space<hbm>> -> memref<128xi32, #tpu.memory_space<hbm>>
      tpu.enqueue_dma source(%dma_start3A_62 : memref<128xi32, #tpu.memory_space<hbm>>) target(%arg7 : memref<128xi32, #tpu.memory_space<vmem>>) target_semaphore(%run_scoped3A : memref<!tpu.dma_semaphore, #tpu.memory_space<semaphore_mem>>)
      %dma_wait3A_63 = arith.constant 0 : i32
      %dma_wait3A_64 = tpu.memref_slice %arg3[%add3A_6, %dma_wait3A_63] : memref<625x128xi32, #tpu.memory_space<hbm>> -> memref<1x128xi32, #tpu.memory_space<hbm>>
      %dma_wait3A_65 = tpu.memref_squeeze %dma_wait3A_64 : memref<1x128xi32, #tpu.memory_space<hbm>> -> memref<128xi32, #tpu.memory_space<hbm>>
      %dma_wait3A_66 = arith.constant 0 : i32
      %dma_wait3A_67 = tpu.memref_slice %arg3[%add3A_6, %dma_wait3A_66] : memref<625x128xi32, #tpu.memory_space<hbm>> -> memref<1x128xi32, #tpu.memory_space<hbm>>
      %dma_wait3A_68 = tpu.memref_squeeze %dma_wait3A_67 : memref<1x128xi32, #tpu.memory_space<hbm>> -> memref<128xi32, #tpu.memory_space<hbm>>
      tpu.wait_dma2 semaphore(%run_scoped3A : memref<!tpu.dma_semaphore, #tpu.memory_space<semaphore_mem>>) src(%dma_wait3A_68 : memref<128xi32, #tpu.memory_space<hbm>>) dst(%arg7 : memref<128xi32, #tpu.memory_space<vmem>>)
      tpu.yield
    }) : () -> ()
    %dma_start3A = arith.constant 0 : i32
    %dma_start3A_7 = arith.constant 0 : i32
    %dma_start3A_8 = tpu.memref_slice %arg2[%dma_start3A, %dma_start3A_7] : memref<10000x256xf32, #tpu.memory_space<hbm>> -> memref<10000x256xf32, #tpu.memory_space<hbm>>
    tpu.enqueue_indirect_dma source(%dma_start3A_8 : memref<10000x256xf32, #tpu.memory_space<hbm>>) target(%arg8 : memref<128x256xf32, #tpu.memory_space<vmem>>) offsets(%arg5 : memref<128xi32, #tpu.memory_space<vmem>>) semaphore(%arg11 : memref<!tpu.dma_semaphore, #tpu.memory_space<semaphore_mem>>)
    %scan3A = arith.constant 0 : i32
    %scan3A_9 = arith.constant 0 : i32
    %scan3A_10 = arith.constant 6 : i32
    %scan3A_11 = arith.addi %scan3A_9, %scan3A_10 : i32
    %scan3A_12 = arith.constant 1 : i32
    scf.for %scan3A_57 = %scan3A_9 to %scan3A_11 step %scan3A_12  : i32 {
      %mul3A_58 = arith.constant 3 : i32
      %mul3A_59 = arith.muli %mul3A_58, %scan3A_57 : i32
      %add3A_60 = arith.constant 0 : i32
      %add3A_61 = arith.addi %mul3A_59, %add3A_60 : i32
      %dma_wait3A_62 = arith.constant 0 : i32
      %dma_wait3A_63 = arith.constant 0 : i32
      %dma_wait3A_64 = tpu.memref_slice %arg2[%dma_wait3A_62, %dma_wait3A_63] : memref<10000x256xf32, #tpu.memory_space<hbm>> -> memref<10000x256xf32, #tpu.memory_space<hbm>>
      tpu.wait_indirect_dma semaphore(%arg11 : memref<!tpu.dma_semaphore, #tpu.memory_space<semaphore_mem>>) src(%dma_wait3A_64 : memref<10000x256xf32, #tpu.memory_space<hbm>>) dst(%arg8 : memref<128x256xf32, #tpu.memory_space<vmem>>)
      %mul3A_65 = arith.constant 32 : i32
      %mul3A_66 = arith.muli %mul3A_65, %add3A_61 : i32
      %add3A_67 = arith.addi %add3A, %mul3A_66 : i32
      %mul3A_68 = arith.constant 128 : i32
      %mul3A_69 = arith.muli %add3A_67, %mul3A_68 : i32
      %dma_start3A_70 = arith.constant 0 : i32
      %dma_start3A_71 = tpu.memref_slice %arg4[%mul3A_69, %dma_start3A_70] : memref<80000x256xf32, #tpu.memory_space<hbm>> -> memref<128x256xf32, #tpu.memory_space<hbm>>
      %dma_start3A_72 = arith.constant 0 : i32
      %dma_start3A_73 = tpu.memref_slice %arg4[%mul3A_69, %dma_start3A_72] : memref<80000x256xf32, #tpu.memory_space<hbm>> -> memref<128x256xf32, #tpu.memory_space<hbm>>
      tpu.enqueue_dma source(%arg8 : memref<128x256xf32, #tpu.memory_space<vmem>>) target(%dma_start3A_73 : memref<128x256xf32, #tpu.memory_space<hbm>>) target_semaphore(%arg14 : memref<!tpu.dma_semaphore, #tpu.memory_space<semaphore_mem>>)
      %add3A_74 = arith.constant 3 : i32
      %add3A_75 = arith.addi %add3A_61, %add3A_74 : i32
      %lt3A_76 = arith.constant 19 : i32
      %lt3A_77 = arith.cmpi slt, %add3A_75, %lt3A_76 : i32
      %add3A_78 = arith.constant 3 : i32
      %add3A_79 = arith.addi %add3A_61, %add3A_78 : i32
      %eq3A = arith.constant 19 : i32
      %eq3A_80 = arith.cmpi eq, %add3A_79, %eq3A : i32
      %lt3A_81 = arith.constant 17 : i32
      %lt3A_82 = arith.cmpi slt, %add3A, %lt3A_81 : i32
      %and3A_83 = arith.andi %eq3A_80, %lt3A_82 : i1
      %or3A_84 = arith.ori %lt3A_77, %and3A_83 : i1
      %convert_element_type3A_85 = arith.extui %or3A_84 : i1 to i32
      %cond3A_86 = arith.constant 0 : i32
      %cond3A_87 = arith.cmpi ne, %convert_element_type3A_85, %cond3A_86 : i32
      scf.if %cond3A_87 {
        %add3A_185 = arith.constant 3 : i32
        %add3A_186 = arith.addi %add3A_61, %add3A_185 : i32
        %mul3A_187 = arith.constant 32 : i32
        %mul3A_188 = arith.muli %mul3A_187, %add3A_186 : i32
        %add3A_189 = arith.addi %add3A, %mul3A_188 : i32
        "tpu.region"() ({
          %run_scoped3A = tpu.sem_alloc : memref<!tpu.dma_semaphore, #tpu.memory_space<semaphore_mem>>
          %dma_start3A_190 = arith.constant 0 : i32
          %dma_start3A_191 = tpu.memref_slice %arg3[%add3A_189, %dma_start3A_190] : memref<625x128xi32, #tpu.memory_space<hbm>> -> memref<1x128xi32, #tpu.memory_space<hbm>>
          %dma_start3A_192 = tpu.memref_squeeze %dma_start3A_191 : memref<1x128xi32, #tpu.memory_space<hbm>> -> memref<128xi32, #tpu.memory_space<hbm>>
          %dma_start3A_193 = arith.constant 0 : i32
          %dma_start3A_194 = tpu.memref_slice %arg3[%add3A_189, %dma_start3A_193] : memref<625x128xi32, #tpu.memory_space<hbm>> -> memref<1x128xi32, #tpu.memory_space<hbm>>
          %dma_start3A_195 = tpu.memref_squeeze %dma_start3A_194 : memref<1x128xi32, #tpu.memory_space<hbm>> -> memref<128xi32, #tpu.memory_space<hbm>>
          tpu.enqueue_dma source(%dma_start3A_195 : memref<128xi32, #tpu.memory_space<hbm>>) target(%arg5 : memref<128xi32, #tpu.memory_space<vmem>>) target_semaphore(%run_scoped3A : memref<!tpu.dma_semaphore, #tpu.memory_space<semaphore_mem>>)
          %dma_wait3A_196 = arith.constant 0 : i32
          %dma_wait3A_197 = tpu.memref_slice %arg3[%add3A_189, %dma_wait3A_196] : memref<625x128xi32, #tpu.memory_space<hbm>> -> memref<1x128xi32, #tpu.memory_space<hbm>>
          %dma_wait3A_198 = tpu.memref_squeeze %dma_wait3A_197 : memref<1x128xi32, #tpu.memory_space<hbm>> -> memref<128xi32, #tpu.memory_space<hbm>>
          %dma_wait3A_199 = arith.constant 0 : i32
          %dma_wait3A_200 = tpu.memref_slice %arg3[%add3A_189, %dma_wait3A_199] : memref<625x128xi32, #tpu.memory_space<hbm>> -> memref<1x128xi32, #tpu.memory_space<hbm>>
          %dma_wait3A_201 = tpu.memref_squeeze %dma_wait3A_200 : memref<1x128xi32, #tpu.memory_space<hbm>> -> memref<128xi32, #tpu.memory_space<hbm>>
          tpu.wait_dma2 semaphore(%run_scoped3A : memref<!tpu.dma_semaphore, #tpu.memory_space<semaphore_mem>>) src(%dma_wait3A_201 : memref<128xi32, #tpu.memory_space<hbm>>) dst(%arg5 : memref<128xi32, #tpu.memory_space<vmem>>)
          tpu.yield
        }) : () -> ()
      } else {
      }
      %ge3A = arith.constant 2 : i32
      %ge3A_88 = arith.cmpi sge, %add3A_61, %ge3A : i32
      %convert_element_type3A_89 = arith.extui %ge3A_88 : i1 to i32
      %cond3A_90 = arith.constant 0 : i32
      %cond3A_91 = arith.cmpi ne, %convert_element_type3A_89, %cond3A_90 : i32
      scf.if %cond3A_91 {
        %sub3A = arith.constant 2 : i32
        %sub3A_185 = arith.subi %add3A_61, %sub3A : i32
        %mul3A_186 = arith.constant 32 : i32
        %mul3A_187 = arith.muli %mul3A_186, %sub3A_185 : i32
        %add3A_188 = arith.addi %add3A, %mul3A_187 : i32
        %mul3A_189 = arith.constant 128 : i32
        %mul3A_190 = arith.muli %add3A_188, %mul3A_189 : i32
        %dma_wait3A_191 = arith.constant 0 : i32
        %dma_wait3A_192 = tpu.memref_slice %arg4[%mul3A_190, %dma_wait3A_191] : memref<80000x256xf32, #tpu.memory_space<hbm>> -> memref<128x256xf32, #tpu.memory_space<hbm>>
        %dma_wait3A_193 = arith.constant 0 : i32
        %dma_wait3A_194 = tpu.memref_slice %arg4[%mul3A_190, %dma_wait3A_193] : memref<80000x256xf32, #tpu.memory_space<hbm>> -> memref<128x256xf32, #tpu.memory_space<hbm>>
        tpu.wait_dma2 semaphore(%arg15 : memref<!tpu.dma_semaphore, #tpu.memory_space<semaphore_mem>>) src(%arg9 : memref<128x256xf32, #tpu.memory_space<vmem>>) dst(%dma_wait3A_194 : memref<128x256xf32, #tpu.memory_space<hbm>>)
      } else {
      }
      %add3A_92 = arith.constant 1 : i32
      %add3A_93 = arith.addi %add3A_61, %add3A_92 : i32
      %lt3A_94 = arith.constant 19 : i32
      %lt3A_95 = arith.cmpi slt, %add3A_93, %lt3A_94 : i32
      %convert_element_type3A_96 = arith.extui %lt3A_95 : i1 to i32
      %cond3A_97 = arith.constant 0 : i32
      %cond3A_98 = arith.cmpi ne, %convert_element_type3A_96, %cond3A_97 : i32
      scf.if %cond3A_98 {
        %dma_start3A_185 = arith.constant 0 : i32
        %dma_start3A_186 = arith.constant 0 : i32
        %dma_start3A_187 = tpu.memref_slice %arg2[%dma_start3A_185, %dma_start3A_186] : memref<10000x256xf32, #tpu.memory_space<hbm>> -> memref<10000x256xf32, #tpu.memory_space<hbm>>
        tpu.enqueue_indirect_dma source(%dma_start3A_187 : memref<10000x256xf32, #tpu.memory_space<hbm>>) target(%arg9 : memref<128x256xf32, #tpu.memory_space<vmem>>) offsets(%arg6 : memref<128xi32, #tpu.memory_space<vmem>>) semaphore(%arg12 : memref<!tpu.dma_semaphore, #tpu.memory_space<semaphore_mem>>)
      } else {
      }
      %mul3A_99 = arith.constant 3 : i32
      %mul3A_100 = arith.muli %mul3A_99, %scan3A_57 : i32
      %add3A_101 = arith.constant 1 : i32
      %add3A_102 = arith.addi %mul3A_100, %add3A_101 : i32
      %dma_wait3A_103 = arith.constant 0 : i32
      %dma_wait3A_104 = arith.constant 0 : i32
      %dma_wait3A_105 = tpu.memref_slice %arg2[%dma_wait3A_103, %dma_wait3A_104] : memref<10000x256xf32, #tpu.memory_space<hbm>> -> memref<10000x256xf32, #tpu.memory_space<hbm>>
      tpu.wait_indirect_dma semaphore(%arg12 : memref<!tpu.dma_semaphore, #tpu.memory_space<semaphore_mem>>) src(%dma_wait3A_105 : memref<10000x256xf32, #tpu.memory_space<hbm>>) dst(%arg9 : memref<128x256xf32, #tpu.memory_space<vmem>>)
      %mul3A_106 = arith.constant 32 : i32
      %mul3A_107 = arith.muli %mul3A_106, %add3A_102 : i32
      %add3A_108 = arith.addi %add3A, %mul3A_107 : i32
      %mul3A_109 = arith.constant 128 : i32
      %mul3A_110 = arith.muli %add3A_108, %mul3A_109 : i32
      %dma_start3A_111 = arith.constant 0 : i32
      %dma_start3A_112 = tpu.memref_slice %arg4[%mul3A_110, %dma_start3A_111] : memref<80000x256xf32, #tpu.memory_space<hbm>> -> memref<128x256xf32, #tpu.memory_space<hbm>>
      %dma_start3A_113 = arith.constant 0 : i32
      %dma_start3A_114 = tpu.memref_slice %arg4[%mul3A_110, %dma_start3A_113] : memref<80000x256xf32, #tpu.memory_space<hbm>> -> memref<128x256xf32, #tpu.memory_space<hbm>>
      tpu.enqueue_dma source(%arg9 : memref<128x256xf32, #tpu.memory_space<vmem>>) target(%dma_start3A_114 : memref<128x256xf32, #tpu.memory_space<hbm>>) target_semaphore(%arg15 : memref<!tpu.dma_semaphore, #tpu.memory_space<semaphore_mem>>)
      %add3A_115 = arith.constant 3 : i32
      %add3A_116 = arith.addi %add3A_102, %add3A_115 : i32
      %lt3A_117 = arith.constant 19 : i32
      %lt3A_118 = arith.cmpi slt, %add3A_116, %lt3A_117 : i32
      %add3A_119 = arith.constant 3 : i32
      %add3A_120 = arith.addi %add3A_102, %add3A_119 : i32
      %eq3A_121 = arith.constant 19 : i32
      %eq3A_122 = arith.cmpi eq, %add3A_120, %eq3A_121 : i32
      %lt3A_123 = arith.constant 17 : i32
      %lt3A_124 = arith.cmpi slt, %add3A, %lt3A_123 : i32
      %and3A_125 = arith.andi %eq3A_122, %lt3A_124 : i1
      %or3A_126 = arith.ori %lt3A_118, %and3A_125 : i1
      %convert_element_type3A_127 = arith.extui %or3A_126 : i1 to i32
      %cond3A_128 = arith.constant 0 : i32
      %cond3A_129 = arith.cmpi ne, %convert_element_type3A_127, %cond3A_128 : i32
      scf.if %cond3A_129 {
        %add3A_185 = arith.constant 3 : i32
        %add3A_186 = arith.addi %add3A_102, %add3A_185 : i32
        %mul3A_187 = arith.constant 32 : i32
        %mul3A_188 = arith.muli %mul3A_187, %add3A_186 : i32
        %add3A_189 = arith.addi %add3A, %mul3A_188 : i32
        "tpu.region"() ({
          %run_scoped3A = tpu.sem_alloc : memref<!tpu.dma_semaphore, #tpu.memory_space<semaphore_mem>>
          %dma_start3A_190 = arith.constant 0 : i32
          %dma_start3A_191 = tpu.memref_slice %arg3[%add3A_189, %dma_start3A_190] : memref<625x128xi32, #tpu.memory_space<hbm>> -> memref<1x128xi32, #tpu.memory_space<hbm>>
          %dma_start3A_192 = tpu.memref_squeeze %dma_start3A_191 : memref<1x128xi32, #tpu.memory_space<hbm>> -> memref<128xi32, #tpu.memory_space<hbm>>
          %dma_start3A_193 = arith.constant 0 : i32
          %dma_start3A_194 = tpu.memref_slice %arg3[%add3A_189, %dma_start3A_193] : memref<625x128xi32, #tpu.memory_space<hbm>> -> memref<1x128xi32, #tpu.memory_space<hbm>>
          %dma_start3A_195 = tpu.memref_squeeze %dma_start3A_194 : memref<1x128xi32, #tpu.memory_space<hbm>> -> memref<128xi32, #tpu.memory_space<hbm>>
          tpu.enqueue_dma source(%dma_start3A_195 : memref<128xi32, #tpu.memory_space<hbm>>) target(%arg6 : memref<128xi32, #tpu.memory_space<vmem>>) target_semaphore(%run_scoped3A : memref<!tpu.dma_semaphore, #tpu.memory_space<semaphore_mem>>)
          %dma_wait3A_196 = arith.constant 0 : i32
          %dma_wait3A_197 = tpu.memref_slice %arg3[%add3A_189, %dma_wait3A_196] : memref<625x128xi32, #tpu.memory_space<hbm>> -> memref<1x128xi32, #tpu.memory_space<hbm>>
          %dma_wait3A_198 = tpu.memref_squeeze %dma_wait3A_197 : memref<1x128xi32, #tpu.memory_space<hbm>> -> memref<128xi32, #tpu.memory_space<hbm>>
          %dma_wait3A_199 = arith.constant 0 : i32
          %dma_wait3A_200 = tpu.memref_slice %arg3[%add3A_189, %dma_wait3A_199] : memref<625x128xi32, #tpu.memory_space<hbm>> -> memref<1x128xi32, #tpu.memory_space<hbm>>
          %dma_wait3A_201 = tpu.memref_squeeze %dma_wait3A_200 : memref<1x128xi32, #tpu.memory_space<hbm>> -> memref<128xi32, #tpu.memory_space<hbm>>
          tpu.wait_dma2 semaphore(%run_scoped3A : memref<!tpu.dma_semaphore, #tpu.memory_space<semaphore_mem>>) src(%dma_wait3A_201 : memref<128xi32, #tpu.memory_space<hbm>>) dst(%arg6 : memref<128xi32, #tpu.memory_space<vmem>>)
          tpu.yield
        }) : () -> ()
      } else {
      }
      %ge3A_130 = arith.constant 2 : i32
      %ge3A_131 = arith.cmpi sge, %add3A_102, %ge3A_130 : i32
      %convert_element_type3A_132 = arith.extui %ge3A_131 : i1 to i32
      %cond3A_133 = arith.constant 0 : i32
      %cond3A_134 = arith.cmpi ne, %convert_element_type3A_132, %cond3A_133 : i32
      scf.if %cond3A_134 {
        %sub3A = arith.constant 2 : i32
        %sub3A_185 = arith.subi %add3A_102, %sub3A : i32
        %mul3A_186 = arith.constant 32 : i32
        %mul3A_187 = arith.muli %mul3A_186, %sub3A_185 : i32
        %add3A_188 = arith.addi %add3A, %mul3A_187 : i32
        %mul3A_189 = arith.constant 128 : i32
        %mul3A_190 = arith.muli %add3A_188, %mul3A_189 : i32
        %dma_wait3A_191 = arith.constant 0 : i32
        %dma_wait3A_192 = tpu.memref_slice %arg4[%mul3A_190, %dma_wait3A_191] : memref<80000x256xf32, #tpu.memory_space<hbm>> -> memref<128x256xf32, #tpu.memory_space<hbm>>
        %dma_wait3A_193 = arith.constant 0 : i32
        %dma_wait3A_194 = tpu.memref_slice %arg4[%mul3A_190, %dma_wait3A_193] : memref<80000x256xf32, #tpu.memory_space<hbm>> -> memref<128x256xf32, #tpu.memory_space<hbm>>
        tpu.wait_dma2 semaphore(%arg16 : memref<!tpu.dma_semaphore, #tpu.memory_space<semaphore_mem>>) src(%arg10 : memref<128x256xf32, #tpu.memory_space<vmem>>) dst(%dma_wait3A_194 : memref<128x256xf32, #tpu.memory_space<hbm>>)
      } else {
      }
      %add3A_135 = arith.constant 1 : i32
      %add3A_136 = arith.addi %add3A_102, %add3A_135 : i32
      %lt3A_137 = arith.constant 19 : i32
      %lt3A_138 = arith.cmpi slt, %add3A_136, %lt3A_137 : i32
      %convert_element_type3A_139 = arith.extui %lt3A_138 : i1 to i32
      %cond3A_140 = arith.constant 0 : i32
      %cond3A_141 = arith.cmpi ne, %convert_element_type3A_139, %cond3A_140 : i32
      scf.if %cond3A_141 {
        %dma_start3A_185 = arith.constant 0 : i32
        %dma_start3A_186 = arith.constant 0 : i32
        %dma_start3A_187 = tpu.memref_slice %arg2[%dma_start3A_185, %dma_start3A_186] : memref<10000x256xf32, #tpu.memory_space<hbm>> -> memref<10000x256xf32, #tpu.memory_space<hbm>>
        tpu.enqueue_indirect_dma source(%dma_start3A_187 : memref<10000x256xf32, #tpu.memory_space<hbm>>) target(%arg10 : memref<128x256xf32, #tpu.memory_space<vmem>>) offsets(%arg7 : memref<128xi32, #tpu.memory_space<vmem>>) semaphore(%arg13 : memref<!tpu.dma_semaphore, #tpu.memory_space<semaphore_mem>>)
      } else {
      }
      %mul3A_142 = arith.constant 3 : i32
      %mul3A_143 = arith.muli %mul3A_142, %scan3A_57 : i32
      %add3A_144 = arith.constant 2 : i32
      %add3A_145 = arith.addi %mul3A_143, %add3A_144 : i32
      %dma_wait3A_146 = arith.constant 0 : i32
      %dma_wait3A_147 = arith.constant 0 : i32
      %dma_wait3A_148 = tpu.memref_slice %arg2[%dma_wait3A_146, %dma_wait3A_147] : memref<10000x256xf32, #tpu.memory_space<hbm>> -> memref<10000x256xf32, #tpu.memory_space<hbm>>
      tpu.wait_indirect_dma semaphore(%arg13 : memref<!tpu.dma_semaphore, #tpu.memory_space<semaphore_mem>>) src(%dma_wait3A_148 : memref<10000x256xf32, #tpu.memory_space<hbm>>) dst(%arg10 : memref<128x256xf32, #tpu.memory_space<vmem>>)
      %mul3A_149 = arith.constant 32 : i32
      %mul3A_150 = arith.muli %mul3A_149, %add3A_145 : i32
      %add3A_151 = arith.addi %add3A, %mul3A_150 : i32
      %mul3A_152 = arith.constant 128 : i32
      %mul3A_153 = arith.muli %add3A_151, %mul3A_152 : i32
      %dma_start3A_154 = arith.constant 0 : i32
      %dma_start3A_155 = tpu.memref_slice %arg4[%mul3A_153, %dma_start3A_154] : memref<80000x256xf32, #tpu.memory_space<hbm>> -> memref<128x256xf32, #tpu.memory_space<hbm>>
      %dma_start3A_156 = arith.constant 0 : i32
      %dma_start3A_157 = tpu.memref_slice %arg4[%mul3A_153, %dma_start3A_156] : memref<80000x256xf32, #tpu.memory_space<hbm>> -> memref<128x256xf32, #tpu.memory_space<hbm>>
      tpu.enqueue_dma source(%arg10 : memref<128x256xf32, #tpu.memory_space<vmem>>) target(%dma_start3A_157 : memref<128x256xf32, #tpu.memory_space<hbm>>) target_semaphore(%arg16 : memref<!tpu.dma_semaphore, #tpu.memory_space<semaphore_mem>>)
      %add3A_158 = arith.constant 3 : i32
      %add3A_159 = arith.addi %add3A_145, %add3A_158 : i32
      %lt3A_160 = arith.constant 19 : i32
      %lt3A_161 = arith.cmpi slt, %add3A_159, %lt3A_160 : i32
      %add3A_162 = arith.constant 3 : i32
      %add3A_163 = arith.addi %add3A_145, %add3A_162 : i32
      %eq3A_164 = arith.constant 19 : i32
      %eq3A_165 = arith.cmpi eq, %add3A_163, %eq3A_164 : i32
      %lt3A_166 = arith.constant 17 : i32
      %lt3A_167 = arith.cmpi slt, %add3A, %lt3A_166 : i32
      %and3A_168 = arith.andi %eq3A_165, %lt3A_167 : i1
      %or3A_169 = arith.ori %lt3A_161, %and3A_168 : i1
      %convert_element_type3A_170 = arith.extui %or3A_169 : i1 to i32
      %cond3A_171 = arith.constant 0 : i32
      %cond3A_172 = arith.cmpi ne, %convert_element_type3A_170, %cond3A_171 : i32
      scf.if %cond3A_172 {
        %add3A_185 = arith.constant 3 : i32
        %add3A_186 = arith.addi %add3A_145, %add3A_185 : i32
        %mul3A_187 = arith.constant 32 : i32
        %mul3A_188 = arith.muli %mul3A_187, %add3A_186 : i32
        %add3A_189 = arith.addi %add3A, %mul3A_188 : i32
        "tpu.region"() ({
          %run_scoped3A = tpu.sem_alloc : memref<!tpu.dma_semaphore, #tpu.memory_space<semaphore_mem>>
          %dma_start3A_190 = arith.constant 0 : i32
          %dma_start3A_191 = tpu.memref_slice %arg3[%add3A_189, %dma_start3A_190] : memref<625x128xi32, #tpu.memory_space<hbm>> -> memref<1x128xi32, #tpu.memory_space<hbm>>
          %dma_start3A_192 = tpu.memref_squeeze %dma_start3A_191 : memref<1x128xi32, #tpu.memory_space<hbm>> -> memref<128xi32, #tpu.memory_space<hbm>>
          %dma_start3A_193 = arith.constant 0 : i32
          %dma_start3A_194 = tpu.memref_slice %arg3[%add3A_189, %dma_start3A_193] : memref<625x128xi32, #tpu.memory_space<hbm>> -> memref<1x128xi32, #tpu.memory_space<hbm>>
          %dma_start3A_195 = tpu.memref_squeeze %dma_start3A_194 : memref<1x128xi32, #tpu.memory_space<hbm>> -> memref<128xi32, #tpu.memory_space<hbm>>
          tpu.enqueue_dma source(%dma_start3A_195 : memref<128xi32, #tpu.memory_space<hbm>>) target(%arg7 : memref<128xi32, #tpu.memory_space<vmem>>) target_semaphore(%run_scoped3A : memref<!tpu.dma_semaphore, #tpu.memory_space<semaphore_mem>>)
          %dma_wait3A_196 = arith.constant 0 : i32
          %dma_wait3A_197 = tpu.memref_slice %arg3[%add3A_189, %dma_wait3A_196] : memref<625x128xi32, #tpu.memory_space<hbm>> -> memref<1x128xi32, #tpu.memory_space<hbm>>
          %dma_wait3A_198 = tpu.memref_squeeze %dma_wait3A_197 : memref<1x128xi32, #tpu.memory_space<hbm>> -> memref<128xi32, #tpu.memory_space<hbm>>
          %dma_wait3A_199 = arith.constant 0 : i32
          %dma_wait3A_200 = tpu.memref_slice %arg3[%add3A_189, %dma_wait3A_199] : memref<625x128xi32, #tpu.memory_space<hbm>> -> memref<1x128xi32, #tpu.memory_space<hbm>>
          %dma_wait3A_201 = tpu.memref_squeeze %dma_wait3A_200 : memref<1x128xi32, #tpu.memory_space<hbm>> -> memref<128xi32, #tpu.memory_space<hbm>>
          tpu.wait_dma2 semaphore(%run_scoped3A : memref<!tpu.dma_semaphore, #tpu.memory_space<semaphore_mem>>) src(%dma_wait3A_201 : memref<128xi32, #tpu.memory_space<hbm>>) dst(%arg7 : memref<128xi32, #tpu.memory_space<vmem>>)
          tpu.yield
        }) : () -> ()
      } else {
      }
      %ge3A_173 = arith.constant 2 : i32
      %ge3A_174 = arith.cmpi sge, %add3A_145, %ge3A_173 : i32
      %convert_element_type3A_175 = arith.extui %ge3A_174 : i1 to i32
      %cond3A_176 = arith.constant 0 : i32
      %cond3A_177 = arith.cmpi ne, %convert_element_type3A_175, %cond3A_176 : i32
      scf.if %cond3A_177 {
        %sub3A = arith.constant 2 : i32
        %sub3A_185 = arith.subi %add3A_145, %sub3A : i32
        %mul3A_186 = arith.constant 32 : i32
        %mul3A_187 = arith.muli %mul3A_186, %sub3A_185 : i32
        %add3A_188 = arith.addi %add3A, %mul3A_187 : i32
        %mul3A_189 = arith.constant 128 : i32
        %mul3A_190 = arith.muli %add3A_188, %mul3A_189 : i32
        %dma_wait3A_191 = arith.constant 0 : i32
        %dma_wait3A_192 = tpu.memref_slice %arg4[%mul3A_190, %dma_wait3A_191] : memref<80000x256xf32, #tpu.memory_space<hbm>> -> memref<128x256xf32, #tpu.memory_space<hbm>>
        %dma_wait3A_193 = arith.constant 0 : i32
        %dma_wait3A_194 = tpu.memref_slice %arg4[%mul3A_190, %dma_wait3A_193] : memref<80000x256xf32, #tpu.memory_space<hbm>> -> memref<128x256xf32, #tpu.memory_space<hbm>>
        tpu.wait_dma2 semaphore(%arg14 : memref<!tpu.dma_semaphore, #tpu.memory_space<semaphore_mem>>) src(%arg8 : memref<128x256xf32, #tpu.memory_space<vmem>>) dst(%dma_wait3A_194 : memref<128x256xf32, #tpu.memory_space<hbm>>)
      } else {
      }
      %add3A_178 = arith.constant 1 : i32
      %add3A_179 = arith.addi %add3A_145, %add3A_178 : i32
      %lt3A_180 = arith.constant 19 : i32
      %lt3A_181 = arith.cmpi slt, %add3A_179, %lt3A_180 : i32
      %convert_element_type3A_182 = arith.extui %lt3A_181 : i1 to i32
      %cond3A_183 = arith.constant 0 : i32
      %cond3A_184 = arith.cmpi ne, %convert_element_type3A_182, %cond3A_183 : i32
      scf.if %cond3A_184 {
        %dma_start3A_185 = arith.constant 0 : i32
        %dma_start3A_186 = arith.constant 0 : i32
        %dma_start3A_187 = tpu.memref_slice %arg2[%dma_start3A_185, %dma_start3A_186] : memref<10000x256xf32, #tpu.memory_space<hbm>> -> memref<10000x256xf32, #tpu.memory_space<hbm>>
        tpu.enqueue_indirect_dma source(%dma_start3A_187 : memref<10000x256xf32, #tpu.memory_space<hbm>>) target(%arg8 : memref<128x256xf32, #tpu.memory_space<vmem>>) offsets(%arg5 : memref<128xi32, #tpu.memory_space<vmem>>) semaphore(%arg11 : memref<!tpu.dma_semaphore, #tpu.memory_space<semaphore_mem>>)
      } else {
      }
    }
    %scan3A_13 = arith.constant 6 : i32
    %dma_wait3A = arith.constant 0 : i32
    %dma_wait3A_14 = arith.constant 0 : i32
    %dma_wait3A_15 = tpu.memref_slice %arg2[%dma_wait3A, %dma_wait3A_14] : memref<10000x256xf32, #tpu.memory_space<hbm>> -> memref<10000x256xf32, #tpu.memory_space<hbm>>
    tpu.wait_indirect_dma semaphore(%arg11 : memref<!tpu.dma_semaphore, #tpu.memory_space<semaphore_mem>>) src(%dma_wait3A_15 : memref<10000x256xf32, #tpu.memory_space<hbm>>) dst(%arg8 : memref<128x256xf32, #tpu.memory_space<vmem>>)
    %add3A_16 = arith.constant 576 : i32
    %add3A_17 = arith.addi %add3A, %add3A_16 : i32
    %mul3A_18 = arith.constant 128 : i32
    %mul3A_19 = arith.muli %add3A_17, %mul3A_18 : i32
    %dma_start3A_20 = arith.constant 0 : i32
    %dma_start3A_21 = tpu.memref_slice %arg4[%mul3A_19, %dma_start3A_20] : memref<80000x256xf32, #tpu.memory_space<hbm>> -> memref<128x256xf32, #tpu.memory_space<hbm>>
    %dma_start3A_22 = arith.constant 0 : i32
    %dma_start3A_23 = tpu.memref_slice %arg4[%mul3A_19, %dma_start3A_22] : memref<80000x256xf32, #tpu.memory_space<hbm>> -> memref<128x256xf32, #tpu.memory_space<hbm>>
    tpu.enqueue_dma source(%arg8 : memref<128x256xf32, #tpu.memory_space<vmem>>) target(%dma_start3A_23 : memref<128x256xf32, #tpu.memory_space<hbm>>) target_semaphore(%arg14 : memref<!tpu.dma_semaphore, #tpu.memory_space<semaphore_mem>>)
    %lt3A = arith.constant 17 : i32
    %lt3A_24 = arith.cmpi slt, %add3A, %lt3A : i32
    %and3A = arith.constant false
    %and3A_25 = arith.andi %and3A, %lt3A_24 : i1
    %or3A = arith.constant false
    %or3A_26 = arith.ori %or3A, %and3A_25 : i1
    %convert_element_type3A = arith.extui %or3A_26 : i1 to i32
    %cond3A = arith.constant 0 : i32
    %cond3A_27 = arith.cmpi ne, %convert_element_type3A, %cond3A : i32
    scf.if %cond3A_27 {
      %add3A_57 = arith.constant 672 : i32
      %add3A_58 = arith.addi %add3A, %add3A_57 : i32
      "tpu.region"() ({
        %run_scoped3A = tpu.sem_alloc : memref<!tpu.dma_semaphore, #tpu.memory_space<semaphore_mem>>
        %dma_start3A_59 = arith.constant 0 : i32
        %dma_start3A_60 = tpu.memref_slice %arg3[%add3A_58, %dma_start3A_59] : memref<625x128xi32, #tpu.memory_space<hbm>> -> memref<1x128xi32, #tpu.memory_space<hbm>>
        %dma_start3A_61 = tpu.memref_squeeze %dma_start3A_60 : memref<1x128xi32, #tpu.memory_space<hbm>> -> memref<128xi32, #tpu.memory_space<hbm>>
        %dma_start3A_62 = arith.constant 0 : i32
        %dma_start3A_63 = tpu.memref_slice %arg3[%add3A_58, %dma_start3A_62] : memref<625x128xi32, #tpu.memory_space<hbm>> -> memref<1x128xi32, #tpu.memory_space<hbm>>
        %dma_start3A_64 = tpu.memref_squeeze %dma_start3A_63 : memref<1x128xi32, #tpu.memory_space<hbm>> -> memref<128xi32, #tpu.memory_space<hbm>>
        tpu.enqueue_dma source(%dma_start3A_64 : memref<128xi32, #tpu.memory_space<hbm>>) target(%arg5 : memref<128xi32, #tpu.memory_space<vmem>>) target_semaphore(%run_scoped3A : memref<!tpu.dma_semaphore, #tpu.memory_space<semaphore_mem>>)
        %dma_wait3A_65 = arith.constant 0 : i32
        %dma_wait3A_66 = tpu.memref_slice %arg3[%add3A_58, %dma_wait3A_65] : memref<625x128xi32, #tpu.memory_space<hbm>> -> memref<1x128xi32, #tpu.memory_space<hbm>>
        %dma_wait3A_67 = tpu.memref_squeeze %dma_wait3A_66 : memref<1x128xi32, #tpu.memory_space<hbm>> -> memref<128xi32, #tpu.memory_space<hbm>>
        %dma_wait3A_68 = arith.constant 0 : i32
        %dma_wait3A_69 = tpu.memref_slice %arg3[%add3A_58, %dma_wait3A_68] : memref<625x128xi32, #tpu.memory_space<hbm>> -> memref<1x128xi32, #tpu.memory_space<hbm>>
        %dma_wait3A_70 = tpu.memref_squeeze %dma_wait3A_69 : memref<1x128xi32, #tpu.memory_space<hbm>> -> memref<128xi32, #tpu.memory_space<hbm>>
        tpu.wait_dma2 semaphore(%run_scoped3A : memref<!tpu.dma_semaphore, #tpu.memory_space<semaphore_mem>>) src(%dma_wait3A_70 : memref<128xi32, #tpu.memory_space<hbm>>) dst(%arg5 : memref<128xi32, #tpu.memory_space<vmem>>)
        tpu.yield
      }) : () -> ()
    } else {
    }
    %add3A_28 = arith.constant 512 : i32
    %add3A_29 = arith.addi %add3A, %add3A_28 : i32
    %mul3A_30 = arith.constant 128 : i32
    %mul3A_31 = arith.muli %add3A_29, %mul3A_30 : i32
    %dma_wait3A_32 = arith.constant 0 : i32
    %dma_wait3A_33 = tpu.memref_slice %arg4[%mul3A_31, %dma_wait3A_32] : memref<80000x256xf32, #tpu.memory_space<hbm>> -> memref<128x256xf32, #tpu.memory_space<hbm>>
    %dma_wait3A_34 = arith.constant 0 : i32
    %dma_wait3A_35 = tpu.memref_slice %arg4[%mul3A_31, %dma_wait3A_34] : memref<80000x256xf32, #tpu.memory_space<hbm>> -> memref<128x256xf32, #tpu.memory_space<hbm>>
    tpu.wait_dma2 semaphore(%arg15 : memref<!tpu.dma_semaphore, #tpu.memory_space<semaphore_mem>>) src(%arg9 : memref<128x256xf32, #tpu.memory_space<vmem>>) dst(%dma_wait3A_35 : memref<128x256xf32, #tpu.memory_space<hbm>>)
    %add3A_36 = arith.constant 544 : i32
    %add3A_37 = arith.addi %add3A, %add3A_36 : i32
    %mul3A_38 = arith.constant 128 : i32
    %mul3A_39 = arith.muli %add3A_37, %mul3A_38 : i32
    %dma_wait3A_40 = arith.constant 0 : i32
    %dma_wait3A_41 = tpu.memref_slice %arg4[%mul3A_39, %dma_wait3A_40] : memref<80000x256xf32, #tpu.memory_space<hbm>> -> memref<128x256xf32, #tpu.memory_space<hbm>>
    %dma_wait3A_42 = arith.constant 0 : i32
    %dma_wait3A_43 = tpu.memref_slice %arg4[%mul3A_39, %dma_wait3A_42] : memref<80000x256xf32, #tpu.memory_space<hbm>> -> memref<128x256xf32, #tpu.memory_space<hbm>>
    tpu.wait_dma2 semaphore(%arg16 : memref<!tpu.dma_semaphore, #tpu.memory_space<semaphore_mem>>) src(%arg10 : memref<128x256xf32, #tpu.memory_space<vmem>>) dst(%dma_wait3A_43 : memref<128x256xf32, #tpu.memory_space<hbm>>)
    %add3A_44 = arith.constant 576 : i32
    %add3A_45 = arith.addi %add3A, %add3A_44 : i32
    %mul3A_46 = arith.constant 128 : i32
    %mul3A_47 = arith.muli %add3A_45, %mul3A_46 : i32
    %dma_wait3A_48 = arith.constant 0 : i32
    %dma_wait3A_49 = tpu.memref_slice %arg4[%mul3A_47, %dma_wait3A_48] : memref<80000x256xf32, #tpu.memory_space<hbm>> -> memref<128x256xf32, #tpu.memory_space<hbm>>
    %dma_wait3A_50 = arith.constant 0 : i32
    %dma_wait3A_51 = tpu.memref_slice %arg4[%mul3A_47, %dma_wait3A_50] : memref<80000x256xf32, #tpu.memory_space<hbm>> -> memref<128x256xf32, #tpu.memory_space<hbm>>
    tpu.wait_dma2 semaphore(%arg14 : memref<!tpu.dma_semaphore, #tpu.memory_space<semaphore_mem>>) src(%arg8 : memref<128x256xf32, #tpu.memory_space<vmem>>) dst(%dma_wait3A_51 : memref<128x256xf32, #tpu.memory_space<hbm>>)
    %lt3A_52 = arith.constant 17 : i32
    %lt3A_53 = arith.cmpi slt, %add3A, %lt3A_52 : i32
    %convert_element_type3A_54 = arith.extui %lt3A_53 : i1 to i32
    %cond3A_55 = arith.constant 0 : i32
    %cond3A_56 = arith.cmpi ne, %convert_element_type3A_54, %cond3A_55 : i32
    scf.if %cond3A_56 {
      %dma_start3A_57 = arith.constant 0 : i32
      %dma_start3A_58 = arith.constant 0 : i32
      %dma_start3A_59 = tpu.memref_slice %arg2[%dma_start3A_57, %dma_start3A_58] : memref<10000x256xf32, #tpu.memory_space<hbm>> -> memref<10000x256xf32, #tpu.memory_space<hbm>>
      tpu.enqueue_indirect_dma source(%dma_start3A_59 : memref<10000x256xf32, #tpu.memory_space<hbm>>) target(%arg9 : memref<128x256xf32, #tpu.memory_space<vmem>>) offsets(%arg6 : memref<128xi32, #tpu.memory_space<vmem>>) semaphore(%arg12 : memref<!tpu.dma_semaphore, #tpu.memory_space<semaphore_mem>>)
      %dma_wait3A_60 = arith.constant 0 : i32
      %dma_wait3A_61 = arith.constant 0 : i32
      %dma_wait3A_62 = tpu.memref_slice %arg2[%dma_wait3A_60, %dma_wait3A_61] : memref<10000x256xf32, #tpu.memory_space<hbm>> -> memref<10000x256xf32, #tpu.memory_space<hbm>>
      tpu.wait_indirect_dma semaphore(%arg12 : memref<!tpu.dma_semaphore, #tpu.memory_space<semaphore_mem>>) src(%dma_wait3A_62 : memref<10000x256xf32, #tpu.memory_space<hbm>>) dst(%arg9 : memref<128x256xf32, #tpu.memory_space<vmem>>)
      %add3A_63 = arith.constant 608 : i32
      %add3A_64 = arith.addi %add3A, %add3A_63 : i32
      %mul3A_65 = arith.constant 128 : i32
      %mul3A_66 = arith.muli %add3A_64, %mul3A_65 : i32
      %dma_start3A_67 = arith.constant 0 : i32
      %dma_start3A_68 = tpu.memref_slice %arg4[%mul3A_66, %dma_start3A_67] : memref<80000x256xf32, #tpu.memory_space<hbm>> -> memref<128x256xf32, #tpu.memory_space<hbm>>
      %dma_start3A_69 = arith.constant 0 : i32
      %dma_start3A_70 = tpu.memref_slice %arg4[%mul3A_66, %dma_start3A_69] : memref<80000x256xf32, #tpu.memory_space<hbm>> -> memref<128x256xf32, #tpu.memory_space<hbm>>
      tpu.enqueue_dma source(%arg9 : memref<128x256xf32, #tpu.memory_space<vmem>>) target(%dma_start3A_70 : memref<128x256xf32, #tpu.memory_space<hbm>>) target_semaphore(%arg15 : memref<!tpu.dma_semaphore, #tpu.memory_space<semaphore_mem>>)
      %add3A_71 = arith.constant 608 : i32
      %add3A_72 = arith.addi %add3A, %add3A_71 : i32
      %mul3A_73 = arith.constant 128 : i32
      %mul3A_74 = arith.muli %add3A_72, %mul3A_73 : i32
      %dma_wait3A_75 = arith.constant 0 : i32
      %dma_wait3A_76 = tpu.memref_slice %arg4[%mul3A_74, %dma_wait3A_75] : memref<80000x256xf32, #tpu.memory_space<hbm>> -> memref<128x256xf32, #tpu.memory_space<hbm>>
      %dma_wait3A_77 = arith.constant 0 : i32
      %dma_wait3A_78 = tpu.memref_slice %arg4[%mul3A_74, %dma_wait3A_77] : memref<80000x256xf32, #tpu.memory_space<hbm>> -> memref<128x256xf32, #tpu.memory_space<hbm>>
      tpu.wait_dma2 semaphore(%arg15 : memref<!tpu.dma_semaphore, #tpu.memory_space<semaphore_mem>>) src(%arg9 : memref<128x256xf32, #tpu.memory_space<vmem>>) dst(%dma_wait3A_78 : memref<128x256xf32, #tpu.memory_space<hbm>>)
    } else {
    }
    return
  }
}

module attributes {stable_mosaic.version = 14 : i64} {
  func.func @body(%arg0: i32, %arg1: memref<2000x256xf32, #tpu.memory_space<vmem>>, %arg2: memref<256x256xf32, #tpu.memory_space<vmem>>, %arg3: memref<1x256xf32, #tpu.memory_space<vmem>>, %arg4: memref<2000x256xf32, #tpu.memory_space<vmem>>, %arg5: memref<2000x128xf32, #tpu.memory_space<vmem>>) attributes {dimension_semantics = [#tpu.dimension_semantics<arbitrary>], iteration_bounds = array<i64: 5>, scalar_prefetch = 0 : i64, scratch_operands = 0 : i64, tpu.core_type = #tpu.core_type<tc>, window_params = [{transform_indices = @transform_0, window_bounds = array<i64: 2000, 256>}, {pipeline_mode = #tpu.pipeline_mode<synchronous>, transform_indices = @transform_1, window_bounds = array<i64: 256, 256>}, {pipeline_mode = #tpu.pipeline_mode<synchronous>, transform_indices = @transform_2, window_bounds = array<i64: 1, 256>}, {transform_indices = @transform_3, window_bounds = array<i64: 2000, 256>}, {transform_indices = @transform_4, window_bounds = array<i64: 2000, 128>}]} {
    %get3A = arith.constant 0 : index
    %get3A_0 = arith.constant 0 : index
    %get3A_1 = vector.load %arg1[%get3A, %get3A_0] : memref<2000x256xf32, #tpu.memory_space<vmem>>, vector<2000x256xf32>
    %get3A_2 = arith.constant 0 : index
    %get3A_3 = arith.constant 0 : index
    %get3A_4 = vector.load %arg2[%get3A_2, %get3A_3] : memref<256x256xf32, #tpu.memory_space<vmem>>, vector<256x256xf32>
    %dot_general3A = arith.constant dense<0.000000e+00> : vector<2000x256xf32>
    %dot_general3A_5 = tpu.matmul %get3A_1, %get3A_4, %dot_general3A {dimension_numbers = #tpu.dot_dimension_numbers<[1], [0], [0], [1], [0, 0, 1, 1], [], []>, precision = #tpu.contract_precision<fp32>, transpose_lhs_hint = false} : vector<2000x256xf32>, vector<256x256xf32>, vector<2000x256xf32> -> vector<2000x256xf32>
    %get3A_6 = arith.constant 0 : index
    %get3A_7 = arith.constant 0 : index
    %get3A_8 = vector.load %arg3[%get3A_6, %get3A_7] : memref<1x256xf32, #tpu.memory_space<vmem>>, vector<1x256xf32>
    %add3A = vector.broadcast %get3A_8 : vector<1x256xf32> to vector<2000x256xf32>
    %add3A_9 = arith.addf %dot_general3A_5, %add3A : vector<2000x256xf32>
    %swap3A = arith.constant 0 : index
    %swap3A_10 = arith.constant 0 : index
    %swap3A_11 = vector.load %arg4[%swap3A, %swap3A_10] : memref<2000x256xf32, #tpu.memory_space<vmem>>, vector<2000x256xf32>
    tpu.vector_store %arg4[%swap3A, %swap3A_10], %add3A_9 {strides = array<i32>} : memref<2000x256xf32, #tpu.memory_space<vmem>>, vector<2000x256xf32>,
    %convert_element_type3A = arith.truncf %add3A_9 : vector<2000x256xf32> to vector<2000x256xbf16>
    %slice3A = vector.extract_strided_slice %convert_element_type3A {offsets = [0, 0], sizes = [2000, 128], strides = [1, 1]} : vector<2000x256xbf16> to vector<2000x128xbf16>
    %bitcast_convert_type3A = tpu.bitcast %slice3A : vector<2000x128xbf16> -> vector<2000x128xi16>
    %convert_element_type3A_12 = arith.extui %bitcast_convert_type3A : vector<2000x128xi16> to vector<2000x128xi32>
    %slice3A_13 = vector.extract_strided_slice %convert_element_type3A {offsets = [0, 128], sizes = [2000, 128], strides = [1, 1]} : vector<2000x256xbf16> to vector<2000x128xbf16>
    %bitcast_convert_type3A_14 = tpu.bitcast %slice3A_13 : vector<2000x128xbf16> -> vector<2000x128xi16>
    %convert_element_type3A_15 = arith.extui %bitcast_convert_type3A_14 : vector<2000x128xi16> to vector<2000x128xi32>
    %shift_left3A = arith.constant 16 : i32
    %shift_left3A_16 = vector.broadcast %shift_left3A : i32 to vector<2000x128xi32>
    %shift_left3A_17 = arith.shli %convert_element_type3A_15, %shift_left3A_16 : vector<2000x128xi32>
    %or3A = arith.ori %convert_element_type3A_12, %shift_left3A_17 : vector<2000x128xi32>
    %bitcast_convert_type3A_18 = tpu.bitcast %or3A : vector<2000x128xi32> -> vector<2000x128xf32>
    %swap3A_19 = arith.constant 0 : index
    %swap3A_20 = arith.constant 0 : index
    %swap3A_21 = vector.load %arg5[%swap3A_19, %swap3A_20] : memref<2000x128xf32, #tpu.memory_space<vmem>>, vector<2000x128xf32>
    tpu.vector_store %arg5[%swap3A_19, %swap3A_20], %bitcast_convert_type3A_18 {strides = array<i32>} : memref<2000x128xf32, #tpu.memory_space<vmem>>, vector<2000x128xf32>,
    return
  }
  func.func @transform_0(%arg0: i32) -> (i32, i32) {
    %c0_i32 = arith.constant 0 : i32
    %c0_i32_0 = arith.constant 0 : i32
    return %arg0, %c0_i32 : i32, i32
  }
  func.func @transform_1(%arg0: i32) -> (i32, i32) {
    %c0_i32 = arith.constant 0 : i32
    %c0_i32_0 = arith.constant 0 : i32
    %c0_i32_1 = arith.constant 0 : i32
    return %c0_i32, %c0_i32_0 : i32, i32
  }
  func.func @transform_2(%arg0: i32) -> (i32, i32) {
    %c0_i32 = arith.constant 0 : i32
    %c0_i32_0 = arith.constant 0 : i32
    %c0_i32_1 = arith.constant 0 : i32
    return %c0_i32, %c0_i32_0 : i32, i32
  }
  func.func @transform_3(%arg0: i32) -> (i32, i32) {
    %c0_i32 = arith.constant 0 : i32
    %c0_i32_0 = arith.constant 0 : i32
    return %arg0, %c0_i32 : i32, i32
  }
  func.func @transform_4(%arg0: i32) -> (i32, i32) {
    %c0_i32 = arith.constant 0 : i32
    %c0_i32_0 = arith.constant 0 : i32
    return %arg0, %c0_i32 : i32, i32
  }
}

module attributes {stable_mosaic.version = 14 : i64} {
  func.func @body(%arg0: i32, %arg1: memref<3200x128xf32, #tpu.memory_space<vmem>>, %arg2: memref<3200x16xf32, #tpu.memory_space<vmem>>, %arg3: memref<200x256xf32, #tpu.memory_space<vmem>>, %arg4: memref<256x256xbf16, #tpu.memory_space<vmem>>, %arg5: memref<16x256xbf16, #tpu.memory_space<vmem>>, %arg6: memref<256x256xf32, #tpu.memory_space<vmem>>, %arg7: memref<256x256xf32, #tpu.memory_space<vmem>>, %arg8: memref<2x256xf32, #tpu.memory_space<vmem>>, %arg9: memref<200x256xf32, #tpu.memory_space<vmem>>) attributes {dimension_semantics = [#tpu.dimension_semantics<arbitrary>], iteration_bounds = array<i64: 25>, scalar_prefetch = 0 : i64, scratch_operands = 0 : i64, tpu.core_type = #tpu.core_type<tc>, window_params = [{transform_indices = @transform_0, window_bounds = array<i64: 3200, 128>}, {transform_indices = @transform_1, window_bounds = array<i64: 3200, 16>}, {transform_indices = @transform_2, window_bounds = array<i64: 200, 256>}, {pipeline_mode = #tpu.pipeline_mode<synchronous>, transform_indices = @transform_3, window_bounds = array<i64: 256, 256>}, {pipeline_mode = #tpu.pipeline_mode<synchronous>, transform_indices = @transform_4, window_bounds = array<i64: 16, 256>}, {pipeline_mode = #tpu.pipeline_mode<synchronous>, transform_indices = @transform_5, window_bounds = array<i64: 256, 256>}, {pipeline_mode = #tpu.pipeline_mode<synchronous>, transform_indices = @transform_6, window_bounds = array<i64: 256, 256>}, {pipeline_mode = #tpu.pipeline_mode<synchronous>, transform_indices = @transform_7, window_bounds = array<i64: 2, 256>}, {transform_indices = @transform_8, window_bounds = array<i64: 200, 256>}]} {
    %get3A = arith.constant 0 : index
    %get3A_0 = arith.constant 0 : index
    %get3A_1 = vector.load %arg8[%get3A, %get3A_0] : memref<2x256xf32, #tpu.memory_space<vmem>>, vector<1x256xf32>
    %get3A_2 = arith.constant 0 : index
    %get3A_3 = arith.constant 0 : index
    %get3A_4 = vector.load %arg1[%get3A_2, %get3A_3] : memref<3200x128xf32, #tpu.memory_space<vmem>>, vector<3200x128xf32>
    %bitcast_convert_type3A = tpu.bitcast %get3A_4 : vector<3200x128xf32> -> vector<3200x128xi32>
    %and3A = arith.constant 65535 : i32
    %and3A_5 = vector.broadcast %and3A : i32 to vector<3200x128xi32>
    %and3A_6 = arith.andi %bitcast_convert_type3A, %and3A_5 : vector<3200x128xi32>
    %convert_element_type3A = arith.trunci %and3A_6 : vector<3200x128xi32> to vector<3200x128xi16>
    %bitcast_convert_type3A_7 = tpu.bitcast %convert_element_type3A : vector<3200x128xi16> -> vector<3200x128xbf16>
    %shift_right_logical3A = arith.constant 16 : i32
    %shift_right_logical3A_8 = vector.broadcast %shift_right_logical3A : i32 to vector<3200x128xi32>
    %shift_right_logical3A_9 = arith.shrui %bitcast_convert_type3A, %shift_right_logical3A_8 : vector<3200x128xi32>
    %convert_element_type3A_10 = arith.trunci %shift_right_logical3A_9 : vector<3200x128xi32> to vector<3200x128xi16>
    %bitcast_convert_type3A_11 = tpu.bitcast %convert_element_type3A_10 : vector<3200x128xi16> -> vector<3200x128xbf16>
    %get3A_12 = arith.constant 0 : index
    %get3A_13 = arith.constant 0 : index
    %get3A_14 = vector.load %arg4[%get3A_12, %get3A_13] : memref<256x256xbf16, #tpu.memory_space<vmem>>, vector<128x256xbf16>
    %dot_general3A = arith.constant dense<0.000000e+00> : vector<3200x256xf32>
    %dot_general3A_15 = tpu.matmul %bitcast_convert_type3A_7, %get3A_14, %dot_general3A {dimension_numbers = #tpu.dot_dimension_numbers<[1], [0], [0], [1], [0, 0, 1, 1], [], []>, transpose_lhs_hint = false} : vector<3200x128xbf16>, vector<128x256xbf16>, vector<3200x256xf32> -> vector<3200x256xf32>
    %get3A_16 = arith.constant 128 : index
    %get3A_17 = arith.constant 0 : index
    %get3A_18 = vector.load %arg4[%get3A_16, %get3A_17] : memref<256x256xbf16, #tpu.memory_space<vmem>>, vector<128x256xbf16>
    %dot_general3A_19 = arith.constant dense<0.000000e+00> : vector<3200x256xf32>
    %dot_general3A_20 = tpu.matmul %bitcast_convert_type3A_11, %get3A_18, %dot_general3A_19 {dimension_numbers = #tpu.dot_dimension_numbers<[1], [0], [0], [1], [0, 0, 1, 1], [], []>, transpose_lhs_hint = false} : vector<3200x128xbf16>, vector<128x256xbf16>, vector<3200x256xf32> -> vector<3200x256xf32>
    %add3A = arith.addf %dot_general3A_15, %dot_general3A_20 : vector<3200x256xf32>
    %get3A_21 = arith.constant 0 : index
    %get3A_22 = arith.constant 0 : index
    %get3A_23 = vector.load %arg2[%get3A_21, %get3A_22] : memref<3200x16xf32, #tpu.memory_space<vmem>>, vector<3200x16xf32>
    %convert_element_type3A_24 = arith.truncf %get3A_23 : vector<3200x16xf32> to vector<3200x16xbf16>
    %get3A_25 = arith.constant 0 : index
    %get3A_26 = arith.constant 0 : index
    %get3A_27 = vector.load %arg5[%get3A_25, %get3A_26] : memref<16x256xbf16, #tpu.memory_space<vmem>>, vector<16x256xbf16>
    %dot_general3A_28 = arith.constant dense<0.000000e+00> : vector<3200x256xf32>
    %dot_general3A_29 = tpu.matmul %convert_element_type3A_24, %get3A_27, %dot_general3A_28 {dimension_numbers = #tpu.dot_dimension_numbers<[1], [0], [0], [1], [0, 0, 1, 1], [], []>, transpose_lhs_hint = false} : vector<3200x16xbf16>, vector<16x256xbf16>, vector<3200x256xf32> -> vector<3200x256xf32>
    %add3A_30 = arith.addf %add3A, %dot_general3A_29 : vector<3200x256xf32>
    %add3A_31 = vector.broadcast %get3A_1 : vector<1x256xf32> to vector<3200x256xf32>
    %add3A_32 = arith.addf %add3A_30, %add3A_31 : vector<3200x256xf32>
    %max3A = arith.constant 0.000000e+00 : f32
    %max3A_33 = vector.broadcast %max3A : f32 to vector<3200x256xf32>
    %max3A_34 = arith.maximumf %add3A_32, %max3A_33 : vector<3200x256xf32>
    %reshape3A = vector.shape_cast %max3A_34 : vector<3200x256xf32> to vector<200x16x256xf32>
    %reduce_sum3A = arith.constant dense<0.000000e+00> : vector<200x256xf32>
    %reduce_sum3A_35 = vector.multi_reduction <add>, %reshape3A, %reduce_sum3A [1] : vector<200x16x256xf32> to vector<200x256xf32>
    %get3A_36 = arith.constant 0 : index
    %get3A_37 = arith.constant 0 : index
    %get3A_38 = vector.load %arg3[%get3A_36, %get3A_37] : memref<200x256xf32, #tpu.memory_space<vmem>>, vector<200x256xf32>
    %get3A_39 = arith.constant 0 : index
    %get3A_40 = arith.constant 0 : index
    %get3A_41 = vector.load %arg6[%get3A_39, %get3A_40] : memref<256x256xf32, #tpu.memory_space<vmem>>, vector<256x256xf32>
    %dot_general3A_42 = arith.constant dense<0.000000e+00> : vector<200x256xf32>
    %dot_general3A_43 = tpu.matmul %get3A_38, %get3A_41, %dot_general3A_42 {dimension_numbers = #tpu.dot_dimension_numbers<[1], [0], [0], [1], [0, 0, 1, 1], [], []>, precision = #tpu.contract_precision<fp32>, transpose_lhs_hint = false} : vector<200x256xf32>, vector<256x256xf32>, vector<200x256xf32> -> vector<200x256xf32>
    %get3A_44 = arith.constant 0 : index
    %get3A_45 = arith.constant 0 : index
    %get3A_46 = vector.load %arg7[%get3A_44, %get3A_45] : memref<256x256xf32, #tpu.memory_space<vmem>>, vector<256x256xf32>
    %dot_general3A_47 = arith.constant dense<0.000000e+00> : vector<200x256xf32>
    %dot_general3A_48 = tpu.matmul %reduce_sum3A_35, %get3A_46, %dot_general3A_47 {dimension_numbers = #tpu.dot_dimension_numbers<[1], [0], [0], [1], [0, 0, 1, 1], [], []>, precision = #tpu.contract_precision<fp32>, transpose_lhs_hint = false} : vector<200x256xf32>, vector<256x256xf32>, vector<200x256xf32> -> vector<200x256xf32>
    %add3A_49 = arith.addf %dot_general3A_43, %dot_general3A_48 : vector<200x256xf32>
    %get3A_50 = arith.constant 1 : index
    %get3A_51 = arith.constant 0 : index
    %get3A_52 = vector.load %arg8[%get3A_50, %get3A_51] : memref<2x256xf32, #tpu.memory_space<vmem>>, vector<1x256xf32>
    %add3A_53 = vector.broadcast %get3A_52 : vector<1x256xf32> to vector<200x256xf32>
    %add3A_54 = arith.addf %add3A_49, %add3A_53 : vector<200x256xf32>
    %max3A_55 = arith.constant 0.000000e+00 : f32
    %max3A_56 = vector.broadcast %max3A_55 : f32 to vector<200x256xf32>
    %max3A_57 = arith.maximumf %add3A_54, %max3A_56 : vector<200x256xf32>
    %swap3A = arith.constant 0 : index
    %swap3A_58 = arith.constant 0 : index
    %swap3A_59 = vector.load %arg9[%swap3A, %swap3A_58] : memref<200x256xf32, #tpu.memory_space<vmem>>, vector<200x256xf32>
    tpu.vector_store %arg9[%swap3A, %swap3A_58], %max3A_57 {strides = array<i32>} : memref<200x256xf32, #tpu.memory_space<vmem>>, vector<200x256xf32>,
    return
  }
  func.func @transform_0(%arg0: i32) -> (i32, i32) {
    %c0_i32 = arith.constant 0 : i32
    %c0_i32_0 = arith.constant 0 : i32
    return %arg0, %c0_i32 : i32, i32
  }
  func.func @transform_1(%arg0: i32) -> (i32, i32) {
    %c0_i32 = arith.constant 0 : i32
    %c0_i32_0 = arith.constant 0 : i32
    return %arg0, %c0_i32 : i32, i32
  }
  func.func @transform_2(%arg0: i32) -> (i32, i32) {
    %add3A = arith.constant 0 : i32
    %add3A_0 = arith.addi %arg0, %add3A : i32
    %c0_i32 = arith.constant 0 : i32
    %c0_i32_1 = arith.constant 0 : i32
    return %add3A_0, %c0_i32 : i32, i32
  }
  func.func @transform_3(%arg0: i32) -> (i32, i32) {
    %c0_i32 = arith.constant 0 : i32
    %c0_i32_0 = arith.constant 0 : i32
    %c0_i32_1 = arith.constant 0 : i32
    return %c0_i32, %c0_i32_0 : i32, i32
  }
  func.func @transform_4(%arg0: i32) -> (i32, i32) {
    %c0_i32 = arith.constant 0 : i32
    %c0_i32_0 = arith.constant 0 : i32
    %c0_i32_1 = arith.constant 0 : i32
    return %c0_i32, %c0_i32_0 : i32, i32
  }
  func.func @transform_5(%arg0: i32) -> (i32, i32) {
    %c0_i32 = arith.constant 0 : i32
    %c0_i32_0 = arith.constant 0 : i32
    %c0_i32_1 = arith.constant 0 : i32
    return %c0_i32, %c0_i32_0 : i32, i32
  }
  func.func @transform_6(%arg0: i32) -> (i32, i32) {
    %c0_i32 = arith.constant 0 : i32
    %c0_i32_0 = arith.constant 0 : i32
    %c0_i32_1 = arith.constant 0 : i32
    return %c0_i32, %c0_i32_0 : i32, i32
  }
  func.func @transform_7(%arg0: i32) -> (i32, i32) {
    %c0_i32 = arith.constant 0 : i32
    %c0_i32_0 = arith.constant 0 : i32
    %c0_i32_1 = arith.constant 0 : i32
    return %c0_i32, %c0_i32_0 : i32, i32
  }
  func.func @transform_8(%arg0: i32) -> (i32, i32) {
    %c0_i32 = arith.constant 0 : i32
    %c0_i32_0 = arith.constant 0 : i32
    return %arg0, %c0_i32 : i32, i32
  }
}

module attributes {stable_mosaic.version = 14 : i64} {
  func.func @body(%arg0: i32, %arg1: memref<3200x128xf32, #tpu.memory_space<vmem>>, %arg2: memref<3200x16xf32, #tpu.memory_space<vmem>>, %arg3: memref<200x256xf32, #tpu.memory_space<vmem>>, %arg4: memref<256x256xbf16, #tpu.memory_space<vmem>>, %arg5: memref<16x256xbf16, #tpu.memory_space<vmem>>, %arg6: memref<256x256xf32, #tpu.memory_space<vmem>>, %arg7: memref<256x256xf32, #tpu.memory_space<vmem>>, %arg8: memref<2x256xf32, #tpu.memory_space<vmem>>, %arg9: memref<200x256xf32, #tpu.memory_space<vmem>>) attributes {dimension_semantics = [#tpu.dimension_semantics<arbitrary>], iteration_bounds = array<i64: 25>, scalar_prefetch = 0 : i64, scratch_operands = 0 : i64, tpu.core_type = #tpu.core_type<tc>, window_params = [{transform_indices = @transform_0, window_bounds = array<i64: 3200, 128>}, {transform_indices = @transform_1, window_bounds = array<i64: 3200, 16>}, {transform_indices = @transform_2, window_bounds = array<i64: 200, 256>}, {pipeline_mode = #tpu.pipeline_mode<synchronous>, transform_indices = @transform_3, window_bounds = array<i64: 256, 256>}, {pipeline_mode = #tpu.pipeline_mode<synchronous>, transform_indices = @transform_4, window_bounds = array<i64: 16, 256>}, {pipeline_mode = #tpu.pipeline_mode<synchronous>, transform_indices = @transform_5, window_bounds = array<i64: 256, 256>}, {pipeline_mode = #tpu.pipeline_mode<synchronous>, transform_indices = @transform_6, window_bounds = array<i64: 256, 256>}, {pipeline_mode = #tpu.pipeline_mode<synchronous>, transform_indices = @transform_7, window_bounds = array<i64: 2, 256>}, {transform_indices = @transform_8, window_bounds = array<i64: 200, 256>}]} {
    %get3A = arith.constant 0 : index
    %get3A_0 = arith.constant 0 : index
    %get3A_1 = vector.load %arg8[%get3A, %get3A_0] : memref<2x256xf32, #tpu.memory_space<vmem>>, vector<1x256xf32>
    %get3A_2 = arith.constant 0 : index
    %get3A_3 = arith.constant 0 : index
    %get3A_4 = vector.load %arg1[%get3A_2, %get3A_3] : memref<3200x128xf32, #tpu.memory_space<vmem>>, vector<3200x128xf32>
    %bitcast_convert_type3A = tpu.bitcast %get3A_4 : vector<3200x128xf32> -> vector<3200x128xi32>
    %and3A = arith.constant 65535 : i32
    %and3A_5 = vector.broadcast %and3A : i32 to vector<3200x128xi32>
    %and3A_6 = arith.andi %bitcast_convert_type3A, %and3A_5 : vector<3200x128xi32>
    %convert_element_type3A = arith.trunci %and3A_6 : vector<3200x128xi32> to vector<3200x128xi16>
    %bitcast_convert_type3A_7 = tpu.bitcast %convert_element_type3A : vector<3200x128xi16> -> vector<3200x128xbf16>
    %shift_right_logical3A = arith.constant 16 : i32
    %shift_right_logical3A_8 = vector.broadcast %shift_right_logical3A : i32 to vector<3200x128xi32>
    %shift_right_logical3A_9 = arith.shrui %bitcast_convert_type3A, %shift_right_logical3A_8 : vector<3200x128xi32>
    %convert_element_type3A_10 = arith.trunci %shift_right_logical3A_9 : vector<3200x128xi32> to vector<3200x128xi16>
    %bitcast_convert_type3A_11 = tpu.bitcast %convert_element_type3A_10 : vector<3200x128xi16> -> vector<3200x128xbf16>
    %get3A_12 = arith.constant 0 : index
    %get3A_13 = arith.constant 0 : index
    %get3A_14 = vector.load %arg4[%get3A_12, %get3A_13] : memref<256x256xbf16, #tpu.memory_space<vmem>>, vector<128x256xbf16>
    %dot_general3A = arith.constant dense<0.000000e+00> : vector<3200x256xf32>
    %dot_general3A_15 = tpu.matmul %bitcast_convert_type3A_7, %get3A_14, %dot_general3A {dimension_numbers = #tpu.dot_dimension_numbers<[1], [0], [0], [1], [0, 0, 1, 1], [], []>, transpose_lhs_hint = false} : vector<3200x128xbf16>, vector<128x256xbf16>, vector<3200x256xf32> -> vector<3200x256xf32>
    %get3A_16 = arith.constant 128 : index
    %get3A_17 = arith.constant 0 : index
    %get3A_18 = vector.load %arg4[%get3A_16, %get3A_17] : memref<256x256xbf16, #tpu.memory_space<vmem>>, vector<128x256xbf16>
    %dot_general3A_19 = arith.constant dense<0.000000e+00> : vector<3200x256xf32>
    %dot_general3A_20 = tpu.matmul %bitcast_convert_type3A_11, %get3A_18, %dot_general3A_19 {dimension_numbers = #tpu.dot_dimension_numbers<[1], [0], [0], [1], [0, 0, 1, 1], [], []>, transpose_lhs_hint = false} : vector<3200x128xbf16>, vector<128x256xbf16>, vector<3200x256xf32> -> vector<3200x256xf32>
    %add3A = arith.addf %dot_general3A_15, %dot_general3A_20 : vector<3200x256xf32>
    %get3A_21 = arith.constant 0 : index
    %get3A_22 = arith.constant 0 : index
    %get3A_23 = vector.load %arg2[%get3A_21, %get3A_22] : memref<3200x16xf32, #tpu.memory_space<vmem>>, vector<3200x16xf32>
    %convert_element_type3A_24 = arith.truncf %get3A_23 : vector<3200x16xf32> to vector<3200x16xbf16>
    %get3A_25 = arith.constant 0 : index
    %get3A_26 = arith.constant 0 : index
    %get3A_27 = vector.load %arg5[%get3A_25, %get3A_26] : memref<16x256xbf16, #tpu.memory_space<vmem>>, vector<16x256xbf16>
    %dot_general3A_28 = arith.constant dense<0.000000e+00> : vector<3200x256xf32>
    %dot_general3A_29 = tpu.matmul %convert_element_type3A_24, %get3A_27, %dot_general3A_28 {dimension_numbers = #tpu.dot_dimension_numbers<[1], [0], [0], [1], [0, 0, 1, 1], [], []>, transpose_lhs_hint = false} : vector<3200x16xbf16>, vector<16x256xbf16>, vector<3200x256xf32> -> vector<3200x256xf32>
    %add3A_30 = arith.addf %add3A, %dot_general3A_29 : vector<3200x256xf32>
    %add3A_31 = vector.broadcast %get3A_1 : vector<1x256xf32> to vector<3200x256xf32>
    %add3A_32 = arith.addf %add3A_30, %add3A_31 : vector<3200x256xf32>
    %max3A = arith.constant 0.000000e+00 : f32
    %max3A_33 = vector.broadcast %max3A : f32 to vector<3200x256xf32>
    %max3A_34 = arith.maximumf %add3A_32, %max3A_33 : vector<3200x256xf32>
    %reshape3A = vector.shape_cast %max3A_34 : vector<3200x256xf32> to vector<200x16x256xf32>
    %reduce_sum3A = arith.constant dense<0.000000e+00> : vector<200x256xf32>
    %reduce_sum3A_35 = vector.multi_reduction <add>, %reshape3A, %reduce_sum3A [1] : vector<200x16x256xf32> to vector<200x256xf32>
    %get3A_36 = arith.constant 0 : index
    %get3A_37 = arith.constant 0 : index
    %get3A_38 = vector.load %arg3[%get3A_36, %get3A_37] : memref<200x256xf32, #tpu.memory_space<vmem>>, vector<200x256xf32>
    %get3A_39 = arith.constant 0 : index
    %get3A_40 = arith.constant 0 : index
    %get3A_41 = vector.load %arg6[%get3A_39, %get3A_40] : memref<256x256xf32, #tpu.memory_space<vmem>>, vector<256x256xf32>
    %dot_general3A_42 = arith.constant dense<0.000000e+00> : vector<200x256xf32>
    %dot_general3A_43 = tpu.matmul %get3A_38, %get3A_41, %dot_general3A_42 {dimension_numbers = #tpu.dot_dimension_numbers<[1], [0], [0], [1], [0, 0, 1, 1], [], []>, precision = #tpu.contract_precision<fp32>, transpose_lhs_hint = false} : vector<200x256xf32>, vector<256x256xf32>, vector<200x256xf32> -> vector<200x256xf32>
    %get3A_44 = arith.constant 0 : index
    %get3A_45 = arith.constant 0 : index
    %get3A_46 = vector.load %arg7[%get3A_44, %get3A_45] : memref<256x256xf32, #tpu.memory_space<vmem>>, vector<256x256xf32>
    %dot_general3A_47 = arith.constant dense<0.000000e+00> : vector<200x256xf32>
    %dot_general3A_48 = tpu.matmul %reduce_sum3A_35, %get3A_46, %dot_general3A_47 {dimension_numbers = #tpu.dot_dimension_numbers<[1], [0], [0], [1], [0, 0, 1, 1], [], []>, precision = #tpu.contract_precision<fp32>, transpose_lhs_hint = false} : vector<200x256xf32>, vector<256x256xf32>, vector<200x256xf32> -> vector<200x256xf32>
    %add3A_49 = arith.addf %dot_general3A_43, %dot_general3A_48 : vector<200x256xf32>
    %get3A_50 = arith.constant 1 : index
    %get3A_51 = arith.constant 0 : index
    %get3A_52 = vector.load %arg8[%get3A_50, %get3A_51] : memref<2x256xf32, #tpu.memory_space<vmem>>, vector<1x256xf32>
    %add3A_53 = vector.broadcast %get3A_52 : vector<1x256xf32> to vector<200x256xf32>
    %add3A_54 = arith.addf %add3A_49, %add3A_53 : vector<200x256xf32>
    %max3A_55 = arith.constant 0.000000e+00 : f32
    %max3A_56 = vector.broadcast %max3A_55 : f32 to vector<200x256xf32>
    %max3A_57 = arith.maximumf %add3A_54, %max3A_56 : vector<200x256xf32>
    %swap3A = arith.constant 0 : index
    %swap3A_58 = arith.constant 0 : index
    %swap3A_59 = vector.load %arg9[%swap3A, %swap3A_58] : memref<200x256xf32, #tpu.memory_space<vmem>>, vector<200x256xf32>
    tpu.vector_store %arg9[%swap3A, %swap3A_58], %max3A_57 {strides = array<i32>} : memref<200x256xf32, #tpu.memory_space<vmem>>, vector<200x256xf32>,
    return
  }
  func.func @transform_0(%arg0: i32) -> (i32, i32) {
    %c0_i32 = arith.constant 0 : i32
    %c0_i32_0 = arith.constant 0 : i32
    return %arg0, %c0_i32 : i32, i32
  }
  func.func @transform_1(%arg0: i32) -> (i32, i32) {
    %c0_i32 = arith.constant 0 : i32
    %c0_i32_0 = arith.constant 0 : i32
    return %arg0, %c0_i32 : i32, i32
  }
  func.func @transform_2(%arg0: i32) -> (i32, i32) {
    %add3A = arith.constant 25 : i32
    %add3A_0 = arith.addi %arg0, %add3A : i32
    %c0_i32 = arith.constant 0 : i32
    %c0_i32_1 = arith.constant 0 : i32
    return %add3A_0, %c0_i32 : i32, i32
  }
  func.func @transform_3(%arg0: i32) -> (i32, i32) {
    %c0_i32 = arith.constant 0 : i32
    %c0_i32_0 = arith.constant 0 : i32
    %c0_i32_1 = arith.constant 0 : i32
    return %c0_i32, %c0_i32_0 : i32, i32
  }
  func.func @transform_4(%arg0: i32) -> (i32, i32) {
    %c0_i32 = arith.constant 0 : i32
    %c0_i32_0 = arith.constant 0 : i32
    %c0_i32_1 = arith.constant 0 : i32
    return %c0_i32, %c0_i32_0 : i32, i32
  }
  func.func @transform_5(%arg0: i32) -> (i32, i32) {
    %c0_i32 = arith.constant 0 : i32
    %c0_i32_0 = arith.constant 0 : i32
    %c0_i32_1 = arith.constant 0 : i32
    return %c0_i32, %c0_i32_0 : i32, i32
  }
  func.func @transform_6(%arg0: i32) -> (i32, i32) {
    %c0_i32 = arith.constant 0 : i32
    %c0_i32_0 = arith.constant 0 : i32
    %c0_i32_1 = arith.constant 0 : i32
    return %c0_i32, %c0_i32_0 : i32, i32
  }
  func.func @transform_7(%arg0: i32) -> (i32, i32) {
    %c0_i32 = arith.constant 0 : i32
    %c0_i32_0 = arith.constant 0 : i32
    %c0_i32_1 = arith.constant 0 : i32
    return %c0_i32, %c0_i32_0 : i32, i32
  }
  func.func @transform_8(%arg0: i32) -> (i32, i32) {
    %c0_i32 = arith.constant 0 : i32
    %c0_i32_0 = arith.constant 0 : i32
    return %arg0, %c0_i32 : i32, i32
  }
}

module attributes {stable_mosaic.version = 14 : i64} {
  func.func @body(%arg0: i32, %arg1: memref<3200x256xf32, #tpu.memory_space<vmem>>, %arg2: memref<3200x16xf32, #tpu.memory_space<vmem>>, %arg3: memref<200x256xf32, #tpu.memory_space<vmem>>, %arg4: memref<768x512xbf16, #tpu.memory_space<vmem>>, %arg5: memref<48x512xbf16, #tpu.memory_space<vmem>>, %arg6: memref<256x256xf32, #tpu.memory_space<vmem>>, %arg7: memref<256x256xf32, #tpu.memory_space<vmem>>, %arg8: memref<4x256xf32, #tpu.memory_space<vmem>>, %arg9: memref<200x256xf32, #tpu.memory_space<vmem>>) attributes {dimension_semantics = [#tpu.dimension_semantics<arbitrary>], iteration_bounds = array<i64: 25>, scalar_prefetch = 0 : i64, scratch_operands = 0 : i64, tpu.core_type = #tpu.core_type<tc>, window_params = [{transform_indices = @transform_0, window_bounds = array<i64: 3200, 256>}, {transform_indices = @transform_1, window_bounds = array<i64: 3200, 16>}, {transform_indices = @transform_2, window_bounds = array<i64: 200, 256>}, {pipeline_mode = #tpu.pipeline_mode<synchronous>, transform_indices = @transform_3, window_bounds = array<i64: 768, 512>}, {pipeline_mode = #tpu.pipeline_mode<synchronous>, transform_indices = @transform_4, window_bounds = array<i64: 48, 512>}, {pipeline_mode = #tpu.pipeline_mode<synchronous>, transform_indices = @transform_5, window_bounds = array<i64: 256, 256>}, {pipeline_mode = #tpu.pipeline_mode<synchronous>, transform_indices = @transform_6, window_bounds = array<i64: 256, 256>}, {pipeline_mode = #tpu.pipeline_mode<synchronous>, transform_indices = @transform_7, window_bounds = array<i64: 4, 256>}, {transform_indices = @transform_8, window_bounds = array<i64: 200, 256>}]} {
    %get3A = arith.constant 0 : index
    %get3A_0 = arith.constant 0 : index
    %get3A_1 = vector.load %arg8[%get3A, %get3A_0] : memref<4x256xf32, #tpu.memory_space<vmem>>, vector<1x256xf32>
    %get3A_2 = arith.constant 1 : index
    %get3A_3 = arith.constant 0 : index
    %get3A_4 = vector.load %arg8[%get3A_2, %get3A_3] : memref<4x256xf32, #tpu.memory_space<vmem>>, vector<1x256xf32>
    %get3A_5 = arith.constant 2 : index
    %get3A_6 = arith.constant 0 : index
    %get3A_7 = vector.load %arg8[%get3A_5, %get3A_6] : memref<4x256xf32, #tpu.memory_space<vmem>>, vector<1x256xf32>
    %get3A_8 = arith.constant 3 : index
    %get3A_9 = arith.constant 0 : index
    %get3A_10 = vector.load %arg8[%get3A_8, %get3A_9] : memref<4x256xf32, #tpu.memory_space<vmem>>, vector<1x256xf32>
    %get3A_11 = arith.constant 0 : index
    %get3A_12 = arith.constant 0 : index
    %get3A_13 = vector.load %arg3[%get3A_11, %get3A_12] : memref<200x256xf32, #tpu.memory_space<vmem>>, vector<200x256xf32>
    %get3A_14 = arith.constant 0 : index
    %get3A_15 = arith.constant 0 : index
    %get3A_16 = vector.load %arg6[%get3A_14, %get3A_15] : memref<256x256xf32, #tpu.memory_space<vmem>>, vector<256x256xf32>
    %dot_general3A = arith.constant dense<0.000000e+00> : vector<200x256xf32>
    %dot_general3A_17 = tpu.matmul %get3A_13, %get3A_16, %dot_general3A {dimension_numbers = #tpu.dot_dimension_numbers<[1], [0], [0], [1], [0, 0, 1, 1], [], []>, precision = #tpu.contract_precision<fp32>, transpose_lhs_hint = false} : vector<200x256xf32>, vector<256x256xf32>, vector<200x256xf32> -> vector<200x256xf32>
    %add3A = vector.broadcast %get3A_7 : vector<1x256xf32> to vector<200x256xf32>
    %add3A_18 = arith.addf %dot_general3A_17, %add3A : vector<200x256xf32>
    %get3A_19 = arith.constant 0 : index
    %get3A_20 = arith.constant 0 : index
    %get3A_21 = vector.load %arg1[%get3A_19, %get3A_20] : memref<3200x256xf32, #tpu.memory_space<vmem>>, vector<3200x256xf32>
    %convert_element_type3A = arith.truncf %get3A_21 : vector<3200x256xf32> to vector<3200x256xbf16>
    %convert_element_type3A_22 = arith.extf %convert_element_type3A : vector<3200x256xbf16> to vector<3200x256xf32>
    %sub3A = arith.subf %get3A_21, %convert_element_type3A_22 : vector<3200x256xf32>
    %convert_element_type3A_23 = arith.truncf %sub3A : vector<3200x256xf32> to vector<3200x256xbf16>
    %concatenate3A = tpu.concatenate %convert_element_type3A, %convert_element_type3A_23, %convert_element_type3A in 1 : vector<3200x256xbf16>, vector<3200x256xbf16>, vector<3200x256xbf16> -> vector<3200x768xbf16>
    %get3A_24 = arith.constant 0 : index
    %get3A_25 = arith.constant 0 : index
    %get3A_26 = vector.load %arg4[%get3A_24, %get3A_25] : memref<768x512xbf16, #tpu.memory_space<vmem>>, vector<768x512xbf16>
    %dot_general3A_27 = arith.constant dense<0.000000e+00> : vector<3200x512xf32>
    %dot_general3A_28 = tpu.matmul %concatenate3A, %get3A_26, %dot_general3A_27 {dimension_numbers = #tpu.dot_dimension_numbers<[1], [0], [0], [1], [0, 0, 1, 1], [], []>, transpose_lhs_hint = false} : vector<3200x768xbf16>, vector<768x512xbf16>, vector<3200x512xf32> -> vector<3200x512xf32>
    %get3A_29 = arith.constant 0 : index
    %get3A_30 = arith.constant 0 : index
    %get3A_31 = vector.load %arg2[%get3A_29, %get3A_30] : memref<3200x16xf32, #tpu.memory_space<vmem>>, vector<3200x16xf32>
    %convert_element_type3A_32 = arith.truncf %get3A_31 : vector<3200x16xf32> to vector<3200x16xbf16>
    %convert_element_type3A_33 = arith.extf %convert_element_type3A_32 : vector<3200x16xbf16> to vector<3200x16xf32>
    %sub3A_34 = arith.subf %get3A_31, %convert_element_type3A_33 : vector<3200x16xf32>
    %convert_element_type3A_35 = arith.truncf %sub3A_34 : vector<3200x16xf32> to vector<3200x16xbf16>
    %concatenate3A_36 = tpu.concatenate %convert_element_type3A_32, %convert_element_type3A_35, %convert_element_type3A_32 in 1 : vector<3200x16xbf16>, vector<3200x16xbf16>, vector<3200x16xbf16> -> vector<3200x48xbf16>
    %get3A_37 = arith.constant 0 : index
    %get3A_38 = arith.constant 0 : index
    %get3A_39 = vector.load %arg5[%get3A_37, %get3A_38] : memref<48x512xbf16, #tpu.memory_space<vmem>>, vector<48x512xbf16>
    %dot_general3A_40 = arith.constant dense<0.000000e+00> : vector<3200x512xf32>
    %dot_general3A_41 = tpu.matmul %concatenate3A_36, %get3A_39, %dot_general3A_40 {dimension_numbers = #tpu.dot_dimension_numbers<[1], [0], [0], [1], [0, 0, 1, 1], [], []>, transpose_lhs_hint = false} : vector<3200x48xbf16>, vector<48x512xbf16>, vector<3200x512xf32> -> vector<3200x512xf32>
    %reshape3A = vector.shape_cast %dot_general3A_28 : vector<3200x512xf32> to vector<200x16x512xf32>
    %reshape3A_42 = vector.shape_cast %dot_general3A_41 : vector<3200x512xf32> to vector<200x16x512xf32>
    %slice3A = vector.extract_strided_slice %reshape3A {offsets = [0, 0, 256], sizes = [200, 16, 256], strides = [1, 1, 1]} : vector<200x16x512xf32> to vector<200x16x256xf32>
    %slice3A_43 = vector.extract_strided_slice %reshape3A_42 {offsets = [0, 0, 256], sizes = [200, 16, 256], strides = [1, 1, 1]} : vector<200x16x512xf32> to vector<200x16x256xf32>
    %add3A_44 = arith.addf %slice3A, %slice3A_43 : vector<200x16x256xf32>
    %broadcast_in_dim3A = vector.shape_cast %add3A_18 : vector<200x256xf32> to vector<200x1x256xf32>
    %add3A_45 = vector.broadcast %broadcast_in_dim3A : vector<200x1x256xf32> to vector<200x16x256xf32>
    %add3A_46 = arith.addf %add3A_44, %add3A_45 : vector<200x16x256xf32>
    %logistic3A = arith.negf %add3A_46 : vector<200x16x256xf32>
    %logistic3A_47 = math.exp %logistic3A : vector<200x16x256xf32>
    %logistic3A_48 = arith.constant 1.000000e+00 : f32
    %logistic3A_49 = vector.broadcast %logistic3A_48 : f32 to vector<200x16x256xf32>
    %logistic3A_50 = arith.addf %logistic3A_49, %logistic3A_47 : vector<200x16x256xf32>
    %logistic3A_51 = arith.divf %logistic3A_49, %logistic3A_50 : vector<200x16x256xf32>
    %slice3A_52 = vector.extract_strided_slice %reshape3A {offsets = [0, 0, 0], sizes = [200, 16, 256], strides = [1, 1, 1]} : vector<200x16x512xf32> to vector<200x16x256xf32>
    %broadcast_in_dim3A_53 = vector.shape_cast %get3A_1 : vector<1x256xf32> to vector<1x1x256xf32>
    %add3A_54 = vector.broadcast %broadcast_in_dim3A_53 : vector<1x1x256xf32> to vector<200x16x256xf32>
    %add3A_55 = arith.addf %slice3A_52, %add3A_54 : vector<200x16x256xf32>
    %mul3A = arith.mulf %logistic3A_51, %add3A_55 : vector<200x16x256xf32>
    %slice3A_56 = vector.extract_strided_slice %reshape3A_42 {offsets = [0, 0, 0], sizes = [200, 16, 256], strides = [1, 1, 1]} : vector<200x16x512xf32> to vector<200x16x256xf32>
    %broadcast_in_dim3A_57 = vector.shape_cast %get3A_4 : vector<1x256xf32> to vector<1x1x256xf32>
    %add3A_58 = vector.broadcast %broadcast_in_dim3A_57 : vector<1x1x256xf32> to vector<200x16x256xf32>
    %add3A_59 = arith.addf %slice3A_56, %add3A_58 : vector<200x16x256xf32>
    %mul3A_60 = arith.mulf %mul3A, %add3A_59 : vector<200x16x256xf32>
    %reduce_sum3A = arith.constant dense<0.000000e+00> : vector<200x256xf32>
    %reduce_sum3A_61 = vector.multi_reduction <add>, %mul3A_60, %reduce_sum3A [1] : vector<200x16x256xf32> to vector<200x256xf32>
    %get3A_62 = arith.constant 0 : index
    %get3A_63 = arith.constant 0 : index
    %get3A_64 = vector.load %arg7[%get3A_62, %get3A_63] : memref<256x256xf32, #tpu.memory_space<vmem>>, vector<256x256xf32>
    %dot_general3A_65 = arith.constant dense<0.000000e+00> : vector<200x256xf32>
    %dot_general3A_66 = tpu.matmul %get3A_13, %get3A_64, %dot_general3A_65 {dimension_numbers = #tpu.dot_dimension_numbers<[1], [0], [0], [1], [0, 0, 1, 1], [], []>, precision = #tpu.contract_precision<fp32>, transpose_lhs_hint = false} : vector<200x256xf32>, vector<256x256xf32>, vector<200x256xf32> -> vector<200x256xf32>
    %add3A_67 = vector.broadcast %get3A_10 : vector<1x256xf32> to vector<200x256xf32>
    %add3A_68 = arith.addf %dot_general3A_66, %add3A_67 : vector<200x256xf32>
    %mul3A_69 = arith.mulf %reduce_sum3A_61, %add3A_68 : vector<200x256xf32>
    %swap3A = arith.constant 0 : index
    %swap3A_70 = arith.constant 0 : index
    %swap3A_71 = vector.load %arg9[%swap3A, %swap3A_70] : memref<200x256xf32, #tpu.memory_space<vmem>>, vector<200x256xf32>
    tpu.vector_store %arg9[%swap3A, %swap3A_70], %mul3A_69 {strides = array<i32>} : memref<200x256xf32, #tpu.memory_space<vmem>>, vector<200x256xf32>,
    return
  }
  func.func @transform_0(%arg0: i32) -> (i32, i32) {
    %c0_i32 = arith.constant 0 : i32
    %c0_i32_0 = arith.constant 0 : i32
    return %arg0, %c0_i32 : i32, i32
  }
  func.func @transform_1(%arg0: i32) -> (i32, i32) {
    %c0_i32 = arith.constant 0 : i32
    %c0_i32_0 = arith.constant 0 : i32
    return %arg0, %c0_i32 : i32, i32
  }
  func.func @transform_2(%arg0: i32) -> (i32, i32) {
    %add3A = arith.constant 25 : i32
    %add3A_0 = arith.addi %arg0, %add3A : i32
    %c0_i32 = arith.constant 0 : i32
    %c0_i32_1 = arith.constant 0 : i32
    return %add3A_0, %c0_i32 : i32, i32
  }
  func.func @transform_3(%arg0: i32) -> (i32, i32) {
    %c0_i32 = arith.constant 0 : i32
    %c0_i32_0 = arith.constant 0 : i32
    %c0_i32_1 = arith.constant 0 : i32
    return %c0_i32, %c0_i32_0 : i32, i32
  }
  func.func @transform_4(%arg0: i32) -> (i32, i32) {
    %c0_i32 = arith.constant 0 : i32
    %c0_i32_0 = arith.constant 0 : i32
    %c0_i32_1 = arith.constant 0 : i32
    return %c0_i32, %c0_i32_0 : i32, i32
  }
  func.func @transform_5(%arg0: i32) -> (i32, i32) {
    %c0_i32 = arith.constant 0 : i32
    %c0_i32_0 = arith.constant 0 : i32
    %c0_i32_1 = arith.constant 0 : i32
    return %c0_i32, %c0_i32_0 : i32, i32
  }
  func.func @transform_6(%arg0: i32) -> (i32, i32) {
    %c0_i32 = arith.constant 0 : i32
    %c0_i32_0 = arith.constant 0 : i32
    %c0_i32_1 = arith.constant 0 : i32
    return %c0_i32, %c0_i32_0 : i32, i32
  }
  func.func @transform_7(%arg0: i32) -> (i32, i32) {
    %c0_i32 = arith.constant 0 : i32
    %c0_i32_0 = arith.constant 0 : i32
    %c0_i32_1 = arith.constant 0 : i32
    return %c0_i32, %c0_i32_0 : i32, i32
  }
  func.func @transform_8(%arg0: i32) -> (i32, i32) {
    %c0_i32 = arith.constant 0 : i32
    %c0_i32_0 = arith.constant 0 : i32
    return %arg0, %c0_i32 : i32, i32
  }
}

module attributes {stable_mosaic.version = 14 : i64} {
  func.func @body(%arg0: i32, %arg1: memref<3200x256xf32, #tpu.memory_space<vmem>>, %arg2: memref<3200x16xf32, #tpu.memory_space<vmem>>, %arg3: memref<200x256xf32, #tpu.memory_space<vmem>>, %arg4: memref<768x512xbf16, #tpu.memory_space<vmem>>, %arg5: memref<48x512xbf16, #tpu.memory_space<vmem>>, %arg6: memref<256x256xf32, #tpu.memory_space<vmem>>, %arg7: memref<256x256xf32, #tpu.memory_space<vmem>>, %arg8: memref<4x256xf32, #tpu.memory_space<vmem>>, %arg9: memref<200x256xf32, #tpu.memory_space<vmem>>) attributes {dimension_semantics = [#tpu.dimension_semantics<arbitrary>], iteration_bounds = array<i64: 25>, scalar_prefetch = 0 : i64, scratch_operands = 0 : i64, tpu.core_type = #tpu.core_type<tc>, window_params = [{transform_indices = @transform_0, window_bounds = array<i64: 3200, 256>}, {transform_indices = @transform_1, window_bounds = array<i64: 3200, 16>}, {transform_indices = @transform_2, window_bounds = array<i64: 200, 256>}, {pipeline_mode = #tpu.pipeline_mode<synchronous>, transform_indices = @transform_3, window_bounds = array<i64: 768, 512>}, {pipeline_mode = #tpu.pipeline_mode<synchronous>, transform_indices = @transform_4, window_bounds = array<i64: 48, 512>}, {pipeline_mode = #tpu.pipeline_mode<synchronous>, transform_indices = @transform_5, window_bounds = array<i64: 256, 256>}, {pipeline_mode = #tpu.pipeline_mode<synchronous>, transform_indices = @transform_6, window_bounds = array<i64: 256, 256>}, {pipeline_mode = #tpu.pipeline_mode<synchronous>, transform_indices = @transform_7, window_bounds = array<i64: 4, 256>}, {transform_indices = @transform_8, window_bounds = array<i64: 200, 256>}]} {
    %get3A = arith.constant 0 : index
    %get3A_0 = arith.constant 0 : index
    %get3A_1 = vector.load %arg8[%get3A, %get3A_0] : memref<4x256xf32, #tpu.memory_space<vmem>>, vector<1x256xf32>
    %get3A_2 = arith.constant 1 : index
    %get3A_3 = arith.constant 0 : index
    %get3A_4 = vector.load %arg8[%get3A_2, %get3A_3] : memref<4x256xf32, #tpu.memory_space<vmem>>, vector<1x256xf32>
    %get3A_5 = arith.constant 2 : index
    %get3A_6 = arith.constant 0 : index
    %get3A_7 = vector.load %arg8[%get3A_5, %get3A_6] : memref<4x256xf32, #tpu.memory_space<vmem>>, vector<1x256xf32>
    %get3A_8 = arith.constant 3 : index
    %get3A_9 = arith.constant 0 : index
    %get3A_10 = vector.load %arg8[%get3A_8, %get3A_9] : memref<4x256xf32, #tpu.memory_space<vmem>>, vector<1x256xf32>
    %get3A_11 = arith.constant 0 : index
    %get3A_12 = arith.constant 0 : index
    %get3A_13 = vector.load %arg3[%get3A_11, %get3A_12] : memref<200x256xf32, #tpu.memory_space<vmem>>, vector<200x256xf32>
    %get3A_14 = arith.constant 0 : index
    %get3A_15 = arith.constant 0 : index
    %get3A_16 = vector.load %arg6[%get3A_14, %get3A_15] : memref<256x256xf32, #tpu.memory_space<vmem>>, vector<256x256xf32>
    %dot_general3A = arith.constant dense<0.000000e+00> : vector<200x256xf32>
    %dot_general3A_17 = tpu.matmul %get3A_13, %get3A_16, %dot_general3A {dimension_numbers = #tpu.dot_dimension_numbers<[1], [0], [0], [1], [0, 0, 1, 1], [], []>, precision = #tpu.contract_precision<fp32>, transpose_lhs_hint = false} : vector<200x256xf32>, vector<256x256xf32>, vector<200x256xf32> -> vector<200x256xf32>
    %add3A = vector.broadcast %get3A_7 : vector<1x256xf32> to vector<200x256xf32>
    %add3A_18 = arith.addf %dot_general3A_17, %add3A : vector<200x256xf32>
    %get3A_19 = arith.constant 0 : index
    %get3A_20 = arith.constant 0 : index
    %get3A_21 = vector.load %arg1[%get3A_19, %get3A_20] : memref<3200x256xf32, #tpu.memory_space<vmem>>, vector<3200x256xf32>
    %convert_element_type3A = arith.truncf %get3A_21 : vector<3200x256xf32> to vector<3200x256xbf16>
    %convert_element_type3A_22 = arith.extf %convert_element_type3A : vector<3200x256xbf16> to vector<3200x256xf32>
    %sub3A = arith.subf %get3A_21, %convert_element_type3A_22 : vector<3200x256xf32>
    %convert_element_type3A_23 = arith.truncf %sub3A : vector<3200x256xf32> to vector<3200x256xbf16>
    %concatenate3A = tpu.concatenate %convert_element_type3A, %convert_element_type3A_23, %convert_element_type3A in 1 : vector<3200x256xbf16>, vector<3200x256xbf16>, vector<3200x256xbf16> -> vector<3200x768xbf16>
    %get3A_24 = arith.constant 0 : index
    %get3A_25 = arith.constant 0 : index
    %get3A_26 = vector.load %arg4[%get3A_24, %get3A_25] : memref<768x512xbf16, #tpu.memory_space<vmem>>, vector<768x512xbf16>
    %dot_general3A_27 = arith.constant dense<0.000000e+00> : vector<3200x512xf32>
    %dot_general3A_28 = tpu.matmul %concatenate3A, %get3A_26, %dot_general3A_27 {dimension_numbers = #tpu.dot_dimension_numbers<[1], [0], [0], [1], [0, 0, 1, 1], [], []>, transpose_lhs_hint = false} : vector<3200x768xbf16>, vector<768x512xbf16>, vector<3200x512xf32> -> vector<3200x512xf32>
    %get3A_29 = arith.constant 0 : index
    %get3A_30 = arith.constant 0 : index
    %get3A_31 = vector.load %arg2[%get3A_29, %get3A_30] : memref<3200x16xf32, #tpu.memory_space<vmem>>, vector<3200x16xf32>
    %convert_element_type3A_32 = arith.truncf %get3A_31 : vector<3200x16xf32> to vector<3200x16xbf16>
    %convert_element_type3A_33 = arith.extf %convert_element_type3A_32 : vector<3200x16xbf16> to vector<3200x16xf32>
    %sub3A_34 = arith.subf %get3A_31, %convert_element_type3A_33 : vector<3200x16xf32>
    %convert_element_type3A_35 = arith.truncf %sub3A_34 : vector<3200x16xf32> to vector<3200x16xbf16>
    %concatenate3A_36 = tpu.concatenate %convert_element_type3A_32, %convert_element_type3A_35, %convert_element_type3A_32 in 1 : vector<3200x16xbf16>, vector<3200x16xbf16>, vector<3200x16xbf16> -> vector<3200x48xbf16>
    %get3A_37 = arith.constant 0 : index
    %get3A_38 = arith.constant 0 : index
    %get3A_39 = vector.load %arg5[%get3A_37, %get3A_38] : memref<48x512xbf16, #tpu.memory_space<vmem>>, vector<48x512xbf16>
    %dot_general3A_40 = arith.constant dense<0.000000e+00> : vector<3200x512xf32>
    %dot_general3A_41 = tpu.matmul %concatenate3A_36, %get3A_39, %dot_general3A_40 {dimension_numbers = #tpu.dot_dimension_numbers<[1], [0], [0], [1], [0, 0, 1, 1], [], []>, transpose_lhs_hint = false} : vector<3200x48xbf16>, vector<48x512xbf16>, vector<3200x512xf32> -> vector<3200x512xf32>
    %reshape3A = vector.shape_cast %dot_general3A_28 : vector<3200x512xf32> to vector<200x16x512xf32>
    %reshape3A_42 = vector.shape_cast %dot_general3A_41 : vector<3200x512xf32> to vector<200x16x512xf32>
    %slice3A = vector.extract_strided_slice %reshape3A {offsets = [0, 0, 256], sizes = [200, 16, 256], strides = [1, 1, 1]} : vector<200x16x512xf32> to vector<200x16x256xf32>
    %slice3A_43 = vector.extract_strided_slice %reshape3A_42 {offsets = [0, 0, 256], sizes = [200, 16, 256], strides = [1, 1, 1]} : vector<200x16x512xf32> to vector<200x16x256xf32>
    %add3A_44 = arith.addf %slice3A, %slice3A_43 : vector<200x16x256xf32>
    %broadcast_in_dim3A = vector.shape_cast %add3A_18 : vector<200x256xf32> to vector<200x1x256xf32>
    %add3A_45 = vector.broadcast %broadcast_in_dim3A : vector<200x1x256xf32> to vector<200x16x256xf32>
    %add3A_46 = arith.addf %add3A_44, %add3A_45 : vector<200x16x256xf32>
    %logistic3A = arith.negf %add3A_46 : vector<200x16x256xf32>
    %logistic3A_47 = math.exp %logistic3A : vector<200x16x256xf32>
    %logistic3A_48 = arith.constant 1.000000e+00 : f32
    %logistic3A_49 = vector.broadcast %logistic3A_48 : f32 to vector<200x16x256xf32>
    %logistic3A_50 = arith.addf %logistic3A_49, %logistic3A_47 : vector<200x16x256xf32>
    %logistic3A_51 = arith.divf %logistic3A_49, %logistic3A_50 : vector<200x16x256xf32>
    %slice3A_52 = vector.extract_strided_slice %reshape3A {offsets = [0, 0, 0], sizes = [200, 16, 256], strides = [1, 1, 1]} : vector<200x16x512xf32> to vector<200x16x256xf32>
    %broadcast_in_dim3A_53 = vector.shape_cast %get3A_1 : vector<1x256xf32> to vector<1x1x256xf32>
    %add3A_54 = vector.broadcast %broadcast_in_dim3A_53 : vector<1x1x256xf32> to vector<200x16x256xf32>
    %add3A_55 = arith.addf %slice3A_52, %add3A_54 : vector<200x16x256xf32>
    %mul3A = arith.mulf %logistic3A_51, %add3A_55 : vector<200x16x256xf32>
    %slice3A_56 = vector.extract_strided_slice %reshape3A_42 {offsets = [0, 0, 0], sizes = [200, 16, 256], strides = [1, 1, 1]} : vector<200x16x512xf32> to vector<200x16x256xf32>
    %broadcast_in_dim3A_57 = vector.shape_cast %get3A_4 : vector<1x256xf32> to vector<1x1x256xf32>
    %add3A_58 = vector.broadcast %broadcast_in_dim3A_57 : vector<1x1x256xf32> to vector<200x16x256xf32>
    %add3A_59 = arith.addf %slice3A_56, %add3A_58 : vector<200x16x256xf32>
    %mul3A_60 = arith.mulf %mul3A, %add3A_59 : vector<200x16x256xf32>
    %reduce_sum3A = arith.constant dense<0.000000e+00> : vector<200x256xf32>
    %reduce_sum3A_61 = vector.multi_reduction <add>, %mul3A_60, %reduce_sum3A [1] : vector<200x16x256xf32> to vector<200x256xf32>
    %get3A_62 = arith.constant 0 : index
    %get3A_63 = arith.constant 0 : index
    %get3A_64 = vector.load %arg7[%get3A_62, %get3A_63] : memref<256x256xf32, #tpu.memory_space<vmem>>, vector<256x256xf32>
    %dot_general3A_65 = arith.constant dense<0.000000e+00> : vector<200x256xf32>
    %dot_general3A_66 = tpu.matmul %get3A_13, %get3A_64, %dot_general3A_65 {dimension_numbers = #tpu.dot_dimension_numbers<[1], [0], [0], [1], [0, 0, 1, 1], [], []>, precision = #tpu.contract_precision<fp32>, transpose_lhs_hint = false} : vector<200x256xf32>, vector<256x256xf32>, vector<200x256xf32> -> vector<200x256xf32>
    %add3A_67 = vector.broadcast %get3A_10 : vector<1x256xf32> to vector<200x256xf32>
    %add3A_68 = arith.addf %dot_general3A_66, %add3A_67 : vector<200x256xf32>
    %mul3A_69 = arith.mulf %reduce_sum3A_61, %add3A_68 : vector<200x256xf32>
    %swap3A = arith.constant 0 : index
    %swap3A_70 = arith.constant 0 : index
    %swap3A_71 = vector.load %arg9[%swap3A, %swap3A_70] : memref<200x256xf32, #tpu.memory_space<vmem>>, vector<200x256xf32>
    tpu.vector_store %arg9[%swap3A, %swap3A_70], %mul3A_69 {strides = array<i32>} : memref<200x256xf32, #tpu.memory_space<vmem>>, vector<200x256xf32>,
    return
  }
  func.func @transform_0(%arg0: i32) -> (i32, i32) {
    %c0_i32 = arith.constant 0 : i32
    %c0_i32_0 = arith.constant 0 : i32
    return %arg0, %c0_i32 : i32, i32
  }
  func.func @transform_1(%arg0: i32) -> (i32, i32) {
    %c0_i32 = arith.constant 0 : i32
    %c0_i32_0 = arith.constant 0 : i32
    return %arg0, %c0_i32 : i32, i32
  }
  func.func @transform_2(%arg0: i32) -> (i32, i32) {
    %add3A = arith.constant 0 : i32
    %add3A_0 = arith.addi %arg0, %add3A : i32
    %c0_i32 = arith.constant 0 : i32
    %c0_i32_1 = arith.constant 0 : i32
    return %add3A_0, %c0_i32 : i32, i32
  }
  func.func @transform_3(%arg0: i32) -> (i32, i32) {
    %c0_i32 = arith.constant 0 : i32
    %c0_i32_0 = arith.constant 0 : i32
    %c0_i32_1 = arith.constant 0 : i32
    return %c0_i32, %c0_i32_0 : i32, i32
  }
  func.func @transform_4(%arg0: i32) -> (i32, i32) {
    %c0_i32 = arith.constant 0 : i32
    %c0_i32_0 = arith.constant 0 : i32
    %c0_i32_1 = arith.constant 0 : i32
    return %c0_i32, %c0_i32_0 : i32, i32
  }
  func.func @transform_5(%arg0: i32) -> (i32, i32) {
    %c0_i32 = arith.constant 0 : i32
    %c0_i32_0 = arith.constant 0 : i32
    %c0_i32_1 = arith.constant 0 : i32
    return %c0_i32, %c0_i32_0 : i32, i32
  }
  func.func @transform_6(%arg0: i32) -> (i32, i32) {
    %c0_i32 = arith.constant 0 : i32
    %c0_i32_0 = arith.constant 0 : i32
    %c0_i32_1 = arith.constant 0 : i32
    return %c0_i32, %c0_i32_0 : i32, i32
  }
  func.func @transform_7(%arg0: i32) -> (i32, i32) {
    %c0_i32 = arith.constant 0 : i32
    %c0_i32_0 = arith.constant 0 : i32
    %c0_i32_1 = arith.constant 0 : i32
    return %c0_i32, %c0_i32_0 : i32, i32
  }
  func.func @transform_8(%arg0: i32) -> (i32, i32) {
    %c0_i32 = arith.constant 0 : i32
    %c0_i32_0 = arith.constant 0 : i32
    return %arg0, %c0_i32 : i32, i32
  }
}

module attributes {stable_mosaic.version = 14 : i64} {
  func.func @body(%arg0: memref<125x40x256xf32, #tpu.memory_space<vmem>>, %arg1: memref<125x40x256xf32, #tpu.memory_space<vmem>>, %arg2: memref<256x256xf32, #tpu.memory_space<vmem>>, %arg3: memref<1x256xf32, #tpu.memory_space<vmem>>, %arg4: memref<256x256xf32, #tpu.memory_space<vmem>>, %arg5: memref<1x256xf32, #tpu.memory_space<vmem>>, %arg6: memref<256x1xf32, #tpu.memory_space<vmem>>, %arg7: memref<1x1xf32, #tpu.memory_space<vmem>>, %arg8: memref<250x1xf32, #tpu.memory_space<vmem>>) attributes {dimension_semantics = [], scalar_prefetch = 0 : i64, scratch_operands = 0 : i64, tpu.core_type = #tpu.core_type<tc>} {
    %get3A = arith.constant 0 : index
    %get3A_0 = arith.constant 0 : index
    %get3A_1 = arith.constant 0 : index
    %get3A_2 = vector.load %arg0[%get3A, %get3A_0, %get3A_1] : memref<125x40x256xf32, #tpu.memory_space<vmem>>, vector<125x40x256xf32>
    %reduce_sum3A = arith.constant dense<0.000000e+00> : vector<125x256xf32>
    %reduce_sum3A_3 = vector.multi_reduction <add>, %get3A_2, %reduce_sum3A [1] : vector<125x40x256xf32> to vector<125x256xf32>
    %get3A_4 = arith.constant 0 : index
    %get3A_5 = arith.constant 0 : index
    %get3A_6 = arith.constant 0 : index
    %get3A_7 = vector.load %arg1[%get3A_4, %get3A_5, %get3A_6] : memref<125x40x256xf32, #tpu.memory_space<vmem>>, vector<125x40x256xf32>
    %reduce_sum3A_8 = arith.constant dense<0.000000e+00> : vector<125x256xf32>
    %reduce_sum3A_9 = vector.multi_reduction <add>, %get3A_7, %reduce_sum3A_8 [1] : vector<125x40x256xf32> to vector<125x256xf32>
    %concatenate3A = tpu.concatenate %reduce_sum3A_3, %reduce_sum3A_9 in 0 : vector<125x256xf32>, vector<125x256xf32> -> vector<250x256xf32>
    %mul3A = arith.constant 2.500000e-02 : f32
    %mul3A_10 = vector.broadcast %mul3A : f32 to vector<250x256xf32>
    %mul3A_11 = arith.mulf %concatenate3A, %mul3A_10 : vector<250x256xf32>
    %get3A_12 = arith.constant 0 : index
    %get3A_13 = arith.constant 0 : index
    %get3A_14 = vector.load %arg2[%get3A_12, %get3A_13] : memref<256x256xf32, #tpu.memory_space<vmem>>, vector<256x256xf32>
    %dot_general3A = arith.constant dense<0.000000e+00> : vector<250x256xf32>
    %dot_general3A_15 = tpu.matmul %mul3A_11, %get3A_14, %dot_general3A {dimension_numbers = #tpu.dot_dimension_numbers<[1], [0], [0], [1], [0, 0, 1, 1], [], []>, precision = #tpu.contract_precision<fp32>, transpose_lhs_hint = false} : vector<250x256xf32>, vector<256x256xf32>, vector<250x256xf32> -> vector<250x256xf32>
    %get3A_16 = arith.constant 0 : index
    %get3A_17 = arith.constant 0 : index
    %get3A_18 = vector.load %arg3[%get3A_16, %get3A_17] : memref<1x256xf32, #tpu.memory_space<vmem>>, vector<1x256xf32>
    %add3A = vector.broadcast %get3A_18 : vector<1x256xf32> to vector<250x256xf32>
    %add3A_19 = arith.addf %dot_general3A_15, %add3A : vector<250x256xf32>
    %max3A = arith.constant 0.000000e+00 : f32
    %max3A_20 = vector.broadcast %max3A : f32 to vector<250x256xf32>
    %max3A_21 = arith.maximumf %add3A_19, %max3A_20 : vector<250x256xf32>
    %get3A_22 = arith.constant 0 : index
    %get3A_23 = arith.constant 0 : index
    %get3A_24 = vector.load %arg4[%get3A_22, %get3A_23] : memref<256x256xf32, #tpu.memory_space<vmem>>, vector<256x256xf32>
    %dot_general3A_25 = arith.constant dense<0.000000e+00> : vector<250x256xf32>
    %dot_general3A_26 = tpu.matmul %max3A_21, %get3A_24, %dot_general3A_25 {dimension_numbers = #tpu.dot_dimension_numbers<[1], [0], [0], [1], [0, 0, 1, 1], [], []>, precision = #tpu.contract_precision<fp32>, transpose_lhs_hint = false} : vector<250x256xf32>, vector<256x256xf32>, vector<250x256xf32> -> vector<250x256xf32>
    %get3A_27 = arith.constant 0 : index
    %get3A_28 = arith.constant 0 : index
    %get3A_29 = vector.load %arg5[%get3A_27, %get3A_28] : memref<1x256xf32, #tpu.memory_space<vmem>>, vector<1x256xf32>
    %add3A_30 = vector.broadcast %get3A_29 : vector<1x256xf32> to vector<250x256xf32>
    %add3A_31 = arith.addf %dot_general3A_26, %add3A_30 : vector<250x256xf32>
    %max3A_32 = arith.constant 0.000000e+00 : f32
    %max3A_33 = vector.broadcast %max3A_32 : f32 to vector<250x256xf32>
    %max3A_34 = arith.maximumf %add3A_31, %max3A_33 : vector<250x256xf32>
    %get3A_35 = arith.constant 0 : index
    %get3A_36 = arith.constant 0 : index
    %get3A_37 = vector.load %arg6[%get3A_35, %get3A_36] : memref<256x1xf32, #tpu.memory_space<vmem>>, vector<256x1xf32>
    %dot_general3A_38 = arith.constant dense<0.000000e+00> : vector<250x1xf32>
    %dot_general3A_39 = tpu.matmul %max3A_34, %get3A_37, %dot_general3A_38 {dimension_numbers = #tpu.dot_dimension_numbers<[1], [0], [0], [1], [0, 0, 1, 1], [], []>, precision = #tpu.contract_precision<fp32>, transpose_lhs_hint = false} : vector<250x256xf32>, vector<256x1xf32>, vector<250x1xf32> -> vector<250x1xf32>
    %get3A_40 = arith.constant 0 : index
    %get3A_41 = arith.constant 0 : index
    %get3A_42 = vector.load %arg7[%get3A_40, %get3A_41] : memref<1x1xf32, #tpu.memory_space<vmem>>, vector<1x1xf32>
    %add3A_43 = vector.broadcast %get3A_42 : vector<1x1xf32> to vector<250x1xf32>
    %add3A_44 = arith.addf %dot_general3A_39, %add3A_43 : vector<250x1xf32>
    %swap3A = arith.constant 0 : index
    %swap3A_45 = arith.constant 0 : index
    %swap3A_46 = vector.load %arg8[%swap3A, %swap3A_45] : memref<250x1xf32, #tpu.memory_space<vmem>>, vector<250x1xf32>
    tpu.vector_store %arg8[%swap3A, %swap3A_45], %add3A_44 {strides = array<i32>} : memref<250x1xf32, #tpu.memory_space<vmem>>, vector<250x1xf32>,
    return
  }
}

</mosaic_0001>

<sc_bundles>
// kernel: kernel.14.cloned.1.call-start
scs
__scs_entry_jumppad:
0x0: {  	(pc) =	sbr.rel $0x88, $3  }
0x1: {  	(tag) =	ssettag $0x0;
	lr =	simm.s32 $0x1  }
0x2: {  	[smem:$0x3F85] =	sst lr;
	_ =	strace $0xD0000000  }
0x3: {  	_ = 	snop  }
0x4: {  	_ = 	snop  }
0x5: {  	_ = 	snop  }
0x6: {  	_ = 	snop  }
0x7: {  	_ = 	snop  }
__scs_overlays_trampoline_lowered:
0x8: {  	[smem:$0x3F94] =	sst s0  }
0x9: {  	[smem:$0x3F95] =	sst s1  }
0xa: {  	[smem:$0x3F96] =	sst s2  }
0xb: {  	[smem:$0x3F97] =	sst s3  }
0xc: {  	[smem:$0x3F98] =	sst s4  }
0xd: {  	[smem:$0x3F99] =	sst s5  }
0xe: {  	[smem:$0x3F9A] =	sst s6  }
0xf: {  	[smem:$0x3F9B] =	sst s7  }
0x10: {  	[smem:$0x3F9C] =	sst s8  }
0x11: {  	[smem:$0x3F9D] =	sst s9;
	s0 =	simm.s32 @!p0 $0x0  }
0x12: {  	s1 =	sld [smem:$0x3F83];
	s0 =	simm.s32 @p0 $0x1  }
0x13: {  	[smem:$0x3F9E] =	sst s0;
	s0 =	simm.s32 @!p1 $0x0  }
0x14: {  	s2 =	sld [smem:$0x3F82];
	s0 =	simm.s32 @p1 $0x1  }
0x15: {  	[smem:$0x3F9F] =	sst s0;
	s0 =	simm.s32 @!p2 $0x0  }
0x16: {  	s3 =	sld [smem:$0x3FDB];
	s0 =	simm.s32 @p2 $0x1  }
0x17: {  	s4 =	simm.s32 $0x1BF5;
	[smem:$0x3FA1] =	sst s0  }
0x18: {  	s0 =	sld [smem:$0x3F84];
	_ =	swait.ge [sflag:s4], $0x0  }
0x19: {  	s7 =	sld [smem:$0x3F85]  }
0x1a: {  	s8 =	sadd.s32 $0xFFFFE003, lr  }
0x1b: {  	s9 =	sadd.s32 $0xFFFFFEF7, lr;
	s5 =	simm.s32 $0xFFFFFFFF;
	p2 =	slt.u32 s8, $0xFFFFF086  }
0x1c: {  	p1 =	slt.u32 s9, $0xF7A;
	s5 =	simm.s32 @!p2 $0x0  }
0x1d: {  	s5 =	simm.s32 @p1 $0x1;
	p0 =	seq.s32 s7, s2  }
0x1e: {  	s7 =	smul.u32 @!p0 $0xF7A, s2;
	p2 =	seq.s32 @!p0 s5, $0x0  }
0x1f: {  	s9 =	smul.u32 $0xF7A, s1;
	s8 =	simm.s32 @!p0 $0x1BF5;
	p2 =	por !p2, p0  }
0x20: {  	[sflag:s8] =	ssyncset.s32 @!p0 $0xFFFFF086;
	s6 =	sadd.s32 @!p0 s3, s7;
	s7 =	simm.s32 @!p0 $0x108  }
0x21: {  	s3 =	sadd.s32 s3, s9;
	s6 =	sadd.s32 @!p0 $0x88, s6;
	s7 =	simm.s32 @p2 $0x1082  }
0x22: {  	[simem:s7], [sflag:s8] =	dma.local @!p0 [hbm:s6], $0xF7A  }
0x23: {  	s9 =	sor.u32 $0xD0000000, s2;
	s6 =	simm.s32 $0x108;
	_ =	swait.ge @!p0 [sflag:s8], $0x0  }
0x24: {  	s3 =	sadd.s32 $0x88, s3;
	s6 =	simm.s32 @!p1 $0x1082;
	[sflag:s4] =	ssyncset.s32 $0xFFFFF086  }
0x25: {  	[simem:s6], [sflag:s4] =	dma.local [hbm:s3], $0xF7A  }
0x26: {  	[smem:$0x3F85] =	sst s1;
	(tag) =	ssettag s2;
	_ =	strace s9  }
0x27: {  	s1 =	sld [smem:$0x3F95]  }
0x28: {  	s2 =	sld [smem:$0x3F96]  }
0x29: {  	s4 =	sld [smem:$0x3F98]  }
0x2a: {  	p0 =	seq.s32 s5, $0x0;
	s5 =	sld [smem:$0x3F99]  }
0x2b: {  	s6 =	sld [smem:$0x3F9A]  }
0x2c: {  	s7 =	sld [smem:$0x3F9B]  }
0x2d: {  	s3 =	simm.s32 $0x108;
	s8 =	sld [smem:$0x3F9C]  }
0x2e: {  	s3 =	simm.s32 @!p0 $0x1082;
	s9 =	sld [smem:$0x3F9D]  }
0x2f: {  	lr =	sadd.s32 s0, s3;
	s0 =	sld [smem:$0x3F94]  }
0x30: {  	s3 =	sld [smem:$0x3F97]  }
0x31: {  	[smem:$0x3FA0] =	sst s10  }
0x32: {  	s10 =	sld [smem:$0x3F9E];
	_ =	sdelay $0x3  }
0x33: {  	p0 =	seq.s32 s10, $0x1;
	s10 =	sld [smem:$0x3FA0];
	_ =	sdelay $0x3  }
0x34: {  	[smem:$0x3FA0] =	sst s10  }
0x35: {  	s10 =	sld [smem:$0x3F9F];
	_ =	sdelay $0x3  }
0x36: {  	p1 =	seq.s32 s10, $0x1;
	s10 =	sld [smem:$0x3FA0];
	_ =	sdelay $0x3  }
0x37: {  	[smem:$0x3FA0] =	sst s10  }
0x38: {  	s10 =	sld [smem:$0x3FA1]  }
0x39: {  	_ = 	snop;
	(pc) =	sbr.ind lr, $3  }
0x3a: {  	_ = 	snop  }
0x3b: {  	_ = 	snop  }
0x3c: {  	p2 =	seq.s32 s10, $0x1;
	s10 =	sld [smem:$0x3FA0]  }
0x3d: {  	_ =	shalt  }
0x3e: {  	_ =	shalt  }
0x3f: {  	_ =	shalt  }
0x40: {  	_ =	shalt  }
0x41: {  	_ =	shalt  }
0x42: {  	_ =	shalt  }
0x43: {  	_ =	shalt  }
0x44: {  	_ =	shalt  }
0x45: {  	_ =	shalt  }
0x46: {  	_ =	shalt  }
0x47: {  	_ =	shalt  }
0x48: {  	_ =	shalt  }
0x49: {  	_ =	shalt  }
0x4a: {  	_ =	shalt  }
0x4b: {  	_ =	shalt  }
0x4c: {  	_ =	shalt  }
0x4d: {  	_ =	shalt  }
0x4e: {  	_ =	shalt  }
0x4f: {  	_ =	shalt  }
0x50: {  	_ =	shalt  }
0x51: {  	_ =	shalt  }
0x52: {  	_ =	shalt  }
0x53: {  	_ =	shalt  }
0x54: {  	_ =	shalt  }
0x55: {  	_ =	shalt  }
0x56: {  	_ =	shalt  }
0x57: {  	_ =	shalt  }
0x58: {  	_ =	shalt  }
0x59: {  	_ =	shalt  }
0x5a: {  	_ =	shalt  }
0x5b: {  	_ =	shalt  }
0x5c: {  	_ =	shalt  }
0x5d: {  	_ =	shalt  }
0x5e: {  	_ =	shalt  }
0x5f: {  	_ =	shalt  }
0x60: {  	_ =	shalt  }
0x61: {  	_ =	shalt  }
0x62: {  	_ =	shalt  }
0x63: {  	_ =	shalt  }
0x64: {  	_ =	shalt  }
0x65: {  	_ =	shalt  }
0x66: {  	_ =	shalt  }
0x67: {  	_ =	shalt  }
0x68: {  	_ =	shalt  }
0x69: {  	_ =	shalt  }
0x6a: {  	_ =	shalt  }
0x6b: {  	_ =	shalt  }
0x6c: {  	_ =	shalt  }
0x6d: {  	_ =	shalt  }
0x6e: {  	_ =	shalt  }
0x6f: {  	_ =	shalt  }
0x70: {  	_ =	shalt  }
0x71: {  	_ =	shalt  }
0x72: {  	_ =	shalt  }
0x73: {  	_ =	shalt  }
0x74: {  	_ =	shalt  }
0x75: {  	_ =	shalt  }
0x76: {  	_ =	shalt  }
0x77: {  	_ =	shalt  }
0x78: {  	_ =	shalt  }
0x79: {  	_ =	shalt  }
0x7a: {  	_ =	shalt  }
0x7b: {  	_ =	shalt  }
0x7c: {  	_ =	shalt  }
0x7d: {  	_ =	shalt  }
0x7e: {  	_ =	shalt  }
0x7f: {  	_ =	shalt  }
0x80: {  	_ =	shalt  }
0x81: {  	_ =	shalt  }
0x82: {  	_ =	shalt  }
0x83: {  	_ =	shalt  }
0x84: {  	_ =	shalt  }
0x85: {  	_ =	shalt  }
0x86: {  	_ =	shalt  }
0x87: {  	_ =	shalt  }
.Lfunc_end0:
.L_simem_size_0:
called_computation_lowered:
.L_overlay_start_0:
0x88: {  	s2 =	sld [smem:$0x3FD9]  }
0x89: {  	s3 =	sld [smem:$0x3FFE];
	_ =	sdelay $0x1  }
0x8a: {  	s1 =	srdreg.scid  }
0x8b: {  	s0 =	sand.u32 $0x1, s1  }
0x8c: {  	s17 =	sshll.u32 s0, $0xA;
	s2 =	sadd.s32 s3, s2  }
0x8d: {  	s2 =	sadd.s32 s2, s17  }
0x8e: {  	[smem:$0x3FAC] =	sst s2  }
0x8f: {  	_ = 	snop  }
0x90: {  	(tm) =	ssettm $0x1  }
0x91: {  	s18 =	sld [smem:$0x3FFB];
	_ =	sdelay $0x3  }
0x92: {  	_ =	strace s18  }
0x93: {  	s2 =	sld [smem:$0x3FFC];
	_ =	sdelay $0x3  }
0x94: {  	_ =	strace s2  }
0x95: {  	s2 =	sld [smem:$0x3FFD];
	_ =	sdelay $0x3  }
0x96: {  	_ =	strace s2  }
0x97: {  	_ =	strace $0x8FFFFFFF  }
0x98: {  	s19 =	sld [smem:$0x3FDB];
	_ =	sdelay $0x1  }
0x99: {  	s20 =	simm.s32 $_scs_section_size  }
0x9a: {  	s4 =	simm.s32 $_size__tile_overlayer_lowered;
	s5 =	simm.s32 $_tile_overlayer_lowered  }
0x9b: {  	s6 =	simm.s32 $0x1BFF;
	s21 =	sshll.u32 s5, $0x1;
	s3 =	sadd.s32 s20, s19  }
0x9c: {  	s22 =	simm.s32 $0x0;
	s4 =	sshll.u32 s4, $0x1;
	s5 =	sadd.s32 s21, s3  }
0x9d: {  	[timem:s22], [sflag:s6] =	dma.local [hbm:s5], s4  }
0x9e: {  	_ =	swait.ge [sflag:s6], s4  }
0x9f: {  	s4 =	ssub.s32 $0x0, s4;
	[sflag:s6] =	ssyncset.done $0x0  }
0xa0: {  	[sflag:s6] =	ssyncadd.s32 s4;
	_ =	sdelay $0x1  }
0xa1: {  	s23 =	simm.s32 $0x1B8B  }
0xa2: {  	_ =	swait.ge [sflag:s23], $0x1  }
0xa3: {  	[sflag:s23] =	ssyncset.done $0x0  }
0xa4: {  	[sflag:s23] =	ssyncadd.s32 $0xFFFFFFFF  }
0xa5: {  	s4 =	sld [smem:$0x0]  }
0xa6: {  	s5 =	sand.u32 $0xFFFFFFFE, s1  }
0xa7: {  	p0 =	sne.s32 s1, s5  }
0xa8: {  	s5 =	sshll.u32 @p0 s5, $0xE  }
0xa9: {  	s5 =	sadd.s32 @p0 $0x11B8D, s5;
	s6 =	sshll.u32 @p0 s4, $0x11  }
0xaa: {  	s5 =	sor.u32 @p0 s6, s5  }
0xab: {  	[sflag:s5] =	ssyncadd.remote.s32 @p0 $0x1;
	_ =	sdelay $0x1  }
0xac: {  	s5 =	simm.s32 @p0 $0x1B8D  }
0xad: {  	_ =	swait.eq @p0 [sflag:s5], $0x1  }
0xae: {  	[sflag:s5] =	ssyncadd.s32 @p0 $0xFFFFFFFF  }
0xaf: {  	s6 =	sshll.u32 @!p0 s1, $0xE  }
0xb0: {  	s6 =	sor.u32 @!p0 $0x4000, s6;
	s5 =	simm.s32 @!p0 $0x1B8D  }
0xb1: {  	s4 =	sshll.u32 @!p0 s4, $0x11;
	s6 =	sadd.s32 @!p0 $0x11B8D, s6;
	_ =	swait.eq @!p0 [sflag:s5], $0x1  }
0xb2: {  	s4 =	sor.u32 @!p0 s4, s6;
	[sflag:s5] =	ssyncadd.s32 @!p0 $0xFFFFFFFF  }
0xb3: {  	s25 =	simm.s32 $0x1B8E;
	s24 =	sld [smem:$0x3FFE];
	[sflag:s4] =	ssyncadd.remote.s32 @!p0 $0x1  }
0xb4: {  	s26 =	simm.s32 $execute0_lowered;
	[smem:$0x3FD2] =	sst s25  }
0xb5: {  	s5 =	sshll.u32 s26, $0x1;
	_ =	strace $0x8000004C;
	[dreg:$0x1] =	wrdreg $0xFFFFFFFF  }
0xb6: {  	s28 =	simm.s32 $_size_execute0_lowered;
	s3 =	sadd.s32 s3, s5;
	[dreg:$0x0] =	wrdreg $0x0  }
0xb7: {  	s5 =	sshll.u32 s28, $0x1;
	[dreg:$0x2] =	wrdreg s3  }
0xb8: {  	[dreg:$0x3] =	wrdreg s5  }
0xb9: {  	[dreg:$0x4] =	wrdreg $0xC0  }
0xba: {  	_ =	task [dreg:s22], $0x5FFFF  }
0xbb: {  	[dreg:$0x1] =	wrdreg $0xFFFFFFFF  }
0xbc: {  	[dreg:$0x0] =	wrdreg $0x60  }
0xbd: {  	[dreg:$0x2] =	wrdreg s24  }
0xbe: {  	[dreg:$0x3] =	wrdreg $0x9  }
0xbf: {  	_ =	task.clear_ibuf [dreg:s22], $0x4FFFF;
	_ =	strace $0x9000004C  }
0xc0: {  	s29 =	simm.s32 $0x9;
	_ =	strace $0x8000004E  }
0xc1: {  	_ =	swait.ge [sflag:s29], $0x1  }
0xc2: {  	[sflag:s29] =	ssyncadd.s32 $0xFFFFFFFF  }
0xc3: {  	_ =	strace $0x9000004E  }
0xc4: {  	_ =	sfence  }
0xc5: {  	s30 =	sld [smem:$0x0];
	_ =	sdelay $0x2  }
0xc6: {  	s31 =	sshll.u32 s1, $0xD;
	s1 =	sshrl.u32 s1, $0x2  }
0xc7: {  	s4 =	sand.u32 $0x4000, s31;
	s1 =	sadd.s32 s1, s30  }
0xc8: {  	s0 =	sor.u32 s4, s0;
	s1 =	sshll.u32 s1, $0x11  }
0xc9: {  	s0 =	sor.u32 s1, s0  }
0xca: {  	s0 =	sadd.s32 $0x8F2B, s0  }
0xcb: {  	[sflag:s0] =	ssyncadd.remote.s32 $0x1  }
0xcc: {  	_ =	sfence.sel $0xFFFF  }
0xcd: {  	[dreg:$0x0] =	wrdreg $0xFFFFFFFF;
	(pc) =	sbr.abs _section_cstart, $3  }
0xce: {  	[dreg:$0x1] =	wrdreg $0xFFFFFFFF  }
0xcf: {  	_ =	task.clear_ibuf [dreg:s22], $0x2FFFF;
	_ =	strace $0x9FFFFFFF  }
0xd0: {  	(tm) =	ssettm $0x7FFFFFFF  }
0xd1: {  	_ =	shalt  }
tec
execute0_lowered:
.L_overlay_start_1:
0x0: {  	(tag) =	ssettag $0x1  }
0x1: {  	s0 =	rddreg [dreg:$0x0];
	s2 =	simm.s32 $0x0;
	s1 =	srdreg.scid  }
0x2: {  	s7 =	stileid.u32;
	s18 =	simm.s32 $0x100;
	s19 =	simm.s32 $0x180  }
0x3: {  	s20 =	simm.s32 $0x1;
	s28 =	simm.s32 $0x6;
	s29 =	simm.s32 $0x0  }
0x4: {  	[smem:$0x7FF] =	sst s2;
	s1 =	sand.u32 $0x1, s1;
	s4 =	sshll.u32 s7, $0x1  }
0x5: {  	s3 =	sadd.s32 $0x5B800, s0;
	s15 =	sadd.s32 $0x82A00, s0;
	s13 =	sshll.u32 s7, $0x5  }
0x6: {  	s14 =	sshll.u32 s7, $0x8;
	s24 =	sshll.u32 s7, $0xC;
	s30 =	sshll.u32 s7, $0xF  }
0x7: {  	_ =	strace $0x8000004D;
	s12 =	sor.u32 s1, s4;
	s4 =	sadd.s32 $0x59000, s0  }
0x8: {  	s6 =	ssub.s32 $0x2, s1;
	s16 =	sand.u32 $0x180, s13;
	s11 =	sshll.u32 s1, $0xB  }
0x9: {  	s17 =	sshll.u32 s1, $0x4;
	s26 =	sshll.u32 s1, $0x7;
	s1 =	sshll.u32 s1, $0xE  }
0xa: {  	s5 =	sshll.u32 s12, $0x4;
	s21 =	sshrl.u32 s6, $0x1;
	s8 =	sshll.u32 s12, $0xB  }
0xb: {  	s25 =	sadd.s32 s16, s4;
	s13 =	sor.u32 s17, s13;
	s14 =	sor.u32 s26, s14  }
0xc: {  	s1 =	sor.u32 s1, s30;
	s16 =	simm.s32 $0x7;
	s17 =	simm.s32 $0x80  }
0xd: {  	p0 =	slt.u32 s12, $0x11;
	p1 =	sgt.u32 s12, $0x10;
	s26 =	simm.s32 $0x5  }
0xe: {  	s5 =	sadd.s32 s4, s5;
	s0 =	ssub.s32 s6, s21;
	s9 =	sadd.s32 s8, s15  }
0xf: {  	s13 =	sand.u32 $0x70, s13;
	s31 =	sor.u32 $0x4000, s14;
	s1 =	sor.u32 $0x100000, s1  }
0x10: {  	s14 =	sor.u32 $0x3000, s14;
	s21 =	simm.s32 $0x4180;
	s22 =	sadd.s32 $0x200, s5  }
0x11: {  	s23 =	sadd.s32 $0x400, s5;
	s8 =	sadd.s32 $0x120000, s9;
	s9 =	sadd.s32 $0x130000, s9  }
0x12: {  	s10 =	smax.u32 s0, $0x1;
	s0 =	sadd.s32 s24, s15;
	[dreg:$0x2] =	wrdreg s22  }
0x13: {  	s1 =	sshrl.u32 s1, $0x3;
	s24 =	simm.s32 $0x3;
	[dreg:$0x3] =	wrdreg s23  }
0x14: {  	s11 =	sadd.s32 s11, s0;
	s0 =	sadd.s32 s13, s25;
	s13 =	sshrl.u32 s31, $0x3  }
0x15: {  	s15 =	sadd.s32 s1, s15;
	s22 =	simm.s32 $0x2;
	s23 =	simm.s32 $0x8180  }
0x16: {  	s25 =	simm.s32 $0x4;
	s0 =	sadd.s32 $0xA00, s0;
	s13 =	sadd.s32 s13, s4  }
.LBB2_1:
0x17: {  	[tilespmem:s2], [sflag:$0x7] =	stream.linear.gather [hbm4b:s5+s2], $0x80, $0x38;
	[tilespmem:$0xC180] =	vst v63  }
0x18: {  	_ =	swait.ge [sflag:s16], $0x80  }
0x19: {  	[sflag:s16] =	ssyncset.done $0x0  }
0x1a: {  	s1 =	rddreg [dreg:$0x2];
	[sflag:s16] =	ssyncadd.s32 $0xFFFFFF80  }
0x1b: {  	[tilespmem:s17], [sflag:$0x7] =	stream.linear.gather [hbm4b:s1+s2], $0x80, $0x38;
	[tilespmem:$0xC180] =	vst v63  }
0x1c: {  	_ =	swait.ge [sflag:s16], $0x80  }
0x1d: {  	[sflag:s16] =	ssyncset.done $0x0  }
0x1e: {  	s12 =	rddreg [dreg:$0x3];
	[sflag:s16] =	ssyncadd.s32 $0xFFFFFF80  }
0x1f: {  	[tilespmem:s18], [sflag:$0x7] =	stream.linear.gather [hbm4b:s12+s2], $0x80, $0x38;
	[tilespmem:$0xC180] =	vst v63  }
0x20: {  	_ =	swait.ge [sflag:s16], $0x80  }
0x21: {  	s30 =	smov.u32 s14;
	s31 =	smov.u32 s13;
	[sflag:s16] =	ssyncset.done $0x0  }
0x22: {  	s1 =	simm.s32 $0x0;
	s12 =	smov.u32 s0;
	[sflag:s16] =	ssyncadd.s32 $0xFFFFFF80  }
0x23: {  	[tilespmem:s19], [sflag:$0x1] =	stream.indirect.gather [hbm4b:s3+s17], $0x80, s2, s17, $0xb8;
	[tilespmem:$0xC180] =	vst v63  }
.LBB2_2:
0x24: {  	_ =	swait.ge [sflag:s20], $0x4000  }
0x25: {  	[sflag:s20] =	ssyncset.done $0x0  }
0x26: {  	s6 =	sadd.s32 s1, s11;
	s7 =	sshrl.u32 s30, $0x3;
	[sflag:s20] =	ssyncadd.s32 $0xFFFFC000  }
0x27: {  	[hbm4b:s6+s2] =	stream.linear.scatter [tilespmem:s19], [sflag:$0x4], $0x4000, $0x38;
	[tilespmem:$0xC180] =	vst v63  }
0x28: {  	s7 =	sadd.s32 s4, s7  }
0x29: {  	[tilespmem:s2], [sflag:$0x7] =	stream.linear.gather [hbm4b:s7+s2], $0x80, $0x38;
	[tilespmem:$0xC180] =	vst v63  }
0x2a: {  	_ =	swait.ge [sflag:s16], $0x80  }
0x2b: {  	p2 =	seq.s32 s1, $0x0;
	[sflag:s16] =	ssyncset.done $0x0  }
0x2c: {  	s7 =	simm.s32 @!p2 $0x5;
	[sflag:s16] =	ssyncadd.s32 $0xFFFFFF80  }
0x2d: {  	_ =	swait.ge @!p2 [sflag:s7], $0x4000  }
0x2e: {  	[sflag:s7] =	ssyncset.done @!p2 $0x0  }
0x2f: {  	[sflag:s7] =	ssyncadd.s32 @!p2 $0xFFFFC000  }
0x30: {  	[tilespmem:s21], [sflag:$0x2] =	stream.indirect.gather [hbm4b:s3+s17], $0x80, s17, s17, $0xb8;
	[tilespmem:$0xC180] =	vst v63  }
0x31: {  	_ =	swait.ge [sflag:s22], $0x4000  }
0x32: {  	p2 =	seq.s32 @!p0 s1, $0xF0000;
	[sflag:s22] =	ssyncset.done $0x0  }
0x33: {  	s6 =	sadd.s32 $0x10000, s6;
	p2 =	por p0, !p2;
	[sflag:s22] =	ssyncadd.s32 $0xFFFFC000  }
0x34: {  	[hbm4b:s6+s2] =	stream.linear.scatter [tilespmem:s21], [sflag:$0x5], $0x4000, $0x38;
	[tilespmem:$0xC180] =	vst v63  }
0x35: {  	s7 =	simm.s32 @p2 $0x80;
	s6 =	simm.s32 @p2 $0x0  }
0x36: {  	[tilespmem:s7], [sflag:$0x7] =	stream.linear.gather @p2 [hbm4b:s31+s6], $0x80, $0x38;
	[tilespmem:$0xC180] =	vst v63  }
0x37: {  	s6 =	simm.s32 @p2 $0x7  }
0x38: {  	_ =	swait.ge @p2 [sflag:s6], $0x80  }
0x39: {  	p3 =	seq.s32 @p2 s1, $0x0;
	[sflag:s6] =	ssyncset.done @p2 $0x0  }
0x3a: {  	p3 =	por !p2, !p3;
	[sflag:s6] =	ssyncadd.s32 @p2 $0xFFFFFF80  }
0x3b: {  	_ =	swait.ge @p3 [sflag:s28], $0x4000  }
0x3c: {  	[sflag:s28] =	ssyncset.done @p3 $0x0  }
0x3d: {  	[sflag:s28] =	ssyncadd.s32 @p3 $0xFFFFC000  }
0x3e: {  	[tilespmem:s23], [sflag:$0x3] =	stream.indirect.gather [hbm4b:s3+s17], $0x80, s18, s17, $0xb8;
	[tilespmem:$0xC180] =	vst v63  }
0x3f: {  	_ =	swait.ge [sflag:s24], $0x4000  }
0x40: {  	[sflag:s24] =	ssyncset.done $0x0  }
0x41: {  	s7 =	sadd.s32 s1, s15;
	p2 =	seq.s32 s1, $0xF0000;
	[sflag:s24] =	ssyncadd.s32 $0xFFFFC000  }
0x42: {  	[hbm4b:s7+s2] =	stream.linear.scatter [tilespmem:s23], [sflag:$0x6], $0x4000, $0x38;
	[tilespmem:$0xC180] =	vst v63  }
0x43: {  	s6 =	simm.s32 @!p2 $0x0;
	s7 =	simm.s32 @!p2 $0x100  }
0x44: {  	[tilespmem:s7], [sflag:$0x7] =	stream.linear.gather @!p2 [hbm4b:s12+s6], $0x80, $0x38;
	[tilespmem:$0xC180] =	vst v63  }
0x45: {  	s6 =	simm.s32 @!p2 $0x7  }
0x46: {  	_ =	swait.ge @!p2 [sflag:s6], $0x80  }
0x47: {  	s1 =	sadd.s32 $0x30000, s1;
	[sflag:s6] =	ssyncset.done @!p2 $0x0  }
0x48: {  	[sflag:s6] =	ssyncadd.s32 @!p2 $0xFFFFFF80;
	p2 =	sne.s32 s1, $0x120000  }
.Ltmp0:
0x49: {  	_ = 	snop;
	(pc) =	sbr.rel @p2 .LBB2_2-.Ltmp0, $4  }
0x4a: {  	_ =	swait.ge [sflag:s25], $0x4000  }
0x4b: {  	s30 =	sadd.s32 $0x3000, s30;
	[sflag:s25] =	ssyncset.done $0x0  }
0x4c: {  	s31 =	sadd.s32 $0x600, s31;
	s12 =	sadd.s32 $0x600, s12;
	[sflag:s25] =	ssyncadd.s32 $0xFFFFC000  }
0x4d: {  	[tilespmem:s19], [sflag:$0x1] =	stream.indirect.gather [hbm4b:s3+s17], $0x80, s2, s17, $0xb8;
	[tilespmem:$0xC180] =	vst v63  }
0x4e: {  	_ =	swait.ge [sflag:s20], $0x4000  }
0x4f: {  	[sflag:s20] =	ssyncset.done $0x0  }
0x50: {  	[sflag:s20] =	ssyncadd.s32 $0xFFFFC000  }
0x51: {  	[hbm4b:s8+s2] =	stream.linear.scatter [tilespmem:s19], [sflag:$0x4], $0x4000, $0x38;
	[tilespmem:$0xC180] =	vst v63  }
0x52: {  	_ =	swait.ge [sflag:s26], $0x4000  }
0x53: {  	[sflag:s26] =	ssyncset.done $0x0  }
0x54: {  	[sflag:s26] =	ssyncadd.s32 $0xFFFFC000  }
0x55: {  	_ =	swait.ge [sflag:s28], $0x4000  }
0x56: {  	[sflag:s28] =	ssyncset.done $0x0  }
0x57: {  	[sflag:s28] =	ssyncadd.s32 $0xFFFFC000  }
0x58: {  	_ =	swait.ge [sflag:s25], $0x4000  }
0x59: {  	[sflag:s25] =	ssyncset.done $0x0  }
0x5a: {  	s1 =	simm.s32 @!p1 $0x80;
	s6 =	simm.s32 @!p1 $0x4180;
	[sflag:s25] =	ssyncadd.s32 $0xFFFFC000  }
0x5b: {  	[tilespmem:s6], [sflag:$0x2] =	stream.indirect.gather @!p1 [hbm4b:s3+s1], $0x80, s1, s1, $0xb8;
	[tilespmem:$0xC180] =	vst v63  }
0x5c: {  	s1 =	simm.s32 @!p1 $0x2  }
0x5d: {  	_ =	swait.ge @!p1 [sflag:s1], $0x4000  }
0x5e: {  	s29 =	sadd.s32 $0x1, s29;
	[sflag:s1] =	ssyncset.done @!p1 $0x0  }
0x5f: {  	p2 =	sne.s32 s29, s10;
	[sflag:s1] =	ssyncadd.s32 @!p1 $0xFFFFC000;
	s1 =	simm.s32 @!p1 $0x0  }
0x60: {  	[hbm4b:s9+s1] =	stream.linear.scatter @!p1 [tilespmem:s6], [sflag:$0x5], $0x4000, $0x38;
	[tilespmem:$0xC180] =	vst v63  }
.Ltmp1:
0x61: {  	_ = 	snop;
	(pc) =	sbr.rel @p2 .LBB2_1-.Ltmp1, $4  }
0x62: {  	s1 =	simm.s32 @!p1 $0x5  }
0x63: {  	_ =	swait.ge @!p1 [sflag:s1], $0x4000  }
0x64: {  	[sflag:s1] =	ssyncset.done @!p1 $0x0  }
0x65: {  	[sflag:s1] =	ssyncadd.s32 @!p1 $0xFFFFC000  }
0x66: {  	_ =	sfence.sel $0x180000  }
0x67: {  	[bflag:$0x0] =	sbarrier.arrive $0xFFFF  }
0x68: {  	_ =	strace $0x9000004D  }
0x69: {  	s0 =	stileid.u32;
	[bflag:$0x2] =	sbarrier.arrive $0xFFFF  }
0x6a: {  	p0 =	sne.s32 s0, $0x0;
	s0 =	rddreg [dreg:$0x1]  }
0x6b: {  	s0 =	sadd.s32 @!p0 $0x100000, s0  }
0x6c: {  	[sflag:s0] =	ssyncadd.tile.s32 @!p0 $0x1;
	_ =	shalt  }
.Lfunc_end2:
_tile_overlayer_lowered:
.L_overlay_start_2:
0x6d: {  	(tag) =	ssettag $0x2  }
0x6e: {  	s0 =	rddreg [dreg:$0x0];
	s2 =	stileid.u32  }
0x6f: {  	s1 =	rddreg [dreg:$0x1];
	p0 =	sne.s32 s2, $0x0  }
0x70: {  	s3 =	rddreg [dreg:$0x2];
	[bflag:$0x3] =	sbarrier.arrive $0xFFFF;
	s2 =	simm.s32 @!p0 $0x1C07  }
0x71: {  	[timem:s3], [sflag:s2] =	dma.local @!p0 [hbm:s0], s1  }
0x72: {  	s0 =	simm.s32 @!p0 $0x7  }
0x73: {  	_ =	swait.ge @!p0 [sflag:s0], s1  }
0x74: {  	s1 =	ssub.s32 @!p0 $0x0, s1;
	[sflag:s0] =	ssyncset.done @!p0 $0x0  }
0x75: {  	[sflag:s0] =	ssyncadd.s32 @!p0 s1  }
0x76: {  	[bflag:$0x3] =	sbarrier.arrive $0xFFFF  }
0x77: {  	_ =	shalt  }

// kernel: kernel.17.cloned.1.call-start
scs
__scs_entry_jumppad:
0x0: {  	(pc) =	sbr.rel $0x88, $3  }
0x1: {  	(tag) =	ssettag $0x0;
	lr =	simm.s32 $0x1  }
0x2: {  	[smem:$0x3F85] =	sst lr;
	_ =	strace $0xD0000000  }
0x3: {  	_ = 	snop  }
0x4: {  	_ = 	snop  }
0x5: {  	_ = 	snop  }
0x6: {  	_ = 	snop  }
0x7: {  	_ = 	snop  }
__scs_overlays_trampoline_lowered:
0x8: {  	[smem:$0x3F94] =	sst s0  }
0x9: {  	[smem:$0x3F95] =	sst s1  }
0xa: {  	[smem:$0x3F96] =	sst s2  }
0xb: {  	[smem:$0x3F97] =	sst s3  }
0xc: {  	[smem:$0x3F98] =	sst s4  }
0xd: {  	[smem:$0x3F99] =	sst s5  }
0xe: {  	[smem:$0x3F9A] =	sst s6  }
0xf: {  	[smem:$0x3F9B] =	sst s7  }
0x10: {  	[smem:$0x3F9C] =	sst s8  }
0x11: {  	[smem:$0x3F9D] =	sst s9;
	s0 =	simm.s32 @!p0 $0x0  }
0x12: {  	s1 =	sld [smem:$0x3F83];
	s0 =	simm.s32 @p0 $0x1  }
0x13: {  	[smem:$0x3F9E] =	sst s0;
	s0 =	simm.s32 @!p1 $0x0  }
0x14: {  	s2 =	sld [smem:$0x3F82];
	s0 =	simm.s32 @p1 $0x1  }
0x15: {  	[smem:$0x3F9F] =	sst s0;
	s0 =	simm.s32 @!p2 $0x0  }
0x16: {  	s3 =	sld [smem:$0x3FDB];
	s0 =	simm.s32 @p2 $0x1  }
0x17: {  	s4 =	simm.s32 $0x1BF5;
	[smem:$0x3FA1] =	sst s0  }
0x18: {  	s0 =	sld [smem:$0x3F84];
	_ =	swait.ge [sflag:s4], $0x0  }
0x19: {  	s7 =	sld [smem:$0x3F85]  }
0x1a: {  	s8 =	sadd.s32 $0xFFFFE003, lr  }
0x1b: {  	s9 =	sadd.s32 $0xFFFFFEF7, lr;
	s5 =	simm.s32 $0xFFFFFFFF;
	p2 =	slt.u32 s8, $0xFFFFF086  }
0x1c: {  	p1 =	slt.u32 s9, $0xF7A;
	s5 =	simm.s32 @!p2 $0x0  }
0x1d: {  	s5 =	simm.s32 @p1 $0x1;
	p0 =	seq.s32 s7, s2  }
0x1e: {  	s7 =	smul.u32 @!p0 $0xF7A, s2;
	p2 =	seq.s32 @!p0 s5, $0x0  }
0x1f: {  	s9 =	smul.u32 $0xF7A, s1;
	s8 =	simm.s32 @!p0 $0x1BF5;
	p2 =	por !p2, p0  }
0x20: {  	[sflag:s8] =	ssyncset.s32 @!p0 $0xFFFFF086;
	s6 =	sadd.s32 @!p0 s3, s7;
	s7 =	simm.s32 @!p0 $0x108  }
0x21: {  	s3 =	sadd.s32 s3, s9;
	s6 =	sadd.s32 @!p0 $0x88, s6;
	s7 =	simm.s32 @p2 $0x1082  }
0x22: {  	[simem:s7], [sflag:s8] =	dma.local @!p0 [hbm:s6], $0xF7A  }
0x23: {  	s9 =	sor.u32 $0xD0000000, s2;
	s6 =	simm.s32 $0x108;
	_ =	swait.ge @!p0 [sflag:s8], $0x0  }
0x24: {  	s3 =	sadd.s32 $0x88, s3;
	s6 =	simm.s32 @!p1 $0x1082;
	[sflag:s4] =	ssyncset.s32 $0xFFFFF086  }
0x25: {  	[simem:s6], [sflag:s4] =	dma.local [hbm:s3], $0xF7A  }
0x26: {  	[smem:$0x3F85] =	sst s1;
	(tag) =	ssettag s2;
	_ =	strace s9  }
0x27: {  	s1 =	sld [smem:$0x3F95]  }
0x28: {  	s2 =	sld [smem:$0x3F96]  }
0x29: {  	s4 =	sld [smem:$0x3F98]  }
0x2a: {  	p0 =	seq.s32 s5, $0x0;
	s5 =	sld [smem:$0x3F99]  }
0x2b: {  	s6 =	sld [smem:$0x3F9A]  }
0x2c: {  	s7 =	sld [smem:$0x3F9B]  }
0x2d: {  	s3 =	simm.s32 $0x108;
	s8 =	sld [smem:$0x3F9C]  }
0x2e: {  	s3 =	simm.s32 @!p0 $0x1082;
	s9 =	sld [smem:$0x3F9D]  }
0x2f: {  	lr =	sadd.s32 s0, s3;
	s0 =	sld [smem:$0x3F94]  }
0x30: {  	s3 =	sld [smem:$0x3F97]  }
0x31: {  	[smem:$0x3FA0] =	sst s10  }
0x32: {  	s10 =	sld [smem:$0x3F9E];
	_ =	sdelay $0x3  }
0x33: {  	p0 =	seq.s32 s10, $0x1;
	s10 =	sld [smem:$0x3FA0];
	_ =	sdelay $0x3  }
0x34: {  	[smem:$0x3FA0] =	sst s10  }
0x35: {  	s10 =	sld [smem:$0x3F9F];
	_ =	sdelay $0x3  }
0x36: {  	p1 =	seq.s32 s10, $0x1;
	s10 =	sld [smem:$0x3FA0];
	_ =	sdelay $0x3  }
0x37: {  	[smem:$0x3FA0] =	sst s10  }
0x38: {  	s10 =	sld [smem:$0x3FA1]  }
0x39: {  	_ = 	snop;
	(pc) =	sbr.ind lr, $3  }
0x3a: {  	_ = 	snop  }
0x3b: {  	_ = 	snop  }
0x3c: {  	p2 =	seq.s32 s10, $0x1;
	s10 =	sld [smem:$0x3FA0]  }
0x3d: {  	_ =	shalt  }
0x3e: {  	_ =	shalt  }
0x3f: {  	_ =	shalt  }
0x40: {  	_ =	shalt  }
0x41: {  	_ =	shalt  }
0x42: {  	_ =	shalt  }
0x43: {  	_ =	shalt  }
0x44: {  	_ =	shalt  }
0x45: {  	_ =	shalt  }
0x46: {  	_ =	shalt  }
0x47: {  	_ =	shalt  }
0x48: {  	_ =	shalt  }
0x49: {  	_ =	shalt  }
0x4a: {  	_ =	shalt  }
0x4b: {  	_ =	shalt  }
0x4c: {  	_ =	shalt  }
0x4d: {  	_ =	shalt  }
0x4e: {  	_ =	shalt  }
0x4f: {  	_ =	shalt  }
0x50: {  	_ =	shalt  }
0x51: {  	_ =	shalt  }
0x52: {  	_ =	shalt  }
0x53: {  	_ =	shalt  }
0x54: {  	_ =	shalt  }
0x55: {  	_ =	shalt  }
0x56: {  	_ =	shalt  }
0x57: {  	_ =	shalt  }
0x58: {  	_ =	shalt  }
0x59: {  	_ =	shalt  }
0x5a: {  	_ =	shalt  }
0x5b: {  	_ =	shalt  }
0x5c: {  	_ =	shalt  }
0x5d: {  	_ =	shalt  }
0x5e: {  	_ =	shalt  }
0x5f: {  	_ =	shalt  }
0x60: {  	_ =	shalt  }
0x61: {  	_ =	shalt  }
0x62: {  	_ =	shalt  }
0x63: {  	_ =	shalt  }
0x64: {  	_ =	shalt  }
0x65: {  	_ =	shalt  }
0x66: {  	_ =	shalt  }
0x67: {  	_ =	shalt  }
0x68: {  	_ =	shalt  }
0x69: {  	_ =	shalt  }
0x6a: {  	_ =	shalt  }
0x6b: {  	_ =	shalt  }
0x6c: {  	_ =	shalt  }
0x6d: {  	_ =	shalt  }
0x6e: {  	_ =	shalt  }
0x6f: {  	_ =	shalt  }
0x70: {  	_ =	shalt  }
0x71: {  	_ =	shalt  }
0x72: {  	_ =	shalt  }
0x73: {  	_ =	shalt  }
0x74: {  	_ =	shalt  }
0x75: {  	_ =	shalt  }
0x76: {  	_ =	shalt  }
0x77: {  	_ =	shalt  }
0x78: {  	_ =	shalt  }
0x79: {  	_ =	shalt  }
0x7a: {  	_ =	shalt  }
0x7b: {  	_ =	shalt  }
0x7c: {  	_ =	shalt  }
0x7d: {  	_ =	shalt  }
0x7e: {  	_ =	shalt  }
0x7f: {  	_ =	shalt  }
0x80: {  	_ =	shalt  }
0x81: {  	_ =	shalt  }
0x82: {  	_ =	shalt  }
0x83: {  	_ =	shalt  }
0x84: {  	_ =	shalt  }
0x85: {  	_ =	shalt  }
0x86: {  	_ =	shalt  }
0x87: {  	_ =	shalt  }
.Lfunc_end0:
.L_simem_size_0:
called_computation.1_lowered:
.L_overlay_start_0:
0x88: {  	s2 =	sld [smem:$0x3FD9]  }
0x89: {  	s3 =	sld [smem:$0x3FFE];
	_ =	sdelay $0x1  }
0x8a: {  	s1 =	srdreg.scid  }
0x8b: {  	s0 =	sand.u32 $0x1, s1  }
0x8c: {  	s16 =	sshll.u32 s0, $0xA;
	s2 =	sadd.s32 s3, s2  }
0x8d: {  	s2 =	sadd.s32 s2, s16  }
0x8e: {  	[smem:$0x3FAC] =	sst s2  }
0x8f: {  	_ = 	snop  }
0x90: {  	(tm) =	ssettm $0x1  }
0x91: {  	s17 =	sld [smem:$0x3FFB];
	_ =	sdelay $0x3  }
0x92: {  	_ =	strace s17  }
0x93: {  	s2 =	sld [smem:$0x3FFC];
	_ =	sdelay $0x3  }
0x94: {  	_ =	strace s2  }
0x95: {  	s2 =	sld [smem:$0x3FFD];
	_ =	sdelay $0x3  }
0x96: {  	_ =	strace s2  }
0x97: {  	_ =	strace $0x8FFFFFFF  }
0x98: {  	s18 =	sld [smem:$0x3FDB];
	_ =	sdelay $0x1  }
0x99: {  	s19 =	simm.s32 $_scs_section_size  }
0x9a: {  	s4 =	simm.s32 $_size__tile_overlayer_lowered;
	s5 =	simm.s32 $_tile_overlayer_lowered  }
0x9b: {  	s22 =	simm.s32 $0x1BFF;
	s21 =	sshll.u32 s5, $0x1;
	s2 =	sadd.s32 s19, s18  }
0x9c: {  	s6 =	simm.s32 $0x0;
	s20 =	sshll.u32 s4, $0x1;
	s4 =	sadd.s32 s21, s2  }
0x9d: {  	[timem:s6], [sflag:s22] =	dma.local [hbm:s4], s20  }
0x9e: {  	_ =	swait.ge [sflag:s22], s20  }
0x9f: {  	s3 =	ssub.s32 $0x0, s20;
	[sflag:s22] =	ssyncset.done $0x0  }
0xa0: {  	[sflag:s22] =	ssyncadd.s32 s3;
	_ =	sdelay $0x1  }
0xa1: {  	s23 =	simm.s32 $0x1B8B  }
0xa2: {  	_ =	swait.ge [sflag:s23], $0x1  }
0xa3: {  	[sflag:s23] =	ssyncset.done $0x0  }
0xa4: {  	s25 =	simm.s32 $0x1B8E;
	s24 =	sld [smem:$0x3FFE];
	[sflag:s23] =	ssyncadd.s32 $0xFFFFFFFF  }
0xa5: {  	s26 =	simm.s32 $execute0_lowered;
	[smem:$0x3FD2] =	sst s25  }
0xa6: {  	s4 =	sshll.u32 s26, $0x1;
	_ =	strace $0x80000046;
	[dreg:$0x1] =	wrdreg $0xFFFFFFFF  }
0xa7: {  	s28 =	simm.s32 $_size_execute0_lowered;
	s2 =	sadd.s32 s2, s4;
	[dreg:$0x0] =	wrdreg $0x0  }
0xa8: {  	s4 =	sshll.u32 s28, $0x1;
	[dreg:$0x2] =	wrdreg s2  }
0xa9: {  	[dreg:$0x3] =	wrdreg s4  }
0xaa: {  	[dreg:$0x4] =	wrdreg $0xC0  }
0xab: {  	_ =	task [dreg:s6], $0x5FFFF  }
0xac: {  	[dreg:$0x1] =	wrdreg $0xFFFFFFFF  }
0xad: {  	[dreg:$0x0] =	wrdreg $0x60  }
0xae: {  	[dreg:$0x2] =	wrdreg s24  }
0xaf: {  	[dreg:$0x3] =	wrdreg $0xA  }
0xb0: {  	_ =	task.clear_ibuf [dreg:s6], $0x4FFFF;
	_ =	strace $0x90000046  }
0xb1: {  	s29 =	simm.s32 $0xA;
	_ =	strace $0x80000048  }
0xb2: {  	_ =	swait.ge [sflag:s29], $0x1  }
0xb3: {  	[sflag:s29] =	ssyncadd.s32 $0xFFFFFFFF  }
0xb4: {  	_ =	strace $0x90000048  }
0xb5: {  	_ =	sfence  }
0xb6: {  	s30 =	sld [smem:$0x0];
	_ =	sdelay $0x2  }
0xb7: {  	s31 =	sshll.u32 s1, $0xD;
	s1 =	sshrl.u32 s1, $0x2  }
0xb8: {  	s3 =	sand.u32 $0x4000, s31;
	s1 =	sadd.s32 s1, s30  }
0xb9: {  	s0 =	sor.u32 s3, s0;
	s1 =	sshll.u32 s1, $0x11  }
0xba: {  	s0 =	sor.u32 s1, s0  }
0xbb: {  	s0 =	sadd.s32 $0x8F2B, s0  }
0xbc: {  	[sflag:s0] =	ssyncadd.remote.s32 $0x1  }
0xbd: {  	_ =	sfence.sel $0xFFFF  }
0xbe: {  	[dreg:$0x0] =	wrdreg $0xFFFFFFFF;
	(pc) =	sbr.abs _section_cstart, $3  }
0xbf: {  	[dreg:$0x1] =	wrdreg $0xFFFFFFFF  }
0xc0: {  	_ =	task.clear_ibuf [dreg:s6], $0x2FFFF;
	_ =	strace $0x9FFFFFFF  }
0xc1: {  	(tm) =	ssettm $0x7FFFFFFF  }
tec
execute0_lowered:
.L_overlay_start_1:
0x0: {  	(tag) =	ssettag $0x1  }
0x1: {  	s0 =	rddreg [dreg:$0x0];
	s1 =	simm.s32 $0x0;
	s2 =	srdreg.scid  }
0x2: {  	s15 =	stileid.u32;
	s17 =	simm.s32 $0x80;
	s18 =	simm.s32 $0x100  }
0x3: {  	s28 =	simm.s32 $0x6;
	s29 =	simm.s32 $0x0;
	[smem:$0x7FF] =	sst s1  }
0x4: {  	s3 =	sadd.s32 $0x276C00, s0;
	s4 =	sadd.s32 $0x5C00, s0;
	s2 =	sand.u32 $0x1, s2  }
0x5: {  	s5 =	sshll.u32 s15, $0x1;
	s12 =	sadd.s32 $0x8400, s0;
	s22 =	sshll.u32 s15, $0x9  }
0x6: {  	s13 =	sshll.u32 s15, $0x5;
	s24 =	sshll.u32 s15, $0x8;
	s15 =	sshll.u32 s15, $0xC  }
0x7: {  	_ =	strace $0x80000047;
	s19 =	ssub.s32 $0x2, s2;
	s25 =	sor.u32 s2, s5  }
0x8: {  	s11 =	sshll.u32 s2, $0x8;
	s23 =	sadd.s32 s13, s4;
	s14 =	sshll.u32 s2, $0x7  }
0x9: {  	s16 =	sshll.u32 s2, $0xB;
	s2 =	sshll.u32 s2, $0x4;
	s20 =	sshrl.u32 s19, $0x1  }
0xa: {  	s6 =	sshll.u32 s25, $0x4;
	s7 =	sshll.u32 s25, $0x8;
	s14 =	sor.u32 s14, s24  }
0xb: {  	s26 =	sor.u32 s16, s15;
	s16 =	simm.s32 $0x7;
	p0 =	slt.u32 s25, $0x11  }
0xc: {  	s24 =	simm.s32 $0x3;
	p1 =	sgt.u32 s25, $0x10;
	s25 =	simm.s32 $0x4  }
0xd: {  	s0 =	ssub.s32 s19, s20;
	s5 =	sadd.s32 s4, s6;
	s9 =	sadd.s32 s7, s12  }
0xe: {  	s30 =	sor.u32 $0x4000, s14;
	s13 =	sor.u32 $0x20000, s26;
	s14 =	sor.u32 $0x3000, s14  }
0xf: {  	s19 =	simm.s32 $0x180;
	s20 =	simm.s32 $0x1;
	s26 =	simm.s32 $0x5  }
0x10: {  	s6 =	sadd.s32 $0x200, s5;
	s21 =	sadd.s32 $0x400, s5;
	s8 =	sadd.s32 $0x24000, s9  }
0x11: {  	s9 =	sadd.s32 $0x26000, s9;
	s10 =	smax.u32 s0, $0x1;
	s0 =	sadd.s32 s22, s12  }
0x12: {  	s31 =	sshrl.u32 s13, $0x3;
	s22 =	simm.s32 $0x2;
	[dreg:$0x2] =	wrdreg s6  }
0x13: {  	[dreg:$0x3] =	wrdreg s21;
	s11 =	sadd.s32 s11, s0;
	s0 =	sadd.s32 s2, s23  }
0x14: {  	s2 =	sshrl.u32 s30, $0x3;
	s15 =	sadd.s32 s31, s12;
	s21 =	simm.s32 $0x980  }
0x15: {  	s23 =	simm.s32 $0x1180;
	s0 =	sadd.s32 $0xA00, s0;
	s13 =	sadd.s32 s2, s4  }
.LBB2_1:
0x16: {  	[tilespmem:s1], [sflag:$0x7] =	stream.linear.gather [hbm4b:s5+s1], $0x80, $0x38;
	[tilespmem:$0x1980] =	vst v63  }
0x17: {  	_ =	swait.ge [sflag:s16], $0x80  }
0x18: {  	[sflag:s16] =	ssyncset.done $0x0  }
0x19: {  	s2 =	rddreg [dreg:$0x2];
	[sflag:s16] =	ssyncadd.s32 $0xFFFFFF80  }
0x1a: {  	[tilespmem:s17], [sflag:$0x7] =	stream.linear.gather [hbm4b:s2+s1], $0x80, $0x38;
	[tilespmem:$0x1980] =	vst v63  }
0x1b: {  	_ =	swait.ge [sflag:s16], $0x80  }
0x1c: {  	[sflag:s16] =	ssyncset.done $0x0  }
0x1d: {  	s12 =	rddreg [dreg:$0x3];
	[sflag:s16] =	ssyncadd.s32 $0xFFFFFF80  }
0x1e: {  	[tilespmem:s18], [sflag:$0x7] =	stream.linear.gather [hbm4b:s12+s1], $0x80, $0x38;
	[tilespmem:$0x1980] =	vst v63  }
0x1f: {  	_ =	swait.ge [sflag:s16], $0x80  }
0x20: {  	s30 =	smov.u32 s14;
	s31 =	smov.u32 s13;
	[sflag:s16] =	ssyncset.done $0x0  }
0x21: {  	s2 =	simm.s32 $0x0;
	s12 =	smov.u32 s0;
	[sflag:s16] =	ssyncadd.s32 $0xFFFFFF80  }
0x22: {  	[tilespmem:s19], [sflag:$0x1] =	stream.indirect.gather [hbm4b:s3+s17], $0x10, s1, s17, $0xb8;
	[tilespmem:$0x1980] =	vst v63  }
.LBB2_2:
0x23: {  	_ =	swait.ge [sflag:s20], $0x800  }
0x24: {  	[sflag:s20] =	ssyncset.done $0x0  }
0x25: {  	s6 =	sadd.s32 s2, s11;
	s7 =	sshrl.u32 s30, $0x3;
	[sflag:s20] =	ssyncadd.s32 $0xFFFFF800  }
0x26: {  	[hbm4b:s6+s1] =	stream.linear.scatter [tilespmem:s19], [sflag:$0x4], $0x800, $0x38;
	[tilespmem:$0x1980] =	vst v63  }
0x27: {  	s7 =	sadd.s32 s4, s7  }
0x28: {  	[tilespmem:s1], [sflag:$0x7] =	stream.linear.gather [hbm4b:s7+s1], $0x80, $0x38;
	[tilespmem:$0x1980] =	vst v63  }
0x29: {  	_ =	swait.ge [sflag:s16], $0x80  }
0x2a: {  	p2 =	seq.s32 s2, $0x0;
	[sflag:s16] =	ssyncset.done $0x0  }
0x2b: {  	s7 =	simm.s32 @!p2 $0x5;
	[sflag:s16] =	ssyncadd.s32 $0xFFFFFF80  }
0x2c: {  	_ =	swait.ge @!p2 [sflag:s7], $0x800  }
0x2d: {  	[sflag:s7] =	ssyncset.done @!p2 $0x0  }
0x2e: {  	[sflag:s7] =	ssyncadd.s32 @!p2 $0xFFFFF800  }
0x2f: {  	[tilespmem:s21], [sflag:$0x2] =	stream.indirect.gather [hbm4b:s3+s17], $0x10, s17, s17, $0xb8;
	[tilespmem:$0x1980] =	vst v63  }
0x30: {  	_ =	swait.ge [sflag:s22], $0x800  }
0x31: {  	p2 =	seq.s32 @!p0 s2, $0x1E000;
	[sflag:s22] =	ssyncset.done $0x0  }
0x32: {  	s6 =	sadd.s32 $0x2000, s6;
	p2 =	por p0, !p2;
	[sflag:s22] =	ssyncadd.s32 $0xFFFFF800  }
0x33: {  	[hbm4b:s6+s1] =	stream.linear.scatter [tilespmem:s21], [sflag:$0x5], $0x800, $0x38;
	[tilespmem:$0x1980] =	vst v63  }
0x34: {  	s7 =	simm.s32 @p2 $0x80;
	s6 =	simm.s32 @p2 $0x0  }
0x35: {  	[tilespmem:s7], [sflag:$0x7] =	stream.linear.gather @p2 [hbm4b:s31+s6], $0x80, $0x38;
	[tilespmem:$0x1980] =	vst v63  }
0x36: {  	s6 =	simm.s32 @p2 $0x7  }
0x37: {  	_ =	swait.ge @p2 [sflag:s6], $0x80  }
0x38: {  	p3 =	seq.s32 @p2 s2, $0x0;
	[sflag:s6] =	ssyncset.done @p2 $0x0  }
0x39: {  	p3 =	por !p2, !p3;
	[sflag:s6] =	ssyncadd.s32 @p2 $0xFFFFFF80  }
0x3a: {  	_ =	swait.ge @p3 [sflag:s28], $0x800  }
0x3b: {  	[sflag:s28] =	ssyncset.done @p3 $0x0  }
0x3c: {  	[sflag:s28] =	ssyncadd.s32 @p3 $0xFFFFF800  }
0x3d: {  	[tilespmem:s23], [sflag:$0x3] =	stream.indirect.gather [hbm4b:s3+s17], $0x10, s18, s17, $0xb8;
	[tilespmem:$0x1980] =	vst v63  }
0x3e: {  	_ =	swait.ge [sflag:s24], $0x800  }
0x3f: {  	[sflag:s24] =	ssyncset.done $0x0  }
0x40: {  	s7 =	sadd.s32 s2, s15;
	p2 =	seq.s32 s2, $0x1E000;
	[sflag:s24] =	ssyncadd.s32 $0xFFFFF800  }
0x41: {  	[hbm4b:s7+s1] =	stream.linear.scatter [tilespmem:s23], [sflag:$0x6], $0x800, $0x38;
	[tilespmem:$0x1980] =	vst v63  }
0x42: {  	s6 =	simm.s32 @!p2 $0x0;
	s7 =	simm.s32 @!p2 $0x100  }
0x43: {  	[tilespmem:s7], [sflag:$0x7] =	stream.linear.gather @!p2 [hbm4b:s12+s6], $0x80, $0x38;
	[tilespmem:$0x1980] =	vst v63  }
0x44: {  	s6 =	simm.s32 @!p2 $0x7  }
0x45: {  	_ =	swait.ge @!p2 [sflag:s6], $0x80  }
0x46: {  	s2 =	sadd.s32 $0x6000, s2;
	[sflag:s6] =	ssyncset.done @!p2 $0x0  }
0x47: {  	[sflag:s6] =	ssyncadd.s32 @!p2 $0xFFFFFF80;
	p2 =	sne.s32 s2, $0x24000  }
.Ltmp0:
0x48: {  	_ = 	snop;
	(pc) =	sbr.rel @p2 .LBB2_2-.Ltmp0, $4  }
0x49: {  	_ =	swait.ge [sflag:s25], $0x800  }
0x4a: {  	s30 =	sadd.s32 $0x3000, s30;
	[sflag:s25] =	ssyncset.done $0x0  }
0x4b: {  	s31 =	sadd.s32 $0x600, s31;
	s12 =	sadd.s32 $0x600, s12;
	[sflag:s25] =	ssyncadd.s32 $0xFFFFF800  }
0x4c: {  	[tilespmem:s19], [sflag:$0x1] =	stream.indirect.gather [hbm4b:s3+s17], $0x10, s1, s17, $0xb8;
	[tilespmem:$0x1980] =	vst v63  }
0x4d: {  	_ =	swait.ge [sflag:s20], $0x800  }
0x4e: {  	[sflag:s20] =	ssyncset.done $0x0  }
0x4f: {  	[sflag:s20] =	ssyncadd.s32 $0xFFFFF800  }
0x50: {  	[hbm4b:s8+s1] =	stream.linear.scatter [tilespmem:s19], [sflag:$0x4], $0x800, $0x38;
	[tilespmem:$0x1980] =	vst v63  }
0x51: {  	_ =	swait.ge [sflag:s26], $0x800  }
0x52: {  	[sflag:s26] =	ssyncset.done $0x0  }
0x53: {  	[sflag:s26] =	ssyncadd.s32 $0xFFFFF800  }
0x54: {  	_ =	swait.ge [sflag:s28], $0x800  }
0x55: {  	[sflag:s28] =	ssyncset.done $0x0  }
0x56: {  	[sflag:s28] =	ssyncadd.s32 $0xFFFFF800  }
0x57: {  	_ =	swait.ge [sflag:s25], $0x800  }
0x58: {  	[sflag:s25] =	ssyncset.done $0x0  }
0x59: {  	s2 =	simm.s32 @!p1 $0x80;
	s6 =	simm.s32 @!p1 $0x980;
	[sflag:s25] =	ssyncadd.s32 $0xFFFFF800  }
0x5a: {  	[tilespmem:s6], [sflag:$0x2] =	stream.indirect.gather @!p1 [hbm4b:s3+s2], $0x10, s2, s2, $0xb8;
	[tilespmem:$0x1980] =	vst v63  }
0x5b: {  	s2 =	simm.s32 @!p1 $0x2  }
0x5c: {  	_ =	swait.ge @!p1 [sflag:s2], $0x800  }
0x5d: {  	s29 =	sadd.s32 $0x1, s29;
	[sflag:s2] =	ssyncset.done @!p1 $0x0  }
0x5e: {  	p2 =	sne.s32 s29, s10;
	[sflag:s2] =	ssyncadd.s32 @!p1 $0xFFFFF800;
	s2 =	simm.s32 @!p1 $0x0  }
0x5f: {  	[hbm4b:s9+s2] =	stream.linear.scatter @!p1 [tilespmem:s6], [sflag:$0x5], $0x800, $0x38;
	[tilespmem:$0x1980] =	vst v63  }
.Ltmp1:
0x60: {  	_ = 	snop;
	(pc) =	sbr.rel @p2 .LBB2_1-.Ltmp1, $4  }
0x61: {  	s2 =	simm.s32 @!p1 $0x5  }
0x62: {  	_ =	swait.ge @!p1 [sflag:s2], $0x800  }
0x63: {  	[sflag:s2] =	ssyncset.done @!p1 $0x0  }
0x64: {  	[sflag:s2] =	ssyncadd.s32 @!p1 $0xFFFFF800  }
0x65: {  	_ =	sfence.sel $0x180000  }
0x66: {  	[bflag:$0x0] =	sbarrier.arrive $0xFFFF  }
0x67: {  	_ =	strace $0x90000047  }
0x68: {  	s0 =	stileid.u32;
	[bflag:$0x2] =	sbarrier.arrive $0xFFFF  }
0x69: {  	p0 =	sne.s32 s0, $0x0;
	s0 =	rddreg [dreg:$0x1]  }
0x6a: {  	s0 =	sadd.s32 @!p0 $0x100000, s0  }
0x6b: {  	[sflag:s0] =	ssyncadd.tile.s32 @!p0 $0x1;
	_ =	shalt  }
.Lfunc_end2:
_tile_overlayer_lowered:
.L_overlay_start_2:
0x6c: {  	(tag) =	ssettag $0x2  }
0x6d: {  	s0 =	rddreg [dreg:$0x0];
	s2 =	stileid.u32  }
0x6e: {  	s1 =	rddreg [dreg:$0x1];
	p0 =	sne.s32 s2, $0x0  }
0x6f: {  	s3 =	rddreg [dreg:$0x2];
	[bflag:$0x3] =	sbarrier.arrive $0xFFFF;
	s2 =	simm.s32 @!p0 $0x1C07  }
0x70: {  	[timem:s3], [sflag:s2] =	dma.local @!p0 [hbm:s0], s1  }
0x71: {  	s0 =	simm.s32 @!p0 $0x7  }
0x72: {  	_ =	swait.ge @!p0 [sflag:s0], s1  }
0x73: {  	s1 =	ssub.s32 @!p0 $0x0, s1;
	[sflag:s0] =	ssyncset.done @!p0 $0x0  }
0x74: {  	[sflag:s0] =	ssyncadd.s32 @!p0 s1  }
0x75: {  	[bflag:$0x3] =	sbarrier.arrive $0xFFFF  }
0x76: {  	_ =	shalt  }

// kernel: kernel.20.cloned.1.call-start
scs
__scs_entry_jumppad:
0x0: {  	(pc) =	sbr.rel $0x88, $3  }
0x1: {  	(tag) =	ssettag $0x0;
	lr =	simm.s32 $0x1  }
0x2: {  	[smem:$0x3F85] =	sst lr;
	_ =	strace $0xD0000000  }
0x3: {  	_ = 	snop  }
0x4: {  	_ = 	snop  }
0x5: {  	_ = 	snop  }
0x6: {  	_ = 	snop  }
0x7: {  	_ = 	snop  }
__scs_overlays_trampoline_lowered:
0x8: {  	[smem:$0x3F94] =	sst s0  }
0x9: {  	[smem:$0x3F95] =	sst s1  }
0xa: {  	[smem:$0x3F96] =	sst s2  }
0xb: {  	[smem:$0x3F97] =	sst s3  }
0xc: {  	[smem:$0x3F98] =	sst s4  }
0xd: {  	[smem:$0x3F99] =	sst s5  }
0xe: {  	[smem:$0x3F9A] =	sst s6  }
0xf: {  	[smem:$0x3F9B] =	sst s7  }
0x10: {  	[smem:$0x3F9C] =	sst s8  }
0x11: {  	[smem:$0x3F9D] =	sst s9;
	s0 =	simm.s32 @!p0 $0x0  }
0x12: {  	s1 =	sld [smem:$0x3F83];
	s0 =	simm.s32 @p0 $0x1  }
0x13: {  	[smem:$0x3F9E] =	sst s0;
	s0 =	simm.s32 @!p1 $0x0  }
0x14: {  	s2 =	sld [smem:$0x3F82];
	s0 =	simm.s32 @p1 $0x1  }
0x15: {  	[smem:$0x3F9F] =	sst s0;
	s0 =	simm.s32 @!p2 $0x0  }
0x16: {  	s3 =	sld [smem:$0x3FDB];
	s0 =	simm.s32 @p2 $0x1  }
0x17: {  	s4 =	simm.s32 $0x1BF5;
	[smem:$0x3FA1] =	sst s0  }
0x18: {  	s0 =	sld [smem:$0x3F84];
	_ =	swait.ge [sflag:s4], $0x0  }
0x19: {  	s7 =	sld [smem:$0x3F85]  }
0x1a: {  	s8 =	sadd.s32 $0xFFFFE003, lr  }
0x1b: {  	s9 =	sadd.s32 $0xFFFFFEF7, lr;
	s5 =	simm.s32 $0xFFFFFFFF;
	p2 =	slt.u32 s8, $0xFFFFF086  }
0x1c: {  	p1 =	slt.u32 s9, $0xF7A;
	s5 =	simm.s32 @!p2 $0x0  }
0x1d: {  	s5 =	simm.s32 @p1 $0x1;
	p0 =	seq.s32 s7, s2  }
0x1e: {  	s7 =	smul.u32 @!p0 $0xF7A, s2;
	p2 =	seq.s32 @!p0 s5, $0x0  }
0x1f: {  	s9 =	smul.u32 $0xF7A, s1;
	s8 =	simm.s32 @!p0 $0x1BF5;
	p2 =	por !p2, p0  }
0x20: {  	[sflag:s8] =	ssyncset.s32 @!p0 $0xFFFFF086;
	s6 =	sadd.s32 @!p0 s3, s7;
	s7 =	simm.s32 @!p0 $0x108  }
0x21: {  	s3 =	sadd.s32 s3, s9;
	s6 =	sadd.s32 @!p0 $0x88, s6;
	s7 =	simm.s32 @p2 $0x1082  }
0x22: {  	[simem:s7], [sflag:s8] =	dma.local @!p0 [hbm:s6], $0xF7A  }
0x23: {  	s9 =	sor.u32 $0xD0000000, s2;
	s6 =	simm.s32 $0x108;
	_ =	swait.ge @!p0 [sflag:s8], $0x0  }
0x24: {  	s3 =	sadd.s32 $0x88, s3;
	s6 =	simm.s32 @!p1 $0x1082;
	[sflag:s4] =	ssyncset.s32 $0xFFFFF086  }
0x25: {  	[simem:s6], [sflag:s4] =	dma.local [hbm:s3], $0xF7A  }
0x26: {  	[smem:$0x3F85] =	sst s1;
	(tag) =	ssettag s2;
	_ =	strace s9  }
0x27: {  	s1 =	sld [smem:$0x3F95]  }
0x28: {  	s2 =	sld [smem:$0x3F96]  }
0x29: {  	s4 =	sld [smem:$0x3F98]  }
0x2a: {  	p0 =	seq.s32 s5, $0x0;
	s5 =	sld [smem:$0x3F99]  }
0x2b: {  	s6 =	sld [smem:$0x3F9A]  }
0x2c: {  	s7 =	sld [smem:$0x3F9B]  }
0x2d: {  	s3 =	simm.s32 $0x108;
	s8 =	sld [smem:$0x3F9C]  }
0x2e: {  	s3 =	simm.s32 @!p0 $0x1082;
	s9 =	sld [smem:$0x3F9D]  }
0x2f: {  	lr =	sadd.s32 s0, s3;
	s0 =	sld [smem:$0x3F94]  }
0x30: {  	s3 =	sld [smem:$0x3F97]  }
0x31: {  	[smem:$0x3FA0] =	sst s10  }
0x32: {  	s10 =	sld [smem:$0x3F9E];
	_ =	sdelay $0x3  }
0x33: {  	p0 =	seq.s32 s10, $0x1;
	s10 =	sld [smem:$0x3FA0];
	_ =	sdelay $0x3  }
0x34: {  	[smem:$0x3FA0] =	sst s10  }
0x35: {  	s10 =	sld [smem:$0x3F9F];
	_ =	sdelay $0x3  }
0x36: {  	p1 =	seq.s32 s10, $0x1;
	s10 =	sld [smem:$0x3FA0];
	_ =	sdelay $0x3  }
0x37: {  	[smem:$0x3FA0] =	sst s10  }
0x38: {  	s10 =	sld [smem:$0x3FA1]  }
0x39: {  	_ = 	snop;
	(pc) =	sbr.ind lr, $3  }
0x3a: {  	_ = 	snop  }
0x3b: {  	_ = 	snop  }
0x3c: {  	p2 =	seq.s32 s10, $0x1;
	s10 =	sld [smem:$0x3FA0]  }
0x3d: {  	_ =	shalt  }
0x3e: {  	_ =	shalt  }
0x3f: {  	_ =	shalt  }
0x40: {  	_ =	shalt  }
0x41: {  	_ =	shalt  }
0x42: {  	_ =	shalt  }
0x43: {  	_ =	shalt  }
0x44: {  	_ =	shalt  }
0x45: {  	_ =	shalt  }
0x46: {  	_ =	shalt  }
0x47: {  	_ =	shalt  }
0x48: {  	_ =	shalt  }
0x49: {  	_ =	shalt  }
0x4a: {  	_ =	shalt  }
0x4b: {  	_ =	shalt  }
0x4c: {  	_ =	shalt  }
0x4d: {  	_ =	shalt  }
0x4e: {  	_ =	shalt  }
0x4f: {  	_ =	shalt  }
0x50: {  	_ =	shalt  }
0x51: {  	_ =	shalt  }
0x52: {  	_ =	shalt  }
0x53: {  	_ =	shalt  }
0x54: {  	_ =	shalt  }
0x55: {  	_ =	shalt  }
0x56: {  	_ =	shalt  }
0x57: {  	_ =	shalt  }
0x58: {  	_ =	shalt  }
0x59: {  	_ =	shalt  }
0x5a: {  	_ =	shalt  }
0x5b: {  	_ =	shalt  }
0x5c: {  	_ =	shalt  }
0x5d: {  	_ =	shalt  }
0x5e: {  	_ =	shalt  }
0x5f: {  	_ =	shalt  }
0x60: {  	_ =	shalt  }
0x61: {  	_ =	shalt  }
0x62: {  	_ =	shalt  }
0x63: {  	_ =	shalt  }
0x64: {  	_ =	shalt  }
0x65: {  	_ =	shalt  }
0x66: {  	_ =	shalt  }
0x67: {  	_ =	shalt  }
0x68: {  	_ =	shalt  }
0x69: {  	_ =	shalt  }
0x6a: {  	_ =	shalt  }
0x6b: {  	_ =	shalt  }
0x6c: {  	_ =	shalt  }
0x6d: {  	_ =	shalt  }
0x6e: {  	_ =	shalt  }
0x6f: {  	_ =	shalt  }
0x70: {  	_ =	shalt  }
0x71: {  	_ =	shalt  }
0x72: {  	_ =	shalt  }
0x73: {  	_ =	shalt  }
0x74: {  	_ =	shalt  }
0x75: {  	_ =	shalt  }
0x76: {  	_ =	shalt  }
0x77: {  	_ =	shalt  }
0x78: {  	_ =	shalt  }
0x79: {  	_ =	shalt  }
0x7a: {  	_ =	shalt  }
0x7b: {  	_ =	shalt  }
0x7c: {  	_ =	shalt  }
0x7d: {  	_ =	shalt  }
0x7e: {  	_ =	shalt  }
0x7f: {  	_ =	shalt  }
0x80: {  	_ =	shalt  }
0x81: {  	_ =	shalt  }
0x82: {  	_ =	shalt  }
0x83: {  	_ =	shalt  }
0x84: {  	_ =	shalt  }
0x85: {  	_ =	shalt  }
0x86: {  	_ =	shalt  }
0x87: {  	_ =	shalt  }
.Lfunc_end0:
.L_simem_size_0:
called_computation.2_lowered:
.L_overlay_start_0:
0x88: {  	s2 =	sld [smem:$0x3FD9]  }
0x89: {  	s3 =	sld [smem:$0x3FFE];
	_ =	sdelay $0x1  }
0x8a: {  	s1 =	srdreg.scid  }
0x8b: {  	s0 =	sand.u32 $0x1, s1  }
0x8c: {  	s17 =	sshll.u32 s0, $0xA;
	s2 =	sadd.s32 s3, s2  }
0x8d: {  	s2 =	sadd.s32 s2, s17  }
0x8e: {  	[smem:$0x3FAC] =	sst s2  }
0x8f: {  	_ = 	snop  }
0x90: {  	(tm) =	ssettm $0x1  }
0x91: {  	s18 =	sld [smem:$0x3FFB];
	_ =	sdelay $0x3  }
0x92: {  	_ =	strace s18  }
0x93: {  	s2 =	sld [smem:$0x3FFC];
	_ =	sdelay $0x3  }
0x94: {  	_ =	strace s2  }
0x95: {  	s2 =	sld [smem:$0x3FFD];
	_ =	sdelay $0x3  }
0x96: {  	_ =	strace s2  }
0x97: {  	_ =	strace $0x8FFFFFFF  }
0x98: {  	s19 =	sld [smem:$0x3FDB];
	_ =	sdelay $0x1  }
0x99: {  	s20 =	simm.s32 $_scs_section_size  }
0x9a: {  	s4 =	simm.s32 $_size__tile_overlayer_lowered;
	s5 =	simm.s32 $_tile_overlayer_lowered  }
0x9b: {  	s6 =	simm.s32 $0x1BFF;
	s21 =	sshll.u32 s5, $0x1;
	s3 =	sadd.s32 s20, s19  }
0x9c: {  	s22 =	simm.s32 $0x0;
	s4 =	sshll.u32 s4, $0x1;
	s5 =	sadd.s32 s21, s3  }
0x9d: {  	[timem:s22], [sflag:s6] =	dma.local [hbm:s5], s4  }
0x9e: {  	_ =	swait.ge [sflag:s6], s4  }
0x9f: {  	s4 =	ssub.s32 $0x0, s4;
	[sflag:s6] =	ssyncset.done $0x0  }
0xa0: {  	[sflag:s6] =	ssyncadd.s32 s4;
	_ =	sdelay $0x1  }
0xa1: {  	s23 =	simm.s32 $0x1B8B  }
0xa2: {  	_ =	swait.ge [sflag:s23], $0x1  }
0xa3: {  	[sflag:s23] =	ssyncset.done $0x0  }
0xa4: {  	[sflag:s23] =	ssyncadd.s32 $0xFFFFFFFF  }
0xa5: {  	s4 =	sld [smem:$0x0]  }
0xa6: {  	s5 =	sand.u32 $0xFFFFFFFE, s1  }
0xa7: {  	p0 =	sne.s32 s1, s5  }
0xa8: {  	s5 =	sshll.u32 @p0 s5, $0xE  }
0xa9: {  	s5 =	sadd.s32 @p0 $0x11B8D, s5;
	s6 =	sshll.u32 @p0 s4, $0x11  }
0xaa: {  	s5 =	sor.u32 @p0 s6, s5  }
0xab: {  	[sflag:s5] =	ssyncadd.remote.s32 @p0 $0x1;
	_ =	sdelay $0x1  }
0xac: {  	s5 =	simm.s32 @p0 $0x1B8D  }
0xad: {  	_ =	swait.eq @p0 [sflag:s5], $0x1  }
0xae: {  	[sflag:s5] =	ssyncadd.s32 @p0 $0xFFFFFFFF  }
0xaf: {  	s6 =	sshll.u32 @!p0 s1, $0xE  }
0xb0: {  	s6 =	sor.u32 @!p0 $0x4000, s6;
	s5 =	simm.s32 @!p0 $0x1B8D  }
0xb1: {  	s4 =	sshll.u32 @!p0 s4, $0x11;
	s6 =	sadd.s32 @!p0 $0x11B8D, s6;
	_ =	swait.eq @!p0 [sflag:s5], $0x1  }
0xb2: {  	s4 =	sor.u32 @!p0 s4, s6;
	[sflag:s5] =	ssyncadd.s32 @!p0 $0xFFFFFFFF  }
0xb3: {  	s25 =	simm.s32 $0x1B8E;
	s24 =	sld [smem:$0x3FFE];
	[sflag:s4] =	ssyncadd.remote.s32 @!p0 $0x1  }
0xb4: {  	s26 =	simm.s32 $execute0_lowered;
	[smem:$0x3FD2] =	sst s25  }
0xb5: {  	s5 =	sshll.u32 s26, $0x1;
	_ =	strace $0x8000004F;
	[dreg:$0x1] =	wrdreg $0xFFFFFFFF  }
0xb6: {  	s28 =	simm.s32 $_size_execute0_lowered;
	s3 =	sadd.s32 s3, s5;
	[dreg:$0x0] =	wrdreg $0x0  }
0xb7: {  	s5 =	sshll.u32 s28, $0x1;
	[dreg:$0x2] =	wrdreg s3  }
0xb8: {  	[dreg:$0x3] =	wrdreg s5  }
0xb9: {  	[dreg:$0x4] =	wrdreg $0xC0  }
0xba: {  	_ =	task [dreg:s22], $0x5FFFF  }
0xbb: {  	[dreg:$0x1] =	wrdreg $0xFFFFFFFF  }
0xbc: {  	[dreg:$0x0] =	wrdreg $0x60  }
0xbd: {  	[dreg:$0x2] =	wrdreg s24  }
0xbe: {  	[dreg:$0x3] =	wrdreg $0xB  }
0xbf: {  	_ =	task.clear_ibuf [dreg:s22], $0x4FFFF;
	_ =	strace $0x9000004F  }
0xc0: {  	s29 =	simm.s32 $0xB;
	_ =	strace $0x80000051  }
0xc1: {  	_ =	swait.ge [sflag:s29], $0x1  }
0xc2: {  	[sflag:s29] =	ssyncadd.s32 $0xFFFFFFFF  }
0xc3: {  	_ =	strace $0x90000051  }
0xc4: {  	_ =	sfence  }
0xc5: {  	s30 =	sld [smem:$0x0];
	_ =	sdelay $0x2  }
0xc6: {  	s31 =	sshll.u32 s1, $0xD;
	s1 =	sshrl.u32 s1, $0x2  }
0xc7: {  	s4 =	sand.u32 $0x4000, s31;
	s1 =	sadd.s32 s1, s30  }
0xc8: {  	s0 =	sor.u32 s4, s0;
	s1 =	sshll.u32 s1, $0x11  }
0xc9: {  	s0 =	sor.u32 s1, s0  }
0xca: {  	s0 =	sadd.s32 $0x8F2B, s0  }
0xcb: {  	[sflag:s0] =	ssyncadd.remote.s32 $0x1  }
0xcc: {  	_ =	sfence.sel $0xFFFF  }
0xcd: {  	[dreg:$0x0] =	wrdreg $0xFFFFFFFF;
	(pc) =	sbr.abs _section_cstart, $3  }
0xce: {  	[dreg:$0x1] =	wrdreg $0xFFFFFFFF  }
0xcf: {  	_ =	task.clear_ibuf [dreg:s22], $0x2FFFF;
	_ =	strace $0x9FFFFFFF  }
0xd0: {  	(tm) =	ssettm $0x7FFFFFFF  }
0xd1: {  	_ =	shalt  }
tec
execute0_lowered:
.L_overlay_start_1:
0x0: {  	(tag) =	ssettag $0x1  }
0x1: {  	s0 =	rddreg [dreg:$0x0];
	s2 =	simm.s32 $0x0;
	s1 =	srdreg.scid  }
0x2: {  	s7 =	stileid.u32;
	s18 =	simm.s32 $0x100;
	s19 =	simm.s32 $0x180  }
0x3: {  	s20 =	simm.s32 $0x1;
	s28 =	simm.s32 $0x6;
	s29 =	simm.s32 $0x0  }
0x4: {  	[smem:$0x7FF] =	sst s2;
	s1 =	sand.u32 $0x1, s1;
	s4 =	sshll.u32 s7, $0x1  }
0x5: {  	s3 =	sadd.s32 $0x5B800, s0;
	s15 =	sadd.s32 $0x2C4E00, s0;
	s13 =	sshll.u32 s7, $0x5  }
0x6: {  	s14 =	sshll.u32 s7, $0x8;
	s24 =	sshll.u32 s7, $0xC;
	s30 =	sshll.u32 s7, $0xF  }
0x7: {  	_ =	strace $0x80000050;
	s12 =	sor.u32 s1, s4;
	s4 =	sadd.s32 $0x1BB200, s0  }
0x8: {  	s6 =	ssub.s32 $0x2, s1;
	s16 =	sand.u32 $0x180, s13;
	s11 =	sshll.u32 s1, $0xB  }
0x9: {  	s17 =	sshll.u32 s1, $0x4;
	s26 =	sshll.u32 s1, $0x7;
	s1 =	sshll.u32 s1, $0xE  }
0xa: {  	s5 =	sshll.u32 s12, $0x4;
	s21 =	sshrl.u32 s6, $0x1;
	s8 =	sshll.u32 s12, $0xB  }
0xb: {  	s25 =	sadd.s32 s16, s4;
	s13 =	sor.u32 s17, s13;
	s14 =	sor.u32 s26, s14  }
0xc: {  	s1 =	sor.u32 s1, s30;
	s16 =	simm.s32 $0x7;
	s17 =	simm.s32 $0x80  }
0xd: {  	p0 =	slt.u32 s12, $0x11;
	p1 =	sgt.u32 s12, $0x10;
	s26 =	simm.s32 $0x5  }
0xe: {  	s5 =	sadd.s32 s4, s5;
	s0 =	ssub.s32 s6, s21;
	s9 =	sadd.s32 s8, s15  }
0xf: {  	s13 =	sand.u32 $0x70, s13;
	s31 =	sor.u32 $0x4000, s14;
	s1 =	sor.u32 $0x100000, s1  }
0x10: {  	s14 =	sor.u32 $0x3000, s14;
	s21 =	simm.s32 $0x4180;
	s22 =	sadd.s32 $0x200, s5  }
0x11: {  	s23 =	sadd.s32 $0x400, s5;
	s8 =	sadd.s32 $0x120000, s9;
	s9 =	sadd.s32 $0x130000, s9  }
0x12: {  	s10 =	smax.u32 s0, $0x1;
	s0 =	sadd.s32 s24, s15;
	[dreg:$0x2] =	wrdreg s22  }
0x13: {  	s1 =	sshrl.u32 s1, $0x3;
	s24 =	simm.s32 $0x3;
	[dreg:$0x3] =	wrdreg s23  }
0x14: {  	s11 =	sadd.s32 s11, s0;
	s0 =	sadd.s32 s13, s25;
	s13 =	sshrl.u32 s31, $0x3  }
0x15: {  	s15 =	sadd.s32 s1, s15;
	s22 =	simm.s32 $0x2;
	s23 =	simm.s32 $0x8180  }
0x16: {  	s25 =	simm.s32 $0x4;
	s0 =	sadd.s32 $0xA00, s0;
	s13 =	sadd.s32 s13, s4  }
.LBB2_1:
0x17: {  	[tilespmem:s2], [sflag:$0x7] =	stream.linear.gather [hbm4b:s5+s2], $0x80, $0x38;
	[tilespmem:$0xC180] =	vst v63  }
0x18: {  	_ =	swait.ge [sflag:s16], $0x80  }
0x19: {  	[sflag:s16] =	ssyncset.done $0x0  }
0x1a: {  	s1 =	rddreg [dreg:$0x2];
	[sflag:s16] =	ssyncadd.s32 $0xFFFFFF80  }
0x1b: {  	[tilespmem:s17], [sflag:$0x7] =	stream.linear.gather [hbm4b:s1+s2], $0x80, $0x38;
	[tilespmem:$0xC180] =	vst v63  }
0x1c: {  	_ =	swait.ge [sflag:s16], $0x80  }
0x1d: {  	[sflag:s16] =	ssyncset.done $0x0  }
0x1e: {  	s12 =	rddreg [dreg:$0x3];
	[sflag:s16] =	ssyncadd.s32 $0xFFFFFF80  }
0x1f: {  	[tilespmem:s18], [sflag:$0x7] =	stream.linear.gather [hbm4b:s12+s2], $0x80, $0x38;
	[tilespmem:$0xC180] =	vst v63  }
0x20: {  	_ =	swait.ge [sflag:s16], $0x80  }
0x21: {  	s30 =	smov.u32 s14;
	s31 =	smov.u32 s13;
	[sflag:s16] =	ssyncset.done $0x0  }
0x22: {  	s1 =	simm.s32 $0x0;
	s12 =	smov.u32 s0;
	[sflag:s16] =	ssyncadd.s32 $0xFFFFFF80  }
0x23: {  	[tilespmem:s19], [sflag:$0x1] =	stream.indirect.gather [hbm4b:s3+s17], $0x80, s2, s17, $0xb8;
	[tilespmem:$0xC180] =	vst v63  }
.LBB2_2:
0x24: {  	_ =	swait.ge [sflag:s20], $0x4000  }
0x25: {  	[sflag:s20] =	ssyncset.done $0x0  }
0x26: {  	s6 =	sadd.s32 s1, s11;
	s7 =	sshrl.u32 s30, $0x3;
	[sflag:s20] =	ssyncadd.s32 $0xFFFFC000  }
0x27: {  	[hbm4b:s6+s2] =	stream.linear.scatter [tilespmem:s19], [sflag:$0x4], $0x4000, $0x38;
	[tilespmem:$0xC180] =	vst v63  }
0x28: {  	s7 =	sadd.s32 s4, s7  }
0x29: {  	[tilespmem:s2], [sflag:$0x7] =	stream.linear.gather [hbm4b:s7+s2], $0x80, $0x38;
	[tilespmem:$0xC180] =	vst v63  }
0x2a: {  	_ =	swait.ge [sflag:s16], $0x80  }
0x2b: {  	p2 =	seq.s32 s1, $0x0;
	[sflag:s16] =	ssyncset.done $0x0  }
0x2c: {  	s7 =	simm.s32 @!p2 $0x5;
	[sflag:s16] =	ssyncadd.s32 $0xFFFFFF80  }
0x2d: {  	_ =	swait.ge @!p2 [sflag:s7], $0x4000  }
0x2e: {  	[sflag:s7] =	ssyncset.done @!p2 $0x0  }
0x2f: {  	[sflag:s7] =	ssyncadd.s32 @!p2 $0xFFFFC000  }
0x30: {  	[tilespmem:s21], [sflag:$0x2] =	stream.indirect.gather [hbm4b:s3+s17], $0x80, s17, s17, $0xb8;
	[tilespmem:$0xC180] =	vst v63  }
0x31: {  	_ =	swait.ge [sflag:s22], $0x4000  }
0x32: {  	p2 =	seq.s32 @!p0 s1, $0xF0000;
	[sflag:s22] =	ssyncset.done $0x0  }
0x33: {  	s6 =	sadd.s32 $0x10000, s6;
	p2 =	por p0, !p2;
	[sflag:s22] =	ssyncadd.s32 $0xFFFFC000  }
0x34: {  	[hbm4b:s6+s2] =	stream.linear.scatter [tilespmem:s21], [sflag:$0x5], $0x4000, $0x38;
	[tilespmem:$0xC180] =	vst v63  }
0x35: {  	s7 =	simm.s32 @p2 $0x80;
	s6 =	simm.s32 @p2 $0x0  }
0x36: {  	[tilespmem:s7], [sflag:$0x7] =	stream.linear.gather @p2 [hbm4b:s31+s6], $0x80, $0x38;
	[tilespmem:$0xC180] =	vst v63  }
0x37: {  	s6 =	simm.s32 @p2 $0x7  }
0x38: {  	_ =	swait.ge @p2 [sflag:s6], $0x80  }
0x39: {  	p3 =	seq.s32 @p2 s1, $0x0;
	[sflag:s6] =	ssyncset.done @p2 $0x0  }
0x3a: {  	p3 =	por !p2, !p3;
	[sflag:s6] =	ssyncadd.s32 @p2 $0xFFFFFF80  }
0x3b: {  	_ =	swait.ge @p3 [sflag:s28], $0x4000  }
0x3c: {  	[sflag:s28] =	ssyncset.done @p3 $0x0  }
0x3d: {  	[sflag:s28] =	ssyncadd.s32 @p3 $0xFFFFC000  }
0x3e: {  	[tilespmem:s23], [sflag:$0x3] =	stream.indirect.gather [hbm4b:s3+s17], $0x80, s18, s17, $0xb8;
	[tilespmem:$0xC180] =	vst v63  }
0x3f: {  	_ =	swait.ge [sflag:s24], $0x4000  }
0x40: {  	[sflag:s24] =	ssyncset.done $0x0  }
0x41: {  	s7 =	sadd.s32 s1, s15;
	p2 =	seq.s32 s1, $0xF0000;
	[sflag:s24] =	ssyncadd.s32 $0xFFFFC000  }
0x42: {  	[hbm4b:s7+s2] =	stream.linear.scatter [tilespmem:s23], [sflag:$0x6], $0x4000, $0x38;
	[tilespmem:$0xC180] =	vst v63  }
0x43: {  	s6 =	simm.s32 @!p2 $0x0;
	s7 =	simm.s32 @!p2 $0x100  }
0x44: {  	[tilespmem:s7], [sflag:$0x7] =	stream.linear.gather @!p2 [hbm4b:s12+s6], $0x80, $0x38;
	[tilespmem:$0xC180] =	vst v63  }
0x45: {  	s6 =	simm.s32 @!p2 $0x7  }
0x46: {  	_ =	swait.ge @!p2 [sflag:s6], $0x80  }
0x47: {  	s1 =	sadd.s32 $0x30000, s1;
	[sflag:s6] =	ssyncset.done @!p2 $0x0  }
0x48: {  	[sflag:s6] =	ssyncadd.s32 @!p2 $0xFFFFFF80;
	p2 =	sne.s32 s1, $0x120000  }
.Ltmp0:
0x49: {  	_ = 	snop;
	(pc) =	sbr.rel @p2 .LBB2_2-.Ltmp0, $4  }
0x4a: {  	_ =	swait.ge [sflag:s25], $0x4000  }
0x4b: {  	s30 =	sadd.s32 $0x3000, s30;
	[sflag:s25] =	ssyncset.done $0x0  }
0x4c: {  	s31 =	sadd.s32 $0x600, s31;
	s12 =	sadd.s32 $0x600, s12;
	[sflag:s25] =	ssyncadd.s32 $0xFFFFC000  }
0x4d: {  	[tilespmem:s19], [sflag:$0x1] =	stream.indirect.gather [hbm4b:s3+s17], $0x80, s2, s17, $0xb8;
	[tilespmem:$0xC180] =	vst v63  }
0x4e: {  	_ =	swait.ge [sflag:s20], $0x4000  }
0x4f: {  	[sflag:s20] =	ssyncset.done $0x0  }
0x50: {  	[sflag:s20] =	ssyncadd.s32 $0xFFFFC000  }
0x51: {  	[hbm4b:s8+s2] =	stream.linear.scatter [tilespmem:s19], [sflag:$0x4], $0x4000, $0x38;
	[tilespmem:$0xC180] =	vst v63  }
0x52: {  	_ =	swait.ge [sflag:s26], $0x4000  }
0x53: {  	[sflag:s26] =	ssyncset.done $0x0  }
0x54: {  	[sflag:s26] =	ssyncadd.s32 $0xFFFFC000  }
0x55: {  	_ =	swait.ge [sflag:s28], $0x4000  }
0x56: {  	[sflag:s28] =	ssyncset.done $0x0  }
0x57: {  	[sflag:s28] =	ssyncadd.s32 $0xFFFFC000  }
0x58: {  	_ =	swait.ge [sflag:s25], $0x4000  }
0x59: {  	[sflag:s25] =	ssyncset.done $0x0  }
0x5a: {  	s1 =	simm.s32 @!p1 $0x80;
	s6 =	simm.s32 @!p1 $0x4180;
	[sflag:s25] =	ssyncadd.s32 $0xFFFFC000  }
0x5b: {  	[tilespmem:s6], [sflag:$0x2] =	stream.indirect.gather @!p1 [hbm4b:s3+s1], $0x80, s1, s1, $0xb8;
	[tilespmem:$0xC180] =	vst v63  }
0x5c: {  	s1 =	simm.s32 @!p1 $0x2  }
0x5d: {  	_ =	swait.ge @!p1 [sflag:s1], $0x4000  }
0x5e: {  	s29 =	sadd.s32 $0x1, s29;
	[sflag:s1] =	ssyncset.done @!p1 $0x0  }
0x5f: {  	p2 =	sne.s32 s29, s10;
	[sflag:s1] =	ssyncadd.s32 @!p1 $0xFFFFC000;
	s1 =	simm.s32 @!p1 $0x0  }
0x60: {  	[hbm4b:s9+s1] =	stream.linear.scatter @!p1 [tilespmem:s6], [sflag:$0x5], $0x4000, $0x38;
	[tilespmem:$0xC180] =	vst v63  }
.Ltmp1:
0x61: {  	_ = 	snop;
	(pc) =	sbr.rel @p2 .LBB2_1-.Ltmp1, $4  }
0x62: {  	s1 =	simm.s32 @!p1 $0x5  }
0x63: {  	_ =	swait.ge @!p1 [sflag:s1], $0x4000  }
0x64: {  	[sflag:s1] =	ssyncset.done @!p1 $0x0  }
0x65: {  	[sflag:s1] =	ssyncadd.s32 @!p1 $0xFFFFC000  }
0x66: {  	_ =	sfence.sel $0x180000  }
0x67: {  	[bflag:$0x0] =	sbarrier.arrive $0xFFFF  }
0x68: {  	_ =	strace $0x90000050  }
0x69: {  	s0 =	stileid.u32;
	[bflag:$0x2] =	sbarrier.arrive $0xFFFF  }
0x6a: {  	p0 =	sne.s32 s0, $0x0;
	s0 =	rddreg [dreg:$0x1]  }
0x6b: {  	s0 =	sadd.s32 @!p0 $0x100000, s0  }
0x6c: {  	[sflag:s0] =	ssyncadd.tile.s32 @!p0 $0x1;
	_ =	shalt  }
.Lfunc_end2:
_tile_overlayer_lowered:
.L_overlay_start_2:
0x6d: {  	(tag) =	ssettag $0x2  }
0x6e: {  	s0 =	rddreg [dreg:$0x0];
	s2 =	stileid.u32  }
0x6f: {  	s1 =	rddreg [dreg:$0x1];
	p0 =	sne.s32 s2, $0x0  }
0x70: {  	s3 =	rddreg [dreg:$0x2];
	[bflag:$0x3] =	sbarrier.arrive $0xFFFF;
	s2 =	simm.s32 @!p0 $0x1C07  }
0x71: {  	[timem:s3], [sflag:s2] =	dma.local @!p0 [hbm:s0], s1  }
0x72: {  	s0 =	simm.s32 @!p0 $0x7  }
0x73: {  	_ =	swait.ge @!p0 [sflag:s0], s1  }
0x74: {  	s1 =	ssub.s32 @!p0 $0x0, s1;
	[sflag:s0] =	ssyncset.done @!p0 $0x0  }
0x75: {  	[sflag:s0] =	ssyncadd.s32 @!p0 s1  }
0x76: {  	[bflag:$0x3] =	sbarrier.arrive $0xFFFF  }
0x77: {  	_ =	shalt  }

// kernel: kernel.23.cloned.1.call-start
scs
__scs_entry_jumppad:
0x0: {  	(pc) =	sbr.rel $0x88, $3  }
0x1: {  	(tag) =	ssettag $0x0;
	lr =	simm.s32 $0x1  }
0x2: {  	[smem:$0x3F85] =	sst lr;
	_ =	strace $0xD0000000  }
0x3: {  	_ = 	snop  }
0x4: {  	_ = 	snop  }
0x5: {  	_ = 	snop  }
0x6: {  	_ = 	snop  }
0x7: {  	_ = 	snop  }
__scs_overlays_trampoline_lowered:
0x8: {  	[smem:$0x3F94] =	sst s0  }
0x9: {  	[smem:$0x3F95] =	sst s1  }
0xa: {  	[smem:$0x3F96] =	sst s2  }
0xb: {  	[smem:$0x3F97] =	sst s3  }
0xc: {  	[smem:$0x3F98] =	sst s4  }
0xd: {  	[smem:$0x3F99] =	sst s5  }
0xe: {  	[smem:$0x3F9A] =	sst s6  }
0xf: {  	[smem:$0x3F9B] =	sst s7  }
0x10: {  	[smem:$0x3F9C] =	sst s8  }
0x11: {  	[smem:$0x3F9D] =	sst s9;
	s0 =	simm.s32 @!p0 $0x0  }
0x12: {  	s1 =	sld [smem:$0x3F83];
	s0 =	simm.s32 @p0 $0x1  }
0x13: {  	[smem:$0x3F9E] =	sst s0;
	s0 =	simm.s32 @!p1 $0x0  }
0x14: {  	s2 =	sld [smem:$0x3F82];
	s0 =	simm.s32 @p1 $0x1  }
0x15: {  	[smem:$0x3F9F] =	sst s0;
	s0 =	simm.s32 @!p2 $0x0  }
0x16: {  	s3 =	sld [smem:$0x3FDB];
	s0 =	simm.s32 @p2 $0x1  }
0x17: {  	s4 =	simm.s32 $0x1BF5;
	[smem:$0x3FA1] =	sst s0  }
0x18: {  	s0 =	sld [smem:$0x3F84];
	_ =	swait.ge [sflag:s4], $0x0  }
0x19: {  	s7 =	sld [smem:$0x3F85]  }
0x1a: {  	s8 =	sadd.s32 $0xFFFFE003, lr  }
0x1b: {  	s9 =	sadd.s32 $0xFFFFFEF7, lr;
	s5 =	simm.s32 $0xFFFFFFFF;
	p2 =	slt.u32 s8, $0xFFFFF086  }
0x1c: {  	p1 =	slt.u32 s9, $0xF7A;
	s5 =	simm.s32 @!p2 $0x0  }
0x1d: {  	s5 =	simm.s32 @p1 $0x1;
	p0 =	seq.s32 s7, s2  }
0x1e: {  	s7 =	smul.u32 @!p0 $0xF7A, s2;
	p2 =	seq.s32 @!p0 s5, $0x0  }
0x1f: {  	s9 =	smul.u32 $0xF7A, s1;
	s8 =	simm.s32 @!p0 $0x1BF5;
	p2 =	por !p2, p0  }
0x20: {  	[sflag:s8] =	ssyncset.s32 @!p0 $0xFFFFF086;
	s6 =	sadd.s32 @!p0 s3, s7;
	s7 =	simm.s32 @!p0 $0x108  }
0x21: {  	s3 =	sadd.s32 s3, s9;
	s6 =	sadd.s32 @!p0 $0x88, s6;
	s7 =	simm.s32 @p2 $0x1082  }
0x22: {  	[simem:s7], [sflag:s8] =	dma.local @!p0 [hbm:s6], $0xF7A  }
0x23: {  	s9 =	sor.u32 $0xD0000000, s2;
	s6 =	simm.s32 $0x108;
	_ =	swait.ge @!p0 [sflag:s8], $0x0  }
0x24: {  	s3 =	sadd.s32 $0x88, s3;
	s6 =	simm.s32 @!p1 $0x1082;
	[sflag:s4] =	ssyncset.s32 $0xFFFFF086  }
0x25: {  	[simem:s6], [sflag:s4] =	dma.local [hbm:s3], $0xF7A  }
0x26: {  	[smem:$0x3F85] =	sst s1;
	(tag) =	ssettag s2;
	_ =	strace s9  }
0x27: {  	s1 =	sld [smem:$0x3F95]  }
0x28: {  	s2 =	sld [smem:$0x3F96]  }
0x29: {  	s4 =	sld [smem:$0x3F98]  }
0x2a: {  	p0 =	seq.s32 s5, $0x0;
	s5 =	sld [smem:$0x3F99]  }
0x2b: {  	s6 =	sld [smem:$0x3F9A]  }
0x2c: {  	s7 =	sld [smem:$0x3F9B]  }
0x2d: {  	s3 =	simm.s32 $0x108;
	s8 =	sld [smem:$0x3F9C]  }
0x2e: {  	s3 =	simm.s32 @!p0 $0x1082;
	s9 =	sld [smem:$0x3F9D]  }
0x2f: {  	lr =	sadd.s32 s0, s3;
	s0 =	sld [smem:$0x3F94]  }
0x30: {  	s3 =	sld [smem:$0x3F97]  }
0x31: {  	[smem:$0x3FA0] =	sst s10  }
0x32: {  	s10 =	sld [smem:$0x3F9E];
	_ =	sdelay $0x3  }
0x33: {  	p0 =	seq.s32 s10, $0x1;
	s10 =	sld [smem:$0x3FA0];
	_ =	sdelay $0x3  }
0x34: {  	[smem:$0x3FA0] =	sst s10  }
0x35: {  	s10 =	sld [smem:$0x3F9F];
	_ =	sdelay $0x3  }
0x36: {  	p1 =	seq.s32 s10, $0x1;
	s10 =	sld [smem:$0x3FA0];
	_ =	sdelay $0x3  }
0x37: {  	[smem:$0x3FA0] =	sst s10  }
0x38: {  	s10 =	sld [smem:$0x3FA1]  }
0x39: {  	_ = 	snop;
	(pc) =	sbr.ind lr, $3  }
0x3a: {  	_ = 	snop  }
0x3b: {  	_ = 	snop  }
0x3c: {  	p2 =	seq.s32 s10, $0x1;
	s10 =	sld [smem:$0x3FA0]  }
0x3d: {  	_ =	shalt  }
0x3e: {  	_ =	shalt  }
0x3f: {  	_ =	shalt  }
0x40: {  	_ =	shalt  }
0x41: {  	_ =	shalt  }
0x42: {  	_ =	shalt  }
0x43: {  	_ =	shalt  }
0x44: {  	_ =	shalt  }
0x45: {  	_ =	shalt  }
0x46: {  	_ =	shalt  }
0x47: {  	_ =	shalt  }
0x48: {  	_ =	shalt  }
0x49: {  	_ =	shalt  }
0x4a: {  	_ =	shalt  }
0x4b: {  	_ =	shalt  }
0x4c: {  	_ =	shalt  }
0x4d: {  	_ =	shalt  }
0x4e: {  	_ =	shalt  }
0x4f: {  	_ =	shalt  }
0x50: {  	_ =	shalt  }
0x51: {  	_ =	shalt  }
0x52: {  	_ =	shalt  }
0x53: {  	_ =	shalt  }
0x54: {  	_ =	shalt  }
0x55: {  	_ =	shalt  }
0x56: {  	_ =	shalt  }
0x57: {  	_ =	shalt  }
0x58: {  	_ =	shalt  }
0x59: {  	_ =	shalt  }
0x5a: {  	_ =	shalt  }
0x5b: {  	_ =	shalt  }
0x5c: {  	_ =	shalt  }
0x5d: {  	_ =	shalt  }
0x5e: {  	_ =	shalt  }
0x5f: {  	_ =	shalt  }
0x60: {  	_ =	shalt  }
0x61: {  	_ =	shalt  }
0x62: {  	_ =	shalt  }
0x63: {  	_ =	shalt  }
0x64: {  	_ =	shalt  }
0x65: {  	_ =	shalt  }
0x66: {  	_ =	shalt  }
0x67: {  	_ =	shalt  }
0x68: {  	_ =	shalt  }
0x69: {  	_ =	shalt  }
0x6a: {  	_ =	shalt  }
0x6b: {  	_ =	shalt  }
0x6c: {  	_ =	shalt  }
0x6d: {  	_ =	shalt  }
0x6e: {  	_ =	shalt  }
0x6f: {  	_ =	shalt  }
0x70: {  	_ =	shalt  }
0x71: {  	_ =	shalt  }
0x72: {  	_ =	shalt  }
0x73: {  	_ =	shalt  }
0x74: {  	_ =	shalt  }
0x75: {  	_ =	shalt  }
0x76: {  	_ =	shalt  }
0x77: {  	_ =	shalt  }
0x78: {  	_ =	shalt  }
0x79: {  	_ =	shalt  }
0x7a: {  	_ =	shalt  }
0x7b: {  	_ =	shalt  }
0x7c: {  	_ =	shalt  }
0x7d: {  	_ =	shalt  }
0x7e: {  	_ =	shalt  }
0x7f: {  	_ =	shalt  }
0x80: {  	_ =	shalt  }
0x81: {  	_ =	shalt  }
0x82: {  	_ =	shalt  }
0x83: {  	_ =	shalt  }
0x84: {  	_ =	shalt  }
0x85: {  	_ =	shalt  }
0x86: {  	_ =	shalt  }
0x87: {  	_ =	shalt  }
.Lfunc_end0:
.L_simem_size_0:
called_computation.3_lowered:
.L_overlay_start_0:
0x88: {  	s2 =	sld [smem:$0x3FD9]  }
0x89: {  	s3 =	sld [smem:$0x3FFE];
	_ =	sdelay $0x1  }
0x8a: {  	s1 =	srdreg.scid  }
0x8b: {  	s0 =	sand.u32 $0x1, s1  }
0x8c: {  	s17 =	sshll.u32 s0, $0xA;
	s2 =	sadd.s32 s3, s2  }
0x8d: {  	s2 =	sadd.s32 s2, s17  }
0x8e: {  	[smem:$0x3FAC] =	sst s2  }
0x8f: {  	_ = 	snop  }
0x90: {  	(tm) =	ssettm $0x1  }
0x91: {  	s18 =	sld [smem:$0x3FFB];
	_ =	sdelay $0x3  }
0x92: {  	_ =	strace s18  }
0x93: {  	s2 =	sld [smem:$0x3FFC];
	_ =	sdelay $0x3  }
0x94: {  	_ =	strace s2  }
0x95: {  	s2 =	sld [smem:$0x3FFD];
	_ =	sdelay $0x3  }
0x96: {  	_ =	strace s2  }
0x97: {  	_ =	strace $0x8FFFFFFF  }
0x98: {  	s19 =	sld [smem:$0x3FDB];
	_ =	sdelay $0x1  }
0x99: {  	s20 =	simm.s32 $_scs_section_size  }
0x9a: {  	s4 =	simm.s32 $_size__tile_overlayer_lowered;
	s5 =	simm.s32 $_tile_overlayer_lowered  }
0x9b: {  	s6 =	simm.s32 $0x1BFF;
	s21 =	sshll.u32 s5, $0x1;
	s3 =	sadd.s32 s20, s19  }
0x9c: {  	s22 =	simm.s32 $0x0;
	s4 =	sshll.u32 s4, $0x1;
	s5 =	sadd.s32 s21, s3  }
0x9d: {  	[timem:s22], [sflag:s6] =	dma.local [hbm:s5], s4  }
0x9e: {  	_ =	swait.ge [sflag:s6], s4  }
0x9f: {  	s4 =	ssub.s32 $0x0, s4;
	[sflag:s6] =	ssyncset.done $0x0  }
0xa0: {  	[sflag:s6] =	ssyncadd.s32 s4;
	_ =	sdelay $0x1  }
0xa1: {  	s23 =	simm.s32 $0x1B8B  }
0xa2: {  	_ =	swait.ge [sflag:s23], $0x1  }
0xa3: {  	[sflag:s23] =	ssyncset.done $0x0  }
0xa4: {  	[sflag:s23] =	ssyncadd.s32 $0xFFFFFFFF  }
0xa5: {  	s4 =	sld [smem:$0x0]  }
0xa6: {  	s5 =	sand.u32 $0xFFFFFFFE, s1  }
0xa7: {  	p0 =	sne.s32 s1, s5  }
0xa8: {  	s5 =	sshll.u32 @p0 s5, $0xE  }
0xa9: {  	s5 =	sadd.s32 @p0 $0x11B8D, s5;
	s6 =	sshll.u32 @p0 s4, $0x11  }
0xaa: {  	s5 =	sor.u32 @p0 s6, s5  }
0xab: {  	[sflag:s5] =	ssyncadd.remote.s32 @p0 $0x1;
	_ =	sdelay $0x1  }
0xac: {  	s5 =	simm.s32 @p0 $0x1B8D  }
0xad: {  	_ =	swait.eq @p0 [sflag:s5], $0x1  }
0xae: {  	[sflag:s5] =	ssyncadd.s32 @p0 $0xFFFFFFFF  }
0xaf: {  	s6 =	sshll.u32 @!p0 s1, $0xE  }
0xb0: {  	s6 =	sor.u32 @!p0 $0x4000, s6;
	s5 =	simm.s32 @!p0 $0x1B8D  }
0xb1: {  	s4 =	sshll.u32 @!p0 s4, $0x11;
	s6 =	sadd.s32 @!p0 $0x11B8D, s6;
	_ =	swait.eq @!p0 [sflag:s5], $0x1  }
0xb2: {  	s4 =	sor.u32 @!p0 s4, s6;
	[sflag:s5] =	ssyncadd.s32 @!p0 $0xFFFFFFFF  }
0xb3: {  	s25 =	simm.s32 $0x1B8E;
	s24 =	sld [smem:$0x3FFE];
	[sflag:s4] =	ssyncadd.remote.s32 @!p0 $0x1  }
0xb4: {  	s26 =	simm.s32 $execute0_lowered;
	[smem:$0x3FD2] =	sst s25  }
0xb5: {  	s5 =	sshll.u32 s26, $0x1;
	_ =	strace $0x80000049;
	[dreg:$0x1] =	wrdreg $0xFFFFFFFF  }
0xb6: {  	s28 =	simm.s32 $_size_execute0_lowered;
	s3 =	sadd.s32 s3, s5;
	[dreg:$0x0] =	wrdreg $0x0  }
0xb7: {  	s5 =	sshll.u32 s28, $0x1;
	[dreg:$0x2] =	wrdreg s3  }
0xb8: {  	[dreg:$0x3] =	wrdreg s5  }
0xb9: {  	[dreg:$0x4] =	wrdreg $0xC0  }
0xba: {  	_ =	task [dreg:s22], $0x5FFFF  }
0xbb: {  	[dreg:$0x1] =	wrdreg $0xFFFFFFFF  }
0xbc: {  	[dreg:$0x0] =	wrdreg $0x60  }
0xbd: {  	[dreg:$0x2] =	wrdreg s24  }
0xbe: {  	[dreg:$0x3] =	wrdreg $0xC  }
0xbf: {  	_ =	task.clear_ibuf [dreg:s22], $0x4FFFF;
	_ =	strace $0x90000049  }
0xc0: {  	s29 =	simm.s32 $0xC;
	_ =	strace $0x8000004B  }
0xc1: {  	_ =	swait.ge [sflag:s29], $0x1  }
0xc2: {  	[sflag:s29] =	ssyncadd.s32 $0xFFFFFFFF  }
0xc3: {  	_ =	strace $0x9000004B  }
0xc4: {  	_ =	sfence  }
0xc5: {  	s30 =	sld [smem:$0x0];
	_ =	sdelay $0x2  }
0xc6: {  	s31 =	sshll.u32 s1, $0xD;
	s1 =	sshrl.u32 s1, $0x2  }
0xc7: {  	s4 =	sand.u32 $0x4000, s31;
	s1 =	sadd.s32 s1, s30  }
0xc8: {  	s0 =	sor.u32 s4, s0;
	s1 =	sshll.u32 s1, $0x11  }
0xc9: {  	s0 =	sor.u32 s1, s0  }
0xca: {  	s0 =	sadd.s32 $0x8F2B, s0  }
0xcb: {  	[sflag:s0] =	ssyncadd.remote.s32 $0x1  }
0xcc: {  	_ =	sfence.sel $0xFFFF  }
0xcd: {  	[dreg:$0x0] =	wrdreg $0xFFFFFFFF;
	(pc) =	sbr.abs _section_cstart, $3  }
0xce: {  	[dreg:$0x1] =	wrdreg $0xFFFFFFFF  }
0xcf: {  	_ =	task.clear_ibuf [dreg:s22], $0x2FFFF;
	_ =	strace $0x9FFFFFFF  }
0xd0: {  	(tm) =	ssettm $0x7FFFFFFF  }
0xd1: {  	_ =	shalt  }
tec
execute0_lowered:
.L_overlay_start_1:
0x0: {  	(tag) =	ssettag $0x1  }
0x1: {  	s0 =	rddreg [dreg:$0x0];
	s1 =	simm.s32 $0x0;
	s2 =	srdreg.scid  }
0x2: {  	s15 =	stileid.u32;
	s17 =	simm.s32 $0x80;
	s18 =	simm.s32 $0x100  }
0x3: {  	s28 =	simm.s32 $0x6;
	s29 =	simm.s32 $0x0;
	[smem:$0x7FF] =	sst s1  }
0x4: {  	s3 =	sadd.s32 $0x276C00, s0;
	s4 =	sadd.s32 $0x2F600, s0;
	s2 =	sand.u32 $0x1, s2  }
0x5: {  	s5 =	sshll.u32 s15, $0x1;
	s12 =	sadd.s32 $0x31E00, s0;
	s22 =	sshll.u32 s15, $0x9  }
0x6: {  	s13 =	sshll.u32 s15, $0x5;
	s24 =	sshll.u32 s15, $0x8;
	s15 =	sshll.u32 s15, $0xC  }
0x7: {  	_ =	strace $0x8000004A;
	s19 =	ssub.s32 $0x2, s2;
	s25 =	sor.u32 s2, s5  }
0x8: {  	s11 =	sshll.u32 s2, $0x8;
	s23 =	sadd.s32 s13, s4;
	s14 =	sshll.u32 s2, $0x7  }
0x9: {  	s16 =	sshll.u32 s2, $0xB;
	s2 =	sshll.u32 s2, $0x4;
	s20 =	sshrl.u32 s19, $0x1  }
0xa: {  	s6 =	sshll.u32 s25, $0x4;
	s7 =	sshll.u32 s25, $0x8;
	s14 =	sor.u32 s14, s24  }
0xb: {  	s26 =	sor.u32 s16, s15;
	s16 =	simm.s32 $0x7;
	p0 =	slt.u32 s25, $0x11  }
0xc: {  	s24 =	simm.s32 $0x3;
	p1 =	sgt.u32 s25, $0x10;
	s25 =	simm.s32 $0x4  }
0xd: {  	s0 =	ssub.s32 s19, s20;
	s5 =	sadd.s32 s4, s6;
	s9 =	sadd.s32 s7, s12  }
0xe: {  	s30 =	sor.u32 $0x4000, s14;
	s13 =	sor.u32 $0x20000, s26;
	s14 =	sor.u32 $0x3000, s14  }
0xf: {  	s19 =	simm.s32 $0x180;
	s20 =	simm.s32 $0x1;
	s26 =	simm.s32 $0x5  }
0x10: {  	s6 =	sadd.s32 $0x200, s5;
	s21 =	sadd.s32 $0x400, s5;
	s8 =	sadd.s32 $0x24000, s9  }
0x11: {  	s9 =	sadd.s32 $0x26000, s9;
	s10 =	smax.u32 s0, $0x1;
	s0 =	sadd.s32 s22, s12  }
0x12: {  	s31 =	sshrl.u32 s13, $0x3;
	s22 =	simm.s32 $0x2;
	[dreg:$0x2] =	wrdreg s6  }
0x13: {  	[dreg:$0x3] =	wrdreg s21;
	s11 =	sadd.s32 s11, s0;
	s0 =	sadd.s32 s2, s23  }
0x14: {  	s2 =	sshrl.u32 s30, $0x3;
	s15 =	sadd.s32 s31, s12;
	s21 =	simm.s32 $0x980  }
0x15: {  	s23 =	simm.s32 $0x1180;
	s0 =	sadd.s32 $0xA00, s0;
	s13 =	sadd.s32 s2, s4  }
.LBB2_1:
0x16: {  	[tilespmem:s1], [sflag:$0x7] =	stream.linear.gather [hbm4b:s5+s1], $0x80, $0x38;
	[tilespmem:$0x1980] =	vst v63  }
0x17: {  	_ =	swait.ge [sflag:s16], $0x80  }
0x18: {  	[sflag:s16] =	ssyncset.done $0x0  }
0x19: {  	s2 =	rddreg [dreg:$0x2];
	[sflag:s16] =	ssyncadd.s32 $0xFFFFFF80  }
0x1a: {  	[tilespmem:s17], [sflag:$0x7] =	stream.linear.gather [hbm4b:s2+s1], $0x80, $0x38;
	[tilespmem:$0x1980] =	vst v63  }
0x1b: {  	_ =	swait.ge [sflag:s16], $0x80  }
0x1c: {  	[sflag:s16] =	ssyncset.done $0x0  }
0x1d: {  	s12 =	rddreg [dreg:$0x3];
	[sflag:s16] =	ssyncadd.s32 $0xFFFFFF80  }
0x1e: {  	[tilespmem:s18], [sflag:$0x7] =	stream.linear.gather [hbm4b:s12+s1], $0x80, $0x38;
	[tilespmem:$0x1980] =	vst v63  }
0x1f: {  	_ =	swait.ge [sflag:s16], $0x80  }
0x20: {  	s30 =	smov.u32 s14;
	s31 =	smov.u32 s13;
	[sflag:s16] =	ssyncset.done $0x0  }
0x21: {  	s2 =	simm.s32 $0x0;
	s12 =	smov.u32 s0;
	[sflag:s16] =	ssyncadd.s32 $0xFFFFFF80  }
0x22: {  	[tilespmem:s19], [sflag:$0x1] =	stream.indirect.gather [hbm4b:s3+s17], $0x10, s1, s17, $0xb8;
	[tilespmem:$0x1980] =	vst v63  }
.LBB2_2:
0x23: {  	_ =	swait.ge [sflag:s20], $0x800  }
0x24: {  	[sflag:s20] =	ssyncset.done $0x0  }
0x25: {  	s6 =	sadd.s32 s2, s11;
	s7 =	sshrl.u32 s30, $0x3;
	[sflag:s20] =	ssyncadd.s32 $0xFFFFF800  }
0x26: {  	[hbm4b:s6+s1] =	stream.linear.scatter [tilespmem:s19], [sflag:$0x4], $0x800, $0x38;
	[tilespmem:$0x1980] =	vst v63  }
0x27: {  	s7 =	sadd.s32 s4, s7  }
0x28: {  	[tilespmem:s1], [sflag:$0x7] =	stream.linear.gather [hbm4b:s7+s1], $0x80, $0x38;
	[tilespmem:$0x1980] =	vst v63  }
0x29: {  	_ =	swait.ge [sflag:s16], $0x80  }
0x2a: {  	p2 =	seq.s32 s2, $0x0;
	[sflag:s16] =	ssyncset.done $0x0  }
0x2b: {  	s7 =	simm.s32 @!p2 $0x5;
	[sflag:s16] =	ssyncadd.s32 $0xFFFFFF80  }
0x2c: {  	_ =	swait.ge @!p2 [sflag:s7], $0x800  }
0x2d: {  	[sflag:s7] =	ssyncset.done @!p2 $0x0  }
0x2e: {  	[sflag:s7] =	ssyncadd.s32 @!p2 $0xFFFFF800  }
0x2f: {  	[tilespmem:s21], [sflag:$0x2] =	stream.indirect.gather [hbm4b:s3+s17], $0x10, s17, s17, $0xb8;
	[tilespmem:$0x1980] =	vst v63  }
0x30: {  	_ =	swait.ge [sflag:s22], $0x800  }
0x31: {  	p2 =	seq.s32 @!p0 s2, $0x1E000;
	[sflag:s22] =	ssyncset.done $0x0  }
0x32: {  	s6 =	sadd.s32 $0x2000, s6;
	p2 =	por p0, !p2;
	[sflag:s22] =	ssyncadd.s32 $0xFFFFF800  }
0x33: {  	[hbm4b:s6+s1] =	stream.linear.scatter [tilespmem:s21], [sflag:$0x5], $0x800, $0x38;
	[tilespmem:$0x1980] =	vst v63  }
0x34: {  	s7 =	simm.s32 @p2 $0x80;
	s6 =	simm.s32 @p2 $0x0  }
0x35: {  	[tilespmem:s7], [sflag:$0x7] =	stream.linear.gather @p2 [hbm4b:s31+s6], $0x80, $0x38;
	[tilespmem:$0x1980] =	vst v63  }
0x36: {  	s6 =	simm.s32 @p2 $0x7  }
0x37: {  	_ =	swait.ge @p2 [sflag:s6], $0x80  }
0x38: {  	p3 =	seq.s32 @p2 s2, $0x0;
	[sflag:s6] =	ssyncset.done @p2 $0x0  }
0x39: {  	p3 =	por !p2, !p3;
	[sflag:s6] =	ssyncadd.s32 @p2 $0xFFFFFF80  }
0x3a: {  	_ =	swait.ge @p3 [sflag:s28], $0x800  }
0x3b: {  	[sflag:s28] =	ssyncset.done @p3 $0x0  }
0x3c: {  	[sflag:s28] =	ssyncadd.s32 @p3 $0xFFFFF800  }
0x3d: {  	[tilespmem:s23], [sflag:$0x3] =	stream.indirect.gather [hbm4b:s3+s17], $0x10, s18, s17, $0xb8;
	[tilespmem:$0x1980] =	vst v63  }
0x3e: {  	_ =	swait.ge [sflag:s24], $0x800  }
0x3f: {  	[sflag:s24] =	ssyncset.done $0x0  }
0x40: {  	s7 =	sadd.s32 s2, s15;
	p2 =	seq.s32 s2, $0x1E000;
	[sflag:s24] =	ssyncadd.s32 $0xFFFFF800  }
0x41: {  	[hbm4b:s7+s1] =	stream.linear.scatter [tilespmem:s23], [sflag:$0x6], $0x800, $0x38;
	[tilespmem:$0x1980] =	vst v63  }
0x42: {  	s6 =	simm.s32 @!p2 $0x0;
	s7 =	simm.s32 @!p2 $0x100  }
0x43: {  	[tilespmem:s7], [sflag:$0x7] =	stream.linear.gather @!p2 [hbm4b:s12+s6], $0x80, $0x38;
	[tilespmem:$0x1980] =	vst v63  }
0x44: {  	s6 =	simm.s32 @!p2 $0x7  }
0x45: {  	_ =	swait.ge @!p2 [sflag:s6], $0x80  }
0x46: {  	s2 =	sadd.s32 $0x6000, s2;
	[sflag:s6] =	ssyncset.done @!p2 $0x0  }
0x47: {  	[sflag:s6] =	ssyncadd.s32 @!p2 $0xFFFFFF80;
	p2 =	sne.s32 s2, $0x24000  }
.Ltmp0:
0x48: {  	_ = 	snop;
	(pc) =	sbr.rel @p2 .LBB2_2-.Ltmp0, $4  }
0x49: {  	_ =	swait.ge [sflag:s25], $0x800  }
0x4a: {  	s30 =	sadd.s32 $0x3000, s30;
	[sflag:s25] =	ssyncset.done $0x0  }
0x4b: {  	s31 =	sadd.s32 $0x600, s31;
	s12 =	sadd.s32 $0x600, s12;
	[sflag:s25] =	ssyncadd.s32 $0xFFFFF800  }
0x4c: {  	[tilespmem:s19], [sflag:$0x1] =	stream.indirect.gather [hbm4b:s3+s17], $0x10, s1, s17, $0xb8;
	[tilespmem:$0x1980] =	vst v63  }
0x4d: {  	_ =	swait.ge [sflag:s20], $0x800  }
0x4e: {  	[sflag:s20] =	ssyncset.done $0x0  }
0x4f: {  	[sflag:s20] =	ssyncadd.s32 $0xFFFFF800  }
0x50: {  	[hbm4b:s8+s1] =	stream.linear.scatter [tilespmem:s19], [sflag:$0x4], $0x800, $0x38;
	[tilespmem:$0x1980] =	vst v63  }
0x51: {  	_ =	swait.ge [sflag:s26], $0x800  }
0x52: {  	[sflag:s26] =	ssyncset.done $0x0  }
0x53: {  	[sflag:s26] =	ssyncadd.s32 $0xFFFFF800  }
0x54: {  	_ =	swait.ge [sflag:s28], $0x800  }
0x55: {  	[sflag:s28] =	ssyncset.done $0x0  }
0x56: {  	[sflag:s28] =	ssyncadd.s32 $0xFFFFF800  }
0x57: {  	_ =	swait.ge [sflag:s25], $0x800  }
0x58: {  	[sflag:s25] =	ssyncset.done $0x0  }
0x59: {  	s2 =	simm.s32 @!p1 $0x80;
	s6 =	simm.s32 @!p1 $0x980;
	[sflag:s25] =	ssyncadd.s32 $0xFFFFF800  }
0x5a: {  	[tilespmem:s6], [sflag:$0x2] =	stream.indirect.gather @!p1 [hbm4b:s3+s2], $0x10, s2, s2, $0xb8;
	[tilespmem:$0x1980] =	vst v63  }
0x5b: {  	s2 =	simm.s32 @!p1 $0x2  }
0x5c: {  	_ =	swait.ge @!p1 [sflag:s2], $0x800  }
0x5d: {  	s29 =	sadd.s32 $0x1, s29;
	[sflag:s2] =	ssyncset.done @!p1 $0x0  }
0x5e: {  	p2 =	sne.s32 s29, s10;
	[sflag:s2] =	ssyncadd.s32 @!p1 $0xFFFFF800;
	s2 =	simm.s32 @!p1 $0x0  }
0x5f: {  	[hbm4b:s9+s2] =	stream.linear.scatter @!p1 [tilespmem:s6], [sflag:$0x5], $0x800, $0x38;
	[tilespmem:$0x1980] =	vst v63  }
.Ltmp1:
0x60: {  	_ = 	snop;
	(pc) =	sbr.rel @p2 .LBB2_1-.Ltmp1, $4  }
0x61: {  	s2 =	simm.s32 @!p1 $0x5  }
0x62: {  	_ =	swait.ge @!p1 [sflag:s2], $0x800  }
0x63: {  	[sflag:s2] =	ssyncset.done @!p1 $0x0  }
0x64: {  	[sflag:s2] =	ssyncadd.s32 @!p1 $0xFFFFF800  }
0x65: {  	_ =	sfence.sel $0x180000  }
0x66: {  	[bflag:$0x0] =	sbarrier.arrive $0xFFFF  }
0x67: {  	_ =	strace $0x9000004A  }
0x68: {  	s0 =	stileid.u32;
	[bflag:$0x2] =	sbarrier.arrive $0xFFFF  }
0x69: {  	p0 =	sne.s32 s0, $0x0;
	s0 =	rddreg [dreg:$0x1]  }
0x6a: {  	s0 =	sadd.s32 @!p0 $0x100000, s0  }
0x6b: {  	[sflag:s0] =	ssyncadd.tile.s32 @!p0 $0x1;
	_ =	shalt  }
.Lfunc_end2:
_tile_overlayer_lowered:
.L_overlay_start_2:
0x6c: {  	(tag) =	ssettag $0x2  }
0x6d: {  	s0 =	rddreg [dreg:$0x0];
	s2 =	stileid.u32  }
0x6e: {  	s1 =	rddreg [dreg:$0x1];
	p0 =	sne.s32 s2, $0x0  }
0x6f: {  	s3 =	rddreg [dreg:$0x2];
	[bflag:$0x3] =	sbarrier.arrive $0xFFFF;
	s2 =	simm.s32 @!p0 $0x1C07  }
0x70: {  	[timem:s3], [sflag:s2] =	dma.local @!p0 [hbm:s0], s1  }
0x71: {  	s0 =	simm.s32 @!p0 $0x7  }
0x72: {  	_ =	swait.ge @!p0 [sflag:s0], s1  }
0x73: {  	s1 =	ssub.s32 @!p0 $0x0, s1;
	[sflag:s0] =	ssyncset.done @!p0 $0x0  }
0x74: {  	[sflag:s0] =	ssyncadd.s32 @!p0 s1  }
0x75: {  	[bflag:$0x3] =	sbarrier.arrive $0xFFFF  }
0x76: {  	_ =	shalt  }

// kernel: kernel.26.cloned.1.call-start
scs
__scs_entry_jumppad:
0x0: {  	(pc) =	sbr.rel $0x88, $3  }
0x1: {  	(tag) =	ssettag $0x0;
	lr =	simm.s32 $0x1  }
0x2: {  	[smem:$0x3F85] =	sst lr;
	_ =	strace $0xD0000000  }
0x3: {  	_ = 	snop  }
0x4: {  	_ = 	snop  }
0x5: {  	_ = 	snop  }
0x6: {  	_ = 	snop  }
0x7: {  	_ = 	snop  }
__scs_overlays_trampoline_lowered:
0x8: {  	[smem:$0x3F94] =	sst s0  }
0x9: {  	[smem:$0x3F95] =	sst s1  }
0xa: {  	[smem:$0x3F96] =	sst s2  }
0xb: {  	[smem:$0x3F97] =	sst s3  }
0xc: {  	[smem:$0x3F98] =	sst s4  }
0xd: {  	[smem:$0x3F99] =	sst s5  }
0xe: {  	[smem:$0x3F9A] =	sst s6  }
0xf: {  	[smem:$0x3F9B] =	sst s7  }
0x10: {  	[smem:$0x3F9C] =	sst s8  }
0x11: {  	[smem:$0x3F9D] =	sst s9;
	s0 =	simm.s32 @!p0 $0x0  }
0x12: {  	s1 =	sld [smem:$0x3F83];
	s0 =	simm.s32 @p0 $0x1  }
0x13: {  	[smem:$0x3F9E] =	sst s0;
	s0 =	simm.s32 @!p1 $0x0  }
0x14: {  	s2 =	sld [smem:$0x3F82];
	s0 =	simm.s32 @p1 $0x1  }
0x15: {  	[smem:$0x3F9F] =	sst s0;
	s0 =	simm.s32 @!p2 $0x0  }
0x16: {  	s3 =	sld [smem:$0x3FDB];
	s0 =	simm.s32 @p2 $0x1  }
0x17: {  	s4 =	simm.s32 $0x1BF5;
	[smem:$0x3FA1] =	sst s0  }
0x18: {  	s0 =	sld [smem:$0x3F84];
	_ =	swait.ge [sflag:s4], $0x0  }
0x19: {  	s7 =	sld [smem:$0x3F85]  }
0x1a: {  	s8 =	sadd.s32 $0xFFFFE003, lr  }
0x1b: {  	s9 =	sadd.s32 $0xFFFFFEF7, lr;
	s5 =	simm.s32 $0xFFFFFFFF;
	p2 =	slt.u32 s8, $0xFFFFF086  }
0x1c: {  	p1 =	slt.u32 s9, $0xF7A;
	s5 =	simm.s32 @!p2 $0x0  }
0x1d: {  	s5 =	simm.s32 @p1 $0x1;
	p0 =	seq.s32 s7, s2  }
0x1e: {  	s7 =	smul.u32 @!p0 $0xF7A, s2;
	p2 =	seq.s32 @!p0 s5, $0x0  }
0x1f: {  	s9 =	smul.u32 $0xF7A, s1;
	s8 =	simm.s32 @!p0 $0x1BF5;
	p2 =	por !p2, p0  }
0x20: {  	[sflag:s8] =	ssyncset.s32 @!p0 $0xFFFFF086;
	s6 =	sadd.s32 @!p0 s3, s7;
	s7 =	simm.s32 @!p0 $0x108  }
0x21: {  	s3 =	sadd.s32 s3, s9;
	s6 =	sadd.s32 @!p0 $0x88, s6;
	s7 =	simm.s32 @p2 $0x1082  }
0x22: {  	[simem:s7], [sflag:s8] =	dma.local @!p0 [hbm:s6], $0xF7A  }
0x23: {  	s9 =	sor.u32 $0xD0000000, s2;
	s6 =	simm.s32 $0x108;
	_ =	swait.ge @!p0 [sflag:s8], $0x0  }
0x24: {  	s3 =	sadd.s32 $0x88, s3;
	s6 =	simm.s32 @!p1 $0x1082;
	[sflag:s4] =	ssyncset.s32 $0xFFFFF086  }
0x25: {  	[simem:s6], [sflag:s4] =	dma.local [hbm:s3], $0xF7A  }
0x26: {  	[smem:$0x3F85] =	sst s1;
	(tag) =	ssettag s2;
	_ =	strace s9  }
0x27: {  	s1 =	sld [smem:$0x3F95]  }
0x28: {  	s2 =	sld [smem:$0x3F96]  }
0x29: {  	s4 =	sld [smem:$0x3F98]  }
0x2a: {  	p0 =	seq.s32 s5, $0x0;
	s5 =	sld [smem:$0x3F99]  }
0x2b: {  	s6 =	sld [smem:$0x3F9A]  }
0x2c: {  	s7 =	sld [smem:$0x3F9B]  }
0x2d: {  	s3 =	simm.s32 $0x108;
	s8 =	sld [smem:$0x3F9C]  }
0x2e: {  	s3 =	simm.s32 @!p0 $0x1082;
	s9 =	sld [smem:$0x3F9D]  }
0x2f: {  	lr =	sadd.s32 s0, s3;
	s0 =	sld [smem:$0x3F94]  }
0x30: {  	s3 =	sld [smem:$0x3F97]  }
0x31: {  	[smem:$0x3FA0] =	sst s10  }
0x32: {  	s10 =	sld [smem:$0x3F9E];
	_ =	sdelay $0x3  }
0x33: {  	p0 =	seq.s32 s10, $0x1;
	s10 =	sld [smem:$0x3FA0];
	_ =	sdelay $0x3  }
0x34: {  	[smem:$0x3FA0] =	sst s10  }
0x35: {  	s10 =	sld [smem:$0x3F9F];
	_ =	sdelay $0x3  }
0x36: {  	p1 =	seq.s32 s10, $0x1;
	s10 =	sld [smem:$0x3FA0];
	_ =	sdelay $0x3  }
0x37: {  	[smem:$0x3FA0] =	sst s10  }
0x38: {  	s10 =	sld [smem:$0x3FA1]  }
0x39: {  	_ = 	snop;
	(pc) =	sbr.ind lr, $3  }
0x3a: {  	_ = 	snop  }
0x3b: {  	_ = 	snop  }
0x3c: {  	p2 =	seq.s32 s10, $0x1;
	s10 =	sld [smem:$0x3FA0]  }
0x3d: {  	_ =	shalt  }
0x3e: {  	_ =	shalt  }
0x3f: {  	_ =	shalt  }
0x40: {  	_ =	shalt  }
0x41: {  	_ =	shalt  }
0x42: {  	_ =	shalt  }
0x43: {  	_ =	shalt  }
0x44: {  	_ =	shalt  }
0x45: {  	_ =	shalt  }
0x46: {  	_ =	shalt  }
0x47: {  	_ =	shalt  }
0x48: {  	_ =	shalt  }
0x49: {  	_ =	shalt  }
0x4a: {  	_ =	shalt  }
0x4b: {  	_ =	shalt  }
0x4c: {  	_ =	shalt  }
0x4d: {  	_ =	shalt  }
0x4e: {  	_ =	shalt  }
0x4f: {  	_ =	shalt  }
0x50: {  	_ =	shalt  }
0x51: {  	_ =	shalt  }
0x52: {  	_ =	shalt  }
0x53: {  	_ =	shalt  }
0x54: {  	_ =	shalt  }
0x55: {  	_ =	shalt  }
0x56: {  	_ =	shalt  }
0x57: {  	_ =	shalt  }
0x58: {  	_ =	shalt  }
0x59: {  	_ =	shalt  }
0x5a: {  	_ =	shalt  }
0x5b: {  	_ =	shalt  }
0x5c: {  	_ =	shalt  }
0x5d: {  	_ =	shalt  }
0x5e: {  	_ =	shalt  }
0x5f: {  	_ =	shalt  }
0x60: {  	_ =	shalt  }
0x61: {  	_ =	shalt  }
0x62: {  	_ =	shalt  }
0x63: {  	_ =	shalt  }
0x64: {  	_ =	shalt  }
0x65: {  	_ =	shalt  }
0x66: {  	_ =	shalt  }
0x67: {  	_ =	shalt  }
0x68: {  	_ =	shalt  }
0x69: {  	_ =	shalt  }
0x6a: {  	_ =	shalt  }
0x6b: {  	_ =	shalt  }
0x6c: {  	_ =	shalt  }
0x6d: {  	_ =	shalt  }
0x6e: {  	_ =	shalt  }
0x6f: {  	_ =	shalt  }
0x70: {  	_ =	shalt  }
0x71: {  	_ =	shalt  }
0x72: {  	_ =	shalt  }
0x73: {  	_ =	shalt  }
0x74: {  	_ =	shalt  }
0x75: {  	_ =	shalt  }
0x76: {  	_ =	shalt  }
0x77: {  	_ =	shalt  }
0x78: {  	_ =	shalt  }
0x79: {  	_ =	shalt  }
0x7a: {  	_ =	shalt  }
0x7b: {  	_ =	shalt  }
0x7c: {  	_ =	shalt  }
0x7d: {  	_ =	shalt  }
0x7e: {  	_ =	shalt  }
0x7f: {  	_ =	shalt  }
0x80: {  	_ =	shalt  }
0x81: {  	_ =	shalt  }
0x82: {  	_ =	shalt  }
0x83: {  	_ =	shalt  }
0x84: {  	_ =	shalt  }
0x85: {  	_ =	shalt  }
0x86: {  	_ =	shalt  }
0x87: {  	_ =	shalt  }
.Lfunc_end0:
.L_simem_size_0:
called_computation.4_lowered:
.L_overlay_start_0:
0x88: {  	s2 =	sld [smem:$0x3FD9]  }
0x89: {  	s3 =	sld [smem:$0x3FFE];
	_ =	sdelay $0x1  }
0x8a: {  	s1 =	srdreg.scid  }
0x8b: {  	s0 =	sand.u32 $0x1, s1  }
0x8c: {  	s17 =	sshll.u32 s0, $0xA;
	s2 =	sadd.s32 s3, s2  }
0x8d: {  	s2 =	sadd.s32 s2, s17  }
0x8e: {  	[smem:$0x3FAC] =	sst s2  }
0x8f: {  	_ = 	snop  }
0x90: {  	(tm) =	ssettm $0x1  }
0x91: {  	s18 =	sld [smem:$0x3FFB];
	_ =	sdelay $0x3  }
0x92: {  	_ =	strace s18  }
0x93: {  	s2 =	sld [smem:$0x3FFC];
	_ =	sdelay $0x3  }
0x94: {  	_ =	strace s2  }
0x95: {  	s2 =	sld [smem:$0x3FFD];
	_ =	sdelay $0x3  }
0x96: {  	_ =	strace s2  }
0x97: {  	_ =	strace $0x8FFFFFFF  }
0x98: {  	s19 =	sld [smem:$0x3FDB];
	_ =	sdelay $0x1  }
0x99: {  	s20 =	simm.s32 $_scs_section_size  }
0x9a: {  	s4 =	simm.s32 $_size__tile_overlayer_lowered;
	s5 =	simm.s32 $_tile_overlayer_lowered  }
0x9b: {  	s6 =	simm.s32 $0x1BFF;
	s21 =	sshll.u32 s5, $0x1;
	s3 =	sadd.s32 s20, s19  }
0x9c: {  	s22 =	simm.s32 $0x0;
	s4 =	sshll.u32 s4, $0x1;
	s5 =	sadd.s32 s21, s3  }
0x9d: {  	[timem:s22], [sflag:s6] =	dma.local [hbm:s5], s4  }
0x9e: {  	_ =	swait.ge [sflag:s6], s4  }
0x9f: {  	s4 =	ssub.s32 $0x0, s4;
	[sflag:s6] =	ssyncset.done $0x0  }
0xa0: {  	[sflag:s6] =	ssyncadd.s32 s4;
	_ =	sdelay $0x1  }
0xa1: {  	s23 =	simm.s32 $0x1B8B  }
0xa2: {  	_ =	swait.ge [sflag:s23], $0x1  }
0xa3: {  	[sflag:s23] =	ssyncset.done $0x0  }
0xa4: {  	[sflag:s23] =	ssyncadd.s32 $0xFFFFFFFF  }
0xa5: {  	s4 =	sld [smem:$0x0]  }
0xa6: {  	s5 =	sand.u32 $0xFFFFFFFE, s1  }
0xa7: {  	p0 =	sne.s32 s1, s5  }
0xa8: {  	s5 =	sshll.u32 @p0 s5, $0xE  }
0xa9: {  	s5 =	sadd.s32 @p0 $0x11B8D, s5;
	s6 =	sshll.u32 @p0 s4, $0x11  }
0xaa: {  	s5 =	sor.u32 @p0 s6, s5  }
0xab: {  	[sflag:s5] =	ssyncadd.remote.s32 @p0 $0x1;
	_ =	sdelay $0x1  }
0xac: {  	s5 =	simm.s32 @p0 $0x1B8D  }
0xad: {  	_ =	swait.eq @p0 [sflag:s5], $0x1  }
0xae: {  	[sflag:s5] =	ssyncadd.s32 @p0 $0xFFFFFFFF  }
0xaf: {  	s6 =	sshll.u32 @!p0 s1, $0xE  }
0xb0: {  	s6 =	sor.u32 @!p0 $0x4000, s6;
	s5 =	simm.s32 @!p0 $0x1B8D  }
0xb1: {  	s4 =	sshll.u32 @!p0 s4, $0x11;
	s6 =	sadd.s32 @!p0 $0x11B8D, s6;
	_ =	swait.eq @!p0 [sflag:s5], $0x1  }
0xb2: {  	s4 =	sor.u32 @!p0 s4, s6;
	[sflag:s5] =	ssyncadd.s32 @!p0 $0xFFFFFFFF  }
0xb3: {  	s25 =	simm.s32 $0x1B8E;
	s24 =	sld [smem:$0x3FFE];
	[sflag:s4] =	ssyncadd.remote.s32 @!p0 $0x1  }
0xb4: {  	s26 =	simm.s32 $execute0_lowered;
	[smem:$0x3FD2] =	sst s25  }
0xb5: {  	s5 =	sshll.u32 s26, $0x1;
	_ =	strace $0x80000055;
	[dreg:$0x1] =	wrdreg $0xFFFFFFFF  }
0xb6: {  	s28 =	simm.s32 $_size_execute0_lowered;
	s3 =	sadd.s32 s3, s5;
	[dreg:$0x0] =	wrdreg $0x0  }
0xb7: {  	s5 =	sshll.u32 s28, $0x1;
	[dreg:$0x2] =	wrdreg s3  }
0xb8: {  	[dreg:$0x3] =	wrdreg s5  }
0xb9: {  	[dreg:$0x4] =	wrdreg $0xC0  }
0xba: {  	_ =	task [dreg:s22], $0x5FFFF  }
0xbb: {  	[dreg:$0x1] =	wrdreg $0xFFFFFFFF  }
0xbc: {  	[dreg:$0x0] =	wrdreg $0x60  }
0xbd: {  	[dreg:$0x2] =	wrdreg s24  }
0xbe: {  	[dreg:$0x3] =	wrdreg $0x9  }
0xbf: {  	_ =	task.clear_ibuf [dreg:s22], $0x4FFFF;
	_ =	strace $0x90000055  }
0xc0: {  	s29 =	simm.s32 $0x9;
	_ =	strace $0x80000057  }
0xc1: {  	_ =	swait.ge [sflag:s29], $0x1  }
0xc2: {  	[sflag:s29] =	ssyncadd.s32 $0xFFFFFFFF  }
0xc3: {  	_ =	strace $0x90000057  }
0xc4: {  	_ =	sfence  }
0xc5: {  	s30 =	sld [smem:$0x0];
	_ =	sdelay $0x2  }
0xc6: {  	s31 =	sshll.u32 s1, $0xD;
	s1 =	sshrl.u32 s1, $0x2  }
0xc7: {  	s4 =	sand.u32 $0x4000, s31;
	s1 =	sadd.s32 s1, s30  }
0xc8: {  	s0 =	sor.u32 s4, s0;
	s1 =	sshll.u32 s1, $0x11  }
0xc9: {  	s0 =	sor.u32 s1, s0  }
0xca: {  	s0 =	sadd.s32 $0x8F2B, s0  }
0xcb: {  	[sflag:s0] =	ssyncadd.remote.s32 $0x1  }
0xcc: {  	_ =	sfence.sel $0xFFFF  }
0xcd: {  	[dreg:$0x0] =	wrdreg $0xFFFFFFFF;
	(pc) =	sbr.abs _section_cstart, $3  }
0xce: {  	[dreg:$0x1] =	wrdreg $0xFFFFFFFF  }
0xcf: {  	_ =	task.clear_ibuf [dreg:s22], $0x2FFFF;
	_ =	strace $0x9FFFFFFF  }
0xd0: {  	(tm) =	ssettm $0x7FFFFFFF  }
0xd1: {  	_ =	shalt  }
tec
execute0_lowered:
.L_overlay_start_1:
0x0: {  	(tag) =	ssettag $0x1  }
0x1: {  	s0 =	rddreg [dreg:$0x0]  }
0x2: {  	s2 =	simm.s32 $0x0;
	s1 =	srdreg.scid;
	s13 =	stileid.u32  }
0x3: {  	s28 =	simm.s32 $0xF980;
	s29 =	simm.s32 $0x10180;
	s14 =	simm.s32 $0x14980  }
0x4: {  	s30 =	simm.s32 $0x3;
	[smem:$0x7FF] =	sst s2;
	s1 =	sand.u32 $0x1, s1  }
0x5: {  	s4 =	sshll.u32 s13, $0x1;
	s3 =	sadd.s32 $0x5C00, s0;
	s17 =	sshll.u32 s13, $0x5  }
0x6: {  	s18 =	sshll.u32 s13, $0x8;
	s19 =	sshll.u32 s13, $0xD;
	s24 =	sshll.u32 s13, $0x10  }
0x7: {  	s13 =	simm.s32 $0x13980;
	_ =	strace $0x80000056;
	s5 =	sor.u32 s1, s4  }
0x8: {  	s4 =	sadd.s32 $0x59000, s0;
	s6 =	ssub.s32 $0x2, s1;
	s0 =	sadd.s32 $0x8DF600, s0  }
0x9: {  	s10 =	sand.u32 $0x180, s17;
	s20 =	sshll.u32 s1, $0xC;
	s12 =	sshll.u32 s1, $0x4  }
0xa: {  	s23 =	sshll.u32 s1, $0x7;
	s1 =	sshll.u32 s1, $0xF;
	s7 =	sshll.u32 s5, $0x4  }
0xb: {  	s8 =	sshrl.u32 s6, $0x1;
	s15 =	sshll.u32 s5, $0xC;
	s21 =	sadd.s32 s10, s4  }
0xc: {  	s22 =	sor.u32 s12, s17;
	s1 =	sor.u32 s1, s24;
	p0 =	slt.u32 s5, $0x11  }
0xd: {  	p1 =	sgt.u32 s5, $0x10;
	s5 =	simm.s32 $0x15980;
	s17 =	simm.s32 $0x16180  }
0xe: {  	s10 =	simm.s32 $0x6;
	s12 =	simm.s32 $0x0;
	s9 =	sadd.s32 s4, s7  }
0xf: {  	s6 =	ssub.s32 s6, s8;
	s8 =	sor.u32 s23, s18;
	s1 =	sor.u32 $0x200000, s1  }
0x10: {  	s18 =	simm.s32 $0x1;
	s7 =	sadd.s32 $0x200, s9;
	[dreg:$0x2] =	wrdreg s9  }
0x11: {  	s16 =	sadd.s32 $0x400, s9;
	s6 =	smax.u32 s6, $0x1;
	s25 =	sor.u32 $0x4000, s8  }
0x12: {  	s1 =	sshrl.u32 s1, $0x3;
	s31 =	sor.u32 $0x3000, s8;
	[dreg:$0x3] =	wrdreg s7  }
0x13: {  	s9 =	simm.s32 $0x15180;
	s8 =	simm.s32 $0x17180;
	[dreg:$0x4] =	wrdreg s16  }
0x14: {  	s7 =	sadd.s32 s15, s0;
	[dreg:$0x7] =	wrdreg s6;
	s6 =	sadd.s32 s19, s0  }
0x15: {  	s26 =	sshrl.u32 s25, $0x3;
	[dreg:$0xa] =	wrdreg s31;
	s15 =	sadd.s32 s1, s0  }
0x16: {  	s16 =	simm.s32 $0x7;
	s19 =	simm.s32 $0x180;
	s11 =	sadd.s32 $0x240000, s7  }
0x17: {  	s1 =	simm.s32 $0x14180;
	s7 =	sadd.s32 $0x260000, s7;
	[dreg:$0x5] =	wrdreg s11  }
.Ltmp0:
0x18: {  	[dreg:$0x6] =	wrdreg s7;
	s7 =	sand.u32 $0x70, s22;
	(pc) =	sbr.rel .LBB2_1-.Ltmp0, $4  }
0x19: {  	s11 =	sadd.s32 s20, s6;
	s20 =	simm.s32 $0x16980;
	s6 =	sadd.s32 s7, s21  }
0x1a: {  	v2 =	vlaneseq.u32;
	s22 =	simm.s32 $0x4;
	s7 =	simm.s32 $0x2;
	s6 =	sadd.s32 $0xA00, s6  }
0x1b: {  	vm0 =	vmmov $0xffff;
	v1 =	vshrl.u32 v2, $0x3;
	s21 =	simm.s32 $0x17980;
	[dreg:$0x8] =	wrdreg s6;
	s6 =	sadd.s32 s26, s4  }
0x1c: {  	v0 =	vand.u32 $0x7, v2;
	v2 =	vor.u32 $0x8, v2;
	v1 =	vmul.u32 $0x8, v1;
	s26 =	simm.s32 $0xF180;
	[dreg:$0x9] =	wrdreg s6;
	s6 =	simm.s32 $0x8180  }
.LBB2_5:
0x1d: {  	s12 =	sadd.s32 $0x1, s12;
	s0 =	rddreg [dreg:$0x7]  }
0x1e: {  	p2 =	sne.s32 s12, s0  }
.Ltmp1:
0x1f: {  	_ = 	snop;
	(pc) =	sbr.rel @!p2 .LBB2_6-.Ltmp1, $1  }
0x20: {  	_ =	sdelay $0x3  }
.LBB2_1:
0x21: {  	[dreg:$0xb] =	wrdreg s12  }
0x22: {  	s0 =	rddreg [dreg:$0x2]  }
0x23: {  	[tilespmem:s2], [sflag:$0x7] =	stream.linear.gather [hbm4b:s0+s2], $0x80, $0x38;
	[tilespmem:$0x18180] =	vst v63  }
0x24: {  	_ =	swait.ge [sflag:s16], $0x80  }
0x25: {  	[sflag:s16] =	ssyncset.done $0x0  }
0x26: {  	s23 =	simm.s32 $0x80;
	s12 =	rddreg [dreg:$0x3];
	[sflag:s16] =	ssyncadd.s32 $0xFFFFFF80  }
0x27: {  	[tilespmem:s23], [sflag:$0x7] =	stream.linear.gather [hbm4b:s12+s2], $0x80, $0x38;
	[tilespmem:$0x18180] =	vst v63  }
0x28: {  	_ =	swait.ge [sflag:s16], $0x80  }
0x29: {  	[sflag:s16] =	ssyncset.done $0x0  }
0x2a: {  	s25 =	simm.s32 $0x100;
	s24 =	rddreg [dreg:$0x4];
	[sflag:s16] =	ssyncadd.s32 $0xFFFFFF80  }
0x2b: {  	[tilespmem:s25], [sflag:$0x7] =	stream.linear.gather [hbm4b:s24+s2], $0x80, $0x38;
	[tilespmem:$0x18180] =	vst v63  }
0x2c: {  	_ =	swait.ge [sflag:s16], $0x80  }
0x2d: {  	[sflag:s16] =	ssyncset.done $0x0  }
0x2e: {  	[sflag:s16] =	ssyncadd.s32 $0xFFFFFF80  }
0x2f: {  	v3 =	vld [tilespmem:$0x0];
	_ =	sdelay $0x4  }
0x30: {  	v4 =	vshll.u32 v3, $0x1  }
0x31: {  	v3 =	vand.u32 $0x7, v3;
	v4 =	vand.u32 $0xFFFFFFF0, v4  }
0x32: {  	v3 =	vor.u32 v3, v4  }
0x33: {  	v4 =	vperm.xlane v3, v0;
	_ =	sdelay $0x1  }
0x34: {  	v3 =	vperm.xlane v3, v2;
	v4 =	vadd.s32 v1, v4;
	_ =	sdelay $0x1  }
0x35: {  	v3 =	vadd.s32 v1, v3;
	_ =	sdelay $0x2  }
0x36: {  	[tilespmem:s19], [sflag:$0x1] =	stream.indirect_vreg.gather [hbm4b:s3+s2], $0x80, v4, vm0, $0xb8;
	[tilespmem:$0x18180] =	vst v63  }
0x37: {  	s23 =	simm.s32 $0x980  }
0x38: {  	[tilespmem:s23], [sflag:$0x1] =	stream.indirect_vreg.gather [hbm4b:s3+s2], $0x80, v3, vm0, $0xb8;
	[tilespmem:$0x18180] =	vst v63  }
0x39: {  	v3 =	vld [tilespmem:$0x10];
	_ =	sdelay $0x4  }
0x3a: {  	v57 =	vshll.u32 v3, $0x1  }
0x3b: {  	v3 =	vand.u32 $0x7, v3;
	v4 =	vand.u32 $0xFFFFFFF0, v57  }
0x3c: {  	v3 =	vor.u32 v3, v4  }
0x3d: {  	v4 =	vperm.xlane v3, v0;
	_ =	sdelay $0x1  }
0x3e: {  	v3 =	vperm.xlane v3, v2;
	v4 =	vadd.s32 v1, v4;
	_ =	sdelay $0x1  }
0x3f: {  	v3 =	vadd.s32 v1, v3;
	_ =	sdelay $0x1  }
0x40: {  	s24 =	simm.s32 $0x1180  }
0x41: {  	[tilespmem:s24], [sflag:$0x1] =	stream.indirect_vreg.gather [hbm4b:s3+s2], $0x80, v4, vm0, $0xb8;
	[tilespmem:$0x18180] =	vst v63  }
0x42: {  	s25 =	simm.s32 $0x1980  }
0x43: {  	[tilespmem:s25], [sflag:$0x1] =	stream.indirect_vreg.gather [hbm4b:s3+s2], $0x80, v3, vm0, $0xb8;
	[tilespmem:$0x18180] =	vst v63  }
0x44: {  	v3 =	vld [tilespmem:$0x20];
	_ =	sdelay $0x4  }
0x45: {  	v58 =	vshll.u32 v3, $0x1  }
0x46: {  	v3 =	vand.u32 $0x7, v3;
	v4 =	vand.u32 $0xFFFFFFF0, v58  }
0x47: {  	v3 =	vor.u32 v3, v4  }
0x48: {  	v4 =	vperm.xlane v3, v0;
	_ =	sdelay $0x1  }
0x49: {  	v3 =	vperm.xlane v3, v2;
	v4 =	vadd.s32 v1, v4;
	_ =	sdelay $0x1  }
0x4a: {  	v3 =	vadd.s32 v1, v3;
	_ =	sdelay $0x1  }
0x4b: {  	s12 =	simm.s32 $0x2180  }
0x4c: {  	[tilespmem:s12], [sflag:$0x1] =	stream.indirect_vreg.gather [hbm4b:s3+s2], $0x80, v4, vm0, $0xb8;
	[tilespmem:$0x18180] =	vst v63  }
0x4d: {  	s23 =	simm.s32 $0x2980  }
0x4e: {  	[tilespmem:s23], [sflag:$0x1] =	stream.indirect_vreg.gather [hbm4b:s3+s2], $0x80, v3, vm0, $0xb8;
	[tilespmem:$0x18180] =	vst v63  }
0x4f: {  	v3 =	vld [tilespmem:$0x30];
	_ =	sdelay $0x4  }
0x50: {  	v59 =	vshll.u32 v3, $0x1  }
0x51: {  	v3 =	vand.u32 $0x7, v3;
	v4 =	vand.u32 $0xFFFFFFF0, v59  }
0x52: {  	v3 =	vor.u32 v3, v4  }
0x53: {  	v4 =	vperm.xlane v3, v0;
	_ =	sdelay $0x1  }
0x54: {  	v3 =	vperm.xlane v3, v2;
	v4 =	vadd.s32 v1, v4;
	_ =	sdelay $0x1  }
0x55: {  	v3 =	vadd.s32 v1, v3;
	_ =	sdelay $0x1  }
0x56: {  	s24 =	simm.s32 $0x3180  }
0x57: {  	[tilespmem:s24], [sflag:$0x1] =	stream.indirect_vreg.gather [hbm4b:s3+s2], $0x80, v4, vm0, $0xb8;
	[tilespmem:$0x18180] =	vst v63  }
0x58: {  	s25 =	simm.s32 $0x3980  }
0x59: {  	[tilespmem:s25], [sflag:$0x1] =	stream.indirect_vreg.gather [hbm4b:s3+s2], $0x80, v3, vm0, $0xb8;
	[tilespmem:$0x18180] =	vst v63  }
0x5a: {  	v3 =	vld [tilespmem:$0x40];
	_ =	sdelay $0x4  }
0x5b: {  	v60 =	vshll.u32 v3, $0x1  }
0x5c: {  	v3 =	vand.u32 $0x7, v3;
	v4 =	vand.u32 $0xFFFFFFF0, v60  }
0x5d: {  	v3 =	vor.u32 v3, v4  }
0x5e: {  	v4 =	vperm.xlane v3, v0;
	_ =	sdelay $0x1  }
0x5f: {  	v3 =	vperm.xlane v3, v2;
	v4 =	vadd.s32 v1, v4;
	_ =	sdelay $0x1  }
0x60: {  	v3 =	vadd.s32 v1, v3;
	_ =	sdelay $0x1  }
0x61: {  	s12 =	simm.s32 $0x4180  }
0x62: {  	[tilespmem:s12], [sflag:$0x1] =	stream.indirect_vreg.gather [hbm4b:s3+s2], $0x80, v4, vm0, $0xb8;
	[tilespmem:$0x18180] =	vst v63  }
0x63: {  	s23 =	simm.s32 $0x4980  }
0x64: {  	[tilespmem:s23], [sflag:$0x1] =	stream.indirect_vreg.gather [hbm4b:s3+s2], $0x80, v3, vm0, $0xb8;
	[tilespmem:$0x18180] =	vst v63  }
0x65: {  	v3 =	vld [tilespmem:$0x50];
	_ =	sdelay $0x4  }
0x66: {  	v61 =	vshll.u32 v3, $0x1  }
0x67: {  	v3 =	vand.u32 $0x7, v3;
	v4 =	vand.u32 $0xFFFFFFF0, v61  }
0x68: {  	v3 =	vor.u32 v3, v4  }
0x69: {  	v4 =	vperm.xlane v3, v0;
	_ =	sdelay $0x1  }
0x6a: {  	v3 =	vperm.xlane v3, v2;
	v4 =	vadd.s32 v1, v4;
	_ =	sdelay $0x1  }
0x6b: {  	v3 =	vadd.s32 v1, v3;
	_ =	sdelay $0x1  }
0x6c: {  	s24 =	simm.s32 $0x5180  }
0x6d: {  	[tilespmem:s24], [sflag:$0x1] =	stream.indirect_vreg.gather [hbm4b:s3+s2], $0x80, v4, vm0, $0xb8;
	[tilespmem:$0x18180] =	vst v63  }
0x6e: {  	s25 =	simm.s32 $0x5980  }
0x6f: {  	[tilespmem:s25], [sflag:$0x1] =	stream.indirect_vreg.gather [hbm4b:s3+s2], $0x80, v3, vm0, $0xb8;
	[tilespmem:$0x18180] =	vst v63  }
0x70: {  	v3 =	vld [tilespmem:$0x60];
	_ =	sdelay $0x4  }
0x71: {  	v62 =	vshll.u32 v3, $0x1  }
0x72: {  	v3 =	vand.u32 $0x7, v3;
	v4 =	vand.u32 $0xFFFFFFF0, v62  }
0x73: {  	v3 =	vor.u32 v3, v4  }
0x74: {  	v4 =	vperm.xlane v3, v0;
	_ =	sdelay $0x1  }
0x75: {  	v3 =	vperm.xlane v3, v2;
	v4 =	vadd.s32 v1, v4;
	_ =	sdelay $0x1  }
0x76: {  	v3 =	vadd.s32 v1, v3;
	_ =	sdelay $0x1  }
0x77: {  	s12 =	simm.s32 $0x6180  }
0x78: {  	[tilespmem:s12], [sflag:$0x1] =	stream.indirect_vreg.gather [hbm4b:s3+s2], $0x80, v4, vm0, $0xb8;
	[tilespmem:$0x18180] =	vst v63  }
0x79: {  	s23 =	simm.s32 $0x6980  }
0x7a: {  	[tilespmem:s23], [sflag:$0x1] =	stream.indirect_vreg.gather [hbm4b:s3+s2], $0x80, v3, vm0, $0xb8;
	[tilespmem:$0x18180] =	vst v63  }
0x7b: {  	v3 =	vld [tilespmem:$0x70];
	_ =	sdelay $0x4  }
0x7c: {  	v63 =	vshll.u32 v3, $0x1  }
0x7d: {  	v3 =	vand.u32 $0x7, v3;
	v4 =	vand.u32 $0xFFFFFFF0, v63  }
0x7e: {  	v3 =	vor.u32 v3, v4  }
0x7f: {  	v4 =	vperm.xlane v3, v0;
	_ =	sdelay $0x1  }
0x80: {  	v3 =	vperm.xlane v3, v2;
	v4 =	vadd.s32 v1, v4;
	_ =	sdelay $0x1  }
0x81: {  	v3 =	vadd.s32 v1, v3  }
0x82: {  	s31 =	rddreg [dreg:$0x9]  }
0x83: {  	s24 =	simm.s32 $0x7180;
	s23 =	rddreg [dreg:$0xa]  }
0x84: {  	[tilespmem:s24], [sflag:$0x1] =	stream.indirect_vreg.gather [hbm4b:s3+s2], $0x80, v4, vm0, $0xb8;
	[tilespmem:$0x18180] =	vst v63  }
0x85: {  	s25 =	simm.s32 $0x7980;
	s12 =	simm.s32 $0x0;
	s24 =	rddreg [dreg:$0x8]  }
0x86: {  	[tilespmem:s25], [sflag:$0x1] =	stream.indirect_vreg.gather [hbm4b:s3+s2], $0x80, v3, vm0, $0xb8;
	[tilespmem:$0x18180] =	vst v63  }
.LBB2_2:
0x87: {  	_ =	swait.ge [sflag:s18], $0x8000  }
0x88: {  	[sflag:s18] =	ssyncset.done $0x0  }
0x89: {  	s25 =	sadd.s32 s12, s11;
	s0 =	sshrl.u32 s23, $0x3;
	[sflag:s18] =	ssyncadd.s32 $0xFFFF8000  }
0x8a: {  	[hbm4b:s25+s2] =	stream.linear.scatter [tilespmem:s19], [sflag:$0x4], $0x8000, $0x38;
	[tilespmem:$0x18180] =	vst v63  }
0x8b: {  	s0 =	sadd.s32 s4, s0  }
0x8c: {  	[tilespmem:s2], [sflag:$0x7] =	stream.linear.gather [hbm4b:s0+s2], $0x80, $0x38;
	[tilespmem:$0x18180] =	vst v63  }
0x8d: {  	_ =	swait.ge [sflag:s16], $0x80  }
0x8e: {  	p2 =	seq.s32 s12, $0x0;
	[sflag:s16] =	ssyncset.done $0x0  }
0x8f: {  	s0 =	simm.s32 @!p2 $0x5;
	[sflag:s16] =	ssyncadd.s32 $0xFFFFFF80  }
0x90: {  	_ =	swait.ge @!p2 [sflag:s0], $0x8000  }
0x91: {  	[sflag:s0] =	ssyncset.done @!p2 $0x0  }
0x92: {  	[sflag:s0] =	ssyncadd.s32 @!p2 $0xFFFF8000  }
0x93: {  	v3 =	vld [tilespmem:$0x80];
	_ =	sdelay $0x4  }
0x94: {  	v4 =	vshll.u32 v3, $0x1  }
0x95: {  	v3 =	vand.u32 $0x7, v3;
	v4 =	vand.u32 $0xFFFFFFF0, v4  }
0x96: {  	v3 =	vor.u32 v3, v4  }
0x97: {  	v4 =	vperm.xlane v3, v0;
	_ =	sdelay $0x1  }
0x98: {  	v3 =	vperm.xlane v3, v2;
	v4 =	vadd.s32 v1, v4;
	_ =	sdelay $0x1  }
0x99: {  	v3 =	vadd.s32 v1, v3;
	_ =	sdelay $0x2  }
0x9a: {  	[tilespmem:s6], [sflag:$0x2] =	stream.indirect_vreg.gather [hbm4b:s3+s2], $0x80, v4, vm0, $0xb8;
	[tilespmem:$0x18180] =	vst v63  }
0x9b: {  	s0 =	simm.s32 $0x8980  }
0x9c: {  	[tilespmem:s0], [sflag:$0x2] =	stream.indirect_vreg.gather [hbm4b:s3+s2], $0x80, v3, vm0, $0xb8;
	[tilespmem:$0x18180] =	vst v63  }
0x9d: {  	v3 =	vld [tilespmem:$0x90];
	_ =	sdelay $0x4  }
0x9e: {  	v41 =	vshll.u32 v3, $0x1  }
0x9f: {  	v3 =	vand.u32 $0x7, v3;
	v4 =	vand.u32 $0xFFFFFFF0, v41  }
0xa0: {  	v3 =	vor.u32 v3, v4  }
0xa1: {  	v4 =	vperm.xlane v3, v0;
	_ =	sdelay $0x1  }
0xa2: {  	v3 =	vperm.xlane v3, v2;
	v4 =	vadd.s32 v1, v4;
	_ =	sdelay $0x1  }
0xa3: {  	v3 =	vadd.s32 v1, v3;
	_ =	sdelay $0x1  }
0xa4: {  	s0 =	simm.s32 $0x9180  }
0xa5: {  	[tilespmem:s0], [sflag:$0x2] =	stream.indirect_vreg.gather [hbm4b:s3+s2], $0x80, v4, vm0, $0xb8;
	[tilespmem:$0x18180] =	vst v63  }
0xa6: {  	s0 =	simm.s32 $0x9980  }
0xa7: {  	[tilespmem:s0], [sflag:$0x2] =	stream.indirect_vreg.gather [hbm4b:s3+s2], $0x80, v3, vm0, $0xb8;
	[tilespmem:$0x18180] =	vst v63  }
0xa8: {  	v3 =	vld [tilespmem:$0xA0];
	_ =	sdelay $0x4  }
0xa9: {  	v42 =	vshll.u32 v3, $0x1  }
0xaa: {  	v3 =	vand.u32 $0x7, v3;
	v4 =	vand.u32 $0xFFFFFFF0, v42  }
0xab: {  	v3 =	vor.u32 v3, v4  }
0xac: {  	v4 =	vperm.xlane v3, v0;
	_ =	sdelay $0x1  }
0xad: {  	v3 =	vperm.xlane v3, v2;
	v4 =	vadd.s32 v1, v4;
	_ =	sdelay $0x1  }
0xae: {  	v3 =	vadd.s32 v1, v3;
	_ =	sdelay $0x1  }
0xaf: {  	s0 =	simm.s32 $0xA180  }
0xb0: {  	[tilespmem:s0], [sflag:$0x2] =	stream.indirect_vreg.gather [hbm4b:s3+s2], $0x80, v4, vm0, $0xb8;
	[tilespmem:$0x18180] =	vst v63  }
0xb1: {  	s0 =	simm.s32 $0xA980  }
0xb2: {  	[tilespmem:s0], [sflag:$0x2] =	stream.indirect_vreg.gather [hbm4b:s3+s2], $0x80, v3, vm0, $0xb8;
	[tilespmem:$0x18180] =	vst v63  }
0xb3: {  	v3 =	vld [tilespmem:$0xB0];
	_ =	sdelay $0x4  }
0xb4: {  	v43 =	vshll.u32 v3, $0x1  }
0xb5: {  	v3 =	vand.u32 $0x7, v3;
	v4 =	vand.u32 $0xFFFFFFF0, v43  }
0xb6: {  	v3 =	vor.u32 v3, v4  }
0xb7: {  	v4 =	vperm.xlane v3, v0;
	_ =	sdelay $0x1  }
0xb8: {  	v3 =	vperm.xlane v3, v2;
	v4 =	vadd.s32 v1, v4;
	_ =	sdelay $0x1  }
0xb9: {  	v3 =	vadd.s32 v1, v3;
	_ =	sdelay $0x1  }
0xba: {  	s0 =	simm.s32 $0xB180  }
0xbb: {  	[tilespmem:s0], [sflag:$0x2] =	stream.indirect_vreg.gather [hbm4b:s3+s2], $0x80, v4, vm0, $0xb8;
	[tilespmem:$0x18180] =	vst v63  }
0xbc: {  	s0 =	simm.s32 $0xB980  }
0xbd: {  	[tilespmem:s0], [sflag:$0x2] =	stream.indirect_vreg.gather [hbm4b:s3+s2], $0x80, v3, vm0, $0xb8;
	[tilespmem:$0x18180] =	vst v63  }
0xbe: {  	v3 =	vld [tilespmem:$0xC0];
	_ =	sdelay $0x4  }
0xbf: {  	v44 =	vshll.u32 v3, $0x1  }
0xc0: {  	v3 =	vand.u32 $0x7, v3;
	v4 =	vand.u32 $0xFFFFFFF0, v44  }
0xc1: {  	v3 =	vor.u32 v3, v4  }
0xc2: {  	v4 =	vperm.xlane v3, v0;
	_ =	sdelay $0x1  }
0xc3: {  	v3 =	vperm.xlane v3, v2;
	v4 =	vadd.s32 v1, v4;
	_ =	sdelay $0x1  }
0xc4: {  	v3 =	vadd.s32 v1, v3;
	_ =	sdelay $0x1  }
0xc5: {  	s0 =	simm.s32 $0xC180  }
0xc6: {  	[tilespmem:s0], [sflag:$0x2] =	stream.indirect_vreg.gather [hbm4b:s3+s2], $0x80, v4, vm0, $0xb8;
	[tilespmem:$0x18180] =	vst v63  }
0xc7: {  	s0 =	simm.s32 $0xC980  }
0xc8: {  	[tilespmem:s0], [sflag:$0x2] =	stream.indirect_vreg.gather [hbm4b:s3+s2], $0x80, v3, vm0, $0xb8;
	[tilespmem:$0x18180] =	vst v63  }
0xc9: {  	v3 =	vld [tilespmem:$0xD0];
	_ =	sdelay $0x4  }
0xca: {  	v45 =	vshll.u32 v3, $0x1  }
0xcb: {  	v3 =	vand.u32 $0x7, v3;
	v4 =	vand.u32 $0xFFFFFFF0, v45  }
0xcc: {  	v3 =	vor.u32 v3, v4  }
0xcd: {  	v4 =	vperm.xlane v3, v0;
	_ =	sdelay $0x1  }
0xce: {  	v3 =	vperm.xlane v3, v2;
	v4 =	vadd.s32 v1, v4;
	_ =	sdelay $0x1  }
0xcf: {  	v3 =	vadd.s32 v1, v3;
	_ =	sdelay $0x1  }
0xd0: {  	s0 =	simm.s32 $0xD180  }
0xd1: {  	[tilespmem:s0], [sflag:$0x2] =	stream.indirect_vreg.gather [hbm4b:s3+s2], $0x80, v4, vm0, $0xb8;
	[tilespmem:$0x18180] =	vst v63  }
0xd2: {  	s0 =	simm.s32 $0xD980  }
0xd3: {  	[tilespmem:s0], [sflag:$0x2] =	stream.indirect_vreg.gather [hbm4b:s3+s2], $0x80, v3, vm0, $0xb8;
	[tilespmem:$0x18180] =	vst v63  }
0xd4: {  	v3 =	vld [tilespmem:$0xE0];
	_ =	sdelay $0x4  }
0xd5: {  	v46 =	vshll.u32 v3, $0x1  }
0xd6: {  	v3 =	vand.u32 $0x7, v3;
	v4 =	vand.u32 $0xFFFFFFF0, v46  }
0xd7: {  	v3 =	vor.u32 v3, v4  }
0xd8: {  	v4 =	vperm.xlane v3, v0;
	_ =	sdelay $0x1  }
0xd9: {  	v3 =	vperm.xlane v3, v2;
	v4 =	vadd.s32 v1, v4;
	_ =	sdelay $0x1  }
0xda: {  	v3 =	vadd.s32 v1, v3;
	_ =	sdelay $0x1  }
0xdb: {  	s0 =	simm.s32 $0xE180  }
0xdc: {  	[tilespmem:s0], [sflag:$0x2] =	stream.indirect_vreg.gather [hbm4b:s3+s2], $0x80, v4, vm0, $0xb8;
	[tilespmem:$0x18180] =	vst v63  }
0xdd: {  	s0 =	simm.s32 $0xE980  }
0xde: {  	[tilespmem:s0], [sflag:$0x2] =	stream.indirect_vreg.gather [hbm4b:s3+s2], $0x80, v3, vm0, $0xb8;
	[tilespmem:$0x18180] =	vst v63  }
0xdf: {  	v3 =	vld [tilespmem:$0xF0];
	_ =	sdelay $0x4  }
0xe0: {  	v47 =	vshll.u32 v3, $0x1  }
0xe1: {  	v3 =	vand.u32 $0x7, v3;
	v4 =	vand.u32 $0xFFFFFFF0, v47  }
0xe2: {  	v3 =	vor.u32 v3, v4  }
0xe3: {  	v4 =	vperm.xlane v3, v0;
	_ =	sdelay $0x1  }
0xe4: {  	v3 =	vperm.xlane v3, v2;
	v4 =	vadd.s32 v1, v4;
	_ =	sdelay $0x1  }
0xe5: {  	v3 =	vadd.s32 v1, v3;
	_ =	sdelay $0x2  }
0xe6: {  	[tilespmem:s26], [sflag:$0x2] =	stream.indirect_vreg.gather [hbm4b:s3+s2], $0x80, v4, vm0, $0xb8;
	[tilespmem:$0x18180] =	vst v63  }
0xe7: {  	_ = 	snop  }
0xe8: {  	[tilespmem:s28], [sflag:$0x2] =	stream.indirect_vreg.gather [hbm4b:s3+s2], $0x80, v3, vm0, $0xb8;
	[tilespmem:$0x18180] =	vst v63  }
0xe9: {  	_ =	swait.ge [sflag:s7], $0x8000  }
0xea: {  	p2 =	seq.s32 @!p0 s12, $0x1E0000;
	[sflag:s7] =	ssyncset.done $0x0  }
0xeb: {  	s25 =	sadd.s32 $0x20000, s25;
	p2 =	por p0, !p2;
	[sflag:s7] =	ssyncadd.s32 $0xFFFF8000  }
0xec: {  	[hbm4b:s25+s2] =	stream.linear.scatter [tilespmem:s6], [sflag:$0x5], $0x8000, $0x38;
	[tilespmem:$0x18180] =	vst v63  }
0xed: {  	s0 =	simm.s32 @p2 $0x0;
	s25 =	simm.s32 @p2 $0x80  }
0xee: {  	[tilespmem:s25], [sflag:$0x7] =	stream.linear.gather @p2 [hbm4b:s31+s0], $0x80, $0x38;
	[tilespmem:$0x18180] =	vst v63  }
0xef: {  	s0 =	simm.s32 @p2 $0x7  }
0xf0: {  	_ =	swait.ge @p2 [sflag:s0], $0x80  }
0xf1: {  	p3 =	seq.s32 @p2 s12, $0x0;
	[sflag:s0] =	ssyncset.done @p2 $0x0  }
0xf2: {  	p3 =	por !p2, !p3;
	[sflag:s0] =	ssyncadd.s32 @p2 $0xFFFFFF80  }
0xf3: {  	_ =	swait.ge @p3 [sflag:s10], $0x8000  }
0xf4: {  	[sflag:s10] =	ssyncset.done @p3 $0x0  }
0xf5: {  	[sflag:s10] =	ssyncadd.s32 @p3 $0xFFFF8000  }
0xf6: {  	v3 =	vld [tilespmem:$0x100];
	_ =	sdelay $0x4  }
0xf7: {  	v48 =	vshll.u32 v3, $0x1  }
0xf8: {  	v3 =	vand.u32 $0x7, v3;
	v4 =	vand.u32 $0xFFFFFFF0, v48  }
0xf9: {  	v3 =	vor.u32 v3, v4  }
0xfa: {  	v4 =	vperm.xlane v3, v0;
	_ =	sdelay $0x1  }
0xfb: {  	v3 =	vperm.xlane v3, v2;
	v4 =	vadd.s32 v1, v4;
	_ =	sdelay $0x1  }
0xfc: {  	v3 =	vadd.s32 v1, v3;
	_ =	sdelay $0x2  }
0xfd: {  	[tilespmem:s29], [sflag:$0x3] =	stream.indirect_vreg.gather [hbm4b:s3+s2], $0x80, v4, vm0, $0xb8;
	[tilespmem:$0x18180] =	vst v63  }
0xfe: {  	s25 =	simm.s32 $0x10980  }
0xff: {  	[tilespmem:s25], [sflag:$0x3] =	stream.indirect_vreg.gather [hbm4b:s3+s2], $0x80, v3, vm0, $0xb8;
	[tilespmem:$0x18180] =	vst v63  }
0x100: {  	v3 =	vld [tilespmem:$0x110];
	_ =	sdelay $0x4  }
0x101: {  	v49 =	vshll.u32 v3, $0x1  }
0x102: {  	v3 =	vand.u32 $0x7, v3;
	v4 =	vand.u32 $0xFFFFFFF0, v49  }
0x103: {  	v3 =	vor.u32 v3, v4  }
0x104: {  	v4 =	vperm.xlane v3, v0;
	_ =	sdelay $0x1  }
0x105: {  	v3 =	vperm.xlane v3, v2;
	v4 =	vadd.s32 v1, v4;
	_ =	sdelay $0x1  }
0x106: {  	v3 =	vadd.s32 v1, v3;
	_ =	sdelay $0x1  }
0x107: {  	s25 =	simm.s32 $0x11180  }
0x108: {  	[tilespmem:s25], [sflag:$0x3] =	stream.indirect_vreg.gather [hbm4b:s3+s2], $0x80, v4, vm0, $0xb8;
	[tilespmem:$0x18180] =	vst v63  }
0x109: {  	s25 =	simm.s32 $0x11980  }
0x10a: {  	[tilespmem:s25], [sflag:$0x3] =	stream.indirect_vreg.gather [hbm4b:s3+s2], $0x80, v3, vm0, $0xb8;
	[tilespmem:$0x18180] =	vst v63  }
0x10b: {  	v3 =	vld [tilespmem:$0x120];
	_ =	sdelay $0x4  }
0x10c: {  	v50 =	vshll.u32 v3, $0x1  }
0x10d: {  	v3 =	vand.u32 $0x7, v3;
	v4 =	vand.u32 $0xFFFFFFF0, v50  }
0x10e: {  	v3 =	vor.u32 v3, v4  }
0x10f: {  	v4 =	vperm.xlane v3, v0;
	_ =	sdelay $0x1  }
0x110: {  	v3 =	vperm.xlane v3, v2;
	v4 =	vadd.s32 v1, v4;
	_ =	sdelay $0x1  }
0x111: {  	v3 =	vadd.s32 v1, v3;
	_ =	sdelay $0x1  }
0x112: {  	s25 =	simm.s32 $0x12180  }
0x113: {  	[tilespmem:s25], [sflag:$0x3] =	stream.indirect_vreg.gather [hbm4b:s3+s2], $0x80, v4, vm0, $0xb8;
	[tilespmem:$0x18180] =	vst v63  }
0x114: {  	s25 =	simm.s32 $0x12980  }
0x115: {  	[tilespmem:s25], [sflag:$0x3] =	stream.indirect_vreg.gather [hbm4b:s3+s2], $0x80, v3, vm0, $0xb8;
	[tilespmem:$0x18180] =	vst v63  }
0x116: {  	v3 =	vld [tilespmem:$0x130];
	_ =	sdelay $0x4  }
0x117: {  	v51 =	vshll.u32 v3, $0x1  }
0x118: {  	v3 =	vand.u32 $0x7, v3;
	v4 =	vand.u32 $0xFFFFFFF0, v51  }
0x119: {  	v3 =	vor.u32 v3, v4  }
0x11a: {  	v4 =	vperm.xlane v3, v0;
	_ =	sdelay $0x1  }
0x11b: {  	v3 =	vperm.xlane v3, v2;
	v4 =	vadd.s32 v1, v4;
	_ =	sdelay $0x1  }
0x11c: {  	v3 =	vadd.s32 v1, v3;
	_ =	sdelay $0x1  }
0x11d: {  	s25 =	simm.s32 $0x13180  }
0x11e: {  	[tilespmem:s25], [sflag:$0x3] =	stream.indirect_vreg.gather [hbm4b:s3+s2], $0x80, v4, vm0, $0xb8;
	[tilespmem:$0x18180] =	vst v63  }
0x11f: {  	_ = 	snop  }
0x120: {  	[tilespmem:s13], [sflag:$0x3] =	stream.indirect_vreg.gather [hbm4b:s3+s2], $0x80, v3, vm0, $0xb8;
	[tilespmem:$0x18180] =	vst v63  }
0x121: {  	v3 =	vld [tilespmem:$0x140];
	_ =	sdelay $0x4  }
0x122: {  	v52 =	vshll.u32 v3, $0x1  }
0x123: {  	v3 =	vand.u32 $0x7, v3;
	v4 =	vand.u32 $0xFFFFFFF0, v52  }
0x124: {  	v3 =	vor.u32 v3, v4  }
0x125: {  	v4 =	vperm.xlane v3, v0;
	_ =	sdelay $0x1  }
0x126: {  	v3 =	vperm.xlane v3, v2;
	v4 =	vadd.s32 v1, v4;
	_ =	sdelay $0x1  }
0x127: {  	v3 =	vadd.s32 v1, v3;
	_ =	sdelay $0x2  }
0x128: {  	[tilespmem:s1], [sflag:$0x3] =	stream.indirect_vreg.gather [hbm4b:s3+s2], $0x80, v4, vm0, $0xb8;
	[tilespmem:$0x18180] =	vst v63  }
0x129: {  	_ = 	snop  }
0x12a: {  	[tilespmem:s14], [sflag:$0x3] =	stream.indirect_vreg.gather [hbm4b:s3+s2], $0x80, v3, vm0, $0xb8;
	[tilespmem:$0x18180] =	vst v63  }
0x12b: {  	v3 =	vld [tilespmem:$0x150];
	_ =	sdelay $0x4  }
0x12c: {  	v53 =	vshll.u32 v3, $0x1  }
0x12d: {  	v3 =	vand.u32 $0x7, v3;
	v4 =	vand.u32 $0xFFFFFFF0, v53  }
0x12e: {  	v3 =	vor.u32 v3, v4  }
0x12f: {  	v4 =	vperm.xlane v3, v0;
	_ =	sdelay $0x1  }
0x130: {  	v3 =	vperm.xlane v3, v2;
	v4 =	vadd.s32 v1, v4;
	_ =	sdelay $0x1  }
0x131: {  	v3 =	vadd.s32 v1, v3;
	_ =	sdelay $0x2  }
0x132: {  	[tilespmem:s9], [sflag:$0x3] =	stream.indirect_vreg.gather [hbm4b:s3+s2], $0x80, v4, vm0, $0xb8;
	[tilespmem:$0x18180] =	vst v63  }
0x133: {  	_ = 	snop  }
0x134: {  	[tilespmem:s5], [sflag:$0x3] =	stream.indirect_vreg.gather [hbm4b:s3+s2], $0x80, v3, vm0, $0xb8;
	[tilespmem:$0x18180] =	vst v63  }
0x135: {  	v3 =	vld [tilespmem:$0x160];
	_ =	sdelay $0x4  }
0x136: {  	v54 =	vshll.u32 v3, $0x1  }
0x137: {  	v3 =	vand.u32 $0x7, v3;
	v4 =	vand.u32 $0xFFFFFFF0, v54  }
0x138: {  	v3 =	vor.u32 v3, v4  }
0x139: {  	v4 =	vperm.xlane v3, v0;
	_ =	sdelay $0x1  }
0x13a: {  	v3 =	vperm.xlane v3, v2;
	v4 =	vadd.s32 v1, v4;
	_ =	sdelay $0x1  }
0x13b: {  	v3 =	vadd.s32 v1, v3;
	_ =	sdelay $0x2  }
0x13c: {  	[tilespmem:s17], [sflag:$0x3] =	stream.indirect_vreg.gather [hbm4b:s3+s2], $0x80, v4, vm0, $0xb8;
	[tilespmem:$0x18180] =	vst v63  }
0x13d: {  	_ = 	snop  }
0x13e: {  	[tilespmem:s20], [sflag:$0x3] =	stream.indirect_vreg.gather [hbm4b:s3+s2], $0x80, v3, vm0, $0xb8;
	[tilespmem:$0x18180] =	vst v63  }
0x13f: {  	v3 =	vld [tilespmem:$0x170];
	_ =	sdelay $0x4  }
0x140: {  	v55 =	vshll.u32 v3, $0x1  }
0x141: {  	v3 =	vand.u32 $0x7, v3;
	v4 =	vand.u32 $0xFFFFFFF0, v55  }
0x142: {  	v3 =	vor.u32 v3, v4  }
0x143: {  	v4 =	vperm.xlane v3, v0;
	_ =	sdelay $0x1  }
0x144: {  	v3 =	vperm.xlane v3, v2;
	v4 =	vadd.s32 v1, v4;
	_ =	sdelay $0x1  }
0x145: {  	v3 =	vadd.s32 v1, v3;
	_ =	sdelay $0x2  }
0x146: {  	[tilespmem:s8], [sflag:$0x3] =	stream.indirect_vreg.gather [hbm4b:s3+s2], $0x80, v4, vm0, $0xb8;
	[tilespmem:$0x18180] =	vst v63  }
0x147: {  	_ = 	snop  }
0x148: {  	[tilespmem:s21], [sflag:$0x3] =	stream.indirect_vreg.gather [hbm4b:s3+s2], $0x80, v3, vm0, $0xb8;
	[tilespmem:$0x18180] =	vst v63  }
0x149: {  	_ =	swait.ge [sflag:s30], $0x8000  }
0x14a: {  	[sflag:s30] =	ssyncset.done $0x0  }
0x14b: {  	p2 =	seq.s32 s12, $0x1E0000;
	s25 =	sadd.s32 s12, s15;
	[sflag:s30] =	ssyncadd.s32 $0xFFFF8000  }
0x14c: {  	[hbm4b:s25+s2] =	stream.linear.scatter [tilespmem:s29], [sflag:$0x6], $0x8000, $0x38;
	[tilespmem:$0x18180] =	vst v63  }
0x14d: {  	s0 =	simm.s32 @!p2 $0x0;
	s25 =	simm.s32 @!p2 $0x100  }
0x14e: {  	[tilespmem:s25], [sflag:$0x7] =	stream.linear.gather @!p2 [hbm4b:s24+s0], $0x80, $0x38;
	[tilespmem:$0x18180] =	vst v63  }
0x14f: {  	s0 =	simm.s32 @!p2 $0x7  }
0x150: {  	_ =	swait.ge @!p2 [sflag:s0], $0x80  }
0x151: {  	[sflag:s0] =	ssyncset.done @!p2 $0x0  }
0x152: {  	[sflag:s0] =	ssyncadd.s32 @!p2 $0xFFFFFF80  }
0x153: {  	_ =	swait.ge [sflag:s22], $0x8000  }
0x154: {  	[sflag:s22] =	ssyncset.done $0x0  }
0x155: {  	[sflag:s22] =	ssyncadd.s32 $0xFFFF8000  }
0x156: {  	v3 =	vld [tilespmem:$0x0];
	_ =	sdelay $0x4  }
0x157: {  	v56 =	vshll.u32 v3, $0x1  }
0x158: {  	v3 =	vand.u32 $0x7, v3;
	v4 =	vand.u32 $0xFFFFFFF0, v56  }
0x159: {  	v3 =	vor.u32 v3, v4  }
0x15a: {  	v4 =	vperm.xlane v3, v0;
	_ =	sdelay $0x1  }
0x15b: {  	v3 =	vperm.xlane v3, v2;
	v4 =	vadd.s32 v1, v4;
	_ =	sdelay $0x1  }
0x15c: {  	v3 =	vadd.s32 v1, v3;
	_ =	sdelay $0x2  }
0x15d: {  	[tilespmem:s19], [sflag:$0x1] =	stream.indirect_vreg.gather [hbm4b:s3+s2], $0x80, v4, vm0, $0xb8;
	[tilespmem:$0x18180] =	vst v63  }
0x15e: {  	s25 =	simm.s32 $0x980  }
0x15f: {  	[tilespmem:s25], [sflag:$0x1] =	stream.indirect_vreg.gather [hbm4b:s3+s2], $0x80, v3, vm0, $0xb8;
	[tilespmem:$0x18180] =	vst v63  }
0x160: {  	v3 =	vld [tilespmem:$0x10];
	_ =	sdelay $0x4  }
0x161: {  	v57 =	vshll.u32 v3, $0x1  }
0x162: {  	v3 =	vand.u32 $0x7, v3;
	v4 =	vand.u32 $0xFFFFFFF0, v57  }
0x163: {  	v3 =	vor.u32 v3, v4  }
0x164: {  	v4 =	vperm.xlane v3, v0;
	_ =	sdelay $0x1  }
0x165: {  	v3 =	vperm.xlane v3, v2;
	v4 =	vadd.s32 v1, v4;
	_ =	sdelay $0x1  }
0x166: {  	v3 =	vadd.s32 v1, v3;
	_ =	sdelay $0x1  }
0x167: {  	s25 =	simm.s32 $0x1180  }
0x168: {  	[tilespmem:s25], [sflag:$0x1] =	stream.indirect_vreg.gather [hbm4b:s3+s2], $0x80, v4, vm0, $0xb8;
	[tilespmem:$0x18180] =	vst v63  }
0x169: {  	s25 =	simm.s32 $0x1980  }
0x16a: {  	[tilespmem:s25], [sflag:$0x1] =	stream.indirect_vreg.gather [hbm4b:s3+s2], $0x80, v3, vm0, $0xb8;
	[tilespmem:$0x18180] =	vst v63  }
0x16b: {  	v3 =	vld [tilespmem:$0x20];
	_ =	sdelay $0x4  }
0x16c: {  	v58 =	vshll.u32 v3, $0x1  }
0x16d: {  	v3 =	vand.u32 $0x7, v3;
	v4 =	vand.u32 $0xFFFFFFF0, v58  }
0x16e: {  	v3 =	vor.u32 v3, v4  }
0x16f: {  	v4 =	vperm.xlane v3, v0;
	_ =	sdelay $0x1  }
0x170: {  	v3 =	vperm.xlane v3, v2;
	v4 =	vadd.s32 v1, v4;
	_ =	sdelay $0x1  }
0x171: {  	v3 =	vadd.s32 v1, v3;
	_ =	sdelay $0x1  }
0x172: {  	s25 =	simm.s32 $0x2180  }
0x173: {  	[tilespmem:s25], [sflag:$0x1] =	stream.indirect_vreg.gather [hbm4b:s3+s2], $0x80, v4, vm0, $0xb8;
	[tilespmem:$0x18180] =	vst v63  }
0x174: {  	s25 =	simm.s32 $0x2980  }
0x175: {  	[tilespmem:s25], [sflag:$0x1] =	stream.indirect_vreg.gather [hbm4b:s3+s2], $0x80, v3, vm0, $0xb8;
	[tilespmem:$0x18180] =	vst v63  }
0x176: {  	v3 =	vld [tilespmem:$0x30];
	_ =	sdelay $0x4  }
0x177: {  	v59 =	vshll.u32 v3, $0x1  }
0x178: {  	v3 =	vand.u32 $0x7, v3;
	v4 =	vand.u32 $0xFFFFFFF0, v59  }
0x179: {  	v3 =	vor.u32 v3, v4  }
0x17a: {  	v4 =	vperm.xlane v3, v0;
	_ =	sdelay $0x1  }
0x17b: {  	v3 =	vperm.xlane v3, v2;
	v4 =	vadd.s32 v1, v4;
	_ =	sdelay $0x1  }
0x17c: {  	v3 =	vadd.s32 v1, v3;
	_ =	sdelay $0x1  }
0x17d: {  	s25 =	simm.s32 $0x3180  }
0x17e: {  	[tilespmem:s25], [sflag:$0x1] =	stream.indirect_vreg.gather [hbm4b:s3+s2], $0x80, v4, vm0, $0xb8;
	[tilespmem:$0x18180] =	vst v63  }
0x17f: {  	s25 =	simm.s32 $0x3980  }
0x180: {  	[tilespmem:s25], [sflag:$0x1] =	stream.indirect_vreg.gather [hbm4b:s3+s2], $0x80, v3, vm0, $0xb8;
	[tilespmem:$0x18180] =	vst v63  }
0x181: {  	v3 =	vld [tilespmem:$0x40];
	_ =	sdelay $0x4  }
0x182: {  	v60 =	vshll.u32 v3, $0x1  }
0x183: {  	v3 =	vand.u32 $0x7, v3;
	v4 =	vand.u32 $0xFFFFFFF0, v60  }
0x184: {  	v3 =	vor.u32 v3, v4  }
0x185: {  	v4 =	vperm.xlane v3, v0;
	_ =	sdelay $0x1  }
0x186: {  	v3 =	vperm.xlane v3, v2;
	v4 =	vadd.s32 v1, v4;
	_ =	sdelay $0x1  }
0x187: {  	v3 =	vadd.s32 v1, v3;
	_ =	sdelay $0x1  }
0x188: {  	s25 =	simm.s32 $0x4180  }
0x189: {  	[tilespmem:s25], [sflag:$0x1] =	stream.indirect_vreg.gather [hbm4b:s3+s2], $0x80, v4, vm0, $0xb8;
	[tilespmem:$0x18180] =	vst v63  }
0x18a: {  	s25 =	simm.s32 $0x4980  }
0x18b: {  	[tilespmem:s25], [sflag:$0x1] =	stream.indirect_vreg.gather [hbm4b:s3+s2], $0x80, v3, vm0, $0xb8;
	[tilespmem:$0x18180] =	vst v63  }
0x18c: {  	v3 =	vld [tilespmem:$0x50];
	_ =	sdelay $0x4  }
0x18d: {  	v61 =	vshll.u32 v3, $0x1  }
0x18e: {  	v3 =	vand.u32 $0x7, v3;
	v4 =	vand.u32 $0xFFFFFFF0, v61  }
0x18f: {  	v3 =	vor.u32 v3, v4  }
0x190: {  	v4 =	vperm.xlane v3, v0;
	_ =	sdelay $0x1  }
0x191: {  	v3 =	vperm.xlane v3, v2;
	v4 =	vadd.s32 v1, v4;
	_ =	sdelay $0x1  }
0x192: {  	v3 =	vadd.s32 v1, v3;
	_ =	sdelay $0x1  }
0x193: {  	s25 =	simm.s32 $0x5180  }
0x194: {  	[tilespmem:s25], [sflag:$0x1] =	stream.indirect_vreg.gather [hbm4b:s3+s2], $0x80, v4, vm0, $0xb8;
	[tilespmem:$0x18180] =	vst v63  }
0x195: {  	s25 =	simm.s32 $0x5980  }
0x196: {  	[tilespmem:s25], [sflag:$0x1] =	stream.indirect_vreg.gather [hbm4b:s3+s2], $0x80, v3, vm0, $0xb8;
	[tilespmem:$0x18180] =	vst v63  }
0x197: {  	v3 =	vld [tilespmem:$0x60];
	_ =	sdelay $0x4  }
0x198: {  	v62 =	vshll.u32 v3, $0x1  }
0x199: {  	v3 =	vand.u32 $0x7, v3;
	v4 =	vand.u32 $0xFFFFFFF0, v62  }
0x19a: {  	v3 =	vor.u32 v3, v4  }
0x19b: {  	v4 =	vperm.xlane v3, v0;
	_ =	sdelay $0x1  }
0x19c: {  	v3 =	vperm.xlane v3, v2;
	v4 =	vadd.s32 v1, v4;
	_ =	sdelay $0x1  }
0x19d: {  	v3 =	vadd.s32 v1, v3;
	_ =	sdelay $0x1  }
0x19e: {  	s25 =	simm.s32 $0x6180  }
0x19f: {  	[tilespmem:s25], [sflag:$0x1] =	stream.indirect_vreg.gather [hbm4b:s3+s2], $0x80, v4, vm0, $0xb8;
	[tilespmem:$0x18180] =	vst v63  }
0x1a0: {  	s25 =	simm.s32 $0x6980  }
0x1a1: {  	[tilespmem:s25], [sflag:$0x1] =	stream.indirect_vreg.gather [hbm4b:s3+s2], $0x80, v3, vm0, $0xb8;
	[tilespmem:$0x18180] =	vst v63  }
0x1a2: {  	v3 =	vld [tilespmem:$0x70];
	_ =	sdelay $0x4  }
0x1a3: {  	v63 =	vshll.u32 v3, $0x1  }
0x1a4: {  	v3 =	vand.u32 $0x7, v3;
	v4 =	vand.u32 $0xFFFFFFF0, v63  }
0x1a5: {  	v3 =	vor.u32 v3, v4  }
0x1a6: {  	v4 =	vperm.xlane v3, v0;
	_ =	sdelay $0x1  }
0x1a7: {  	v3 =	vperm.xlane v3, v2;
	v4 =	vadd.s32 v1, v4  }
0x1a8: {  	s12 =	sadd.s32 $0x60000, s12  }
0x1a9: {  	p2 =	sne.s32 s12, $0x240000;
	v3 =	vadd.s32 v1, v3  }
.Ltmp2:
0x1aa: {  	_ = 	snop;
	(pc) =	sbr.rel @p2 .LBB2_2-.Ltmp2, $4  }
0x1ab: {  	s23 =	sadd.s32 $0x3000, s23;
	s25 =	simm.s32 $0x7180  }
0x1ac: {  	[tilespmem:s25], [sflag:$0x1] =	stream.indirect_vreg.gather [hbm4b:s3+s2], $0x80, v4, vm0, $0xb8;
	[tilespmem:$0x18180] =	vst v63  }
0x1ad: {  	s31 =	sadd.s32 $0x600, s31;
	s24 =	sadd.s32 $0x600, s24;
	s25 =	simm.s32 $0x7980  }
0x1ae: {  	[tilespmem:s25], [sflag:$0x1] =	stream.indirect_vreg.gather [hbm4b:s3+s2], $0x80, v3, vm0, $0xb8;
	[tilespmem:$0x18180] =	vst v63  }
0x1af: {  	_ =	swait.ge [sflag:s18], $0x8000  }
0x1b0: {  	[sflag:s18] =	ssyncset.done $0x0  }
0x1b1: {  	s31 =	simm.s32 $0x5;
	s0 =	rddreg [dreg:$0x5];
	[sflag:s18] =	ssyncadd.s32 $0xFFFF8000  }
0x1b2: {  	[hbm4b:s0+s2] =	stream.linear.scatter [tilespmem:s19], [sflag:$0x4], $0x8000, $0x38;
	[tilespmem:$0x18180] =	vst v63  }
0x1b3: {  	_ =	swait.ge [sflag:s31], $0x8000  }
0x1b4: {  	[sflag:s31] =	ssyncset.done $0x0  }
0x1b5: {  	[sflag:s31] =	ssyncadd.s32 $0xFFFF8000  }
0x1b6: {  	_ =	swait.ge [sflag:s10], $0x8000  }
.Ltmp3:
0x1b7: {  	[sflag:s10] =	ssyncset.done $0x0;
	(pc) =	sbr.rel @p1 .LBB2_5-.Ltmp3, $4  }
0x1b8: {  	[sflag:s10] =	ssyncadd.s32 $0xFFFF8000  }
0x1b9: {  	_ =	swait.ge [sflag:s22], $0x8000  }
0x1ba: {  	[sflag:s22] =	ssyncset.done $0x0  }
0x1bb: {  	s12 =	rddreg [dreg:$0xb];
	[sflag:s22] =	ssyncadd.s32 $0xFFFF8000  }
0x1bc: {  	v3 =	vld [tilespmem:$0x80];
	_ =	sdelay $0x4  }
0x1bd: {  	v4 =	vshll.u32 v3, $0x1  }
0x1be: {  	v3 =	vand.u32 $0x7, v3;
	v4 =	vand.u32 $0xFFFFFFF0, v4  }
0x1bf: {  	v3 =	vor.u32 v3, v4  }
0x1c0: {  	v4 =	vperm.xlane v3, v0;
	_ =	sdelay $0x1  }
0x1c1: {  	v3 =	vperm.xlane v3, v2;
	v4 =	vadd.s32 v1, v4;
	_ =	sdelay $0x1  }
0x1c2: {  	v3 =	vadd.s32 v1, v3;
	_ =	sdelay $0x2  }
0x1c3: {  	[tilespmem:s6], [sflag:$0x2] =	stream.indirect_vreg.gather [hbm4b:s3+s2], $0x80, v4, vm0, $0xb8;
	[tilespmem:$0x18180] =	vst v63  }
0x1c4: {  	s0 =	simm.s32 $0x8980  }
0x1c5: {  	[tilespmem:s0], [sflag:$0x2] =	stream.indirect_vreg.gather [hbm4b:s3+s2], $0x80, v3, vm0, $0xb8;
	[tilespmem:$0x18180] =	vst v63  }
0x1c6: {  	v3 =	vld [tilespmem:$0x90];
	_ =	sdelay $0x4  }
0x1c7: {  	v57 =	vshll.u32 v3, $0x1  }
0x1c8: {  	v3 =	vand.u32 $0x7, v3;
	v4 =	vand.u32 $0xFFFFFFF0, v57  }
0x1c9: {  	v3 =	vor.u32 v3, v4  }
0x1ca: {  	v4 =	vperm.xlane v3, v0;
	_ =	sdelay $0x1  }
0x1cb: {  	v3 =	vperm.xlane v3, v2;
	v4 =	vadd.s32 v1, v4;
	_ =	sdelay $0x1  }
0x1cc: {  	v3 =	vadd.s32 v1, v3;
	_ =	sdelay $0x1  }
0x1cd: {  	s25 =	simm.s32 $0x9180  }
0x1ce: {  	[tilespmem:s25], [sflag:$0x2] =	stream.indirect_vreg.gather [hbm4b:s3+s2], $0x80, v4, vm0, $0xb8;
	[tilespmem:$0x18180] =	vst v63  }
0x1cf: {  	s31 =	simm.s32 $0x9980  }
0x1d0: {  	[tilespmem:s31], [sflag:$0x2] =	stream.indirect_vreg.gather [hbm4b:s3+s2], $0x80, v3, vm0, $0xb8;
	[tilespmem:$0x18180] =	vst v63  }
0x1d1: {  	v3 =	vld [tilespmem:$0xA0];
	_ =	sdelay $0x4  }
0x1d2: {  	v58 =	vshll.u32 v3, $0x1  }
0x1d3: {  	v3 =	vand.u32 $0x7, v3;
	v4 =	vand.u32 $0xFFFFFFF0, v58  }
0x1d4: {  	v3 =	vor.u32 v3, v4  }
0x1d5: {  	v4 =	vperm.xlane v3, v0;
	_ =	sdelay $0x1  }
0x1d6: {  	v3 =	vperm.xlane v3, v2;
	v4 =	vadd.s32 v1, v4;
	_ =	sdelay $0x1  }
0x1d7: {  	v3 =	vadd.s32 v1, v3;
	_ =	sdelay $0x1  }
0x1d8: {  	s23 =	simm.s32 $0xA180  }
0x1d9: {  	[tilespmem:s23], [sflag:$0x2] =	stream.indirect_vreg.gather [hbm4b:s3+s2], $0x80, v4, vm0, $0xb8;
	[tilespmem:$0x18180] =	vst v63  }
0x1da: {  	s24 =	simm.s32 $0xA980  }
0x1db: {  	[tilespmem:s24], [sflag:$0x2] =	stream.indirect_vreg.gather [hbm4b:s3+s2], $0x80, v3, vm0, $0xb8;
	[tilespmem:$0x18180] =	vst v63  }
0x1dc: {  	v3 =	vld [tilespmem:$0xB0];
	_ =	sdelay $0x4  }
0x1dd: {  	v59 =	vshll.u32 v3, $0x1  }
0x1de: {  	v3 =	vand.u32 $0x7, v3;
	v4 =	vand.u32 $0xFFFFFFF0, v59  }
0x1df: {  	v3 =	vor.u32 v3, v4  }
0x1e0: {  	v4 =	vperm.xlane v3, v0;
	_ =	sdelay $0x1  }
0x1e1: {  	v3 =	vperm.xlane v3, v2;
	v4 =	vadd.s32 v1, v4;
	_ =	sdelay $0x1  }
0x1e2: {  	v3 =	vadd.s32 v1, v3;
	_ =	sdelay $0x1  }
0x1e3: {  	s25 =	simm.s32 $0xB180  }
0x1e4: {  	[tilespmem:s25], [sflag:$0x2] =	stream.indirect_vreg.gather [hbm4b:s3+s2], $0x80, v4, vm0, $0xb8;
	[tilespmem:$0x18180] =	vst v63  }
0x1e5: {  	s31 =	simm.s32 $0xB980  }
0x1e6: {  	[tilespmem:s31], [sflag:$0x2] =	stream.indirect_vreg.gather [hbm4b:s3+s2], $0x80, v3, vm0, $0xb8;
	[tilespmem:$0x18180] =	vst v63  }
0x1e7: {  	v3 =	vld [tilespmem:$0xC0];
	_ =	sdelay $0x4  }
0x1e8: {  	v60 =	vshll.u32 v3, $0x1  }
0x1e9: {  	v3 =	vand.u32 $0x7, v3;
	v4 =	vand.u32 $0xFFFFFFF0, v60  }
0x1ea: {  	v3 =	vor.u32 v3, v4  }
0x1eb: {  	v4 =	vperm.xlane v3, v0;
	_ =	sdelay $0x1  }
0x1ec: {  	v3 =	vperm.xlane v3, v2;
	v4 =	vadd.s32 v1, v4;
	_ =	sdelay $0x1  }
0x1ed: {  	v3 =	vadd.s32 v1, v3;
	_ =	sdelay $0x1  }
0x1ee: {  	s23 =	simm.s32 $0xC180  }
0x1ef: {  	[tilespmem:s23], [sflag:$0x2] =	stream.indirect_vreg.gather [hbm4b:s3+s2], $0x80, v4, vm0, $0xb8;
	[tilespmem:$0x18180] =	vst v63  }
0x1f0: {  	s24 =	simm.s32 $0xC980  }
0x1f1: {  	[tilespmem:s24], [sflag:$0x2] =	stream.indirect_vreg.gather [hbm4b:s3+s2], $0x80, v3, vm0, $0xb8;
	[tilespmem:$0x18180] =	vst v63  }
0x1f2: {  	v3 =	vld [tilespmem:$0xD0];
	_ =	sdelay $0x4  }
0x1f3: {  	v61 =	vshll.u32 v3, $0x1  }
0x1f4: {  	v3 =	vand.u32 $0x7, v3;
	v4 =	vand.u32 $0xFFFFFFF0, v61  }
0x1f5: {  	v3 =	vor.u32 v3, v4  }
0x1f6: {  	v4 =	vperm.xlane v3, v0;
	_ =	sdelay $0x1  }
0x1f7: {  	v3 =	vperm.xlane v3, v2;
	v4 =	vadd.s32 v1, v4;
	_ =	sdelay $0x1  }
0x1f8: {  	v3 =	vadd.s32 v1, v3;
	_ =	sdelay $0x1  }
0x1f9: {  	s25 =	simm.s32 $0xD180  }
0x1fa: {  	[tilespmem:s25], [sflag:$0x2] =	stream.indirect_vreg.gather [hbm4b:s3+s2], $0x80, v4, vm0, $0xb8;
	[tilespmem:$0x18180] =	vst v63  }
0x1fb: {  	s31 =	simm.s32 $0xD980  }
0x1fc: {  	[tilespmem:s31], [sflag:$0x2] =	stream.indirect_vreg.gather [hbm4b:s3+s2], $0x80, v3, vm0, $0xb8;
	[tilespmem:$0x18180] =	vst v63  }
0x1fd: {  	v3 =	vld [tilespmem:$0xE0];
	_ =	sdelay $0x4  }
0x1fe: {  	v62 =	vshll.u32 v3, $0x1  }
0x1ff: {  	v3 =	vand.u32 $0x7, v3;
	v4 =	vand.u32 $0xFFFFFFF0, v62  }
0x200: {  	v3 =	vor.u32 v3, v4  }
0x201: {  	v4 =	vperm.xlane v3, v0;
	_ =	sdelay $0x1  }
0x202: {  	v3 =	vperm.xlane v3, v2;
	v4 =	vadd.s32 v1, v4;
	_ =	sdelay $0x1  }
0x203: {  	v3 =	vadd.s32 v1, v3;
	_ =	sdelay $0x1  }
0x204: {  	s23 =	simm.s32 $0xE180  }
0x205: {  	[tilespmem:s23], [sflag:$0x2] =	stream.indirect_vreg.gather [hbm4b:s3+s2], $0x80, v4, vm0, $0xb8;
	[tilespmem:$0x18180] =	vst v63  }
0x206: {  	s24 =	simm.s32 $0xE980  }
0x207: {  	[tilespmem:s24], [sflag:$0x2] =	stream.indirect_vreg.gather [hbm4b:s3+s2], $0x80, v3, vm0, $0xb8;
	[tilespmem:$0x18180] =	vst v63  }
0x208: {  	v3 =	vld [tilespmem:$0xF0];
	_ =	sdelay $0x4  }
0x209: {  	v63 =	vshll.u32 v3, $0x1  }
0x20a: {  	v3 =	vand.u32 $0x7, v3;
	v4 =	vand.u32 $0xFFFFFFF0, v63  }
0x20b: {  	v3 =	vor.u32 v3, v4  }
0x20c: {  	v4 =	vperm.xlane v3, v0;
	_ =	sdelay $0x1  }
0x20d: {  	v3 =	vperm.xlane v3, v2;
	v4 =	vadd.s32 v1, v4;
	_ =	sdelay $0x1  }
0x20e: {  	v3 =	vadd.s32 v1, v3;
	_ =	sdelay $0x2  }
0x20f: {  	[tilespmem:s26], [sflag:$0x2] =	stream.indirect_vreg.gather [hbm4b:s3+s2], $0x80, v4, vm0, $0xb8;
	[tilespmem:$0x18180] =	vst v63  }
0x210: {  	_ = 	snop  }
0x211: {  	[tilespmem:s28], [sflag:$0x2] =	stream.indirect_vreg.gather [hbm4b:s3+s2], $0x80, v3, vm0, $0xb8;
	[tilespmem:$0x18180] =	vst v63  }
0x212: {  	_ =	swait.ge [sflag:s7], $0x8000  }
0x213: {  	s31 =	simm.s32 $0x5;
	[sflag:s7] =	ssyncset.done $0x0  }
.Ltmp4:
0x214: {  	s25 =	rddreg [dreg:$0x6];
	[sflag:s7] =	ssyncadd.s32 $0xFFFF8000;
	(pc) =	sbr.rel .LBB2_5-.Ltmp4, $4  }
0x215: {  	[hbm4b:s25+s2] =	stream.linear.scatter [tilespmem:s6], [sflag:$0x5], $0x8000, $0x38;
	[tilespmem:$0x18180] =	vst v63  }
0x216: {  	_ =	swait.ge [sflag:s31], $0x8000  }
0x217: {  	[sflag:s31] =	ssyncset.done $0x0  }
0x218: {  	[sflag:s31] =	ssyncadd.s32 $0xFFFF8000  }
.LBB2_6:
0x219: {  	_ =	sfence.sel $0x180000  }
0x21a: {  	[bflag:$0x0] =	sbarrier.arrive $0xFFFF  }
0x21b: {  	_ =	strace $0x90000056  }
0x21c: {  	s0 =	stileid.u32;
	[bflag:$0x2] =	sbarrier.arrive $0xFFFF  }
0x21d: {  	p0 =	sne.s32 s0, $0x0;
	s0 =	rddreg [dreg:$0x1]  }
0x21e: {  	s0 =	sadd.s32 @!p0 $0x100000, s0  }
0x21f: {  	[sflag:s0] =	ssyncadd.tile.s32 @!p0 $0x1;
	_ =	shalt  }
.Lfunc_end2:
_tile_overlayer_lowered:
.L_overlay_start_2:
0x220: {  	(tag) =	ssettag $0x2  }
0x221: {  	s0 =	rddreg [dreg:$0x0];
	s2 =	stileid.u32  }
0x222: {  	s1 =	rddreg [dreg:$0x1];
	p0 =	sne.s32 s2, $0x0  }
0x223: {  	s3 =	rddreg [dreg:$0x2];
	[bflag:$0x3] =	sbarrier.arrive $0xFFFF;
	s2 =	simm.s32 @!p0 $0x1C07  }
0x224: {  	[timem:s3], [sflag:s2] =	dma.local @!p0 [hbm:s0], s1  }
0x225: {  	s0 =	simm.s32 @!p0 $0x7  }
0x226: {  	_ =	swait.ge @!p0 [sflag:s0], s1  }
0x227: {  	s1 =	ssub.s32 @!p0 $0x0, s1;
	[sflag:s0] =	ssyncset.done @!p0 $0x0  }
0x228: {  	[sflag:s0] =	ssyncadd.s32 @!p0 s1  }
0x229: {  	[bflag:$0x3] =	sbarrier.arrive $0xFFFF  }
0x22a: {  	_ =	shalt  }

// kernel: kernel.29.cloned.1.call-start
scs
__scs_entry_jumppad:
0x0: {  	(pc) =	sbr.rel $0x88, $3  }
0x1: {  	(tag) =	ssettag $0x0;
	lr =	simm.s32 $0x1  }
0x2: {  	[smem:$0x3F85] =	sst lr;
	_ =	strace $0xD0000000  }
0x3: {  	_ = 	snop  }
0x4: {  	_ = 	snop  }
0x5: {  	_ = 	snop  }
0x6: {  	_ = 	snop  }
0x7: {  	_ = 	snop  }
__scs_overlays_trampoline_lowered:
0x8: {  	[smem:$0x3F94] =	sst s0  }
0x9: {  	[smem:$0x3F95] =	sst s1  }
0xa: {  	[smem:$0x3F96] =	sst s2  }
0xb: {  	[smem:$0x3F97] =	sst s3  }
0xc: {  	[smem:$0x3F98] =	sst s4  }
0xd: {  	[smem:$0x3F99] =	sst s5  }
0xe: {  	[smem:$0x3F9A] =	sst s6  }
0xf: {  	[smem:$0x3F9B] =	sst s7  }
0x10: {  	[smem:$0x3F9C] =	sst s8  }
0x11: {  	[smem:$0x3F9D] =	sst s9;
	s0 =	simm.s32 @!p0 $0x0  }
0x12: {  	s1 =	sld [smem:$0x3F83];
	s0 =	simm.s32 @p0 $0x1  }
0x13: {  	[smem:$0x3F9E] =	sst s0;
	s0 =	simm.s32 @!p1 $0x0  }
0x14: {  	s2 =	sld [smem:$0x3F82];
	s0 =	simm.s32 @p1 $0x1  }
0x15: {  	[smem:$0x3F9F] =	sst s0;
	s0 =	simm.s32 @!p2 $0x0  }
0x16: {  	s3 =	sld [smem:$0x3FDB];
	s0 =	simm.s32 @p2 $0x1  }
0x17: {  	s4 =	simm.s32 $0x1BF5;
	[smem:$0x3FA1] =	sst s0  }
0x18: {  	s0 =	sld [smem:$0x3F84];
	_ =	swait.ge [sflag:s4], $0x0  }
0x19: {  	s7 =	sld [smem:$0x3F85]  }
0x1a: {  	s8 =	sadd.s32 $0xFFFFE003, lr  }
0x1b: {  	s9 =	sadd.s32 $0xFFFFFEF7, lr;
	s5 =	simm.s32 $0xFFFFFFFF;
	p2 =	slt.u32 s8, $0xFFFFF086  }
0x1c: {  	p1 =	slt.u32 s9, $0xF7A;
	s5 =	simm.s32 @!p2 $0x0  }
0x1d: {  	s5 =	simm.s32 @p1 $0x1;
	p0 =	seq.s32 s7, s2  }
0x1e: {  	s7 =	smul.u32 @!p0 $0xF7A, s2;
	p2 =	seq.s32 @!p0 s5, $0x0  }
0x1f: {  	s9 =	smul.u32 $0xF7A, s1;
	s8 =	simm.s32 @!p0 $0x1BF5;
	p2 =	por !p2, p0  }
0x20: {  	[sflag:s8] =	ssyncset.s32 @!p0 $0xFFFFF086;
	s6 =	sadd.s32 @!p0 s3, s7;
	s7 =	simm.s32 @!p0 $0x108  }
0x21: {  	s3 =	sadd.s32 s3, s9;
	s6 =	sadd.s32 @!p0 $0x88, s6;
	s7 =	simm.s32 @p2 $0x1082  }
0x22: {  	[simem:s7], [sflag:s8] =	dma.local @!p0 [hbm:s6], $0xF7A  }
0x23: {  	s9 =	sor.u32 $0xD0000000, s2;
	s6 =	simm.s32 $0x108;
	_ =	swait.ge @!p0 [sflag:s8], $0x0  }
0x24: {  	s3 =	sadd.s32 $0x88, s3;
	s6 =	simm.s32 @!p1 $0x1082;
	[sflag:s4] =	ssyncset.s32 $0xFFFFF086  }
0x25: {  	[simem:s6], [sflag:s4] =	dma.local [hbm:s3], $0xF7A  }
0x26: {  	[smem:$0x3F85] =	sst s1;
	(tag) =	ssettag s2;
	_ =	strace s9  }
0x27: {  	s1 =	sld [smem:$0x3F95]  }
0x28: {  	s2 =	sld [smem:$0x3F96]  }
0x29: {  	s4 =	sld [smem:$0x3F98]  }
0x2a: {  	p0 =	seq.s32 s5, $0x0;
	s5 =	sld [smem:$0x3F99]  }
0x2b: {  	s6 =	sld [smem:$0x3F9A]  }
0x2c: {  	s7 =	sld [smem:$0x3F9B]  }
0x2d: {  	s3 =	simm.s32 $0x108;
	s8 =	sld [smem:$0x3F9C]  }
0x2e: {  	s3 =	simm.s32 @!p0 $0x1082;
	s9 =	sld [smem:$0x3F9D]  }
0x2f: {  	lr =	sadd.s32 s0, s3;
	s0 =	sld [smem:$0x3F94]  }
0x30: {  	s3 =	sld [smem:$0x3F97]  }
0x31: {  	[smem:$0x3FA0] =	sst s10  }
0x32: {  	s10 =	sld [smem:$0x3F9E];
	_ =	sdelay $0x3  }
0x33: {  	p0 =	seq.s32 s10, $0x1;
	s10 =	sld [smem:$0x3FA0];
	_ =	sdelay $0x3  }
0x34: {  	[smem:$0x3FA0] =	sst s10  }
0x35: {  	s10 =	sld [smem:$0x3F9F];
	_ =	sdelay $0x3  }
0x36: {  	p1 =	seq.s32 s10, $0x1;
	s10 =	sld [smem:$0x3FA0];
	_ =	sdelay $0x3  }
0x37: {  	[smem:$0x3FA0] =	sst s10  }
0x38: {  	s10 =	sld [smem:$0x3FA1]  }
0x39: {  	_ = 	snop;
	(pc) =	sbr.ind lr, $3  }
0x3a: {  	_ = 	snop  }
0x3b: {  	_ = 	snop  }
0x3c: {  	p2 =	seq.s32 s10, $0x1;
	s10 =	sld [smem:$0x3FA0]  }
0x3d: {  	_ =	shalt  }
0x3e: {  	_ =	shalt  }
0x3f: {  	_ =	shalt  }
0x40: {  	_ =	shalt  }
0x41: {  	_ =	shalt  }
0x42: {  	_ =	shalt  }
0x43: {  	_ =	shalt  }
0x44: {  	_ =	shalt  }
0x45: {  	_ =	shalt  }
0x46: {  	_ =	shalt  }
0x47: {  	_ =	shalt  }
0x48: {  	_ =	shalt  }
0x49: {  	_ =	shalt  }
0x4a: {  	_ =	shalt  }
0x4b: {  	_ =	shalt  }
0x4c: {  	_ =	shalt  }
0x4d: {  	_ =	shalt  }
0x4e: {  	_ =	shalt  }
0x4f: {  	_ =	shalt  }
0x50: {  	_ =	shalt  }
0x51: {  	_ =	shalt  }
0x52: {  	_ =	shalt  }
0x53: {  	_ =	shalt  }
0x54: {  	_ =	shalt  }
0x55: {  	_ =	shalt  }
0x56: {  	_ =	shalt  }
0x57: {  	_ =	shalt  }
0x58: {  	_ =	shalt  }
0x59: {  	_ =	shalt  }
0x5a: {  	_ =	shalt  }
0x5b: {  	_ =	shalt  }
0x5c: {  	_ =	shalt  }
0x5d: {  	_ =	shalt  }
0x5e: {  	_ =	shalt  }
0x5f: {  	_ =	shalt  }
0x60: {  	_ =	shalt  }
0x61: {  	_ =	shalt  }
0x62: {  	_ =	shalt  }
0x63: {  	_ =	shalt  }
0x64: {  	_ =	shalt  }
0x65: {  	_ =	shalt  }
0x66: {  	_ =	shalt  }
0x67: {  	_ =	shalt  }
0x68: {  	_ =	shalt  }
0x69: {  	_ =	shalt  }
0x6a: {  	_ =	shalt  }
0x6b: {  	_ =	shalt  }
0x6c: {  	_ =	shalt  }
0x6d: {  	_ =	shalt  }
0x6e: {  	_ =	shalt  }
0x6f: {  	_ =	shalt  }
0x70: {  	_ =	shalt  }
0x71: {  	_ =	shalt  }
0x72: {  	_ =	shalt  }
0x73: {  	_ =	shalt  }
0x74: {  	_ =	shalt  }
0x75: {  	_ =	shalt  }
0x76: {  	_ =	shalt  }
0x77: {  	_ =	shalt  }
0x78: {  	_ =	shalt  }
0x79: {  	_ =	shalt  }
0x7a: {  	_ =	shalt  }
0x7b: {  	_ =	shalt  }
0x7c: {  	_ =	shalt  }
0x7d: {  	_ =	shalt  }
0x7e: {  	_ =	shalt  }
0x7f: {  	_ =	shalt  }
0x80: {  	_ =	shalt  }
0x81: {  	_ =	shalt  }
0x82: {  	_ =	shalt  }
0x83: {  	_ =	shalt  }
0x84: {  	_ =	shalt  }
0x85: {  	_ =	shalt  }
0x86: {  	_ =	shalt  }
0x87: {  	_ =	shalt  }
.Lfunc_end0:
.L_simem_size_0:
called_computation.5_lowered:
.L_overlay_start_0:
0x88: {  	s2 =	sld [smem:$0x3FD9]  }
0x89: {  	s3 =	sld [smem:$0x3FFE];
	_ =	sdelay $0x1  }
0x8a: {  	s1 =	srdreg.scid  }
0x8b: {  	s0 =	sand.u32 $0x1, s1  }
0x8c: {  	s16 =	sshll.u32 s0, $0xA;
	s2 =	sadd.s32 s3, s2  }
0x8d: {  	s2 =	sadd.s32 s2, s16  }
0x8e: {  	[smem:$0x3FAC] =	sst s2  }
0x8f: {  	_ = 	snop  }
0x90: {  	(tm) =	ssettm $0x1  }
0x91: {  	s17 =	sld [smem:$0x3FFB];
	_ =	sdelay $0x3  }
0x92: {  	_ =	strace s17  }
0x93: {  	s2 =	sld [smem:$0x3FFC];
	_ =	sdelay $0x3  }
0x94: {  	_ =	strace s2  }
0x95: {  	s2 =	sld [smem:$0x3FFD];
	_ =	sdelay $0x3  }
0x96: {  	_ =	strace s2  }
0x97: {  	_ =	strace $0x8FFFFFFF  }
0x98: {  	s18 =	sld [smem:$0x3FDB];
	_ =	sdelay $0x1  }
0x99: {  	s19 =	simm.s32 $_scs_section_size  }
0x9a: {  	s4 =	simm.s32 $_size__tile_overlayer_lowered;
	s5 =	simm.s32 $_tile_overlayer_lowered  }
0x9b: {  	s22 =	simm.s32 $0x1BFF;
	s21 =	sshll.u32 s5, $0x1;
	s2 =	sadd.s32 s19, s18  }
0x9c: {  	s6 =	simm.s32 $0x0;
	s20 =	sshll.u32 s4, $0x1;
	s4 =	sadd.s32 s21, s2  }
0x9d: {  	[timem:s6], [sflag:s22] =	dma.local [hbm:s4], s20  }
0x9e: {  	_ =	swait.ge [sflag:s22], s20  }
0x9f: {  	s3 =	ssub.s32 $0x0, s20;
	[sflag:s22] =	ssyncset.done $0x0  }
0xa0: {  	[sflag:s22] =	ssyncadd.s32 s3;
	_ =	sdelay $0x1  }
0xa1: {  	s23 =	simm.s32 $0x1B8B  }
0xa2: {  	_ =	swait.ge [sflag:s23], $0x1  }
0xa3: {  	[sflag:s23] =	ssyncset.done $0x0  }
0xa4: {  	s25 =	simm.s32 $0x1B8E;
	s24 =	sld [smem:$0x3FFE];
	[sflag:s23] =	ssyncadd.s32 $0xFFFFFFFF  }
0xa5: {  	s26 =	simm.s32 $execute0_lowered;
	[smem:$0x3FD2] =	sst s25  }
0xa6: {  	s4 =	sshll.u32 s26, $0x1;
	_ =	strace $0x80000052;
	[dreg:$0x1] =	wrdreg $0xFFFFFFFF  }
0xa7: {  	s28 =	simm.s32 $_size_execute0_lowered;
	s2 =	sadd.s32 s2, s4;
	[dreg:$0x0] =	wrdreg $0x0  }
0xa8: {  	s4 =	sshll.u32 s28, $0x1;
	[dreg:$0x2] =	wrdreg s2  }
0xa9: {  	[dreg:$0x3] =	wrdreg s4  }
0xaa: {  	[dreg:$0x4] =	wrdreg $0xC0  }
0xab: {  	_ =	task [dreg:s6], $0x5FFFF  }
0xac: {  	[dreg:$0x1] =	wrdreg $0xFFFFFFFF  }
0xad: {  	[dreg:$0x0] =	wrdreg $0x60  }
0xae: {  	[dreg:$0x2] =	wrdreg s24  }
0xaf: {  	[dreg:$0x3] =	wrdreg $0xA  }
0xb0: {  	_ =	task.clear_ibuf [dreg:s6], $0x4FFFF;
	_ =	strace $0x90000052  }
0xb1: {  	s29 =	simm.s32 $0xA;
	_ =	strace $0x80000054  }
0xb2: {  	_ =	swait.ge [sflag:s29], $0x1  }
0xb3: {  	[sflag:s29] =	ssyncadd.s32 $0xFFFFFFFF  }
0xb4: {  	_ =	strace $0x90000054  }
0xb5: {  	_ =	sfence  }
0xb6: {  	s30 =	sld [smem:$0x0];
	_ =	sdelay $0x2  }
0xb7: {  	s31 =	sshll.u32 s1, $0xD;
	s1 =	sshrl.u32 s1, $0x2  }
0xb8: {  	s3 =	sand.u32 $0x4000, s31;
	s1 =	sadd.s32 s1, s30  }
0xb9: {  	s0 =	sor.u32 s3, s0;
	s1 =	sshll.u32 s1, $0x11  }
0xba: {  	s0 =	sor.u32 s1, s0  }
0xbb: {  	s0 =	sadd.s32 $0x8F2B, s0  }
0xbc: {  	[sflag:s0] =	ssyncadd.remote.s32 $0x1  }
0xbd: {  	_ =	sfence.sel $0xFFFF  }
0xbe: {  	[dreg:$0x0] =	wrdreg $0xFFFFFFFF;
	(pc) =	sbr.abs _section_cstart, $3  }
0xbf: {  	[dreg:$0x1] =	wrdreg $0xFFFFFFFF  }
0xc0: {  	_ =	task.clear_ibuf [dreg:s6], $0x2FFFF;
	_ =	strace $0x9FFFFFFF  }
0xc1: {  	(tm) =	ssettm $0x7FFFFFFF  }
tec
execute0_lowered:
.L_overlay_start_1:
0x0: {  	(tag) =	ssettag $0x1  }
0x1: {  	s0 =	rddreg [dreg:$0x0]  }
0x2: {  	s2 =	simm.s32 $0x0;
	s1 =	srdreg.scid;
	s13 =	stileid.u32  }
0x3: {  	s28 =	simm.s32 $0xF980;
	s29 =	simm.s32 $0x10180;
	s14 =	simm.s32 $0x14980  }
0x4: {  	s30 =	simm.s32 $0x3;
	[smem:$0x7FF] =	sst s2;
	s1 =	sand.u32 $0x1, s1  }
0x5: {  	s4 =	sshll.u32 s13, $0x1;
	s3 =	sadd.s32 $0x5C00, s0;
	s17 =	sshll.u32 s13, $0x5  }
0x6: {  	s18 =	sshll.u32 s13, $0x8;
	s19 =	sshll.u32 s13, $0xD;
	s24 =	sshll.u32 s13, $0x10  }
0x7: {  	s13 =	simm.s32 $0x13980;
	_ =	strace $0x80000053;
	s5 =	sor.u32 s1, s4  }
0x8: {  	s4 =	sadd.s32 $0x1BB200, s0;
	s6 =	ssub.s32 $0x2, s1;
	s0 =	sadd.s32 $0x66E600, s0  }
0x9: {  	s10 =	sand.u32 $0x180, s17;
	s20 =	sshll.u32 s1, $0xC;
	s12 =	sshll.u32 s1, $0x4  }
0xa: {  	s23 =	sshll.u32 s1, $0x7;
	s1 =	sshll.u32 s1, $0xF;
	s7 =	sshll.u32 s5, $0x4  }
0xb: {  	s8 =	sshrl.u32 s6, $0x1;
	s15 =	sshll.u32 s5, $0xC;
	s21 =	sadd.s32 s10, s4  }
0xc: {  	s22 =	sor.u32 s12, s17;
	s1 =	sor.u32 s1, s24;
	p0 =	slt.u32 s5, $0x11  }
0xd: {  	p1 =	sgt.u32 s5, $0x10;
	s5 =	simm.s32 $0x15980;
	s17 =	simm.s32 $0x16180  }
0xe: {  	s10 =	simm.s32 $0x6;
	s12 =	simm.s32 $0x0;
	s9 =	sadd.s32 s4, s7  }
0xf: {  	s6 =	ssub.s32 s6, s8;
	s8 =	sor.u32 s23, s18;
	s1 =	sor.u32 $0x200000, s1  }
0x10: {  	s18 =	simm.s32 $0x1;
	s7 =	sadd.s32 $0x200, s9;
	[dreg:$0x2] =	wrdreg s9  }
0x11: {  	s16 =	sadd.s32 $0x400, s9;
	s6 =	smax.u32 s6, $0x1;
	s25 =	sor.u32 $0x4000, s8  }
0x12: {  	s1 =	sshrl.u32 s1, $0x3;
	s31 =	sor.u32 $0x3000, s8;
	[dreg:$0x3] =	wrdreg s7  }
0x13: {  	s9 =	simm.s32 $0x15180;
	s8 =	simm.s32 $0x17180;
	[dreg:$0x4] =	wrdreg s16  }
0x14: {  	s7 =	sadd.s32 s15, s0;
	[dreg:$0x7] =	wrdreg s6;
	s6 =	sadd.s32 s19, s0  }
0x15: {  	s26 =	sshrl.u32 s25, $0x3;
	[dreg:$0xa] =	wrdreg s31;
	s15 =	sadd.s32 s1, s0  }
0x16: {  	s16 =	simm.s32 $0x7;
	s19 =	simm.s32 $0x180;
	s11 =	sadd.s32 $0x240000, s7  }
0x17: {  	s1 =	simm.s32 $0x14180;
	s7 =	sadd.s32 $0x260000, s7;
	[dreg:$0x5] =	wrdreg s11  }
.Ltmp0:
0x18: {  	[dreg:$0x6] =	wrdreg s7;
	s7 =	sand.u32 $0x70, s22;
	(pc) =	sbr.rel .LBB2_1-.Ltmp0, $4  }
0x19: {  	s11 =	sadd.s32 s20, s6;
	s20 =	simm.s32 $0x16980;
	s6 =	sadd.s32 s7, s21  }
0x1a: {  	v2 =	vlaneseq.u32;
	s22 =	simm.s32 $0x4;
	s7 =	simm.s32 $0x2;
	s6 =	sadd.s32 $0xA00, s6  }
0x1b: {  	vm0 =	vmmov $0xffff;
	v1 =	vshrl.u32 v2, $0x3;
	s21 =	simm.s32 $0x17980;
	[dreg:$0x8] =	wrdreg s6;
	s6 =	sadd.s32 s26, s4  }
0x1c: {  	v0 =	vand.u32 $0x7, v2;
	v2 =	vor.u32 $0x8, v2;
	v1 =	vmul.u32 $0x8, v1;
	s26 =	simm.s32 $0xF180;
	[dreg:$0x9] =	wrdreg s6;
	s6 =	simm.s32 $0x8180  }
.LBB2_5:
0x1d: {  	s12 =	sadd.s32 $0x1, s12;
	s0 =	rddreg [dreg:$0x7]  }
0x1e: {  	p2 =	sne.s32 s12, s0  }
.Ltmp1:
0x1f: {  	_ = 	snop;
	(pc) =	sbr.rel @!p2 .LBB2_6-.Ltmp1, $1  }
0x20: {  	_ =	sdelay $0x3  }
.LBB2_1:
0x21: {  	[dreg:$0xb] =	wrdreg s12  }
0x22: {  	s0 =	rddreg [dreg:$0x2]  }
0x23: {  	[tilespmem:s2], [sflag:$0x7] =	stream.linear.gather [hbm4b:s0+s2], $0x80, $0x38;
	[tilespmem:$0x18180] =	vst v63  }
0x24: {  	_ =	swait.ge [sflag:s16], $0x80  }
0x25: {  	[sflag:s16] =	ssyncset.done $0x0  }
0x26: {  	s23 =	simm.s32 $0x80;
	s12 =	rddreg [dreg:$0x3];
	[sflag:s16] =	ssyncadd.s32 $0xFFFFFF80  }
0x27: {  	[tilespmem:s23], [sflag:$0x7] =	stream.linear.gather [hbm4b:s12+s2], $0x80, $0x38;
	[tilespmem:$0x18180] =	vst v63  }
0x28: {  	_ =	swait.ge [sflag:s16], $0x80  }
0x29: {  	[sflag:s16] =	ssyncset.done $0x0  }
0x2a: {  	s25 =	simm.s32 $0x100;
	s24 =	rddreg [dreg:$0x4];
	[sflag:s16] =	ssyncadd.s32 $0xFFFFFF80  }
0x2b: {  	[tilespmem:s25], [sflag:$0x7] =	stream.linear.gather [hbm4b:s24+s2], $0x80, $0x38;
	[tilespmem:$0x18180] =	vst v63  }
0x2c: {  	_ =	swait.ge [sflag:s16], $0x80  }
0x2d: {  	[sflag:s16] =	ssyncset.done $0x0  }
0x2e: {  	[sflag:s16] =	ssyncadd.s32 $0xFFFFFF80  }
0x2f: {  	v3 =	vld [tilespmem:$0x0];
	_ =	sdelay $0x4  }
0x30: {  	v4 =	vshll.u32 v3, $0x1  }
0x31: {  	v3 =	vand.u32 $0x7, v3;
	v4 =	vand.u32 $0xFFFFFFF0, v4  }
0x32: {  	v3 =	vor.u32 v3, v4  }
0x33: {  	v4 =	vperm.xlane v3, v0;
	_ =	sdelay $0x1  }
0x34: {  	v3 =	vperm.xlane v3, v2;
	v4 =	vadd.s32 v1, v4;
	_ =	sdelay $0x1  }
0x35: {  	v3 =	vadd.s32 v1, v3;
	_ =	sdelay $0x2  }
0x36: {  	[tilespmem:s19], [sflag:$0x1] =	stream.indirect_vreg.gather [hbm4b:s3+s2], $0x80, v4, vm0, $0xb8;
	[tilespmem:$0x18180] =	vst v63  }
0x37: {  	s23 =	simm.s32 $0x980  }
0x38: {  	[tilespmem:s23], [sflag:$0x1] =	stream.indirect_vreg.gather [hbm4b:s3+s2], $0x80, v3, vm0, $0xb8;
	[tilespmem:$0x18180] =	vst v63  }
0x39: {  	v3 =	vld [tilespmem:$0x10];
	_ =	sdelay $0x4  }
0x3a: {  	v57 =	vshll.u32 v3, $0x1  }
0x3b: {  	v3 =	vand.u32 $0x7, v3;
	v4 =	vand.u32 $0xFFFFFFF0, v57  }
0x3c: {  	v3 =	vor.u32 v3, v4  }
0x3d: {  	v4 =	vperm.xlane v3, v0;
	_ =	sdelay $0x1  }
0x3e: {  	v3 =	vperm.xlane v3, v2;
	v4 =	vadd.s32 v1, v4;
	_ =	sdelay $0x1  }
0x3f: {  	v3 =	vadd.s32 v1, v3;
	_ =	sdelay $0x1  }
0x40: {  	s24 =	simm.s32 $0x1180  }
0x41: {  	[tilespmem:s24], [sflag:$0x1] =	stream.indirect_vreg.gather [hbm4b:s3+s2], $0x80, v4, vm0, $0xb8;
	[tilespmem:$0x18180] =	vst v63  }
0x42: {  	s25 =	simm.s32 $0x1980  }
0x43: {  	[tilespmem:s25], [sflag:$0x1] =	stream.indirect_vreg.gather [hbm4b:s3+s2], $0x80, v3, vm0, $0xb8;
	[tilespmem:$0x18180] =	vst v63  }
0x44: {  	v3 =	vld [tilespmem:$0x20];
	_ =	sdelay $0x4  }
0x45: {  	v58 =	vshll.u32 v3, $0x1  }
0x46: {  	v3 =	vand.u32 $0x7, v3;
	v4 =	vand.u32 $0xFFFFFFF0, v58  }
0x47: {  	v3 =	vor.u32 v3, v4  }
0x48: {  	v4 =	vperm.xlane v3, v0;
	_ =	sdelay $0x1  }
0x49: {  	v3 =	vperm.xlane v3, v2;
	v4 =	vadd.s32 v1, v4;
	_ =	sdelay $0x1  }
0x4a: {  	v3 =	vadd.s32 v1, v3;
	_ =	sdelay $0x1  }
0x4b: {  	s12 =	simm.s32 $0x2180  }
0x4c: {  	[tilespmem:s12], [sflag:$0x1] =	stream.indirect_vreg.gather [hbm4b:s3+s2], $0x80, v4, vm0, $0xb8;
	[tilespmem:$0x18180] =	vst v63  }
0x4d: {  	s23 =	simm.s32 $0x2980  }
0x4e: {  	[tilespmem:s23], [sflag:$0x1] =	stream.indirect_vreg.gather [hbm4b:s3+s2], $0x80, v3, vm0, $0xb8;
	[tilespmem:$0x18180] =	vst v63  }
0x4f: {  	v3 =	vld [tilespmem:$0x30];
	_ =	sdelay $0x4  }
0x50: {  	v59 =	vshll.u32 v3, $0x1  }
0x51: {  	v3 =	vand.u32 $0x7, v3;
	v4 =	vand.u32 $0xFFFFFFF0, v59  }
0x52: {  	v3 =	vor.u32 v3, v4  }
0x53: {  	v4 =	vperm.xlane v3, v0;
	_ =	sdelay $0x1  }
0x54: {  	v3 =	vperm.xlane v3, v2;
	v4 =	vadd.s32 v1, v4;
	_ =	sdelay $0x1  }
0x55: {  	v3 =	vadd.s32 v1, v3;
	_ =	sdelay $0x1  }
0x56: {  	s24 =	simm.s32 $0x3180  }
0x57: {  	[tilespmem:s24], [sflag:$0x1] =	stream.indirect_vreg.gather [hbm4b:s3+s2], $0x80, v4, vm0, $0xb8;
	[tilespmem:$0x18180] =	vst v63  }
0x58: {  	s25 =	simm.s32 $0x3980  }
0x59: {  	[tilespmem:s25], [sflag:$0x1] =	stream.indirect_vreg.gather [hbm4b:s3+s2], $0x80, v3, vm0, $0xb8;
	[tilespmem:$0x18180] =	vst v63  }
0x5a: {  	v3 =	vld [tilespmem:$0x40];
	_ =	sdelay $0x4  }
0x5b: {  	v60 =	vshll.u32 v3, $0x1  }
0x5c: {  	v3 =	vand.u32 $0x7, v3;
	v4 =	vand.u32 $0xFFFFFFF0, v60  }
0x5d: {  	v3 =	vor.u32 v3, v4  }
0x5e: {  	v4 =	vperm.xlane v3, v0;
	_ =	sdelay $0x1  }
0x5f: {  	v3 =	vperm.xlane v3, v2;
	v4 =	vadd.s32 v1, v4;
	_ =	sdelay $0x1  }
0x60: {  	v3 =	vadd.s32 v1, v3;
	_ =	sdelay $0x1  }
0x61: {  	s12 =	simm.s32 $0x4180  }
0x62: {  	[tilespmem:s12], [sflag:$0x1] =	stream.indirect_vreg.gather [hbm4b:s3+s2], $0x80, v4, vm0, $0xb8;
	[tilespmem:$0x18180] =	vst v63  }
0x63: {  	s23 =	simm.s32 $0x4980  }
0x64: {  	[tilespmem:s23], [sflag:$0x1] =	stream.indirect_vreg.gather [hbm4b:s3+s2], $0x80, v3, vm0, $0xb8;
	[tilespmem:$0x18180] =	vst v63  }
0x65: {  	v3 =	vld [tilespmem:$0x50];
	_ =	sdelay $0x4  }
0x66: {  	v61 =	vshll.u32 v3, $0x1  }
0x67: {  	v3 =	vand.u32 $0x7, v3;
	v4 =	vand.u32 $0xFFFFFFF0, v61  }
0x68: {  	v3 =	vor.u32 v3, v4  }
0x69: {  	v4 =	vperm.xlane v3, v0;
	_ =	sdelay $0x1  }
0x6a: {  	v3 =	vperm.xlane v3, v2;
	v4 =	vadd.s32 v1, v4;
	_ =	sdelay $0x1  }
0x6b: {  	v3 =	vadd.s32 v1, v3;
	_ =	sdelay $0x1  }
0x6c: {  	s24 =	simm.s32 $0x5180  }
0x6d: {  	[tilespmem:s24], [sflag:$0x1] =	stream.indirect_vreg.gather [hbm4b:s3+s2], $0x80, v4, vm0, $0xb8;
	[tilespmem:$0x18180] =	vst v63  }
0x6e: {  	s25 =	simm.s32 $0x5980  }
0x6f: {  	[tilespmem:s25], [sflag:$0x1] =	stream.indirect_vreg.gather [hbm4b:s3+s2], $0x80, v3, vm0, $0xb8;
	[tilespmem:$0x18180] =	vst v63  }
0x70: {  	v3 =	vld [tilespmem:$0x60];
	_ =	sdelay $0x4  }
0x71: {  	v62 =	vshll.u32 v3, $0x1  }
0x72: {  	v3 =	vand.u32 $0x7, v3;
	v4 =	vand.u32 $0xFFFFFFF0, v62  }
0x73: {  	v3 =	vor.u32 v3, v4  }
0x74: {  	v4 =	vperm.xlane v3, v0;
	_ =	sdelay $0x1  }
0x75: {  	v3 =	vperm.xlane v3, v2;
	v4 =	vadd.s32 v1, v4;
	_ =	sdelay $0x1  }
0x76: {  	v3 =	vadd.s32 v1, v3;
	_ =	sdelay $0x1  }
0x77: {  	s12 =	simm.s32 $0x6180  }
0x78: {  	[tilespmem:s12], [sflag:$0x1] =	stream.indirect_vreg.gather [hbm4b:s3+s2], $0x80, v4, vm0, $0xb8;
	[tilespmem:$0x18180] =	vst v63  }
0x79: {  	s23 =	simm.s32 $0x6980  }
0x7a: {  	[tilespmem:s23], [sflag:$0x1] =	stream.indirect_vreg.gather [hbm4b:s3+s2], $0x80, v3, vm0, $0xb8;
	[tilespmem:$0x18180] =	vst v63  }
0x7b: {  	v3 =	vld [tilespmem:$0x70];
	_ =	sdelay $0x4  }
0x7c: {  	v63 =	vshll.u32 v3, $0x1  }
0x7d: {  	v3 =	vand.u32 $0x7, v3;
	v4 =	vand.u32 $0xFFFFFFF0, v63  }
0x7e: {  	v3 =	vor.u32 v3, v4  }
0x7f: {  	v4 =	vperm.xlane v3, v0;
	_ =	sdelay $0x1  }
0x80: {  	v3 =	vperm.xlane v3, v2;
	v4 =	vadd.s32 v1, v4;
	_ =	sdelay $0x1  }
0x81: {  	v3 =	vadd.s32 v1, v3  }
0x82: {  	s31 =	rddreg [dreg:$0x9]  }
0x83: {  	s24 =	simm.s32 $0x7180;
	s23 =	rddreg [dreg:$0xa]  }
0x84: {  	[tilespmem:s24], [sflag:$0x1] =	stream.indirect_vreg.gather [hbm4b:s3+s2], $0x80, v4, vm0, $0xb8;
	[tilespmem:$0x18180] =	vst v63  }
0x85: {  	s25 =	simm.s32 $0x7980;
	s12 =	simm.s32 $0x0;
	s24 =	rddreg [dreg:$0x8]  }
0x86: {  	[tilespmem:s25], [sflag:$0x1] =	stream.indirect_vreg.gather [hbm4b:s3+s2], $0x80, v3, vm0, $0xb8;
	[tilespmem:$0x18180] =	vst v63  }
.LBB2_2:
0x87: {  	_ =	swait.ge [sflag:s18], $0x8000  }
0x88: {  	[sflag:s18] =	ssyncset.done $0x0  }
0x89: {  	s25 =	sadd.s32 s12, s11;
	s0 =	sshrl.u32 s23, $0x3;
	[sflag:s18] =	ssyncadd.s32 $0xFFFF8000  }
0x8a: {  	[hbm4b:s25+s2] =	stream.linear.scatter [tilespmem:s19], [sflag:$0x4], $0x8000, $0x38;
	[tilespmem:$0x18180] =	vst v63  }
0x8b: {  	s0 =	sadd.s32 s4, s0  }
0x8c: {  	[tilespmem:s2], [sflag:$0x7] =	stream.linear.gather [hbm4b:s0+s2], $0x80, $0x38;
	[tilespmem:$0x18180] =	vst v63  }
0x8d: {  	_ =	swait.ge [sflag:s16], $0x80  }
0x8e: {  	p2 =	seq.s32 s12, $0x0;
	[sflag:s16] =	ssyncset.done $0x0  }
0x8f: {  	s0 =	simm.s32 @!p2 $0x5;
	[sflag:s16] =	ssyncadd.s32 $0xFFFFFF80  }
0x90: {  	_ =	swait.ge @!p2 [sflag:s0], $0x8000  }
0x91: {  	[sflag:s0] =	ssyncset.done @!p2 $0x0  }
0x92: {  	[sflag:s0] =	ssyncadd.s32 @!p2 $0xFFFF8000  }
0x93: {  	v3 =	vld [tilespmem:$0x80];
	_ =	sdelay $0x4  }
0x94: {  	v4 =	vshll.u32 v3, $0x1  }
0x95: {  	v3 =	vand.u32 $0x7, v3;
	v4 =	vand.u32 $0xFFFFFFF0, v4  }
0x96: {  	v3 =	vor.u32 v3, v4  }
0x97: {  	v4 =	vperm.xlane v3, v0;
	_ =	sdelay $0x1  }
0x98: {  	v3 =	vperm.xlane v3, v2;
	v4 =	vadd.s32 v1, v4;
	_ =	sdelay $0x1  }
0x99: {  	v3 =	vadd.s32 v1, v3;
	_ =	sdelay $0x2  }
0x9a: {  	[tilespmem:s6], [sflag:$0x2] =	stream.indirect_vreg.gather [hbm4b:s3+s2], $0x80, v4, vm0, $0xb8;
	[tilespmem:$0x18180] =	vst v63  }
0x9b: {  	s0 =	simm.s32 $0x8980  }
0x9c: {  	[tilespmem:s0], [sflag:$0x2] =	stream.indirect_vreg.gather [hbm4b:s3+s2], $0x80, v3, vm0, $0xb8;
	[tilespmem:$0x18180] =	vst v63  }
0x9d: {  	v3 =	vld [tilespmem:$0x90];
	_ =	sdelay $0x4  }
0x9e: {  	v41 =	vshll.u32 v3, $0x1  }
0x9f: {  	v3 =	vand.u32 $0x7, v3;
	v4 =	vand.u32 $0xFFFFFFF0, v41  }
0xa0: {  	v3 =	vor.u32 v3, v4  }
0xa1: {  	v4 =	vperm.xlane v3, v0;
	_ =	sdelay $0x1  }
0xa2: {  	v3 =	vperm.xlane v3, v2;
	v4 =	vadd.s32 v1, v4;
	_ =	sdelay $0x1  }
0xa3: {  	v3 =	vadd.s32 v1, v3;
	_ =	sdelay $0x1  }
0xa4: {  	s0 =	simm.s32 $0x9180  }
0xa5: {  	[tilespmem:s0], [sflag:$0x2] =	stream.indirect_vreg.gather [hbm4b:s3+s2], $0x80, v4, vm0, $0xb8;
	[tilespmem:$0x18180] =	vst v63  }
0xa6: {  	s0 =	simm.s32 $0x9980  }
0xa7: {  	[tilespmem:s0], [sflag:$0x2] =	stream.indirect_vreg.gather [hbm4b:s3+s2], $0x80, v3, vm0, $0xb8;
	[tilespmem:$0x18180] =	vst v63  }
0xa8: {  	v3 =	vld [tilespmem:$0xA0];
	_ =	sdelay $0x4  }
0xa9: {  	v42 =	vshll.u32 v3, $0x1  }
0xaa: {  	v3 =	vand.u32 $0x7, v3;
	v4 =	vand.u32 $0xFFFFFFF0, v42  }
0xab: {  	v3 =	vor.u32 v3, v4  }
0xac: {  	v4 =	vperm.xlane v3, v0;
	_ =	sdelay $0x1  }
0xad: {  	v3 =	vperm.xlane v3, v2;
	v4 =	vadd.s32 v1, v4;
	_ =	sdelay $0x1  }
0xae: {  	v3 =	vadd.s32 v1, v3;
	_ =	sdelay $0x1  }
0xaf: {  	s0 =	simm.s32 $0xA180  }
0xb0: {  	[tilespmem:s0], [sflag:$0x2] =	stream.indirect_vreg.gather [hbm4b:s3+s2], $0x80, v4, vm0, $0xb8;
	[tilespmem:$0x18180] =	vst v63  }
0xb1: {  	s0 =	simm.s32 $0xA980  }
0xb2: {  	[tilespmem:s0], [sflag:$0x2] =	stream.indirect_vreg.gather [hbm4b:s3+s2], $0x80, v3, vm0, $0xb8;
	[tilespmem:$0x18180] =	vst v63  }
0xb3: {  	v3 =	vld [tilespmem:$0xB0];
	_ =	sdelay $0x4  }
0xb4: {  	v43 =	vshll.u32 v3, $0x1  }
0xb5: {  	v3 =	vand.u32 $0x7, v3;
	v4 =	vand.u32 $0xFFFFFFF0, v43  }
0xb6: {  	v3 =	vor.u32 v3, v4  }
0xb7: {  	v4 =	vperm.xlane v3, v0;
	_ =	sdelay $0x1  }
0xb8: {  	v3 =	vperm.xlane v3, v2;
	v4 =	vadd.s32 v1, v4;
	_ =	sdelay $0x1  }
0xb9: {  	v3 =	vadd.s32 v1, v3;
	_ =	sdelay $0x1  }
0xba: {  	s0 =	simm.s32 $0xB180  }
0xbb: {  	[tilespmem:s0], [sflag:$0x2] =	stream.indirect_vreg.gather [hbm4b:s3+s2], $0x80, v4, vm0, $0xb8;
	[tilespmem:$0x18180] =	vst v63  }
0xbc: {  	s0 =	simm.s32 $0xB980  }
0xbd: {  	[tilespmem:s0], [sflag:$0x2] =	stream.indirect_vreg.gather [hbm4b:s3+s2], $0x80, v3, vm0, $0xb8;
	[tilespmem:$0x18180] =	vst v63  }
0xbe: {  	v3 =	vld [tilespmem:$0xC0];
	_ =	sdelay $0x4  }
0xbf: {  	v44 =	vshll.u32 v3, $0x1  }
0xc0: {  	v3 =	vand.u32 $0x7, v3;
	v4 =	vand.u32 $0xFFFFFFF0, v44  }
0xc1: {  	v3 =	vor.u32 v3, v4  }
0xc2: {  	v4 =	vperm.xlane v3, v0;
	_ =	sdelay $0x1  }
0xc3: {  	v3 =	vperm.xlane v3, v2;
	v4 =	vadd.s32 v1, v4;
	_ =	sdelay $0x1  }
0xc4: {  	v3 =	vadd.s32 v1, v3;
	_ =	sdelay $0x1  }
0xc5: {  	s0 =	simm.s32 $0xC180  }
0xc6: {  	[tilespmem:s0], [sflag:$0x2] =	stream.indirect_vreg.gather [hbm4b:s3+s2], $0x80, v4, vm0, $0xb8;
	[tilespmem:$0x18180] =	vst v63  }
0xc7: {  	s0 =	simm.s32 $0xC980  }
0xc8: {  	[tilespmem:s0], [sflag:$0x2] =	stream.indirect_vreg.gather [hbm4b:s3+s2], $0x80, v3, vm0, $0xb8;
	[tilespmem:$0x18180] =	vst v63  }
0xc9: {  	v3 =	vld [tilespmem:$0xD0];
	_ =	sdelay $0x4  }
0xca: {  	v45 =	vshll.u32 v3, $0x1  }
0xcb: {  	v3 =	vand.u32 $0x7, v3;
	v4 =	vand.u32 $0xFFFFFFF0, v45  }
0xcc: {  	v3 =	vor.u32 v3, v4  }
0xcd: {  	v4 =	vperm.xlane v3, v0;
	_ =	sdelay $0x1  }
0xce: {  	v3 =	vperm.xlane v3, v2;
	v4 =	vadd.s32 v1, v4;
	_ =	sdelay $0x1  }
0xcf: {  	v3 =	vadd.s32 v1, v3;
	_ =	sdelay $0x1  }
0xd0: {  	s0 =	simm.s32 $0xD180  }
0xd1: {  	[tilespmem:s0], [sflag:$0x2] =	stream.indirect_vreg.gather [hbm4b:s3+s2], $0x80, v4, vm0, $0xb8;
	[tilespmem:$0x18180] =	vst v63  }
0xd2: {  	s0 =	simm.s32 $0xD980  }
0xd3: {  	[tilespmem:s0], [sflag:$0x2] =	stream.indirect_vreg.gather [hbm4b:s3+s2], $0x80, v3, vm0, $0xb8;
	[tilespmem:$0x18180] =	vst v63  }
0xd4: {  	v3 =	vld [tilespmem:$0xE0];
	_ =	sdelay $0x4  }
0xd5: {  	v46 =	vshll.u32 v3, $0x1  }
0xd6: {  	v3 =	vand.u32 $0x7, v3;
	v4 =	vand.u32 $0xFFFFFFF0, v46  }
0xd7: {  	v3 =	vor.u32 v3, v4  }
0xd8: {  	v4 =	vperm.xlane v3, v0;
	_ =	sdelay $0x1  }
0xd9: {  	v3 =	vperm.xlane v3, v2;
	v4 =	vadd.s32 v1, v4;
	_ =	sdelay $0x1  }
0xda: {  	v3 =	vadd.s32 v1, v3;
	_ =	sdelay $0x1  }
0xdb: {  	s0 =	simm.s32 $0xE180  }
0xdc: {  	[tilespmem:s0], [sflag:$0x2] =	stream.indirect_vreg.gather [hbm4b:s3+s2], $0x80, v4, vm0, $0xb8;
	[tilespmem:$0x18180] =	vst v63  }
0xdd: {  	s0 =	simm.s32 $0xE980  }
0xde: {  	[tilespmem:s0], [sflag:$0x2] =	stream.indirect_vreg.gather [hbm4b:s3+s2], $0x80, v3, vm0, $0xb8;
	[tilespmem:$0x18180] =	vst v63  }
0xdf: {  	v3 =	vld [tilespmem:$0xF0];
	_ =	sdelay $0x4  }
0xe0: {  	v47 =	vshll.u32 v3, $0x1  }
0xe1: {  	v3 =	vand.u32 $0x7, v3;
	v4 =	vand.u32 $0xFFFFFFF0, v47  }
0xe2: {  	v3 =	vor.u32 v3, v4  }
0xe3: {  	v4 =	vperm.xlane v3, v0;
	_ =	sdelay $0x1  }
0xe4: {  	v3 =	vperm.xlane v3, v2;
	v4 =	vadd.s32 v1, v4;
	_ =	sdelay $0x1  }
0xe5: {  	v3 =	vadd.s32 v1, v3;
	_ =	sdelay $0x2  }
0xe6: {  	[tilespmem:s26], [sflag:$0x2] =	stream.indirect_vreg.gather [hbm4b:s3+s2], $0x80, v4, vm0, $0xb8;
	[tilespmem:$0x18180] =	vst v63  }
0xe7: {  	_ = 	snop  }
0xe8: {  	[tilespmem:s28], [sflag:$0x2] =	stream.indirect_vreg.gather [hbm4b:s3+s2], $0x80, v3, vm0, $0xb8;
	[tilespmem:$0x18180] =	vst v63  }
0xe9: {  	_ =	swait.ge [sflag:s7], $0x8000  }
0xea: {  	p2 =	seq.s32 @!p0 s12, $0x1E0000;
	[sflag:s7] =	ssyncset.done $0x0  }
0xeb: {  	s25 =	sadd.s32 $0x20000, s25;
	p2 =	por p0, !p2;
	[sflag:s7] =	ssyncadd.s32 $0xFFFF8000  }
0xec: {  	[hbm4b:s25+s2] =	stream.linear.scatter [tilespmem:s6], [sflag:$0x5], $0x8000, $0x38;
	[tilespmem:$0x18180] =	vst v63  }
0xed: {  	s0 =	simm.s32 @p2 $0x0;
	s25 =	simm.s32 @p2 $0x80  }
0xee: {  	[tilespmem:s25], [sflag:$0x7] =	stream.linear.gather @p2 [hbm4b:s31+s0], $0x80, $0x38;
	[tilespmem:$0x18180] =	vst v63  }
0xef: {  	s0 =	simm.s32 @p2 $0x7  }
0xf0: {  	_ =	swait.ge @p2 [sflag:s0], $0x80  }
0xf1: {  	p3 =	seq.s32 @p2 s12, $0x0;
	[sflag:s0] =	ssyncset.done @p2 $0x0  }
0xf2: {  	p3 =	por !p2, !p3;
	[sflag:s0] =	ssyncadd.s32 @p2 $0xFFFFFF80  }
0xf3: {  	_ =	swait.ge @p3 [sflag:s10], $0x8000  }
0xf4: {  	[sflag:s10] =	ssyncset.done @p3 $0x0  }
0xf5: {  	[sflag:s10] =	ssyncadd.s32 @p3 $0xFFFF8000  }
0xf6: {  	v3 =	vld [tilespmem:$0x100];
	_ =	sdelay $0x4  }
0xf7: {  	v48 =	vshll.u32 v3, $0x1  }
0xf8: {  	v3 =	vand.u32 $0x7, v3;
	v4 =	vand.u32 $0xFFFFFFF0, v48  }
0xf9: {  	v3 =	vor.u32 v3, v4  }
0xfa: {  	v4 =	vperm.xlane v3, v0;
	_ =	sdelay $0x1  }
0xfb: {  	v3 =	vperm.xlane v3, v2;
	v4 =	vadd.s32 v1, v4;
	_ =	sdelay $0x1  }
0xfc: {  	v3 =	vadd.s32 v1, v3;
	_ =	sdelay $0x2  }
0xfd: {  	[tilespmem:s29], [sflag:$0x3] =	stream.indirect_vreg.gather [hbm4b:s3+s2], $0x80, v4, vm0, $0xb8;
	[tilespmem:$0x18180] =	vst v63  }
0xfe: {  	s25 =	simm.s32 $0x10980  }
0xff: {  	[tilespmem:s25], [sflag:$0x3] =	stream.indirect_vreg.gather [hbm4b:s3+s2], $0x80, v3, vm0, $0xb8;
	[tilespmem:$0x18180] =	vst v63  }
0x100: {  	v3 =	vld [tilespmem:$0x110];
	_ =	sdelay $0x4  }
0x101: {  	v49 =	vshll.u32 v3, $0x1  }
0x102: {  	v3 =	vand.u32 $0x7, v3;
	v4 =	vand.u32 $0xFFFFFFF0, v49  }
0x103: {  	v3 =	vor.u32 v3, v4  }
0x104: {  	v4 =	vperm.xlane v3, v0;
	_ =	sdelay $0x1  }
0x105: {  	v3 =	vperm.xlane v3, v2;
	v4 =	vadd.s32 v1, v4;
	_ =	sdelay $0x1  }
0x106: {  	v3 =	vadd.s32 v1, v3;
	_ =	sdelay $0x1  }
0x107: {  	s25 =	simm.s32 $0x11180  }
0x108: {  	[tilespmem:s25], [sflag:$0x3] =	stream.indirect_vreg.gather [hbm4b:s3+s2], $0x80, v4, vm0, $0xb8;
	[tilespmem:$0x18180] =	vst v63  }
0x109: {  	s25 =	simm.s32 $0x11980  }
0x10a: {  	[tilespmem:s25], [sflag:$0x3] =	stream.indirect_vreg.gather [hbm4b:s3+s2], $0x80, v3, vm0, $0xb8;
	[tilespmem:$0x18180] =	vst v63  }
0x10b: {  	v3 =	vld [tilespmem:$0x120];
	_ =	sdelay $0x4  }
0x10c: {  	v50 =	vshll.u32 v3, $0x1  }
0x10d: {  	v3 =	vand.u32 $0x7, v3;
	v4 =	vand.u32 $0xFFFFFFF0, v50  }
0x10e: {  	v3 =	vor.u32 v3, v4  }
0x10f: {  	v4 =	vperm.xlane v3, v0;
	_ =	sdelay $0x1  }
0x110: {  	v3 =	vperm.xlane v3, v2;
	v4 =	vadd.s32 v1, v4;
	_ =	sdelay $0x1  }
0x111: {  	v3 =	vadd.s32 v1, v3;
	_ =	sdelay $0x1  }
0x112: {  	s25 =	simm.s32 $0x12180  }
0x113: {  	[tilespmem:s25], [sflag:$0x3] =	stream.indirect_vreg.gather [hbm4b:s3+s2], $0x80, v4, vm0, $0xb8;
	[tilespmem:$0x18180] =	vst v63  }
0x114: {  	s25 =	simm.s32 $0x12980  }
0x115: {  	[tilespmem:s25], [sflag:$0x3] =	stream.indirect_vreg.gather [hbm4b:s3+s2], $0x80, v3, vm0, $0xb8;
	[tilespmem:$0x18180] =	vst v63  }
0x116: {  	v3 =	vld [tilespmem:$0x130];
	_ =	sdelay $0x4  }
0x117: {  	v51 =	vshll.u32 v3, $0x1  }
0x118: {  	v3 =	vand.u32 $0x7, v3;
	v4 =	vand.u32 $0xFFFFFFF0, v51  }
0x119: {  	v3 =	vor.u32 v3, v4  }
0x11a: {  	v4 =	vperm.xlane v3, v0;
	_ =	sdelay $0x1  }
0x11b: {  	v3 =	vperm.xlane v3, v2;
	v4 =	vadd.s32 v1, v4;
	_ =	sdelay $0x1  }
0x11c: {  	v3 =	vadd.s32 v1, v3;
	_ =	sdelay $0x1  }
0x11d: {  	s25 =	simm.s32 $0x13180  }
0x11e: {  	[tilespmem:s25], [sflag:$0x3] =	stream.indirect_vreg.gather [hbm4b:s3+s2], $0x80, v4, vm0, $0xb8;
	[tilespmem:$0x18180] =	vst v63  }
0x11f: {  	_ = 	snop  }
0x120: {  	[tilespmem:s13], [sflag:$0x3] =	stream.indirect_vreg.gather [hbm4b:s3+s2], $0x80, v3, vm0, $0xb8;
	[tilespmem:$0x18180] =	vst v63  }
0x121: {  	v3 =	vld [tilespmem:$0x140];
	_ =	sdelay $0x4  }
0x122: {  	v52 =	vshll.u32 v3, $0x1  }
0x123: {  	v3 =	vand.u32 $0x7, v3;
	v4 =	vand.u32 $0xFFFFFFF0, v52  }
0x124: {  	v3 =	vor.u32 v3, v4  }
0x125: {  	v4 =	vperm.xlane v3, v0;
	_ =	sdelay $0x1  }
0x126: {  	v3 =	vperm.xlane v3, v2;
	v4 =	vadd.s32 v1, v4;
	_ =	sdelay $0x1  }
0x127: {  	v3 =	vadd.s32 v1, v3;
	_ =	sdelay $0x2  }
0x128: {  	[tilespmem:s1], [sflag:$0x3] =	stream.indirect_vreg.gather [hbm4b:s3+s2], $0x80, v4, vm0, $0xb8;
	[tilespmem:$0x18180] =	vst v63  }
0x129: {  	_ = 	snop  }
0x12a: {  	[tilespmem:s14], [sflag:$0x3] =	stream.indirect_vreg.gather [hbm4b:s3+s2], $0x80, v3, vm0, $0xb8;
	[tilespmem:$0x18180] =	vst v63  }
0x12b: {  	v3 =	vld [tilespmem:$0x150];
	_ =	sdelay $0x4  }
0x12c: {  	v53 =	vshll.u32 v3, $0x1  }
0x12d: {  	v3 =	vand.u32 $0x7, v3;
	v4 =	vand.u32 $0xFFFFFFF0, v53  }
0x12e: {  	v3 =	vor.u32 v3, v4  }
0x12f: {  	v4 =	vperm.xlane v3, v0;
	_ =	sdelay $0x1  }
0x130: {  	v3 =	vperm.xlane v3, v2;
	v4 =	vadd.s32 v1, v4;
	_ =	sdelay $0x1  }
0x131: {  	v3 =	vadd.s32 v1, v3;
	_ =	sdelay $0x2  }
0x132: {  	[tilespmem:s9], [sflag:$0x3] =	stream.indirect_vreg.gather [hbm4b:s3+s2], $0x80, v4, vm0, $0xb8;
	[tilespmem:$0x18180] =	vst v63  }
0x133: {  	_ = 	snop  }
0x134: {  	[tilespmem:s5], [sflag:$0x3] =	stream.indirect_vreg.gather [hbm4b:s3+s2], $0x80, v3, vm0, $0xb8;
	[tilespmem:$0x18180] =	vst v63  }
0x135: {  	v3 =	vld [tilespmem:$0x160];
	_ =	sdelay $0x4  }
0x136: {  	v54 =	vshll.u32 v3, $0x1  }
0x137: {  	v3 =	vand.u32 $0x7, v3;
	v4 =	vand.u32 $0xFFFFFFF0, v54  }
0x138: {  	v3 =	vor.u32 v3, v4  }
0x139: {  	v4 =	vperm.xlane v3, v0;
	_ =	sdelay $0x1  }
0x13a: {  	v3 =	vperm.xlane v3, v2;
	v4 =	vadd.s32 v1, v4;
	_ =	sdelay $0x1  }
0x13b: {  	v3 =	vadd.s32 v1, v3;
	_ =	sdelay $0x2  }
0x13c: {  	[tilespmem:s17], [sflag:$0x3] =	stream.indirect_vreg.gather [hbm4b:s3+s2], $0x80, v4, vm0, $0xb8;
	[tilespmem:$0x18180] =	vst v63  }
0x13d: {  	_ = 	snop  }
0x13e: {  	[tilespmem:s20], [sflag:$0x3] =	stream.indirect_vreg.gather [hbm4b:s3+s2], $0x80, v3, vm0, $0xb8;
	[tilespmem:$0x18180] =	vst v63  }
0x13f: {  	v3 =	vld [tilespmem:$0x170];
	_ =	sdelay $0x4  }
0x140: {  	v55 =	vshll.u32 v3, $0x1  }
0x141: {  	v3 =	vand.u32 $0x7, v3;
	v4 =	vand.u32 $0xFFFFFFF0, v55  }
0x142: {  	v3 =	vor.u32 v3, v4  }
0x143: {  	v4 =	vperm.xlane v3, v0;
	_ =	sdelay $0x1  }
0x144: {  	v3 =	vperm.xlane v3, v2;
	v4 =	vadd.s32 v1, v4;
	_ =	sdelay $0x1  }
0x145: {  	v3 =	vadd.s32 v1, v3;
	_ =	sdelay $0x2  }
0x146: {  	[tilespmem:s8], [sflag:$0x3] =	stream.indirect_vreg.gather [hbm4b:s3+s2], $0x80, v4, vm0, $0xb8;
	[tilespmem:$0x18180] =	vst v63  }
0x147: {  	_ = 	snop  }
0x148: {  	[tilespmem:s21], [sflag:$0x3] =	stream.indirect_vreg.gather [hbm4b:s3+s2], $0x80, v3, vm0, $0xb8;
	[tilespmem:$0x18180] =	vst v63  }
0x149: {  	_ =	swait.ge [sflag:s30], $0x8000  }
0x14a: {  	[sflag:s30] =	ssyncset.done $0x0  }
0x14b: {  	p2 =	seq.s32 s12, $0x1E0000;
	s25 =	sadd.s32 s12, s15;
	[sflag:s30] =	ssyncadd.s32 $0xFFFF8000  }
0x14c: {  	[hbm4b:s25+s2] =	stream.linear.scatter [tilespmem:s29], [sflag:$0x6], $0x8000, $0x38;
	[tilespmem:$0x18180] =	vst v63  }
0x14d: {  	s0 =	simm.s32 @!p2 $0x0;
	s25 =	simm.s32 @!p2 $0x100  }
0x14e: {  	[tilespmem:s25], [sflag:$0x7] =	stream.linear.gather @!p2 [hbm4b:s24+s0], $0x80, $0x38;
	[tilespmem:$0x18180] =	vst v63  }
0x14f: {  	s0 =	simm.s32 @!p2 $0x7  }
0x150: {  	_ =	swait.ge @!p2 [sflag:s0], $0x80  }
0x151: {  	[sflag:s0] =	ssyncset.done @!p2 $0x0  }
0x152: {  	[sflag:s0] =	ssyncadd.s32 @!p2 $0xFFFFFF80  }
0x153: {  	_ =	swait.ge [sflag:s22], $0x8000  }
0x154: {  	[sflag:s22] =	ssyncset.done $0x0  }
0x155: {  	[sflag:s22] =	ssyncadd.s32 $0xFFFF8000  }
0x156: {  	v3 =	vld [tilespmem:$0x0];
	_ =	sdelay $0x4  }
0x157: {  	v56 =	vshll.u32 v3, $0x1  }
0x158: {  	v3 =	vand.u32 $0x7, v3;
	v4 =	vand.u32 $0xFFFFFFF0, v56  }
0x159: {  	v3 =	vor.u32 v3, v4  }
0x15a: {  	v4 =	vperm.xlane v3, v0;
	_ =	sdelay $0x1  }
0x15b: {  	v3 =	vperm.xlane v3, v2;
	v4 =	vadd.s32 v1, v4;
	_ =	sdelay $0x1  }
0x15c: {  	v3 =	vadd.s32 v1, v3;
	_ =	sdelay $0x2  }
0x15d: {  	[tilespmem:s19], [sflag:$0x1] =	stream.indirect_vreg.gather [hbm4b:s3+s2], $0x80, v4, vm0, $0xb8;
	[tilespmem:$0x18180] =	vst v63  }
0x15e: {  	s25 =	simm.s32 $0x980  }
0x15f: {  	[tilespmem:s25], [sflag:$0x1] =	stream.indirect_vreg.gather [hbm4b:s3+s2], $0x80, v3, vm0, $0xb8;
	[tilespmem:$0x18180] =	vst v63  }
0x160: {  	v3 =	vld [tilespmem:$0x10];
	_ =	sdelay $0x4  }
0x161: {  	v57 =	vshll.u32 v3, $0x1  }
0x162: {  	v3 =	vand.u32 $0x7, v3;
	v4 =	vand.u32 $0xFFFFFFF0, v57  }
0x163: {  	v3 =	vor.u32 v3, v4  }
0x164: {  	v4 =	vperm.xlane v3, v0;
	_ =	sdelay $0x1  }
0x165: {  	v3 =	vperm.xlane v3, v2;
	v4 =	vadd.s32 v1, v4;
	_ =	sdelay $0x1  }
0x166: {  	v3 =	vadd.s32 v1, v3;
	_ =	sdelay $0x1  }
0x167: {  	s25 =	simm.s32 $0x1180  }
0x168: {  	[tilespmem:s25], [sflag:$0x1] =	stream.indirect_vreg.gather [hbm4b:s3+s2], $0x80, v4, vm0, $0xb8;
	[tilespmem:$0x18180] =	vst v63  }
0x169: {  	s25 =	simm.s32 $0x1980  }
0x16a: {  	[tilespmem:s25], [sflag:$0x1] =	stream.indirect_vreg.gather [hbm4b:s3+s2], $0x80, v3, vm0, $0xb8;
	[tilespmem:$0x18180] =	vst v63  }
0x16b: {  	v3 =	vld [tilespmem:$0x20];
	_ =	sdelay $0x4  }
0x16c: {  	v58 =	vshll.u32 v3, $0x1  }
0x16d: {  	v3 =	vand.u32 $0x7, v3;
	v4 =	vand.u32 $0xFFFFFFF0, v58  }
0x16e: {  	v3 =	vor.u32 v3, v4  }
0x16f: {  	v4 =	vperm.xlane v3, v0;
	_ =	sdelay $0x1  }
0x170: {  	v3 =	vperm.xlane v3, v2;
	v4 =	vadd.s32 v1, v4;
	_ =	sdelay $0x1  }
0x171: {  	v3 =	vadd.s32 v1, v3;
	_ =	sdelay $0x1  }
0x172: {  	s25 =	simm.s32 $0x2180  }
0x173: {  	[tilespmem:s25], [sflag:$0x1] =	stream.indirect_vreg.gather [hbm4b:s3+s2], $0x80, v4, vm0, $0xb8;
	[tilespmem:$0x18180] =	vst v63  }
0x174: {  	s25 =	simm.s32 $0x2980  }
0x175: {  	[tilespmem:s25], [sflag:$0x1] =	stream.indirect_vreg.gather [hbm4b:s3+s2], $0x80, v3, vm0, $0xb8;
	[tilespmem:$0x18180] =	vst v63  }
0x176: {  	v3 =	vld [tilespmem:$0x30];
	_ =	sdelay $0x4  }
0x177: {  	v59 =	vshll.u32 v3, $0x1  }
0x178: {  	v3 =	vand.u32 $0x7, v3;
	v4 =	vand.u32 $0xFFFFFFF0, v59  }
0x179: {  	v3 =	vor.u32 v3, v4  }
0x17a: {  	v4 =	vperm.xlane v3, v0;
	_ =	sdelay $0x1  }
0x17b: {  	v3 =	vperm.xlane v3, v2;
	v4 =	vadd.s32 v1, v4;
	_ =	sdelay $0x1  }
0x17c: {  	v3 =	vadd.s32 v1, v3;
	_ =	sdelay $0x1  }
0x17d: {  	s25 =	simm.s32 $0x3180  }
0x17e: {  	[tilespmem:s25], [sflag:$0x1] =	stream.indirect_vreg.gather [hbm4b:s3+s2], $0x80, v4, vm0, $0xb8;
	[tilespmem:$0x18180] =	vst v63  }
0x17f: {  	s25 =	simm.s32 $0x3980  }
0x180: {  	[tilespmem:s25], [sflag:$0x1] =	stream.indirect_vreg.gather [hbm4b:s3+s2], $0x80, v3, vm0, $0xb8;
	[tilespmem:$0x18180] =	vst v63  }
0x181: {  	v3 =	vld [tilespmem:$0x40];
	_ =	sdelay $0x4  }
0x182: {  	v60 =	vshll.u32 v3, $0x1  }
0x183: {  	v3 =	vand.u32 $0x7, v3;
	v4 =	vand.u32 $0xFFFFFFF0, v60  }
0x184: {  	v3 =	vor.u32 v3, v4  }
0x185: {  	v4 =	vperm.xlane v3, v0;
	_ =	sdelay $0x1  }
0x186: {  	v3 =	vperm.xlane v3, v2;
	v4 =	vadd.s32 v1, v4;
	_ =	sdelay $0x1  }
0x187: {  	v3 =	vadd.s32 v1, v3;
	_ =	sdelay $0x1  }
0x188: {  	s25 =	simm.s32 $0x4180  }
0x189: {  	[tilespmem:s25], [sflag:$0x1] =	stream.indirect_vreg.gather [hbm4b:s3+s2], $0x80, v4, vm0, $0xb8;
	[tilespmem:$0x18180] =	vst v63  }
0x18a: {  	s25 =	simm.s32 $0x4980  }
0x18b: {  	[tilespmem:s25], [sflag:$0x1] =	stream.indirect_vreg.gather [hbm4b:s3+s2], $0x80, v3, vm0, $0xb8;
	[tilespmem:$0x18180] =	vst v63  }
0x18c: {  	v3 =	vld [tilespmem:$0x50];
	_ =	sdelay $0x4  }
0x18d: {  	v61 =	vshll.u32 v3, $0x1  }
0x18e: {  	v3 =	vand.u32 $0x7, v3;
	v4 =	vand.u32 $0xFFFFFFF0, v61  }
0x18f: {  	v3 =	vor.u32 v3, v4  }
0x190: {  	v4 =	vperm.xlane v3, v0;
	_ =	sdelay $0x1  }
0x191: {  	v3 =	vperm.xlane v3, v2;
	v4 =	vadd.s32 v1, v4;
	_ =	sdelay $0x1  }
0x192: {  	v3 =	vadd.s32 v1, v3;
	_ =	sdelay $0x1  }
0x193: {  	s25 =	simm.s32 $0x5180  }
0x194: {  	[tilespmem:s25], [sflag:$0x1] =	stream.indirect_vreg.gather [hbm4b:s3+s2], $0x80, v4, vm0, $0xb8;
	[tilespmem:$0x18180] =	vst v63  }
0x195: {  	s25 =	simm.s32 $0x5980  }
0x196: {  	[tilespmem:s25], [sflag:$0x1] =	stream.indirect_vreg.gather [hbm4b:s3+s2], $0x80, v3, vm0, $0xb8;
	[tilespmem:$0x18180] =	vst v63  }
0x197: {  	v3 =	vld [tilespmem:$0x60];
	_ =	sdelay $0x4  }
0x198: {  	v62 =	vshll.u32 v3, $0x1  }
0x199: {  	v3 =	vand.u32 $0x7, v3;
	v4 =	vand.u32 $0xFFFFFFF0, v62  }
0x19a: {  	v3 =	vor.u32 v3, v4  }
0x19b: {  	v4 =	vperm.xlane v3, v0;
	_ =	sdelay $0x1  }
0x19c: {  	v3 =	vperm.xlane v3, v2;
	v4 =	vadd.s32 v1, v4;
	_ =	sdelay $0x1  }
0x19d: {  	v3 =	vadd.s32 v1, v3;
	_ =	sdelay $0x1  }
0x19e: {  	s25 =	simm.s32 $0x6180  }
0x19f: {  	[tilespmem:s25], [sflag:$0x1] =	stream.indirect_vreg.gather [hbm4b:s3+s2], $0x80, v4, vm0, $0xb8;
	[tilespmem:$0x18180] =	vst v63  }
0x1a0: {  	s25 =	simm.s32 $0x6980  }
0x1a1: {  	[tilespmem:s25], [sflag:$0x1] =	stream.indirect_vreg.gather [hbm4b:s3+s2], $0x80, v3, vm0, $0xb8;
	[tilespmem:$0x18180] =	vst v63  }
0x1a2: {  	v3 =	vld [tilespmem:$0x70];
	_ =	sdelay $0x4  }
0x1a3: {  	v63 =	vshll.u32 v3, $0x1  }
0x1a4: {  	v3 =	vand.u32 $0x7, v3;
	v4 =	vand.u32 $0xFFFFFFF0, v63  }
0x1a5: {  	v3 =	vor.u32 v3, v4  }
0x1a6: {  	v4 =	vperm.xlane v3, v0;
	_ =	sdelay $0x1  }
0x1a7: {  	v3 =	vperm.xlane v3, v2;
	v4 =	vadd.s32 v1, v4  }
0x1a8: {  	s12 =	sadd.s32 $0x60000, s12  }
0x1a9: {  	p2 =	sne.s32 s12, $0x240000;
	v3 =	vadd.s32 v1, v3  }
.Ltmp2:
0x1aa: {  	_ = 	snop;
	(pc) =	sbr.rel @p2 .LBB2_2-.Ltmp2, $4  }
0x1ab: {  	s23 =	sadd.s32 $0x3000, s23;
	s25 =	simm.s32 $0x7180  }
0x1ac: {  	[tilespmem:s25], [sflag:$0x1] =	stream.indirect_vreg.gather [hbm4b:s3+s2], $0x80, v4, vm0, $0xb8;
	[tilespmem:$0x18180] =	vst v63  }
0x1ad: {  	s31 =	sadd.s32 $0x600, s31;
	s24 =	sadd.s32 $0x600, s24;
	s25 =	simm.s32 $0x7980  }
0x1ae: {  	[tilespmem:s25], [sflag:$0x1] =	stream.indirect_vreg.gather [hbm4b:s3+s2], $0x80, v3, vm0, $0xb8;
	[tilespmem:$0x18180] =	vst v63  }
0x1af: {  	_ =	swait.ge [sflag:s18], $0x8000  }
0x1b0: {  	[sflag:s18] =	ssyncset.done $0x0  }
0x1b1: {  	s31 =	simm.s32 $0x5;
	s0 =	rddreg [dreg:$0x5];
	[sflag:s18] =	ssyncadd.s32 $0xFFFF8000  }
0x1b2: {  	[hbm4b:s0+s2] =	stream.linear.scatter [tilespmem:s19], [sflag:$0x4], $0x8000, $0x38;
	[tilespmem:$0x18180] =	vst v63  }
0x1b3: {  	_ =	swait.ge [sflag:s31], $0x8000  }
0x1b4: {  	[sflag:s31] =	ssyncset.done $0x0  }
0x1b5: {  	[sflag:s31] =	ssyncadd.s32 $0xFFFF8000  }
0x1b6: {  	_ =	swait.ge [sflag:s10], $0x8000  }
.Ltmp3:
0x1b7: {  	[sflag:s10] =	ssyncset.done $0x0;
	(pc) =	sbr.rel @p1 .LBB2_5-.Ltmp3, $4  }
0x1b8: {  	[sflag:s10] =	ssyncadd.s32 $0xFFFF8000  }
0x1b9: {  	_ =	swait.ge [sflag:s22], $0x8000  }
0x1ba: {  	[sflag:s22] =	ssyncset.done $0x0  }
0x1bb: {  	s12 =	rddreg [dreg:$0xb];
	[sflag:s22] =	ssyncadd.s32 $0xFFFF8000  }
0x1bc: {  	v3 =	vld [tilespmem:$0x80];
	_ =	sdelay $0x4  }
0x1bd: {  	v4 =	vshll.u32 v3, $0x1  }
0x1be: {  	v3 =	vand.u32 $0x7, v3;
	v4 =	vand.u32 $0xFFFFFFF0, v4  }
0x1bf: {  	v3 =	vor.u32 v3, v4  }
0x1c0: {  	v4 =	vperm.xlane v3, v0;
	_ =	sdelay $0x1  }
0x1c1: {  	v3 =	vperm.xlane v3, v2;
	v4 =	vadd.s32 v1, v4;
	_ =	sdelay $0x1  }
0x1c2: {  	v3 =	vadd.s32 v1, v3;
	_ =	sdelay $0x2  }
0x1c3: {  	[tilespmem:s6], [sflag:$0x2] =	stream.indirect_vreg.gather [hbm4b:s3+s2], $0x80, v4, vm0, $0xb8;
	[tilespmem:$0x18180] =	vst v63  }
0x1c4: {  	s0 =	simm.s32 $0x8980  }
0x1c5: {  	[tilespmem:s0], [sflag:$0x2] =	stream.indirect_vreg.gather [hbm4b:s3+s2], $0x80, v3, vm0, $0xb8;
	[tilespmem:$0x18180] =	vst v63  }
0x1c6: {  	v3 =	vld [tilespmem:$0x90];
	_ =	sdelay $0x4  }
0x1c7: {  	v57 =	vshll.u32 v3, $0x1  }
0x1c8: {  	v3 =	vand.u32 $0x7, v3;
	v4 =	vand.u32 $0xFFFFFFF0, v57  }
0x1c9: {  	v3 =	vor.u32 v3, v4  }
0x1ca: {  	v4 =	vperm.xlane v3, v0;
	_ =	sdelay $0x1  }
0x1cb: {  	v3 =	vperm.xlane v3, v2;
	v4 =	vadd.s32 v1, v4;
	_ =	sdelay $0x1  }
0x1cc: {  	v3 =	vadd.s32 v1, v3;
	_ =	sdelay $0x1  }
0x1cd: {  	s25 =	simm.s32 $0x9180  }
0x1ce: {  	[tilespmem:s25], [sflag:$0x2] =	stream.indirect_vreg.gather [hbm4b:s3+s2], $0x80, v4, vm0, $0xb8;
	[tilespmem:$0x18180] =	vst v63  }
0x1cf: {  	s31 =	simm.s32 $0x9980  }
0x1d0: {  	[tilespmem:s31], [sflag:$0x2] =	stream.indirect_vreg.gather [hbm4b:s3+s2], $0x80, v3, vm0, $0xb8;
	[tilespmem:$0x18180] =	vst v63  }
0x1d1: {  	v3 =	vld [tilespmem:$0xA0];
	_ =	sdelay $0x4  }
0x1d2: {  	v58 =	vshll.u32 v3, $0x1  }
0x1d3: {  	v3 =	vand.u32 $0x7, v3;
	v4 =	vand.u32 $0xFFFFFFF0, v58  }
0x1d4: {  	v3 =	vor.u32 v3, v4  }
0x1d5: {  	v4 =	vperm.xlane v3, v0;
	_ =	sdelay $0x1  }
0x1d6: {  	v3 =	vperm.xlane v3, v2;
	v4 =	vadd.s32 v1, v4;
	_ =	sdelay $0x1  }
0x1d7: {  	v3 =	vadd.s32 v1, v3;
	_ =	sdelay $0x1  }
0x1d8: {  	s23 =	simm.s32 $0xA180  }
0x1d9: {  	[tilespmem:s23], [sflag:$0x2] =	stream.indirect_vreg.gather [hbm4b:s3+s2], $0x80, v4, vm0, $0xb8;
	[tilespmem:$0x18180] =	vst v63  }
0x1da: {  	s24 =	simm.s32 $0xA980  }
0x1db: {  	[tilespmem:s24], [sflag:$0x2] =	stream.indirect_vreg.gather [hbm4b:s3+s2], $0x80, v3, vm0, $0xb8;
	[tilespmem:$0x18180] =	vst v63  }
0x1dc: {  	v3 =	vld [tilespmem:$0xB0];
	_ =	sdelay $0x4  }
0x1dd: {  	v59 =	vshll.u32 v3, $0x1  }
0x1de: {  	v3 =	vand.u32 $0x7, v3;
	v4 =	vand.u32 $0xFFFFFFF0, v59  }
0x1df: {  	v3 =	vor.u32 v3, v4  }
0x1e0: {  	v4 =	vperm.xlane v3, v0;
	_ =	sdelay $0x1  }
0x1e1: {  	v3 =	vperm.xlane v3, v2;
	v4 =	vadd.s32 v1, v4;
	_ =	sdelay $0x1  }
0x1e2: {  	v3 =	vadd.s32 v1, v3;
	_ =	sdelay $0x1  }
0x1e3: {  	s25 =	simm.s32 $0xB180  }
0x1e4: {  	[tilespmem:s25], [sflag:$0x2] =	stream.indirect_vreg.gather [hbm4b:s3+s2], $0x80, v4, vm0, $0xb8;
	[tilespmem:$0x18180] =	vst v63  }
0x1e5: {  	s31 =	simm.s32 $0xB980  }
0x1e6: {  	[tilespmem:s31], [sflag:$0x2] =	stream.indirect_vreg.gather [hbm4b:s3+s2], $0x80, v3, vm0, $0xb8;
	[tilespmem:$0x18180] =	vst v63  }
0x1e7: {  	v3 =	vld [tilespmem:$0xC0];
	_ =	sdelay $0x4  }
0x1e8: {  	v60 =	vshll.u32 v3, $0x1  }
0x1e9: {  	v3 =	vand.u32 $0x7, v3;
	v4 =	vand.u32 $0xFFFFFFF0, v60  }
0x1ea: {  	v3 =	vor.u32 v3, v4  }
0x1eb: {  	v4 =	vperm.xlane v3, v0;
	_ =	sdelay $0x1  }
0x1ec: {  	v3 =	vperm.xlane v3, v2;
	v4 =	vadd.s32 v1, v4;
	_ =	sdelay $0x1  }
0x1ed: {  	v3 =	vadd.s32 v1, v3;
	_ =	sdelay $0x1  }
0x1ee: {  	s23 =	simm.s32 $0xC180  }
0x1ef: {  	[tilespmem:s23], [sflag:$0x2] =	stream.indirect_vreg.gather [hbm4b:s3+s2], $0x80, v4, vm0, $0xb8;
	[tilespmem:$0x18180] =	vst v63  }
0x1f0: {  	s24 =	simm.s32 $0xC980  }
0x1f1: {  	[tilespmem:s24], [sflag:$0x2] =	stream.indirect_vreg.gather [hbm4b:s3+s2], $0x80, v3, vm0, $0xb8;
	[tilespmem:$0x18180] =	vst v63  }
0x1f2: {  	v3 =	vld [tilespmem:$0xD0];
	_ =	sdelay $0x4  }
0x1f3: {  	v61 =	vshll.u32 v3, $0x1  }
0x1f4: {  	v3 =	vand.u32 $0x7, v3;
	v4 =	vand.u32 $0xFFFFFFF0, v61  }
0x1f5: {  	v3 =	vor.u32 v3, v4  }
0x1f6: {  	v4 =	vperm.xlane v3, v0;
	_ =	sdelay $0x1  }
0x1f7: {  	v3 =	vperm.xlane v3, v2;
	v4 =	vadd.s32 v1, v4;
	_ =	sdelay $0x1  }
0x1f8: {  	v3 =	vadd.s32 v1, v3;
	_ =	sdelay $0x1  }
0x1f9: {  	s25 =	simm.s32 $0xD180  }
0x1fa: {  	[tilespmem:s25], [sflag:$0x2] =	stream.indirect_vreg.gather [hbm4b:s3+s2], $0x80, v4, vm0, $0xb8;
	[tilespmem:$0x18180] =	vst v63  }
0x1fb: {  	s31 =	simm.s32 $0xD980  }
0x1fc: {  	[tilespmem:s31], [sflag:$0x2] =	stream.indirect_vreg.gather [hbm4b:s3+s2], $0x80, v3, vm0, $0xb8;
	[tilespmem:$0x18180] =	vst v63  }
0x1fd: {  	v3 =	vld [tilespmem:$0xE0];
	_ =	sdelay $0x4  }
0x1fe: {  	v62 =	vshll.u32 v3, $0x1  }
0x1ff: {  	v3 =	vand.u32 $0x7, v3;
	v4 =	vand.u32 $0xFFFFFFF0, v62  }
0x200: {  	v3 =	vor.u32 v3, v4  }
0x201: {  	v4 =	vperm.xlane v3, v0;
	_ =	sdelay $0x1  }
0x202: {  	v3 =	vperm.xlane v3, v2;
	v4 =	vadd.s32 v1, v4;
	_ =	sdelay $0x1  }
0x203: {  	v3 =	vadd.s32 v1, v3;
	_ =	sdelay $0x1  }
0x204: {  	s23 =	simm.s32 $0xE180  }
0x205: {  	[tilespmem:s23], [sflag:$0x2] =	stream.indirect_vreg.gather [hbm4b:s3+s2], $0x80, v4, vm0, $0xb8;
	[tilespmem:$0x18180] =	vst v63  }
0x206: {  	s24 =	simm.s32 $0xE980  }
0x207: {  	[tilespmem:s24], [sflag:$0x2] =	stream.indirect_vreg.gather [hbm4b:s3+s2], $0x80, v3, vm0, $0xb8;
	[tilespmem:$0x18180] =	vst v63  }
0x208: {  	v3 =	vld [tilespmem:$0xF0];
	_ =	sdelay $0x4  }
0x209: {  	v63 =	vshll.u32 v3, $0x1  }
0x20a: {  	v3 =	vand.u32 $0x7, v3;
	v4 =	vand.u32 $0xFFFFFFF0, v63  }
0x20b: {  	v3 =	vor.u32 v3, v4  }
0x20c: {  	v4 =	vperm.xlane v3, v0;
	_ =	sdelay $0x1  }
0x20d: {  	v3 =	vperm.xlane v3, v2;
	v4 =	vadd.s32 v1, v4;
	_ =	sdelay $0x1  }
0x20e: {  	v3 =	vadd.s32 v1, v3;
	_ =	sdelay $0x2  }
0x20f: {  	[tilespmem:s26], [sflag:$0x2] =	stream.indirect_vreg.gather [hbm4b:s3+s2], $0x80, v4, vm0, $0xb8;
	[tilespmem:$0x18180] =	vst v63  }
0x210: {  	_ = 	snop  }
0x211: {  	[tilespmem:s28], [sflag:$0x2] =	stream.indirect_vreg.gather [hbm4b:s3+s2], $0x80, v3, vm0, $0xb8;
	[tilespmem:$0x18180] =	vst v63  }
0x212: {  	_ =	swait.ge [sflag:s7], $0x8000  }
0x213: {  	s31 =	simm.s32 $0x5;
	[sflag:s7] =	ssyncset.done $0x0  }
.Ltmp4:
0x214: {  	s25 =	rddreg [dreg:$0x6];
	[sflag:s7] =	ssyncadd.s32 $0xFFFF8000;
	(pc) =	sbr.rel .LBB2_5-.Ltmp4, $4  }
0x215: {  	[hbm4b:s25+s2] =	stream.linear.scatter [tilespmem:s6], [sflag:$0x5], $0x8000, $0x38;
	[tilespmem:$0x18180] =	vst v63  }
0x216: {  	_ =	swait.ge [sflag:s31], $0x8000  }
0x217: {  	[sflag:s31] =	ssyncset.done $0x0  }
0x218: {  	[sflag:s31] =	ssyncadd.s32 $0xFFFF8000  }
.LBB2_6:
0x219: {  	_ =	sfence.sel $0x180000  }
0x21a: {  	[bflag:$0x0] =	sbarrier.arrive $0xFFFF  }
0x21b: {  	_ =	strace $0x90000053  }
0x21c: {  	s0 =	stileid.u32;
	[bflag:$0x2] =	sbarrier.arrive $0xFFFF  }
0x21d: {  	p0 =	sne.s32 s0, $0x0;
	s0 =	rddreg [dreg:$0x1]  }
0x21e: {  	s0 =	sadd.s32 @!p0 $0x100000, s0  }
0x21f: {  	[sflag:s0] =	ssyncadd.tile.s32 @!p0 $0x1;
	_ =	shalt  }
.Lfunc_end2:
_tile_overlayer_lowered:
.L_overlay_start_2:
0x220: {  	(tag) =	ssettag $0x2  }
0x221: {  	s0 =	rddreg [dreg:$0x0];
	s2 =	stileid.u32  }
0x222: {  	s1 =	rddreg [dreg:$0x1];
	p0 =	sne.s32 s2, $0x0  }
0x223: {  	s3 =	rddreg [dreg:$0x2];
	[bflag:$0x3] =	sbarrier.arrive $0xFFFF;
	s2 =	simm.s32 @!p0 $0x1C07  }
0x224: {  	[timem:s3], [sflag:s2] =	dma.local @!p0 [hbm:s0], s1  }
0x225: {  	s0 =	simm.s32 @!p0 $0x7  }
0x226: {  	_ =	swait.ge @!p0 [sflag:s0], s1  }
0x227: {  	s1 =	ssub.s32 @!p0 $0x0, s1;
	[sflag:s0] =	ssyncset.done @!p0 $0x0  }
0x228: {  	[sflag:s0] =	ssyncadd.s32 @!p0 s1  }
0x229: {  	[bflag:$0x3] =	sbarrier.arrive $0xFFFF  }
0x22a: {  	_ =	shalt  }

</sc_bundles>
